<compile_context>
chip_gen: v7x
topology: tpu7x:2x2x1
jax: 0.10.2.dev20260603
libtpu: 0.0.44.dev20260713+nightly
codegen_flags: <defaults>
</compile_context>

<pallas_src>
import jax
import jax.numpy as jnp
from jax import lax
from jax.experimental import pallas as pl
from jax.experimental.pallas import tpu as pltpu
from jax.experimental.pallas import tpu_sc as plsc

N = 10000
E = 160000
D = 256
H = 128
NC = 2
NS = 16
CH = 128
NCH = E // CH
CPT1 = NCH // NS
XTRA1 = NCH - CPT1 * NS
CPC2 = NCH // NC
CPT2 = CPC2 // NS
XTRA2 = CPC2 - CPT2 * NS
RPT = 624
TAIL = N - NS * RPT
TAIL0 = N - TAIL

B1 = 26
NB1 = CPT1 // B1
IB1 = B1 * CH
P2A = B1
P2B = CPT2 - P2A


def _pre_body(x_ref, wp_ref, bp_ref, wr_ref, bl_ref, xp_ref, xr_ref):
    xb = x_ref[...]
    xp = jnp.maximum(
        jnp.dot(xb, wp_ref[...], preferred_element_type=jnp.float32)
        + bp_ref[...],
        0.0,
    )
    xp_ref[0] = xp[:, :H]
    xp_ref[1] = xp[:, H:]
    xr_ref[...] = (
        jnp.dot(xb, wr_ref[...], preferred_element_type=jnp.float32)
        + bl_ref[...]
    )


def _combine_body(agg_lo_ref, agg_hi_ref, cnt0_ref, cnt1_ref, xr_ref, wl_ref,
                  o_ref):
    cnt = cnt0_ref[:, 0:1] + cnt1_ref[:, 0:1]
    inv = 1.0 / jnp.maximum(cnt, 1.0)
    m0 = agg_lo_ref[...] * inv
    m1 = agg_hi_ref[...] * inv
    o_ref[...] = (
        jnp.dot(m0, wl_ref[:H, :], preferred_element_type=jnp.float32)
        + jnp.dot(m1, wl_ref[H:, :], preferred_element_type=jnp.float32)
        + xr_ref[...]
    )


def _zero_agg(sid, z_agg, agg_sh):
    pltpu.sync_copy(z_agg, agg_sh.at[pl.ds(sid * RPT, RPT)])

    @pl.when(sid == 0)
    def _():
        pltpu.sync_copy(z_agg.at[pl.ds(0, TAIL)], agg_sh.at[pl.ds(TAIL0, TAIL)])


def _sc_body(xp_hbm, eix_hbm, z_agg, ones_hbm,
             agg_out, cnt_out,
             idxA, idxB, rows_v, rows_v1, agg_sh,
             g0, g1, s0, s1):
    cid = lax.axis_index("c")
    sid = lax.axis_index("s")
    rows = (rows_v, rows_v1)
    gsems = (g0, g1)
    ssems = (s0, s1)

    _zero_agg(sid, z_agg, agg_sh)
    plsc.subcore_barrier()

    base1 = cid * E + sid * (CPT1 * CH)

    def gather(buf, j, r):
        pltpu.async_copy(xp_hbm.at[buf.at[0, pl.ds(j * CH, CH)]],
                         rows[r], gsems[r])

    def wait_gather(buf, j, r):
        pltpu.make_async_copy(xp_hbm.at[buf.at[0, pl.ds(j * CH, CH)]],
                              rows[r], gsems[r]).wait()

    def scatter(buf, j, r):
        pltpu.async_copy(rows[r], agg_sh.at[buf.at[1, pl.ds(j * CH, CH)]],
                         ssems[r], add=True)

    def wait_scatter(buf, j, r):
        pltpu.make_async_copy(rows[r], agg_sh.at[buf.at[1, pl.ds(j * CH, CH)]],
                              ssems[r]).wait()

    seq = ([(idxA, j) for j in range(B1)]
           + [(idxB, j) for j in range(B1)]
           + [(idxA, j) for j in range(B1)])
    pending = [None, None]

    pltpu.sync_copy(eix_hbm.at[:, pl.ds(base1, IB1)], idxA)
    gather(*seq[0], 0)
    pltpu.sync_copy(eix_hbm.at[:, pl.ds(base1 + IB1, IB1)], idxB)

    for t in range(CPT1):
        r = t % 2
        if t + 1 < CPT1:
            rn = (t + 1) % 2
            if pending[rn] is not None:
                wait_scatter(*pending[rn], rn)
                pending[rn] = None
            gather(*seq[t + 1], rn)
        wait_gather(*seq[t], r)
        scatter(*seq[t], r)
        pending[r] = seq[t]
        if t == B1:
            pltpu.sync_copy(eix_hbm.at[:, pl.ds(base1 + 2 * IB1, IB1)], idxA)

    for r in range(2):
        if pending[r] is not None:
            wait_scatter(*pending[r], r)

    @pl.when(sid < XTRA1)
    def _():
        col = cid * E + (NS * CPT1 + sid) * CH
        pltpu.sync_copy(eix_hbm.at[:, pl.ds(col, CH)], idxA.at[:, pl.ds(0, CH)])
        gather(idxA, 0, 0)
        wait_gather(idxA, 0, 0)
        pltpu.sync_copy(rows_v, agg_sh.at[idxA.at[1, pl.ds(0, CH)]], add=True)

    plsc.subcore_barrier()

    r0 = sid * RPT
    o0 = cid * N + r0
    pltpu.sync_copy(agg_sh.at[pl.ds(r0, RPT)], agg_out.at[pl.ds(o0, RPT)])

    @pl.when(sid == 0)
    def _():
        pltpu.sync_copy(agg_sh.at[pl.ds(TAIL0, TAIL)],
                        agg_out.at[pl.ds(cid * N + TAIL0, TAIL)])

    plsc.subcore_barrier()

    _zero_agg(sid, z_agg, agg_sh)
    pltpu.sync_copy(ones_hbm, rows_v)
    plsc.subcore_barrier()

    c2base = (cid * CPC2 + sid * CPT2) * CH
    pltpu.sync_copy(eix_hbm.at[1, pl.ds(c2base, P2A * CH)], idxA.at[0])
    pltpu.sync_copy(eix_hbm.at[1, pl.ds(c2base + P2A * CH, P2B * CH)],
                    idxA.at[1, pl.ds(0, P2B * CH)])

    @pl.loop(0, P2A)
    def _(j):
        pltpu.async_copy(rows_v, agg_sh.at[idxA.at[0, pl.ds(j * CH, CH)]],
                         s0, add=True)

    @pl.loop(0, P2B)
    def _(j):
        pltpu.async_copy(rows_v, agg_sh.at[idxA.at[1, pl.ds(j * CH, CH)]],
                         s0, add=True)

    @pl.when(sid < XTRA2)
    def _():
        col = (cid * CPC2 + NS * CPT2 + sid) * CH
        pltpu.sync_copy(eix_hbm.at[1, pl.ds(col, CH)],
                        idxB.at[0, pl.ds(0, CH)])
        pltpu.async_copy(rows_v, agg_sh.at[idxB.at[0, pl.ds(0, CH)]],
                         s0, add=True)

    @pl.loop(0, P2A)
    def _(j):
        pltpu.make_async_copy(rows_v, agg_sh.at[idxA.at[0, pl.ds(j * CH, CH)]],
                              s0).wait()

    @pl.loop(0, P2B)
    def _(j):
        pltpu.make_async_copy(rows_v, agg_sh.at[idxA.at[1, pl.ds(j * CH, CH)]],
                              s0).wait()

    @pl.when(sid < XTRA2)
    def _():
        pltpu.make_async_copy(rows_v, agg_sh.at[idxB.at[0, pl.ds(0, CH)]],
                              s0).wait()

    plsc.subcore_barrier()

    pltpu.sync_copy(agg_sh.at[pl.ds(r0, RPT)], cnt_out.at[pl.ds(o0, RPT)])

    @pl.when(sid == 0)
    def _():
        pltpu.sync_copy(agg_sh.at[pl.ds(TAIL0, TAIL)],
                        cnt_out.at[pl.ds(cid * N + TAIL0, TAIL)])


_sc_call = pl.kernel(
    _sc_body,
    out_type=[
        jax.ShapeDtypeStruct((NC * N, H), jnp.float32),
        jax.ShapeDtypeStruct((NC * N, H), jnp.float32),
    ],
    mesh=plsc.VectorSubcoreMesh(core_axis_name="c", subcore_axis_name="s"),
    scratch_types=[
        pltpu.VMEM((2, IB1), jnp.int32),
        pltpu.VMEM((2, IB1), jnp.int32),
        pltpu.VMEM((CH, H), jnp.float32),
        pltpu.VMEM((CH, H), jnp.float32),
        pltpu.VMEM_SHARED((N, H), jnp.float32),
        pltpu.SemaphoreType.DMA,
        pltpu.SemaphoreType.DMA,
        pltpu.SemaphoreType.DMA,
        pltpu.SemaphoreType.DMA,
    ],
)

_ROWS = 1000
_GRID = N // _ROWS

_pre_call = pl.pallas_call(
    _pre_body,
    grid=(_GRID,),
    in_specs=[
        pl.BlockSpec((_ROWS, D), lambda i: (i, 0)),
        pl.BlockSpec((D, D), lambda i: (0, 0)),
        pl.BlockSpec((1, D), lambda i: (0, 0)),
        pl.BlockSpec((D, D), lambda i: (0, 0)),
        pl.BlockSpec((1, D), lambda i: (0, 0)),
    ],
    out_specs=[
        pl.BlockSpec((NC, _ROWS, H), lambda i: (0, i, 0)),
        pl.BlockSpec((_ROWS, D), lambda i: (i, 0)),
    ],
    out_shape=[
        jax.ShapeDtypeStruct((NC, N, H), jnp.float32),
        jax.ShapeDtypeStruct((N, D), jnp.float32),
    ],
)

_combine_call = pl.pallas_call(
    _combine_body,
    grid=(_GRID,),
    in_specs=[
        pl.BlockSpec((_ROWS, H), lambda i: (i, 0)),
        pl.BlockSpec((_ROWS, H), lambda i: (i + _GRID, 0)),
        pl.BlockSpec((_ROWS, H), lambda i: (i, 0)),
        pl.BlockSpec((_ROWS, H), lambda i: (i + _GRID, 0)),
        pl.BlockSpec((_ROWS, D), lambda i: (i, 0)),
        pl.BlockSpec((D, D), lambda i: (0, 0)),
    ],
    out_specs=pl.BlockSpec((_ROWS, D), lambda i: (i, 0)),
    out_shape=jax.ShapeDtypeStruct((N, D), jnp.float32),
)


@jax.jit
def kernel(x, ei, W_proj, b_proj, W_l, b_l, W_r):
    xp, xr = _pre_call(x, W_proj, b_proj.reshape(1, D), W_r, b_l.reshape(1, D))
    xp_flat = xp.reshape(NC * N, H)
    src = ei[0].astype(jnp.int32)
    dst = ei[1].astype(jnp.int32)
    eix = jnp.stack([
        jnp.concatenate([src, src + N]),
        jnp.concatenate([dst, dst]),
    ])
    z_agg = jnp.zeros((RPT, H), jnp.float32)
    ones = jnp.ones((CH, H), jnp.float32)
    agg, cnt = _sc_call(xp_flat, eix, z_agg, ones)
    return _combine_call(agg, agg, cnt, cnt, xr, W_l)

# --- scband reference (transcript-rebuilt; emitter-appended) ---
"""Pipeline reference for scband-conv-module-9826885173288 (READ-ONLY COPY).

The authoritative reference and input builder live on the scoring server;
editing this copy changes nothing except your own understanding.
"""

import jax, jax.numpy as jnp
import numpy as np

N = 10000
E = 160000
D_IN = 256
D_OUT = 256


def setup_inputs(seed: int = 0) -> dict:
    key = jax.random.key(seed)
    ks = jax.random.split(key, 8)
    x = jax.random.normal(ks[0], (N, D_IN), dtype=jnp.float32)
    ei = jax.random.randint(ks[1], (2, E), 0, N, dtype=jnp.int32)
    s_in = 1.0 / np.sqrt(D_IN)
    # SAGEConv(project=True): lin (in->in, bias), lin_l (in->out, bias), lin_r (in->out, no bias)
    W_proj = jax.random.normal(ks[2], (D_IN, D_IN), dtype=jnp.float32) * s_in
    b_proj = jnp.zeros((D_IN,), dtype=jnp.float32)
    W_l = jax.random.normal(ks[3], (D_IN, D_OUT), dtype=jnp.float32) * s_in
    b_l = jnp.zeros((D_OUT,), dtype=jnp.float32)
    W_r = jax.random.normal(ks[4], (D_IN, D_OUT), dtype=jnp.float32) * s_in
    return {"x": x, "ei": ei, "W_proj": W_proj, "b_proj": b_proj, "W_l": W_l, "b_l": b_l, "W_r": W_r}


def reference(x, ei, W_proj, b_proj, W_l, b_l, W_r):
    # PyG SAGEConv with project=True, aggr='mean', root_weight=True
    # 1) project source features: x_j = relu(lin(x))
    xp = jax.nn.relu(x @ W_proj + b_proj)
    src = ei[0]
    dst = ei[1]
    # 2) gather messages from source nodes
    msg = jnp.take(xp, src, axis=0)
    # 3) mean aggregation over incoming edges per destination node
    agg = jax.ops.segment_sum(msg, dst, num_segments=x.shape[0])
    cnt = jax.ops.segment_sum(jnp.ones((ei.shape[1],), dtype=x.dtype), dst, num_segments=x.shape[0])
    mean = agg / jnp.clip(cnt, 1.0)[:, None]
    # 4) out = lin_l(aggregated) + lin_r(root x) ; lin_r has no bias
    out = mean @ W_l + b_l + x @ W_r
    return out

if __name__ == "__main__":
    import jax
    _d = setup_inputs()
    print(jax.jit(kernel)(*tuple(_d.values())))

</pallas_src>

<mosaic_0001>
#map = affine_map<(d0, d1) -> (0, 0)>
module attributes {stable_mosaic.version = 14 : i64} {
  func.func @_sc_body(%arg0: i32, %arg1: i32, %arg2: memref<20000x128xf32, #tpu.memory_space<hbm>>, %arg3: memref<2x320000xi32, #tpu.memory_space<hbm>>, %arg4: memref<624x128xf32, #tpu.memory_space<hbm>>, %arg5: memref<128x128xf32, #tpu.memory_space<hbm>>, %arg6: memref<20000x128xf32, #tpu.memory_space<hbm>>, %arg7: memref<20000x128xf32, #tpu.memory_space<hbm>>, %arg8: memref<2x3328xi32, #tpu.memory_space<vmem>>, %arg9: memref<2x3328xi32, #tpu.memory_space<vmem>>, %arg10: memref<128x128xf32, #tpu.memory_space<vmem>>, %arg11: memref<128x128xf32, #tpu.memory_space<vmem>>, %arg12: memref<10000x128xf32, #tpu.memory_space<vmem_shared>>, %arg13: memref<!tpu.dma_semaphore, #tpu.memory_space<semaphore_mem>>, %arg14: memref<!tpu.dma_semaphore, #tpu.memory_space<semaphore_mem>>, %arg15: memref<!tpu.dma_semaphore, #tpu.memory_space<semaphore_mem>>, %arg16: memref<!tpu.dma_semaphore, #tpu.memory_space<semaphore_mem>>) attributes {dimension_semantics = [#tpu.dimension_semantics<core_parallel>, #tpu.dimension_semantics<subcore_parallel>], iteration_bounds = array<i64: 2, 16>, scalar_prefetch = 0 : i64, scratch_operands = 9 : i64, tpu.core_type = #tpu.core_type<sc_vector_subcore>, window_params = [{transform_indices = #map}, {transform_indices = #map}, {transform_indices = #map}, {transform_indices = #map}, {transform_indices = #map}, {transform_indices = #map}]} {
    %mul3A = arith.constant 624 : i32
    %mul3A_0 = arith.muli %arg1, %mul3A : i32
    "tpu.region"() ({
      %run_scoped3A_2264 = tpu.sem_alloc : memref<!tpu.dma_semaphore, #tpu.memory_space<semaphore_mem>>
      %dma_start3A_2265 = arith.constant 0 : i32
      %dma_start3A_2266 = tpu.memref_slice %arg12[%mul3A_0, %dma_start3A_2265] : memref<10000x128xf32, #tpu.memory_space<vmem_shared>> -> memref<624x128xf32, #tpu.memory_space<vmem_shared>>
      tpu.enqueue_dma source(%arg4 : memref<624x128xf32, #tpu.memory_space<hbm>>) target(%dma_start3A_2266 : memref<624x128xf32, #tpu.memory_space<vmem_shared>>) target_semaphore(%run_scoped3A_2264 : memref<!tpu.dma_semaphore, #tpu.memory_space<semaphore_mem>>)
      %dma_wait3A_2267 = arith.constant 0 : i32
      %dma_wait3A_2268 = tpu.memref_slice %arg12[%mul3A_0, %dma_wait3A_2267] : memref<10000x128xf32, #tpu.memory_space<vmem_shared>> -> memref<624x128xf32, #tpu.memory_space<vmem_shared>>
      tpu.wait_dma2 semaphore(%run_scoped3A_2264 : memref<!tpu.dma_semaphore, #tpu.memory_space<semaphore_mem>>) src(%arg4 : memref<624x128xf32, #tpu.memory_space<hbm>>) dst(%dma_wait3A_2268 : memref<624x128xf32, #tpu.memory_space<vmem_shared>>)
      tpu.yield
    }) : () -> ()
    %eq3A = arith.constant 0 : i32
    %eq3A_1 = arith.cmpi eq, %arg1, %eq3A : i32
    %convert_element_type3A = arith.extui %eq3A_1 : i1 to i32
    %cond3A = arith.constant 0 : i32
    %cond3A_2 = arith.cmpi ne, %convert_element_type3A, %cond3A : i32
    scf.if %cond3A_2 {
      "tpu.region"() ({
        %run_scoped3A_2264 = tpu.sem_alloc : memref<!tpu.dma_semaphore, #tpu.memory_space<semaphore_mem>>
        %dma_start3A_2265 = arith.constant 9984 : i32
        %dma_start3A_2266 = arith.constant 0 : i32
        %dma_start3A_2267 = tpu.memref_slice %arg12[%dma_start3A_2265, %dma_start3A_2266] : memref<10000x128xf32, #tpu.memory_space<vmem_shared>> -> memref<16x128xf32, #tpu.memory_space<vmem_shared>>
        %dma_start3A_2268 = arith.constant 0 : i32
        %dma_start3A_2269 = arith.constant 0 : i32
        %dma_start3A_2270 = tpu.memref_slice %arg4[%dma_start3A_2268, %dma_start3A_2269] : memref<624x128xf32, #tpu.memory_space<hbm>> -> memref<16x128xf32, #tpu.memory_space<hbm>>
        tpu.enqueue_dma source(%dma_start3A_2270 : memref<16x128xf32, #tpu.memory_space<hbm>>) target(%dma_start3A_2267 : memref<16x128xf32, #tpu.memory_space<vmem_shared>>) target_semaphore(%run_scoped3A_2264 : memref<!tpu.dma_semaphore, #tpu.memory_space<semaphore_mem>>)
        %dma_wait3A_2271 = arith.constant 9984 : i32
        %dma_wait3A_2272 = arith.constant 0 : i32
        %dma_wait3A_2273 = tpu.memref_slice %arg12[%dma_wait3A_2271, %dma_wait3A_2272] : memref<10000x128xf32, #tpu.memory_space<vmem_shared>> -> memref<16x128xf32, #tpu.memory_space<vmem_shared>>
        %dma_wait3A_2274 = arith.constant 0 : i32
        %dma_wait3A_2275 = arith.constant 0 : i32
        %dma_wait3A_2276 = tpu.memref_slice %arg4[%dma_wait3A_2274, %dma_wait3A_2275] : memref<624x128xf32, #tpu.memory_space<hbm>> -> memref<16x128xf32, #tpu.memory_space<hbm>>
        tpu.wait_dma2 semaphore(%run_scoped3A_2264 : memref<!tpu.dma_semaphore, #tpu.memory_space<semaphore_mem>>) src(%dma_wait3A_2276 : memref<16x128xf32, #tpu.memory_space<hbm>>) dst(%dma_wait3A_2273 : memref<16x128xf32, #tpu.memory_space<vmem_shared>>)
        tpu.yield
      }) : () -> ()
    } else {
    }
    %barrier3A = arith.constant 0 : index
    tpu.barrier barrier_id(%barrier3A)
    %mul3A_3 = arith.constant 160000 : i32
    %mul3A_4 = arith.muli %arg0, %mul3A_3 : i32
    %mul3A_5 = arith.constant 9984 : i32
    %mul3A_6 = arith.muli %arg1, %mul3A_5 : i32
    %add3A = arith.addi %mul3A_4, %mul3A_6 : i32
    "tpu.region"() ({
      %run_scoped3A_2264 = tpu.sem_alloc : memref<!tpu.dma_semaphore, #tpu.memory_space<semaphore_mem>>
      %dma_start3A_2265 = arith.constant 0 : i32
      %dma_start3A_2266 = tpu.memref_slice %arg3[%dma_start3A_2265, %add3A] : memref<2x320000xi32, #tpu.memory_space<hbm>> -> memref<2x3328xi32, #tpu.memory_space<hbm>>
      %dma_start3A_2267 = arith.constant 0 : i32
      %dma_start3A_2268 = tpu.memref_slice %arg3[%dma_start3A_2267, %add3A] : memref<2x320000xi32, #tpu.memory_space<hbm>> -> memref<2x3328xi32, #tpu.memory_space<hbm>>
      tpu.enqueue_dma source(%dma_start3A_2268 : memref<2x3328xi32, #tpu.memory_space<hbm>>) target(%arg8 : memref<2x3328xi32, #tpu.memory_space<vmem>>) target_semaphore(%run_scoped3A_2264 : memref<!tpu.dma_semaphore, #tpu.memory_space<semaphore_mem>>)
      %dma_wait3A_2269 = arith.constant 0 : i32
      %dma_wait3A_2270 = tpu.memref_slice %arg3[%dma_wait3A_2269, %add3A] : memref<2x320000xi32, #tpu.memory_space<hbm>> -> memref<2x3328xi32, #tpu.memory_space<hbm>>
      %dma_wait3A_2271 = arith.constant 0 : i32
      %dma_wait3A_2272 = tpu.memref_slice %arg3[%dma_wait3A_2271, %add3A] : memref<2x320000xi32, #tpu.memory_space<hbm>> -> memref<2x3328xi32, #tpu.memory_space<hbm>>
      tpu.wait_dma2 semaphore(%run_scoped3A_2264 : memref<!tpu.dma_semaphore, #tpu.memory_space<semaphore_mem>>) src(%dma_wait3A_2272 : memref<2x3328xi32, #tpu.memory_space<hbm>>) dst(%arg8 : memref<2x3328xi32, #tpu.memory_space<vmem>>)
      tpu.yield
    }) : () -> ()
    %dma_start3A = arith.constant 0 : i32
    %dma_start3A_7 = arith.constant 0 : i32
    %dma_start3A_8 = tpu.memref_slice %arg8[%dma_start3A, %dma_start3A_7] : memref<2x3328xi32, #tpu.memory_space<vmem>> -> memref<1x128xi32, #tpu.memory_space<vmem>>
    %dma_start3A_9 = tpu.memref_squeeze %dma_start3A_8 : memref<1x128xi32, #tpu.memory_space<vmem>> -> memref<128xi32, #tpu.memory_space<vmem>>
    %dma_start3A_10 = arith.constant 0 : i32
    %dma_start3A_11 = arith.constant 0 : i32
    %dma_start3A_12 = tpu.memref_slice %arg2[%dma_start3A_10, %dma_start3A_11] : memref<20000x128xf32, #tpu.memory_space<hbm>> -> memref<20000x128xf32, #tpu.memory_space<hbm>>
    tpu.enqueue_indirect_dma source(%dma_start3A_12 : memref<20000x128xf32, #tpu.memory_space<hbm>>) target(%arg10 : memref<128x128xf32, #tpu.memory_space<vmem>>) offsets(%dma_start3A_9 : memref<128xi32, #tpu.memory_space<vmem>>) semaphore(%arg13 : memref<!tpu.dma_semaphore, #tpu.memory_space<semaphore_mem>>)
    %add3A_13 = arith.constant 3328 : i32
    %add3A_14 = arith.addi %add3A, %add3A_13 : i32
    "tpu.region"() ({
      %run_scoped3A_2264 = tpu.sem_alloc : memref<!tpu.dma_semaphore, #tpu.memory_space<semaphore_mem>>
      %dma_start3A_2265 = arith.constant 0 : i32
      %dma_start3A_2266 = tpu.memref_slice %arg3[%dma_start3A_2265, %add3A_14] : memref<2x320000xi32, #tpu.memory_space<hbm>> -> memref<2x3328xi32, #tpu.memory_space<hbm>>
      %dma_start3A_2267 = arith.constant 0 : i32
      %dma_start3A_2268 = tpu.memref_slice %arg3[%dma_start3A_2267, %add3A_14] : memref<2x320000xi32, #tpu.memory_space<hbm>> -> memref<2x3328xi32, #tpu.memory_space<hbm>>
      tpu.enqueue_dma source(%dma_start3A_2268 : memref<2x3328xi32, #tpu.memory_space<hbm>>) target(%arg9 : memref<2x3328xi32, #tpu.memory_space<vmem>>) target_semaphore(%run_scoped3A_2264 : memref<!tpu.dma_semaphore, #tpu.memory_space<semaphore_mem>>)
      %dma_wait3A_2269 = arith.constant 0 : i32
      %dma_wait3A_2270 = tpu.memref_slice %arg3[%dma_wait3A_2269, %add3A_14] : memref<2x320000xi32, #tpu.memory_space<hbm>> -> memref<2x3328xi32, #tpu.memory_space<hbm>>
      %dma_wait3A_2271 = arith.constant 0 : i32
      %dma_wait3A_2272 = tpu.memref_slice %arg3[%dma_wait3A_2271, %add3A_14] : memref<2x320000xi32, #tpu.memory_space<hbm>> -> memref<2x3328xi32, #tpu.memory_space<hbm>>
      tpu.wait_dma2 semaphore(%run_scoped3A_2264 : memref<!tpu.dma_semaphore, #tpu.memory_space<semaphore_mem>>) src(%dma_wait3A_2272 : memref<2x3328xi32, #tpu.memory_space<hbm>>) dst(%arg9 : memref<2x3328xi32, #tpu.memory_space<vmem>>)
      tpu.yield
    }) : () -> ()
    %dma_start3A_15 = arith.constant 0 : i32
    %dma_start3A_16 = arith.constant 128 : i32
    %dma_start3A_17 = tpu.memref_slice %arg8[%dma_start3A_15, %dma_start3A_16] : memref<2x3328xi32, #tpu.memory_space<vmem>> -> memref<1x128xi32, #tpu.memory_space<vmem>>
    %dma_start3A_18 = tpu.memref_squeeze %dma_start3A_17 : memref<1x128xi32, #tpu.memory_space<vmem>> -> memref<128xi32, #tpu.memory_space<vmem>>
    %dma_start3A_19 = arith.constant 0 : i32
    %dma_start3A_20 = arith.constant 0 : i32
    %dma_start3A_21 = tpu.memref_slice %arg2[%dma_start3A_19, %dma_start3A_20] : memref<20000x128xf32, #tpu.memory_space<hbm>> -> memref<20000x128xf32, #tpu.memory_space<hbm>>
    tpu.enqueue_indirect_dma source(%dma_start3A_21 : memref<20000x128xf32, #tpu.memory_space<hbm>>) target(%arg11 : memref<128x128xf32, #tpu.memory_space<vmem>>) offsets(%dma_start3A_18 : memref<128xi32, #tpu.memory_space<vmem>>) semaphore(%arg14 : memref<!tpu.dma_semaphore, #tpu.memory_space<semaphore_mem>>)
    %dma_wait3A = arith.constant 0 : i32
    %dma_wait3A_22 = arith.constant 0 : i32
    %dma_wait3A_23 = tpu.memref_slice %arg8[%dma_wait3A, %dma_wait3A_22] : memref<2x3328xi32, #tpu.memory_space<vmem>> -> memref<1x128xi32, #tpu.memory_space<vmem>>
    %dma_wait3A_24 = tpu.memref_squeeze %dma_wait3A_23 : memref<1x128xi32, #tpu.memory_space<vmem>> -> memref<128xi32, #tpu.memory_space<vmem>>
    %dma_wait3A_25 = arith.constant 0 : i32
    %dma_wait3A_26 = arith.constant 0 : i32
    %dma_wait3A_27 = tpu.memref_slice %arg2[%dma_wait3A_25, %dma_wait3A_26] : memref<20000x128xf32, #tpu.memory_space<hbm>> -> memref<20000x128xf32, #tpu.memory_space<hbm>>
    tpu.wait_indirect_dma semaphore(%arg13 : memref<!tpu.dma_semaphore, #tpu.memory_space<semaphore_mem>>) src(%dma_wait3A_27 : memref<20000x128xf32, #tpu.memory_space<hbm>>) dst(%arg10 : memref<128x128xf32, #tpu.memory_space<vmem>>)
    %dma_start3A_28 = arith.constant 1 : i32
    %dma_start3A_29 = arith.constant 0 : i32
    %dma_start3A_30 = tpu.memref_slice %arg8[%dma_start3A_28, %dma_start3A_29] : memref<2x3328xi32, #tpu.memory_space<vmem>> -> memref<1x128xi32, #tpu.memory_space<vmem>>
    %dma_start3A_31 = tpu.memref_squeeze %dma_start3A_30 : memref<1x128xi32, #tpu.memory_space<vmem>> -> memref<128xi32, #tpu.memory_space<vmem>>
    %dma_start3A_32 = arith.constant 0 : i32
    %dma_start3A_33 = arith.constant 0 : i32
    %dma_start3A_34 = tpu.memref_slice %arg12[%dma_start3A_32, %dma_start3A_33] : memref<10000x128xf32, #tpu.memory_space<vmem_shared>> -> memref<10000x128xf32, #tpu.memory_space<vmem_shared>>
    tpu.enqueue_indirect_dma source(%arg10 : memref<128x128xf32, #tpu.memory_space<vmem>>) target(%dma_start3A_34 : memref<10000x128xf32, #tpu.memory_space<vmem_shared>>) offsets(%dma_start3A_31 : memref<128xi32, #tpu.memory_space<vmem>>) semaphore(%arg15 : memref<!tpu.dma_semaphore, #tpu.memory_space<semaphore_mem>>) {add = true}
    %dma_wait3A_35 = arith.constant 1 : i32
    %dma_wait3A_36 = arith.constant 0 : i32
    %dma_wait3A_37 = tpu.memref_slice %arg8[%dma_wait3A_35, %dma_wait3A_36] : memref<2x3328xi32, #tpu.memory_space<vmem>> -> memref<1x128xi32, #tpu.memory_space<vmem>>
    %dma_wait3A_38 = tpu.memref_squeeze %dma_wait3A_37 : memref<1x128xi32, #tpu.memory_space<vmem>> -> memref<128xi32, #tpu.memory_space<vmem>>
    %dma_wait3A_39 = arith.constant 0 : i32
    %dma_wait3A_40 = arith.constant 0 : i32
    %dma_wait3A_41 = tpu.memref_slice %arg12[%dma_wait3A_39, %dma_wait3A_40] : memref<10000x128xf32, #tpu.memory_space<vmem_shared>> -> memref<10000x128xf32, #tpu.memory_space<vmem_shared>>
    tpu.wait_indirect_dma semaphore(%arg15 : memref<!tpu.dma_semaphore, #tpu.memory_space<semaphore_mem>>) src(%arg10 : memref<128x128xf32, #tpu.memory_space<vmem>>) dst(%dma_wait3A_41 : memref<10000x128xf32, #tpu.memory_space<vmem_shared>>)
    %dma_start3A_42 = arith.constant 0 : i32
    %dma_start3A_43 = arith.constant 256 : i32
    %dma_start3A_44 = tpu.memref_slice %arg8[%dma_start3A_42, %dma_start3A_43] : memref<2x3328xi32, #tpu.memory_space<vmem>> -> memref<1x128xi32, #tpu.memory_space<vmem>>
    %dma_start3A_45 = tpu.memref_squeeze %dma_start3A_44 : memref<1x128xi32, #tpu.memory_space<vmem>> -> memref<128xi32, #tpu.memory_space<vmem>>
    %dma_start3A_46 = arith.constant 0 : i32
    %dma_start3A_47 = arith.constant 0 : i32
    %dma_start3A_48 = tpu.memref_slice %arg2[%dma_start3A_46, %dma_start3A_47] : memref<20000x128xf32, #tpu.memory_space<hbm>> -> memref<20000x128xf32, #tpu.memory_space<hbm>>
    tpu.enqueue_indirect_dma source(%dma_start3A_48 : memref<20000x128xf32, #tpu.memory_space<hbm>>) target(%arg10 : memref<128x128xf32, #tpu.memory_space<vmem>>) offsets(%dma_start3A_45 : memref<128xi32, #tpu.memory_space<vmem>>) semaphore(%arg13 : memref<!tpu.dma_semaphore, #tpu.memory_space<semaphore_mem>>)
    %dma_wait3A_49 = arith.constant 0 : i32
    %dma_wait3A_50 = arith.constant 128 : i32
    %dma_wait3A_51 = tpu.memref_slice %arg8[%dma_wait3A_49, %dma_wait3A_50] : memref<2x3328xi32, #tpu.memory_space<vmem>> -> memref<1x128xi32, #tpu.memory_space<vmem>>
    %dma_wait3A_52 = tpu.memref_squeeze %dma_wait3A_51 : memref<1x128xi32, #tpu.memory_space<vmem>> -> memref<128xi32, #tpu.memory_space<vmem>>
    %dma_wait3A_53 = arith.constant 0 : i32
    %dma_wait3A_54 = arith.constant 0 : i32
    %dma_wait3A_55 = tpu.memref_slice %arg2[%dma_wait3A_53, %dma_wait3A_54] : memref<20000x128xf32, #tpu.memory_space<hbm>> -> memref<20000x128xf32, #tpu.memory_space<hbm>>
    tpu.wait_indirect_dma semaphore(%arg14 : memref<!tpu.dma_semaphore, #tpu.memory_space<semaphore_mem>>) src(%dma_wait3A_55 : memref<20000x128xf32, #tpu.memory_space<hbm>>) dst(%arg11 : memref<128x128xf32, #tpu.memory_space<vmem>>)
    %dma_start3A_56 = arith.constant 1 : i32
    %dma_start3A_57 = arith.constant 128 : i32
    %dma_start3A_58 = tpu.memref_slice %arg8[%dma_start3A_56, %dma_start3A_57] : memref<2x3328xi32, #tpu.memory_space<vmem>> -> memref<1x128xi32, #tpu.memory_space<vmem>>
    %dma_start3A_59 = tpu.memref_squeeze %dma_start3A_58 : memref<1x128xi32, #tpu.memory_space<vmem>> -> memref<128xi32, #tpu.memory_space<vmem>>
    %dma_start3A_60 = arith.constant 0 : i32
    %dma_start3A_61 = arith.constant 0 : i32
    %dma_start3A_62 = tpu.memref_slice %arg12[%dma_start3A_60, %dma_start3A_61] : memref<10000x128xf32, #tpu.memory_space<vmem_shared>> -> memref<10000x128xf32, #tpu.memory_space<vmem_shared>>
    tpu.enqueue_indirect_dma source(%arg11 : memref<128x128xf32, #tpu.memory_space<vmem>>) target(%dma_start3A_62 : memref<10000x128xf32, #tpu.memory_space<vmem_shared>>) offsets(%dma_start3A_59 : memref<128xi32, #tpu.memory_space<vmem>>) semaphore(%arg16 : memref<!tpu.dma_semaphore, #tpu.memory_space<semaphore_mem>>) {add = true}
    %dma_wait3A_63 = arith.constant 1 : i32
    %dma_wait3A_64 = arith.constant 128 : i32
    %dma_wait3A_65 = tpu.memref_slice %arg8[%dma_wait3A_63, %dma_wait3A_64] : memref<2x3328xi32, #tpu.memory_space<vmem>> -> memref<1x128xi32, #tpu.memory_space<vmem>>
    %dma_wait3A_66 = tpu.memref_squeeze %dma_wait3A_65 : memref<1x128xi32, #tpu.memory_space<vmem>> -> memref<128xi32, #tpu.memory_space<vmem>>
    %dma_wait3A_67 = arith.constant 0 : i32
    %dma_wait3A_68 = arith.constant 0 : i32
    %dma_wait3A_69 = tpu.memref_slice %arg12[%dma_wait3A_67, %dma_wait3A_68] : memref<10000x128xf32, #tpu.memory_space<vmem_shared>> -> memref<10000x128xf32, #tpu.memory_space<vmem_shared>>
    tpu.wait_indirect_dma semaphore(%arg16 : memref<!tpu.dma_semaphore, #tpu.memory_space<semaphore_mem>>) src(%arg11 : memref<128x128xf32, #tpu.memory_space<vmem>>) dst(%dma_wait3A_69 : memref<10000x128xf32, #tpu.memory_space<vmem_shared>>)
    %dma_start3A_70 = arith.constant 0 : i32
    %dma_start3A_71 = arith.constant 384 : i32
    %dma_start3A_72 = tpu.memref_slice %arg8[%dma_start3A_70, %dma_start3A_71] : memref<2x3328xi32, #tpu.memory_space<vmem>> -> memref<1x128xi32, #tpu.memory_space<vmem>>
    %dma_start3A_73 = tpu.memref_squeeze %dma_start3A_72 : memref<1x128xi32, #tpu.memory_space<vmem>> -> memref<128xi32, #tpu.memory_space<vmem>>
    %dma_start3A_74 = arith.constant 0 : i32
    %dma_start3A_75 = arith.constant 0 : i32
    %dma_start3A_76 = tpu.memref_slice %arg2[%dma_start3A_74, %dma_start3A_75] : memref<20000x128xf32, #tpu.memory_space<hbm>> -> memref<20000x128xf32, #tpu.memory_space<hbm>>
    tpu.enqueue_indirect_dma source(%dma_start3A_76 : memref<20000x128xf32, #tpu.memory_space<hbm>>) target(%arg11 : memref<128x128xf32, #tpu.memory_space<vmem>>) offsets(%dma_start3A_73 : memref<128xi32, #tpu.memory_space<vmem>>) semaphore(%arg14 : memref<!tpu.dma_semaphore, #tpu.memory_space<semaphore_mem>>)
    %dma_wait3A_77 = arith.constant 0 : i32
    %dma_wait3A_78 = arith.constant 256 : i32
    %dma_wait3A_79 = tpu.memref_slice %arg8[%dma_wait3A_77, %dma_wait3A_78] : memref<2x3328xi32, #tpu.memory_space<vmem>> -> memref<1x128xi32, #tpu.memory_space<vmem>>
    %dma_wait3A_80 = tpu.memref_squeeze %dma_wait3A_79 : memref<1x128xi32, #tpu.memory_space<vmem>> -> memref<128xi32, #tpu.memory_space<vmem>>
    %dma_wait3A_81 = arith.constant 0 : i32
    %dma_wait3A_82 = arith.constant 0 : i32
    %dma_wait3A_83 = tpu.memref_slice %arg2[%dma_wait3A_81, %dma_wait3A_82] : memref<20000x128xf32, #tpu.memory_space<hbm>> -> memref<20000x128xf32, #tpu.memory_space<hbm>>
    tpu.wait_indirect_dma semaphore(%arg13 : memref<!tpu.dma_semaphore, #tpu.memory_space<semaphore_mem>>) src(%dma_wait3A_83 : memref<20000x128xf32, #tpu.memory_space<hbm>>) dst(%arg10 : memref<128x128xf32, #tpu.memory_space<vmem>>)
    %dma_start3A_84 = arith.constant 1 : i32
    %dma_start3A_85 = arith.constant 256 : i32
    %dma_start3A_86 = tpu.memref_slice %arg8[%dma_start3A_84, %dma_start3A_85] : memref<2x3328xi32, #tpu.memory_space<vmem>> -> memref<1x128xi32, #tpu.memory_space<vmem>>
    %dma_start3A_87 = tpu.memref_squeeze %dma_start3A_86 : memref<1x128xi32, #tpu.memory_space<vmem>> -> memref<128xi32, #tpu.memory_space<vmem>>
    %dma_start3A_88 = arith.constant 0 : i32
    %dma_start3A_89 = arith.constant 0 : i32
    %dma_start3A_90 = tpu.memref_slice %arg12[%dma_start3A_88, %dma_start3A_89] : memref<10000x128xf32, #tpu.memory_space<vmem_shared>> -> memref<10000x128xf32, #tpu.memory_space<vmem_shared>>
    tpu.enqueue_indirect_dma source(%arg10 : memref<128x128xf32, #tpu.memory_space<vmem>>) target(%dma_start3A_90 : memref<10000x128xf32, #tpu.memory_space<vmem_shared>>) offsets(%dma_start3A_87 : memref<128xi32, #tpu.memory_space<vmem>>) semaphore(%arg15 : memref<!tpu.dma_semaphore, #tpu.memory_space<semaphore_mem>>) {add = true}
    %dma_wait3A_91 = arith.constant 1 : i32
    %dma_wait3A_92 = arith.constant 256 : i32
    %dma_wait3A_93 = tpu.memref_slice %arg8[%dma_wait3A_91, %dma_wait3A_92] : memref<2x3328xi32, #tpu.memory_space<vmem>> -> memref<1x128xi32, #tpu.memory_space<vmem>>
    %dma_wait3A_94 = tpu.memref_squeeze %dma_wait3A_93 : memref<1x128xi32, #tpu.memory_space<vmem>> -> memref<128xi32, #tpu.memory_space<vmem>>
    %dma_wait3A_95 = arith.constant 0 : i32
    %dma_wait3A_96 = arith.constant 0 : i32
    %dma_wait3A_97 = tpu.memref_slice %arg12[%dma_wait3A_95, %dma_wait3A_96] : memref<10000x128xf32, #tpu.memory_space<vmem_shared>> -> memref<10000x128xf32, #tpu.memory_space<vmem_shared>>
    tpu.wait_indirect_dma semaphore(%arg15 : memref<!tpu.dma_semaphore, #tpu.memory_space<semaphore_mem>>) src(%arg10 : memref<128x128xf32, #tpu.memory_space<vmem>>) dst(%dma_wait3A_97 : memref<10000x128xf32, #tpu.memory_space<vmem_shared>>)
    %dma_start3A_98 = arith.constant 0 : i32
    %dma_start3A_99 = arith.constant 512 : i32
    %dma_start3A_100 = tpu.memref_slice %arg8[%dma_start3A_98, %dma_start3A_99] : memref<2x3328xi32, #tpu.memory_space<vmem>> -> memref<1x128xi32, #tpu.memory_space<vmem>>
    %dma_start3A_101 = tpu.memref_squeeze %dma_start3A_100 : memref<1x128xi32, #tpu.memory_space<vmem>> -> memref<128xi32, #tpu.memory_space<vmem>>
    %dma_start3A_102 = arith.constant 0 : i32
    %dma_start3A_103 = arith.constant 0 : i32
    %dma_start3A_104 = tpu.memref_slice %arg2[%dma_start3A_102, %dma_start3A_103] : memref<20000x128xf32, #tpu.memory_space<hbm>> -> memref<20000x128xf32, #tpu.memory_space<hbm>>
    tpu.enqueue_indirect_dma source(%dma_start3A_104 : memref<20000x128xf32, #tpu.memory_space<hbm>>) target(%arg10 : memref<128x128xf32, #tpu.memory_space<vmem>>) offsets(%dma_start3A_101 : memref<128xi32, #tpu.memory_space<vmem>>) semaphore(%arg13 : memref<!tpu.dma_semaphore, #tpu.memory_space<semaphore_mem>>)
    %dma_wait3A_105 = arith.constant 0 : i32
    %dma_wait3A_106 = arith.constant 384 : i32
    %dma_wait3A_107 = tpu.memref_slice %arg8[%dma_wait3A_105, %dma_wait3A_106] : memref<2x3328xi32, #tpu.memory_space<vmem>> -> memref<1x128xi32, #tpu.memory_space<vmem>>
    %dma_wait3A_108 = tpu.memref_squeeze %dma_wait3A_107 : memref<1x128xi32, #tpu.memory_space<vmem>> -> memref<128xi32, #tpu.memory_space<vmem>>
    %dma_wait3A_109 = arith.constant 0 : i32
    %dma_wait3A_110 = arith.constant 0 : i32
    %dma_wait3A_111 = tpu.memref_slice %arg2[%dma_wait3A_109, %dma_wait3A_110] : memref<20000x128xf32, #tpu.memory_space<hbm>> -> memref<20000x128xf32, #tpu.memory_space<hbm>>
    tpu.wait_indirect_dma semaphore(%arg14 : memref<!tpu.dma_semaphore, #tpu.memory_space<semaphore_mem>>) src(%dma_wait3A_111 : memref<20000x128xf32, #tpu.memory_space<hbm>>) dst(%arg11 : memref<128x128xf32, #tpu.memory_space<vmem>>)
    %dma_start3A_112 = arith.constant 1 : i32
    %dma_start3A_113 = arith.constant 384 : i32
    %dma_start3A_114 = tpu.memref_slice %arg8[%dma_start3A_112, %dma_start3A_113] : memref<2x3328xi32, #tpu.memory_space<vmem>> -> memref<1x128xi32, #tpu.memory_space<vmem>>
    %dma_start3A_115 = tpu.memref_squeeze %dma_start3A_114 : memref<1x128xi32, #tpu.memory_space<vmem>> -> memref<128xi32, #tpu.memory_space<vmem>>
    %dma_start3A_116 = arith.constant 0 : i32
    %dma_start3A_117 = arith.constant 0 : i32
    %dma_start3A_118 = tpu.memref_slice %arg12[%dma_start3A_116, %dma_start3A_117] : memref<10000x128xf32, #tpu.memory_space<vmem_shared>> -> memref<10000x128xf32, #tpu.memory_space<vmem_shared>>
    tpu.enqueue_indirect_dma source(%arg11 : memref<128x128xf32, #tpu.memory_space<vmem>>) target(%dma_start3A_118 : memref<10000x128xf32, #tpu.memory_space<vmem_shared>>) offsets(%dma_start3A_115 : memref<128xi32, #tpu.memory_space<vmem>>) semaphore(%arg16 : memref<!tpu.dma_semaphore, #tpu.memory_space<semaphore_mem>>) {add = true}
    %dma_wait3A_119 = arith.constant 1 : i32
    %dma_wait3A_120 = arith.constant 384 : i32
    %dma_wait3A_121 = tpu.memref_slice %arg8[%dma_wait3A_119, %dma_wait3A_120] : memref<2x3328xi32, #tpu.memory_space<vmem>> -> memref<1x128xi32, #tpu.memory_space<vmem>>
    %dma_wait3A_122 = tpu.memref_squeeze %dma_wait3A_121 : memref<1x128xi32, #tpu.memory_space<vmem>> -> memref<128xi32, #tpu.memory_space<vmem>>
    %dma_wait3A_123 = arith.constant 0 : i32
    %dma_wait3A_124 = arith.constant 0 : i32
    %dma_wait3A_125 = tpu.memref_slice %arg12[%dma_wait3A_123, %dma_wait3A_124] : memref<10000x128xf32, #tpu.memory_space<vmem_shared>> -> memref<10000x128xf32, #tpu.memory_space<vmem_shared>>
    tpu.wait_indirect_dma semaphore(%arg16 : memref<!tpu.dma_semaphore, #tpu.memory_space<semaphore_mem>>) src(%arg11 : memref<128x128xf32, #tpu.memory_space<vmem>>) dst(%dma_wait3A_125 : memref<10000x128xf32, #tpu.memory_space<vmem_shared>>)
    %dma_start3A_126 = arith.constant 0 : i32
    %dma_start3A_127 = arith.constant 640 : i32
    %dma_start3A_128 = tpu.memref_slice %arg8[%dma_start3A_126, %dma_start3A_127] : memref<2x3328xi32, #tpu.memory_space<vmem>> -> memref<1x128xi32, #tpu.memory_space<vmem>>
    %dma_start3A_129 = tpu.memref_squeeze %dma_start3A_128 : memref<1x128xi32, #tpu.memory_space<vmem>> -> memref<128xi32, #tpu.memory_space<vmem>>
    %dma_start3A_130 = arith.constant 0 : i32
    %dma_start3A_131 = arith.constant 0 : i32
    %dma_start3A_132 = tpu.memref_slice %arg2[%dma_start3A_130, %dma_start3A_131] : memref<20000x128xf32, #tpu.memory_space<hbm>> -> memref<20000x128xf32, #tpu.memory_space<hbm>>
    tpu.enqueue_indirect_dma source(%dma_start3A_132 : memref<20000x128xf32, #tpu.memory_space<hbm>>) target(%arg11 : memref<128x128xf32, #tpu.memory_space<vmem>>) offsets(%dma_start3A_129 : memref<128xi32, #tpu.memory_space<vmem>>) semaphore(%arg14 : memref<!tpu.dma_semaphore, #tpu.memory_space<semaphore_mem>>)
    %dma_wait3A_133 = arith.constant 0 : i32
    %dma_wait3A_134 = arith.constant 512 : i32
    %dma_wait3A_135 = tpu.memref_slice %arg8[%dma_wait3A_133, %dma_wait3A_134] : memref<2x3328xi32, #tpu.memory_space<vmem>> -> memref<1x128xi32, #tpu.memory_space<vmem>>
    %dma_wait3A_136 = tpu.memref_squeeze %dma_wait3A_135 : memref<1x128xi32, #tpu.memory_space<vmem>> -> memref<128xi32, #tpu.memory_space<vmem>>
    %dma_wait3A_137 = arith.constant 0 : i32
    %dma_wait3A_138 = arith.constant 0 : i32
    %dma_wait3A_139 = tpu.memref_slice %arg2[%dma_wait3A_137, %dma_wait3A_138] : memref<20000x128xf32, #tpu.memory_space<hbm>> -> memref<20000x128xf32, #tpu.memory_space<hbm>>
    tpu.wait_indirect_dma semaphore(%arg13 : memref<!tpu.dma_semaphore, #tpu.memory_space<semaphore_mem>>) src(%dma_wait3A_139 : memref<20000x128xf32, #tpu.memory_space<hbm>>) dst(%arg10 : memref<128x128xf32, #tpu.memory_space<vmem>>)
    %dma_start3A_140 = arith.constant 1 : i32
    %dma_start3A_141 = arith.constant 512 : i32
    %dma_start3A_142 = tpu.memref_slice %arg8[%dma_start3A_140, %dma_start3A_141] : memref<2x3328xi32, #tpu.memory_space<vmem>> -> memref<1x128xi32, #tpu.memory_space<vmem>>
    %dma_start3A_143 = tpu.memref_squeeze %dma_start3A_142 : memref<1x128xi32, #tpu.memory_space<vmem>> -> memref<128xi32, #tpu.memory_space<vmem>>
    %dma_start3A_144 = arith.constant 0 : i32
    %dma_start3A_145 = arith.constant 0 : i32
    %dma_start3A_146 = tpu.memref_slice %arg12[%dma_start3A_144, %dma_start3A_145] : memref<10000x128xf32, #tpu.memory_space<vmem_shared>> -> memref<10000x128xf32, #tpu.memory_space<vmem_shared>>
    tpu.enqueue_indirect_dma source(%arg10 : memref<128x128xf32, #tpu.memory_space<vmem>>) target(%dma_start3A_146 : memref<10000x128xf32, #tpu.memory_space<vmem_shared>>) offsets(%dma_start3A_143 : memref<128xi32, #tpu.memory_space<vmem>>) semaphore(%arg15 : memref<!tpu.dma_semaphore, #tpu.memory_space<semaphore_mem>>) {add = true}
    %dma_wait3A_147 = arith.constant 1 : i32
    %dma_wait3A_148 = arith.constant 512 : i32
    %dma_wait3A_149 = tpu.memref_slice %arg8[%dma_wait3A_147, %dma_wait3A_148] : memref<2x3328xi32, #tpu.memory_space<vmem>> -> memref<1x128xi32, #tpu.memory_space<vmem>>
    %dma_wait3A_150 = tpu.memref_squeeze %dma_wait3A_149 : memref<1x128xi32, #tpu.memory_space<vmem>> -> memref<128xi32, #tpu.memory_space<vmem>>
    %dma_wait3A_151 = arith.constant 0 : i32
    %dma_wait3A_152 = arith.constant 0 : i32
    %dma_wait3A_153 = tpu.memref_slice %arg12[%dma_wait3A_151, %dma_wait3A_152] : memref<10000x128xf32, #tpu.memory_space<vmem_shared>> -> memref<10000x128xf32, #tpu.memory_space<vmem_shared>>
    tpu.wait_indirect_dma semaphore(%arg15 : memref<!tpu.dma_semaphore, #tpu.memory_space<semaphore_mem>>) src(%arg10 : memref<128x128xf32, #tpu.memory_space<vmem>>) dst(%dma_wait3A_153 : memref<10000x128xf32, #tpu.memory_space<vmem_shared>>)
    %dma_start3A_154 = arith.constant 0 : i32
    %dma_start3A_155 = arith.constant 768 : i32
    %dma_start3A_156 = tpu.memref_slice %arg8[%dma_start3A_154, %dma_start3A_155] : memref<2x3328xi32, #tpu.memory_space<vmem>> -> memref<1x128xi32, #tpu.memory_space<vmem>>
    %dma_start3A_157 = tpu.memref_squeeze %dma_start3A_156 : memref<1x128xi32, #tpu.memory_space<vmem>> -> memref<128xi32, #tpu.memory_space<vmem>>
    %dma_start3A_158 = arith.constant 0 : i32
    %dma_start3A_159 = arith.constant 0 : i32
    %dma_start3A_160 = tpu.memref_slice %arg2[%dma_start3A_158, %dma_start3A_159] : memref<20000x128xf32, #tpu.memory_space<hbm>> -> memref<20000x128xf32, #tpu.memory_space<hbm>>
    tpu.enqueue_indirect_dma source(%dma_start3A_160 : memref<20000x128xf32, #tpu.memory_space<hbm>>) target(%arg10 : memref<128x128xf32, #tpu.memory_space<vmem>>) offsets(%dma_start3A_157 : memref<128xi32, #tpu.memory_space<vmem>>) semaphore(%arg13 : memref<!tpu.dma_semaphore, #tpu.memory_space<semaphore_mem>>)
    %dma_wait3A_161 = arith.constant 0 : i32
    %dma_wait3A_162 = arith.constant 640 : i32
    %dma_wait3A_163 = tpu.memref_slice %arg8[%dma_wait3A_161, %dma_wait3A_162] : memref<2x3328xi32, #tpu.memory_space<vmem>> -> memref<1x128xi32, #tpu.memory_space<vmem>>
    %dma_wait3A_164 = tpu.memref_squeeze %dma_wait3A_163 : memref<1x128xi32, #tpu.memory_space<vmem>> -> memref<128xi32, #tpu.memory_space<vmem>>
    %dma_wait3A_165 = arith.constant 0 : i32
    %dma_wait3A_166 = arith.constant 0 : i32
    %dma_wait3A_167 = tpu.memref_slice %arg2[%dma_wait3A_165, %dma_wait3A_166] : memref<20000x128xf32, #tpu.memory_space<hbm>> -> memref<20000x128xf32, #tpu.memory_space<hbm>>
    tpu.wait_indirect_dma semaphore(%arg14 : memref<!tpu.dma_semaphore, #tpu.memory_space<semaphore_mem>>) src(%dma_wait3A_167 : memref<20000x128xf32, #tpu.memory_space<hbm>>) dst(%arg11 : memref<128x128xf32, #tpu.memory_space<vmem>>)
    %dma_start3A_168 = arith.constant 1 : i32
    %dma_start3A_169 = arith.constant 640 : i32
    %dma_start3A_170 = tpu.memref_slice %arg8[%dma_start3A_168, %dma_start3A_169] : memref<2x3328xi32, #tpu.memory_space<vmem>> -> memref<1x128xi32, #tpu.memory_space<vmem>>
    %dma_start3A_171 = tpu.memref_squeeze %dma_start3A_170 : memref<1x128xi32, #tpu.memory_space<vmem>> -> memref<128xi32, #tpu.memory_space<vmem>>
    %dma_start3A_172 = arith.constant 0 : i32
    %dma_start3A_173 = arith.constant 0 : i32
    %dma_start3A_174 = tpu.memref_slice %arg12[%dma_start3A_172, %dma_start3A_173] : memref<10000x128xf32, #tpu.memory_space<vmem_shared>> -> memref<10000x128xf32, #tpu.memory_space<vmem_shared>>
    tpu.enqueue_indirect_dma source(%arg11 : memref<128x128xf32, #tpu.memory_space<vmem>>) target(%dma_start3A_174 : memref<10000x128xf32, #tpu.memory_space<vmem_shared>>) offsets(%dma_start3A_171 : memref<128xi32, #tpu.memory_space<vmem>>) semaphore(%arg16 : memref<!tpu.dma_semaphore, #tpu.memory_space<semaphore_mem>>) {add = true}
    %dma_wait3A_175 = arith.constant 1 : i32
    %dma_wait3A_176 = arith.constant 640 : i32
    %dma_wait3A_177 = tpu.memref_slice %arg8[%dma_wait3A_175, %dma_wait3A_176] : memref<2x3328xi32, #tpu.memory_space<vmem>> -> memref<1x128xi32, #tpu.memory_space<vmem>>
    %dma_wait3A_178 = tpu.memref_squeeze %dma_wait3A_177 : memref<1x128xi32, #tpu.memory_space<vmem>> -> memref<128xi32, #tpu.memory_space<vmem>>
    %dma_wait3A_179 = arith.constant 0 : i32
    %dma_wait3A_180 = arith.constant 0 : i32
    %dma_wait3A_181 = tpu.memref_slice %arg12[%dma_wait3A_179, %dma_wait3A_180] : memref<10000x128xf32, #tpu.memory_space<vmem_shared>> -> memref<10000x128xf32, #tpu.memory_space<vmem_shared>>
    tpu.wait_indirect_dma semaphore(%arg16 : memref<!tpu.dma_semaphore, #tpu.memory_space<semaphore_mem>>) src(%arg11 : memref<128x128xf32, #tpu.memory_space<vmem>>) dst(%dma_wait3A_181 : memref<10000x128xf32, #tpu.memory_space<vmem_shared>>)
    %dma_start3A_182 = arith.constant 0 : i32
    %dma_start3A_183 = arith.constant 896 : i32
    %dma_start3A_184 = tpu.memref_slice %arg8[%dma_start3A_182, %dma_start3A_183] : memref<2x3328xi32, #tpu.memory_space<vmem>> -> memref<1x128xi32, #tpu.memory_space<vmem>>
    %dma_start3A_185 = tpu.memref_squeeze %dma_start3A_184 : memref<1x128xi32, #tpu.memory_space<vmem>> -> memref<128xi32, #tpu.memory_space<vmem>>
    %dma_start3A_186 = arith.constant 0 : i32
    %dma_start3A_187 = arith.constant 0 : i32
    %dma_start3A_188 = tpu.memref_slice %arg2[%dma_start3A_186, %dma_start3A_187] : memref<20000x128xf32, #tpu.memory_space<hbm>> -> memref<20000x128xf32, #tpu.memory_space<hbm>>
    tpu.enqueue_indirect_dma source(%dma_start3A_188 : memref<20000x128xf32, #tpu.memory_space<hbm>>) target(%arg11 : memref<128x128xf32, #tpu.memory_space<vmem>>) offsets(%dma_start3A_185 : memref<128xi32, #tpu.memory_space<vmem>>) semaphore(%arg14 : memref<!tpu.dma_semaphore, #tpu.memory_space<semaphore_mem>>)
    %dma_wait3A_189 = arith.constant 0 : i32
    %dma_wait3A_190 = arith.constant 768 : i32
    %dma_wait3A_191 = tpu.memref_slice %arg8[%dma_wait3A_189, %dma_wait3A_190] : memref<2x3328xi32, #tpu.memory_space<vmem>> -> memref<1x128xi32, #tpu.memory_space<vmem>>
    %dma_wait3A_192 = tpu.memref_squeeze %dma_wait3A_191 : memref<1x128xi32, #tpu.memory_space<vmem>> -> memref<128xi32, #tpu.memory_space<vmem>>
    %dma_wait3A_193 = arith.constant 0 : i32
    %dma_wait3A_194 = arith.constant 0 : i32
    %dma_wait3A_195 = tpu.memref_slice %arg2[%dma_wait3A_193, %dma_wait3A_194] : memref<20000x128xf32, #tpu.memory_space<hbm>> -> memref<20000x128xf32, #tpu.memory_space<hbm>>
    tpu.wait_indirect_dma semaphore(%arg13 : memref<!tpu.dma_semaphore, #tpu.memory_space<semaphore_mem>>) src(%dma_wait3A_195 : memref<20000x128xf32, #tpu.memory_space<hbm>>) dst(%arg10 : memref<128x128xf32, #tpu.memory_space<vmem>>)
    %dma_start3A_196 = arith.constant 1 : i32
    %dma_start3A_197 = arith.constant 768 : i32
    %dma_start3A_198 = tpu.memref_slice %arg8[%dma_start3A_196, %dma_start3A_197] : memref<2x3328xi32, #tpu.memory_space<vmem>> -> memref<1x128xi32, #tpu.memory_space<vmem>>
    %dma_start3A_199 = tpu.memref_squeeze %dma_start3A_198 : memref<1x128xi32, #tpu.memory_space<vmem>> -> memref<128xi32, #tpu.memory_space<vmem>>
    %dma_start3A_200 = arith.constant 0 : i32
    %dma_start3A_201 = arith.constant 0 : i32
    %dma_start3A_202 = tpu.memref_slice %arg12[%dma_start3A_200, %dma_start3A_201] : memref<10000x128xf32, #tpu.memory_space<vmem_shared>> -> memref<10000x128xf32, #tpu.memory_space<vmem_shared>>
    tpu.enqueue_indirect_dma source(%arg10 : memref<128x128xf32, #tpu.memory_space<vmem>>) target(%dma_start3A_202 : memref<10000x128xf32, #tpu.memory_space<vmem_shared>>) offsets(%dma_start3A_199 : memref<128xi32, #tpu.memory_space<vmem>>) semaphore(%arg15 : memref<!tpu.dma_semaphore, #tpu.memory_space<semaphore_mem>>) {add = true}
    %dma_wait3A_203 = arith.constant 1 : i32
    %dma_wait3A_204 = arith.constant 768 : i32
    %dma_wait3A_205 = tpu.memref_slice %arg8[%dma_wait3A_203, %dma_wait3A_204] : memref<2x3328xi32, #tpu.memory_space<vmem>> -> memref<1x128xi32, #tpu.memory_space<vmem>>
    %dma_wait3A_206 = tpu.memref_squeeze %dma_wait3A_205 : memref<1x128xi32, #tpu.memory_space<vmem>> -> memref<128xi32, #tpu.memory_space<vmem>>
    %dma_wait3A_207 = arith.constant 0 : i32
    %dma_wait3A_208 = arith.constant 0 : i32
    %dma_wait3A_209 = tpu.memref_slice %arg12[%dma_wait3A_207, %dma_wait3A_208] : memref<10000x128xf32, #tpu.memory_space<vmem_shared>> -> memref<10000x128xf32, #tpu.memory_space<vmem_shared>>
    tpu.wait_indirect_dma semaphore(%arg15 : memref<!tpu.dma_semaphore, #tpu.memory_space<semaphore_mem>>) src(%arg10 : memref<128x128xf32, #tpu.memory_space<vmem>>) dst(%dma_wait3A_209 : memref<10000x128xf32, #tpu.memory_space<vmem_shared>>)
    %dma_start3A_210 = arith.constant 0 : i32
    %dma_start3A_211 = arith.constant 1024 : i32
    %dma_start3A_212 = tpu.memref_slice %arg8[%dma_start3A_210, %dma_start3A_211] : memref<2x3328xi32, #tpu.memory_space<vmem>> -> memref<1x128xi32, #tpu.memory_space<vmem>>
    %dma_start3A_213 = tpu.memref_squeeze %dma_start3A_212 : memref<1x128xi32, #tpu.memory_space<vmem>> -> memref<128xi32, #tpu.memory_space<vmem>>
    %dma_start3A_214 = arith.constant 0 : i32
    %dma_start3A_215 = arith.constant 0 : i32
    %dma_start3A_216 = tpu.memref_slice %arg2[%dma_start3A_214, %dma_start3A_215] : memref<20000x128xf32, #tpu.memory_space<hbm>> -> memref<20000x128xf32, #tpu.memory_space<hbm>>
    tpu.enqueue_indirect_dma source(%dma_start3A_216 : memref<20000x128xf32, #tpu.memory_space<hbm>>) target(%arg10 : memref<128x128xf32, #tpu.memory_space<vmem>>) offsets(%dma_start3A_213 : memref<128xi32, #tpu.memory_space<vmem>>) semaphore(%arg13 : memref<!tpu.dma_semaphore, #tpu.memory_space<semaphore_mem>>)
    %dma_wait3A_217 = arith.constant 0 : i32
    %dma_wait3A_218 = arith.constant 896 : i32
    %dma_wait3A_219 = tpu.memref_slice %arg8[%dma_wait3A_217, %dma_wait3A_218] : memref<2x3328xi32, #tpu.memory_space<vmem>> -> memref<1x128xi32, #tpu.memory_space<vmem>>
    %dma_wait3A_220 = tpu.memref_squeeze %dma_wait3A_219 : memref<1x128xi32, #tpu.memory_space<vmem>> -> memref<128xi32, #tpu.memory_space<vmem>>
    %dma_wait3A_221 = arith.constant 0 : i32
    %dma_wait3A_222 = arith.constant 0 : i32
    %dma_wait3A_223 = tpu.memref_slice %arg2[%dma_wait3A_221, %dma_wait3A_222] : memref<20000x128xf32, #tpu.memory_space<hbm>> -> memref<20000x128xf32, #tpu.memory_space<hbm>>
    tpu.wait_indirect_dma semaphore(%arg14 : memref<!tpu.dma_semaphore, #tpu.memory_space<semaphore_mem>>) src(%dma_wait3A_223 : memref<20000x128xf32, #tpu.memory_space<hbm>>) dst(%arg11 : memref<128x128xf32, #tpu.memory_space<vmem>>)
    %dma_start3A_224 = arith.constant 1 : i32
    %dma_start3A_225 = arith.constant 896 : i32
    %dma_start3A_226 = tpu.memref_slice %arg8[%dma_start3A_224, %dma_start3A_225] : memref<2x3328xi32, #tpu.memory_space<vmem>> -> memref<1x128xi32, #tpu.memory_space<vmem>>
    %dma_start3A_227 = tpu.memref_squeeze %dma_start3A_226 : memref<1x128xi32, #tpu.memory_space<vmem>> -> memref<128xi32, #tpu.memory_space<vmem>>
    %dma_start3A_228 = arith.constant 0 : i32
    %dma_start3A_229 = arith.constant 0 : i32
    %dma_start3A_230 = tpu.memref_slice %arg12[%dma_start3A_228, %dma_start3A_229] : memref<10000x128xf32, #tpu.memory_space<vmem_shared>> -> memref<10000x128xf32, #tpu.memory_space<vmem_shared>>
    tpu.enqueue_indirect_dma source(%arg11 : memref<128x128xf32, #tpu.memory_space<vmem>>) target(%dma_start3A_230 : memref<10000x128xf32, #tpu.memory_space<vmem_shared>>) offsets(%dma_start3A_227 : memref<128xi32, #tpu.memory_space<vmem>>) semaphore(%arg16 : memref<!tpu.dma_semaphore, #tpu.memory_space<semaphore_mem>>) {add = true}
    %dma_wait3A_231 = arith.constant 1 : i32
    %dma_wait3A_232 = arith.constant 896 : i32
    %dma_wait3A_233 = tpu.memref_slice %arg8[%dma_wait3A_231, %dma_wait3A_232] : memref<2x3328xi32, #tpu.memory_space<vmem>> -> memref<1x128xi32, #tpu.memory_space<vmem>>
    %dma_wait3A_234 = tpu.memref_squeeze %dma_wait3A_233 : memref<1x128xi32, #tpu.memory_space<vmem>> -> memref<128xi32, #tpu.memory_space<vmem>>
    %dma_wait3A_235 = arith.constant 0 : i32
    %dma_wait3A_236 = arith.constant 0 : i32
    %dma_wait3A_237 = tpu.memref_slice %arg12[%dma_wait3A_235, %dma_wait3A_236] : memref<10000x128xf32, #tpu.memory_space<vmem_shared>> -> memref<10000x128xf32, #tpu.memory_space<vmem_shared>>
    tpu.wait_indirect_dma semaphore(%arg16 : memref<!tpu.dma_semaphore, #tpu.memory_space<semaphore_mem>>) src(%arg11 : memref<128x128xf32, #tpu.memory_space<vmem>>) dst(%dma_wait3A_237 : memref<10000x128xf32, #tpu.memory_space<vmem_shared>>)
    %dma_start3A_238 = arith.constant 0 : i32
    %dma_start3A_239 = arith.constant 1152 : i32
    %dma_start3A_240 = tpu.memref_slice %arg8[%dma_start3A_238, %dma_start3A_239] : memref<2x3328xi32, #tpu.memory_space<vmem>> -> memref<1x128xi32, #tpu.memory_space<vmem>>
    %dma_start3A_241 = tpu.memref_squeeze %dma_start3A_240 : memref<1x128xi32, #tpu.memory_space<vmem>> -> memref<128xi32, #tpu.memory_space<vmem>>
    %dma_start3A_242 = arith.constant 0 : i32
    %dma_start3A_243 = arith.constant 0 : i32
    %dma_start3A_244 = tpu.memref_slice %arg2[%dma_start3A_242, %dma_start3A_243] : memref<20000x128xf32, #tpu.memory_space<hbm>> -> memref<20000x128xf32, #tpu.memory_space<hbm>>
    tpu.enqueue_indirect_dma source(%dma_start3A_244 : memref<20000x128xf32, #tpu.memory_space<hbm>>) target(%arg11 : memref<128x128xf32, #tpu.memory_space<vmem>>) offsets(%dma_start3A_241 : memref<128xi32, #tpu.memory_space<vmem>>) semaphore(%arg14 : memref<!tpu.dma_semaphore, #tpu.memory_space<semaphore_mem>>)
    %dma_wait3A_245 = arith.constant 0 : i32
    %dma_wait3A_246 = arith.constant 1024 : i32
    %dma_wait3A_247 = tpu.memref_slice %arg8[%dma_wait3A_245, %dma_wait3A_246] : memref<2x3328xi32, #tpu.memory_space<vmem>> -> memref<1x128xi32, #tpu.memory_space<vmem>>
    %dma_wait3A_248 = tpu.memref_squeeze %dma_wait3A_247 : memref<1x128xi32, #tpu.memory_space<vmem>> -> memref<128xi32, #tpu.memory_space<vmem>>
    %dma_wait3A_249 = arith.constant 0 : i32
    %dma_wait3A_250 = arith.constant 0 : i32
    %dma_wait3A_251 = tpu.memref_slice %arg2[%dma_wait3A_249, %dma_wait3A_250] : memref<20000x128xf32, #tpu.memory_space<hbm>> -> memref<20000x128xf32, #tpu.memory_space<hbm>>
    tpu.wait_indirect_dma semaphore(%arg13 : memref<!tpu.dma_semaphore, #tpu.memory_space<semaphore_mem>>) src(%dma_wait3A_251 : memref<20000x128xf32, #tpu.memory_space<hbm>>) dst(%arg10 : memref<128x128xf32, #tpu.memory_space<vmem>>)
    %dma_start3A_252 = arith.constant 1 : i32
    %dma_start3A_253 = arith.constant 1024 : i32
    %dma_start3A_254 = tpu.memref_slice %arg8[%dma_start3A_252, %dma_start3A_253] : memref<2x3328xi32, #tpu.memory_space<vmem>> -> memref<1x128xi32, #tpu.memory_space<vmem>>
    %dma_start3A_255 = tpu.memref_squeeze %dma_start3A_254 : memref<1x128xi32, #tpu.memory_space<vmem>> -> memref<128xi32, #tpu.memory_space<vmem>>
    %dma_start3A_256 = arith.constant 0 : i32
    %dma_start3A_257 = arith.constant 0 : i32
    %dma_start3A_258 = tpu.memref_slice %arg12[%dma_start3A_256, %dma_start3A_257] : memref<10000x128xf32, #tpu.memory_space<vmem_shared>> -> memref<10000x128xf32, #tpu.memory_space<vmem_shared>>
    tpu.enqueue_indirect_dma source(%arg10 : memref<128x128xf32, #tpu.memory_space<vmem>>) target(%dma_start3A_258 : memref<10000x128xf32, #tpu.memory_space<vmem_shared>>) offsets(%dma_start3A_255 : memref<128xi32, #tpu.memory_space<vmem>>) semaphore(%arg15 : memref<!tpu.dma_semaphore, #tpu.memory_space<semaphore_mem>>) {add = true}
    %dma_wait3A_259 = arith.constant 1 : i32
    %dma_wait3A_260 = arith.constant 1024 : i32
    %dma_wait3A_261 = tpu.memref_slice %arg8[%dma_wait3A_259, %dma_wait3A_260] : memref<2x3328xi32, #tpu.memory_space<vmem>> -> memref<1x128xi32, #tpu.memory_space<vmem>>
    %dma_wait3A_262 = tpu.memref_squeeze %dma_wait3A_261 : memref<1x128xi32, #tpu.memory_space<vmem>> -> memref<128xi32, #tpu.memory_space<vmem>>
    %dma_wait3A_263 = arith.constant 0 : i32
    %dma_wait3A_264 = arith.constant 0 : i32
    %dma_wait3A_265 = tpu.memref_slice %arg12[%dma_wait3A_263, %dma_wait3A_264] : memref<10000x128xf32, #tpu.memory_space<vmem_shared>> -> memref<10000x128xf32, #tpu.memory_space<vmem_shared>>
    tpu.wait_indirect_dma semaphore(%arg15 : memref<!tpu.dma_semaphore, #tpu.memory_space<semaphore_mem>>) src(%arg10 : memref<128x128xf32, #tpu.memory_space<vmem>>) dst(%dma_wait3A_265 : memref<10000x128xf32, #tpu.memory_space<vmem_shared>>)
    %dma_start3A_266 = arith.constant 0 : i32
    %dma_start3A_267 = arith.constant 1280 : i32
    %dma_start3A_268 = tpu.memref_slice %arg8[%dma_start3A_266, %dma_start3A_267] : memref<2x3328xi32, #tpu.memory_space<vmem>> -> memref<1x128xi32, #tpu.memory_space<vmem>>
    %dma_start3A_269 = tpu.memref_squeeze %dma_start3A_268 : memref<1x128xi32, #tpu.memory_space<vmem>> -> memref<128xi32, #tpu.memory_space<vmem>>
    %dma_start3A_270 = arith.constant 0 : i32
    %dma_start3A_271 = arith.constant 0 : i32
    %dma_start3A_272 = tpu.memref_slice %arg2[%dma_start3A_270, %dma_start3A_271] : memref<20000x128xf32, #tpu.memory_space<hbm>> -> memref<20000x128xf32, #tpu.memory_space<hbm>>
    tpu.enqueue_indirect_dma source(%dma_start3A_272 : memref<20000x128xf32, #tpu.memory_space<hbm>>) target(%arg10 : memref<128x128xf32, #tpu.memory_space<vmem>>) offsets(%dma_start3A_269 : memref<128xi32, #tpu.memory_space<vmem>>) semaphore(%arg13 : memref<!tpu.dma_semaphore, #tpu.memory_space<semaphore_mem>>)
    %dma_wait3A_273 = arith.constant 0 : i32
    %dma_wait3A_274 = arith.constant 1152 : i32
    %dma_wait3A_275 = tpu.memref_slice %arg8[%dma_wait3A_273, %dma_wait3A_274] : memref<2x3328xi32, #tpu.memory_space<vmem>> -> memref<1x128xi32, #tpu.memory_space<vmem>>
    %dma_wait3A_276 = tpu.memref_squeeze %dma_wait3A_275 : memref<1x128xi32, #tpu.memory_space<vmem>> -> memref<128xi32, #tpu.memory_space<vmem>>
    %dma_wait3A_277 = arith.constant 0 : i32
    %dma_wait3A_278 = arith.constant 0 : i32
    %dma_wait3A_279 = tpu.memref_slice %arg2[%dma_wait3A_277, %dma_wait3A_278] : memref<20000x128xf32, #tpu.memory_space<hbm>> -> memref<20000x128xf32, #tpu.memory_space<hbm>>
    tpu.wait_indirect_dma semaphore(%arg14 : memref<!tpu.dma_semaphore, #tpu.memory_space<semaphore_mem>>) src(%dma_wait3A_279 : memref<20000x128xf32, #tpu.memory_space<hbm>>) dst(%arg11 : memref<128x128xf32, #tpu.memory_space<vmem>>)
    %dma_start3A_280 = arith.constant 1 : i32
    %dma_start3A_281 = arith.constant 1152 : i32
    %dma_start3A_282 = tpu.memref_slice %arg8[%dma_start3A_280, %dma_start3A_281] : memref<2x3328xi32, #tpu.memory_space<vmem>> -> memref<1x128xi32, #tpu.memory_space<vmem>>
    %dma_start3A_283 = tpu.memref_squeeze %dma_start3A_282 : memref<1x128xi32, #tpu.memory_space<vmem>> -> memref<128xi32, #tpu.memory_space<vmem>>
    %dma_start3A_284 = arith.constant 0 : i32
    %dma_start3A_285 = arith.constant 0 : i32
    %dma_start3A_286 = tpu.memref_slice %arg12[%dma_start3A_284, %dma_start3A_285] : memref<10000x128xf32, #tpu.memory_space<vmem_shared>> -> memref<10000x128xf32, #tpu.memory_space<vmem_shared>>
    tpu.enqueue_indirect_dma source(%arg11 : memref<128x128xf32, #tpu.memory_space<vmem>>) target(%dma_start3A_286 : memref<10000x128xf32, #tpu.memory_space<vmem_shared>>) offsets(%dma_start3A_283 : memref<128xi32, #tpu.memory_space<vmem>>) semaphore(%arg16 : memref<!tpu.dma_semaphore, #tpu.memory_space<semaphore_mem>>) {add = true}
    %dma_wait3A_287 = arith.constant 1 : i32
    %dma_wait3A_288 = arith.constant 1152 : i32
    %dma_wait3A_289 = tpu.memref_slice %arg8[%dma_wait3A_287, %dma_wait3A_288] : memref<2x3328xi32, #tpu.memory_space<vmem>> -> memref<1x128xi32, #tpu.memory_space<vmem>>
    %dma_wait3A_290 = tpu.memref_squeeze %dma_wait3A_289 : memref<1x128xi32, #tpu.memory_space<vmem>> -> memref<128xi32, #tpu.memory_space<vmem>>
    %dma_wait3A_291 = arith.constant 0 : i32
    %dma_wait3A_292 = arith.constant 0 : i32
    %dma_wait3A_293 = tpu.memref_slice %arg12[%dma_wait3A_291, %dma_wait3A_292] : memref<10000x128xf32, #tpu.memory_space<vmem_shared>> -> memref<10000x128xf32, #tpu.memory_space<vmem_shared>>
    tpu.wait_indirect_dma semaphore(%arg16 : memref<!tpu.dma_semaphore, #tpu.memory_space<semaphore_mem>>) src(%arg11 : memref<128x128xf32, #tpu.memory_space<vmem>>) dst(%dma_wait3A_293 : memref<10000x128xf32, #tpu.memory_space<vmem_shared>>)
    %dma_start3A_294 = arith.constant 0 : i32
    %dma_start3A_295 = arith.constant 1408 : i32
    %dma_start3A_296 = tpu.memref_slice %arg8[%dma_start3A_294, %dma_start3A_295] : memref<2x3328xi32, #tpu.memory_space<vmem>> -> memref<1x128xi32, #tpu.memory_space<vmem>>
    %dma_start3A_297 = tpu.memref_squeeze %dma_start3A_296 : memref<1x128xi32, #tpu.memory_space<vmem>> -> memref<128xi32, #tpu.memory_space<vmem>>
    %dma_start3A_298 = arith.constant 0 : i32
    %dma_start3A_299 = arith.constant 0 : i32
    %dma_start3A_300 = tpu.memref_slice %arg2[%dma_start3A_298, %dma_start3A_299] : memref<20000x128xf32, #tpu.memory_space<hbm>> -> memref<20000x128xf32, #tpu.memory_space<hbm>>
    tpu.enqueue_indirect_dma source(%dma_start3A_300 : memref<20000x128xf32, #tpu.memory_space<hbm>>) target(%arg11 : memref<128x128xf32, #tpu.memory_space<vmem>>) offsets(%dma_start3A_297 : memref<128xi32, #tpu.memory_space<vmem>>) semaphore(%arg14 : memref<!tpu.dma_semaphore, #tpu.memory_space<semaphore_mem>>)
    %dma_wait3A_301 = arith.constant 0 : i32
    %dma_wait3A_302 = arith.constant 1280 : i32
    %dma_wait3A_303 = tpu.memref_slice %arg8[%dma_wait3A_301, %dma_wait3A_302] : memref<2x3328xi32, #tpu.memory_space<vmem>> -> memref<1x128xi32, #tpu.memory_space<vmem>>
    %dma_wait3A_304 = tpu.memref_squeeze %dma_wait3A_303 : memref<1x128xi32, #tpu.memory_space<vmem>> -> memref<128xi32, #tpu.memory_space<vmem>>
    %dma_wait3A_305 = arith.constant 0 : i32
    %dma_wait3A_306 = arith.constant 0 : i32
    %dma_wait3A_307 = tpu.memref_slice %arg2[%dma_wait3A_305, %dma_wait3A_306] : memref<20000x128xf32, #tpu.memory_space<hbm>> -> memref<20000x128xf32, #tpu.memory_space<hbm>>
    tpu.wait_indirect_dma semaphore(%arg13 : memref<!tpu.dma_semaphore, #tpu.memory_space<semaphore_mem>>) src(%dma_wait3A_307 : memref<20000x128xf32, #tpu.memory_space<hbm>>) dst(%arg10 : memref<128x128xf32, #tpu.memory_space<vmem>>)
    %dma_start3A_308 = arith.constant 1 : i32
    %dma_start3A_309 = arith.constant 1280 : i32
    %dma_start3A_310 = tpu.memref_slice %arg8[%dma_start3A_308, %dma_start3A_309] : memref<2x3328xi32, #tpu.memory_space<vmem>> -> memref<1x128xi32, #tpu.memory_space<vmem>>
    %dma_start3A_311 = tpu.memref_squeeze %dma_start3A_310 : memref<1x128xi32, #tpu.memory_space<vmem>> -> memref<128xi32, #tpu.memory_space<vmem>>
    %dma_start3A_312 = arith.constant 0 : i32
    %dma_start3A_313 = arith.constant 0 : i32
    %dma_start3A_314 = tpu.memref_slice %arg12[%dma_start3A_312, %dma_start3A_313] : memref<10000x128xf32, #tpu.memory_space<vmem_shared>> -> memref<10000x128xf32, #tpu.memory_space<vmem_shared>>
    tpu.enqueue_indirect_dma source(%arg10 : memref<128x128xf32, #tpu.memory_space<vmem>>) target(%dma_start3A_314 : memref<10000x128xf32, #tpu.memory_space<vmem_shared>>) offsets(%dma_start3A_311 : memref<128xi32, #tpu.memory_space<vmem>>) semaphore(%arg15 : memref<!tpu.dma_semaphore, #tpu.memory_space<semaphore_mem>>) {add = true}
    %dma_wait3A_315 = arith.constant 1 : i32
    %dma_wait3A_316 = arith.constant 1280 : i32
    %dma_wait3A_317 = tpu.memref_slice %arg8[%dma_wait3A_315, %dma_wait3A_316] : memref<2x3328xi32, #tpu.memory_space<vmem>> -> memref<1x128xi32, #tpu.memory_space<vmem>>
    %dma_wait3A_318 = tpu.memref_squeeze %dma_wait3A_317 : memref<1x128xi32, #tpu.memory_space<vmem>> -> memref<128xi32, #tpu.memory_space<vmem>>
    %dma_wait3A_319 = arith.constant 0 : i32
    %dma_wait3A_320 = arith.constant 0 : i32
    %dma_wait3A_321 = tpu.memref_slice %arg12[%dma_wait3A_319, %dma_wait3A_320] : memref<10000x128xf32, #tpu.memory_space<vmem_shared>> -> memref<10000x128xf32, #tpu.memory_space<vmem_shared>>
    tpu.wait_indirect_dma semaphore(%arg15 : memref<!tpu.dma_semaphore, #tpu.memory_space<semaphore_mem>>) src(%arg10 : memref<128x128xf32, #tpu.memory_space<vmem>>) dst(%dma_wait3A_321 : memref<10000x128xf32, #tpu.memory_space<vmem_shared>>)
    %dma_start3A_322 = arith.constant 0 : i32
    %dma_start3A_323 = arith.constant 1536 : i32
    %dma_start3A_324 = tpu.memref_slice %arg8[%dma_start3A_322, %dma_start3A_323] : memref<2x3328xi32, #tpu.memory_space<vmem>> -> memref<1x128xi32, #tpu.memory_space<vmem>>
    %dma_start3A_325 = tpu.memref_squeeze %dma_start3A_324 : memref<1x128xi32, #tpu.memory_space<vmem>> -> memref<128xi32, #tpu.memory_space<vmem>>
    %dma_start3A_326 = arith.constant 0 : i32
    %dma_start3A_327 = arith.constant 0 : i32
    %dma_start3A_328 = tpu.memref_slice %arg2[%dma_start3A_326, %dma_start3A_327] : memref<20000x128xf32, #tpu.memory_space<hbm>> -> memref<20000x128xf32, #tpu.memory_space<hbm>>
    tpu.enqueue_indirect_dma source(%dma_start3A_328 : memref<20000x128xf32, #tpu.memory_space<hbm>>) target(%arg10 : memref<128x128xf32, #tpu.memory_space<vmem>>) offsets(%dma_start3A_325 : memref<128xi32, #tpu.memory_space<vmem>>) semaphore(%arg13 : memref<!tpu.dma_semaphore, #tpu.memory_space<semaphore_mem>>)
    %dma_wait3A_329 = arith.constant 0 : i32
    %dma_wait3A_330 = arith.constant 1408 : i32
    %dma_wait3A_331 = tpu.memref_slice %arg8[%dma_wait3A_329, %dma_wait3A_330] : memref<2x3328xi32, #tpu.memory_space<vmem>> -> memref<1x128xi32, #tpu.memory_space<vmem>>
    %dma_wait3A_332 = tpu.memref_squeeze %dma_wait3A_331 : memref<1x128xi32, #tpu.memory_space<vmem>> -> memref<128xi32, #tpu.memory_space<vmem>>
    %dma_wait3A_333 = arith.constant 0 : i32
    %dma_wait3A_334 = arith.constant 0 : i32
    %dma_wait3A_335 = tpu.memref_slice %arg2[%dma_wait3A_333, %dma_wait3A_334] : memref<20000x128xf32, #tpu.memory_space<hbm>> -> memref<20000x128xf32, #tpu.memory_space<hbm>>
    tpu.wait_indirect_dma semaphore(%arg14 : memref<!tpu.dma_semaphore, #tpu.memory_space<semaphore_mem>>) src(%dma_wait3A_335 : memref<20000x128xf32, #tpu.memory_space<hbm>>) dst(%arg11 : memref<128x128xf32, #tpu.memory_space<vmem>>)
    %dma_start3A_336 = arith.constant 1 : i32
    %dma_start3A_337 = arith.constant 1408 : i32
    %dma_start3A_338 = tpu.memref_slice %arg8[%dma_start3A_336, %dma_start3A_337] : memref<2x3328xi32, #tpu.memory_space<vmem>> -> memref<1x128xi32, #tpu.memory_space<vmem>>
    %dma_start3A_339 = tpu.memref_squeeze %dma_start3A_338 : memref<1x128xi32, #tpu.memory_space<vmem>> -> memref<128xi32, #tpu.memory_space<vmem>>
    %dma_start3A_340 = arith.constant 0 : i32
    %dma_start3A_341 = arith.constant 0 : i32
    %dma_start3A_342 = tpu.memref_slice %arg12[%dma_start3A_340, %dma_start3A_341] : memref<10000x128xf32, #tpu.memory_space<vmem_shared>> -> memref<10000x128xf32, #tpu.memory_space<vmem_shared>>
    tpu.enqueue_indirect_dma source(%arg11 : memref<128x128xf32, #tpu.memory_space<vmem>>) target(%dma_start3A_342 : memref<10000x128xf32, #tpu.memory_space<vmem_shared>>) offsets(%dma_start3A_339 : memref<128xi32, #tpu.memory_space<vmem>>) semaphore(%arg16 : memref<!tpu.dma_semaphore, #tpu.memory_space<semaphore_mem>>) {add = true}
    %dma_wait3A_343 = arith.constant 1 : i32
    %dma_wait3A_344 = arith.constant 1408 : i32
    %dma_wait3A_345 = tpu.memref_slice %arg8[%dma_wait3A_343, %dma_wait3A_344] : memref<2x3328xi32, #tpu.memory_space<vmem>> -> memref<1x128xi32, #tpu.memory_space<vmem>>
    %dma_wait3A_346 = tpu.memref_squeeze %dma_wait3A_345 : memref<1x128xi32, #tpu.memory_space<vmem>> -> memref<128xi32, #tpu.memory_space<vmem>>
    %dma_wait3A_347 = arith.constant 0 : i32
    %dma_wait3A_348 = arith.constant 0 : i32
    %dma_wait3A_349 = tpu.memref_slice %arg12[%dma_wait3A_347, %dma_wait3A_348] : memref<10000x128xf32, #tpu.memory_space<vmem_shared>> -> memref<10000x128xf32, #tpu.memory_space<vmem_shared>>
    tpu.wait_indirect_dma semaphore(%arg16 : memref<!tpu.dma_semaphore, #tpu.memory_space<semaphore_mem>>) src(%arg11 : memref<128x128xf32, #tpu.memory_space<vmem>>) dst(%dma_wait3A_349 : memref<10000x128xf32, #tpu.memory_space<vmem_shared>>)
    %dma_start3A_350 = arith.constant 0 : i32
    %dma_start3A_351 = arith.constant 1664 : i32
    %dma_start3A_352 = tpu.memref_slice %arg8[%dma_start3A_350, %dma_start3A_351] : memref<2x3328xi32, #tpu.memory_space<vmem>> -> memref<1x128xi32, #tpu.memory_space<vmem>>
    %dma_start3A_353 = tpu.memref_squeeze %dma_start3A_352 : memref<1x128xi32, #tpu.memory_space<vmem>> -> memref<128xi32, #tpu.memory_space<vmem>>
    %dma_start3A_354 = arith.constant 0 : i32
    %dma_start3A_355 = arith.constant 0 : i32
    %dma_start3A_356 = tpu.memref_slice %arg2[%dma_start3A_354, %dma_start3A_355] : memref<20000x128xf32, #tpu.memory_space<hbm>> -> memref<20000x128xf32, #tpu.memory_space<hbm>>
    tpu.enqueue_indirect_dma source(%dma_start3A_356 : memref<20000x128xf32, #tpu.memory_space<hbm>>) target(%arg11 : memref<128x128xf32, #tpu.memory_space<vmem>>) offsets(%dma_start3A_353 : memref<128xi32, #tpu.memory_space<vmem>>) semaphore(%arg14 : memref<!tpu.dma_semaphore, #tpu.memory_space<semaphore_mem>>)
    %dma_wait3A_357 = arith.constant 0 : i32
    %dma_wait3A_358 = arith.constant 1536 : i32
    %dma_wait3A_359 = tpu.memref_slice %arg8[%dma_wait3A_357, %dma_wait3A_358] : memref<2x3328xi32, #tpu.memory_space<vmem>> -> memref<1x128xi32, #tpu.memory_space<vmem>>
    %dma_wait3A_360 = tpu.memref_squeeze %dma_wait3A_359 : memref<1x128xi32, #tpu.memory_space<vmem>> -> memref<128xi32, #tpu.memory_space<vmem>>
    %dma_wait3A_361 = arith.constant 0 : i32
    %dma_wait3A_362 = arith.constant 0 : i32
    %dma_wait3A_363 = tpu.memref_slice %arg2[%dma_wait3A_361, %dma_wait3A_362] : memref<20000x128xf32, #tpu.memory_space<hbm>> -> memref<20000x128xf32, #tpu.memory_space<hbm>>
    tpu.wait_indirect_dma semaphore(%arg13 : memref<!tpu.dma_semaphore, #tpu.memory_space<semaphore_mem>>) src(%dma_wait3A_363 : memref<20000x128xf32, #tpu.memory_space<hbm>>) dst(%arg10 : memref<128x128xf32, #tpu.memory_space<vmem>>)
    %dma_start3A_364 = arith.constant 1 : i32
    %dma_start3A_365 = arith.constant 1536 : i32
    %dma_start3A_366 = tpu.memref_slice %arg8[%dma_start3A_364, %dma_start3A_365] : memref<2x3328xi32, #tpu.memory_space<vmem>> -> memref<1x128xi32, #tpu.memory_space<vmem>>
    %dma_start3A_367 = tpu.memref_squeeze %dma_start3A_366 : memref<1x128xi32, #tpu.memory_space<vmem>> -> memref<128xi32, #tpu.memory_space<vmem>>
    %dma_start3A_368 = arith.constant 0 : i32
    %dma_start3A_369 = arith.constant 0 : i32
    %dma_start3A_370 = tpu.memref_slice %arg12[%dma_start3A_368, %dma_start3A_369] : memref<10000x128xf32, #tpu.memory_space<vmem_shared>> -> memref<10000x128xf32, #tpu.memory_space<vmem_shared>>
    tpu.enqueue_indirect_dma source(%arg10 : memref<128x128xf32, #tpu.memory_space<vmem>>) target(%dma_start3A_370 : memref<10000x128xf32, #tpu.memory_space<vmem_shared>>) offsets(%dma_start3A_367 : memref<128xi32, #tpu.memory_space<vmem>>) semaphore(%arg15 : memref<!tpu.dma_semaphore, #tpu.memory_space<semaphore_mem>>) {add = true}
    %dma_wait3A_371 = arith.constant 1 : i32
    %dma_wait3A_372 = arith.constant 1536 : i32
    %dma_wait3A_373 = tpu.memref_slice %arg8[%dma_wait3A_371, %dma_wait3A_372] : memref<2x3328xi32, #tpu.memory_space<vmem>> -> memref<1x128xi32, #tpu.memory_space<vmem>>
    %dma_wait3A_374 = tpu.memref_squeeze %dma_wait3A_373 : memref<1x128xi32, #tpu.memory_space<vmem>> -> memref<128xi32, #tpu.memory_space<vmem>>
    %dma_wait3A_375 = arith.constant 0 : i32
    %dma_wait3A_376 = arith.constant 0 : i32
    %dma_wait3A_377 = tpu.memref_slice %arg12[%dma_wait3A_375, %dma_wait3A_376] : memref<10000x128xf32, #tpu.memory_space<vmem_shared>> -> memref<10000x128xf32, #tpu.memory_space<vmem_shared>>
    tpu.wait_indirect_dma semaphore(%arg15 : memref<!tpu.dma_semaphore, #tpu.memory_space<semaphore_mem>>) src(%arg10 : memref<128x128xf32, #tpu.memory_space<vmem>>) dst(%dma_wait3A_377 : memref<10000x128xf32, #tpu.memory_space<vmem_shared>>)
    %dma_start3A_378 = arith.constant 0 : i32
    %dma_start3A_379 = arith.constant 1792 : i32
    %dma_start3A_380 = tpu.memref_slice %arg8[%dma_start3A_378, %dma_start3A_379] : memref<2x3328xi32, #tpu.memory_space<vmem>> -> memref<1x128xi32, #tpu.memory_space<vmem>>
    %dma_start3A_381 = tpu.memref_squeeze %dma_start3A_380 : memref<1x128xi32, #tpu.memory_space<vmem>> -> memref<128xi32, #tpu.memory_space<vmem>>
    %dma_start3A_382 = arith.constant 0 : i32
    %dma_start3A_383 = arith.constant 0 : i32
    %dma_start3A_384 = tpu.memref_slice %arg2[%dma_start3A_382, %dma_start3A_383] : memref<20000x128xf32, #tpu.memory_space<hbm>> -> memref<20000x128xf32, #tpu.memory_space<hbm>>
    tpu.enqueue_indirect_dma source(%dma_start3A_384 : memref<20000x128xf32, #tpu.memory_space<hbm>>) target(%arg10 : memref<128x128xf32, #tpu.memory_space<vmem>>) offsets(%dma_start3A_381 : memref<128xi32, #tpu.memory_space<vmem>>) semaphore(%arg13 : memref<!tpu.dma_semaphore, #tpu.memory_space<semaphore_mem>>)
    %dma_wait3A_385 = arith.constant 0 : i32
    %dma_wait3A_386 = arith.constant 1664 : i32
    %dma_wait3A_387 = tpu.memref_slice %arg8[%dma_wait3A_385, %dma_wait3A_386] : memref<2x3328xi32, #tpu.memory_space<vmem>> -> memref<1x128xi32, #tpu.memory_space<vmem>>
    %dma_wait3A_388 = tpu.memref_squeeze %dma_wait3A_387 : memref<1x128xi32, #tpu.memory_space<vmem>> -> memref<128xi32, #tpu.memory_space<vmem>>
    %dma_wait3A_389 = arith.constant 0 : i32
    %dma_wait3A_390 = arith.constant 0 : i32
    %dma_wait3A_391 = tpu.memref_slice %arg2[%dma_wait3A_389, %dma_wait3A_390] : memref<20000x128xf32, #tpu.memory_space<hbm>> -> memref<20000x128xf32, #tpu.memory_space<hbm>>
    tpu.wait_indirect_dma semaphore(%arg14 : memref<!tpu.dma_semaphore, #tpu.memory_space<semaphore_mem>>) src(%dma_wait3A_391 : memref<20000x128xf32, #tpu.memory_space<hbm>>) dst(%arg11 : memref<128x128xf32, #tpu.memory_space<vmem>>)
    %dma_start3A_392 = arith.constant 1 : i32
    %dma_start3A_393 = arith.constant 1664 : i32
    %dma_start3A_394 = tpu.memref_slice %arg8[%dma_start3A_392, %dma_start3A_393] : memref<2x3328xi32, #tpu.memory_space<vmem>> -> memref<1x128xi32, #tpu.memory_space<vmem>>
    %dma_start3A_395 = tpu.memref_squeeze %dma_start3A_394 : memref<1x128xi32, #tpu.memory_space<vmem>> -> memref<128xi32, #tpu.memory_space<vmem>>
    %dma_start3A_396 = arith.constant 0 : i32
    %dma_start3A_397 = arith.constant 0 : i32
    %dma_start3A_398 = tpu.memref_slice %arg12[%dma_start3A_396, %dma_start3A_397] : memref<10000x128xf32, #tpu.memory_space<vmem_shared>> -> memref<10000x128xf32, #tpu.memory_space<vmem_shared>>
    tpu.enqueue_indirect_dma source(%arg11 : memref<128x128xf32, #tpu.memory_space<vmem>>) target(%dma_start3A_398 : memref<10000x128xf32, #tpu.memory_space<vmem_shared>>) offsets(%dma_start3A_395 : memref<128xi32, #tpu.memory_space<vmem>>) semaphore(%arg16 : memref<!tpu.dma_semaphore, #tpu.memory_space<semaphore_mem>>) {add = true}
    %dma_wait3A_399 = arith.constant 1 : i32
    %dma_wait3A_400 = arith.constant 1664 : i32
    %dma_wait3A_401 = tpu.memref_slice %arg8[%dma_wait3A_399, %dma_wait3A_400] : memref<2x3328xi32, #tpu.memory_space<vmem>> -> memref<1x128xi32, #tpu.memory_space<vmem>>
    %dma_wait3A_402 = tpu.memref_squeeze %dma_wait3A_401 : memref<1x128xi32, #tpu.memory_space<vmem>> -> memref<128xi32, #tpu.memory_space<vmem>>
    %dma_wait3A_403 = arith.constant 0 : i32
    %dma_wait3A_404 = arith.constant 0 : i32
    %dma_wait3A_405 = tpu.memref_slice %arg12[%dma_wait3A_403, %dma_wait3A_404] : memref<10000x128xf32, #tpu.memory_space<vmem_shared>> -> memref<10000x128xf32, #tpu.memory_space<vmem_shared>>
    tpu.wait_indirect_dma semaphore(%arg16 : memref<!tpu.dma_semaphore, #tpu.memory_space<semaphore_mem>>) src(%arg11 : memref<128x128xf32, #tpu.memory_space<vmem>>) dst(%dma_wait3A_405 : memref<10000x128xf32, #tpu.memory_space<vmem_shared>>)
    %dma_start3A_406 = arith.constant 0 : i32
    %dma_start3A_407 = arith.constant 1920 : i32
    %dma_start3A_408 = tpu.memref_slice %arg8[%dma_start3A_406, %dma_start3A_407] : memref<2x3328xi32, #tpu.memory_space<vmem>> -> memref<1x128xi32, #tpu.memory_space<vmem>>
    %dma_start3A_409 = tpu.memref_squeeze %dma_start3A_408 : memref<1x128xi32, #tpu.memory_space<vmem>> -> memref<128xi32, #tpu.memory_space<vmem>>
    %dma_start3A_410 = arith.constant 0 : i32
    %dma_start3A_411 = arith.constant 0 : i32
    %dma_start3A_412 = tpu.memref_slice %arg2[%dma_start3A_410, %dma_start3A_411] : memref<20000x128xf32, #tpu.memory_space<hbm>> -> memref<20000x128xf32, #tpu.memory_space<hbm>>
    tpu.enqueue_indirect_dma source(%dma_start3A_412 : memref<20000x128xf32, #tpu.memory_space<hbm>>) target(%arg11 : memref<128x128xf32, #tpu.memory_space<vmem>>) offsets(%dma_start3A_409 : memref<128xi32, #tpu.memory_space<vmem>>) semaphore(%arg14 : memref<!tpu.dma_semaphore, #tpu.memory_space<semaphore_mem>>)
    %dma_wait3A_413 = arith.constant 0 : i32
    %dma_wait3A_414 = arith.constant 1792 : i32
    %dma_wait3A_415 = tpu.memref_slice %arg8[%dma_wait3A_413, %dma_wait3A_414] : memref<2x3328xi32, #tpu.memory_space<vmem>> -> memref<1x128xi32, #tpu.memory_space<vmem>>
    %dma_wait3A_416 = tpu.memref_squeeze %dma_wait3A_415 : memref<1x128xi32, #tpu.memory_space<vmem>> -> memref<128xi32, #tpu.memory_space<vmem>>
    %dma_wait3A_417 = arith.constant 0 : i32
    %dma_wait3A_418 = arith.constant 0 : i32
    %dma_wait3A_419 = tpu.memref_slice %arg2[%dma_wait3A_417, %dma_wait3A_418] : memref<20000x128xf32, #tpu.memory_space<hbm>> -> memref<20000x128xf32, #tpu.memory_space<hbm>>
    tpu.wait_indirect_dma semaphore(%arg13 : memref<!tpu.dma_semaphore, #tpu.memory_space<semaphore_mem>>) src(%dma_wait3A_419 : memref<20000x128xf32, #tpu.memory_space<hbm>>) dst(%arg10 : memref<128x128xf32, #tpu.memory_space<vmem>>)
    %dma_start3A_420 = arith.constant 1 : i32
    %dma_start3A_421 = arith.constant 1792 : i32
    %dma_start3A_422 = tpu.memref_slice %arg8[%dma_start3A_420, %dma_start3A_421] : memref<2x3328xi32, #tpu.memory_space<vmem>> -> memref<1x128xi32, #tpu.memory_space<vmem>>
    %dma_start3A_423 = tpu.memref_squeeze %dma_start3A_422 : memref<1x128xi32, #tpu.memory_space<vmem>> -> memref<128xi32, #tpu.memory_space<vmem>>
    %dma_start3A_424 = arith.constant 0 : i32
    %dma_start3A_425 = arith.constant 0 : i32
    %dma_start3A_426 = tpu.memref_slice %arg12[%dma_start3A_424, %dma_start3A_425] : memref<10000x128xf32, #tpu.memory_space<vmem_shared>> -> memref<10000x128xf32, #tpu.memory_space<vmem_shared>>
    tpu.enqueue_indirect_dma source(%arg10 : memref<128x128xf32, #tpu.memory_space<vmem>>) target(%dma_start3A_426 : memref<10000x128xf32, #tpu.memory_space<vmem_shared>>) offsets(%dma_start3A_423 : memref<128xi32, #tpu.memory_space<vmem>>) semaphore(%arg15 : memref<!tpu.dma_semaphore, #tpu.memory_space<semaphore_mem>>) {add = true}
    %dma_wait3A_427 = arith.constant 1 : i32
    %dma_wait3A_428 = arith.constant 1792 : i32
    %dma_wait3A_429 = tpu.memref_slice %arg8[%dma_wait3A_427, %dma_wait3A_428] : memref<2x3328xi32, #tpu.memory_space<vmem>> -> memref<1x128xi32, #tpu.memory_space<vmem>>
    %dma_wait3A_430 = tpu.memref_squeeze %dma_wait3A_429 : memref<1x128xi32, #tpu.memory_space<vmem>> -> memref<128xi32, #tpu.memory_space<vmem>>
    %dma_wait3A_431 = arith.constant 0 : i32
    %dma_wait3A_432 = arith.constant 0 : i32
    %dma_wait3A_433 = tpu.memref_slice %arg12[%dma_wait3A_431, %dma_wait3A_432] : memref<10000x128xf32, #tpu.memory_space<vmem_shared>> -> memref<10000x128xf32, #tpu.memory_space<vmem_shared>>
    tpu.wait_indirect_dma semaphore(%arg15 : memref<!tpu.dma_semaphore, #tpu.memory_space<semaphore_mem>>) src(%arg10 : memref<128x128xf32, #tpu.memory_space<vmem>>) dst(%dma_wait3A_433 : memref<10000x128xf32, #tpu.memory_space<vmem_shared>>)
    %dma_start3A_434 = arith.constant 0 : i32
    %dma_start3A_435 = arith.constant 2048 : i32
    %dma_start3A_436 = tpu.memref_slice %arg8[%dma_start3A_434, %dma_start3A_435] : memref<2x3328xi32, #tpu.memory_space<vmem>> -> memref<1x128xi32, #tpu.memory_space<vmem>>
    %dma_start3A_437 = tpu.memref_squeeze %dma_start3A_436 : memref<1x128xi32, #tpu.memory_space<vmem>> -> memref<128xi32, #tpu.memory_space<vmem>>
    %dma_start3A_438 = arith.constant 0 : i32
    %dma_start3A_439 = arith.constant 0 : i32
    %dma_start3A_440 = tpu.memref_slice %arg2[%dma_start3A_438, %dma_start3A_439] : memref<20000x128xf32, #tpu.memory_space<hbm>> -> memref<20000x128xf32, #tpu.memory_space<hbm>>
    tpu.enqueue_indirect_dma source(%dma_start3A_440 : memref<20000x128xf32, #tpu.memory_space<hbm>>) target(%arg10 : memref<128x128xf32, #tpu.memory_space<vmem>>) offsets(%dma_start3A_437 : memref<128xi32, #tpu.memory_space<vmem>>) semaphore(%arg13 : memref<!tpu.dma_semaphore, #tpu.memory_space<semaphore_mem>>)
    %dma_wait3A_441 = arith.constant 0 : i32
    %dma_wait3A_442 = arith.constant 1920 : i32
    %dma_wait3A_443 = tpu.memref_slice %arg8[%dma_wait3A_441, %dma_wait3A_442] : memref<2x3328xi32, #tpu.memory_space<vmem>> -> memref<1x128xi32, #tpu.memory_space<vmem>>
    %dma_wait3A_444 = tpu.memref_squeeze %dma_wait3A_443 : memref<1x128xi32, #tpu.memory_space<vmem>> -> memref<128xi32, #tpu.memory_space<vmem>>
    %dma_wait3A_445 = arith.constant 0 : i32
    %dma_wait3A_446 = arith.constant 0 : i32
    %dma_wait3A_447 = tpu.memref_slice %arg2[%dma_wait3A_445, %dma_wait3A_446] : memref<20000x128xf32, #tpu.memory_space<hbm>> -> memref<20000x128xf32, #tpu.memory_space<hbm>>
    tpu.wait_indirect_dma semaphore(%arg14 : memref<!tpu.dma_semaphore, #tpu.memory_space<semaphore_mem>>) src(%dma_wait3A_447 : memref<20000x128xf32, #tpu.memory_space<hbm>>) dst(%arg11 : memref<128x128xf32, #tpu.memory_space<vmem>>)
    %dma_start3A_448 = arith.constant 1 : i32
    %dma_start3A_449 = arith.constant 1920 : i32
    %dma_start3A_450 = tpu.memref_slice %arg8[%dma_start3A_448, %dma_start3A_449] : memref<2x3328xi32, #tpu.memory_space<vmem>> -> memref<1x128xi32, #tpu.memory_space<vmem>>
    %dma_start3A_451 = tpu.memref_squeeze %dma_start3A_450 : memref<1x128xi32, #tpu.memory_space<vmem>> -> memref<128xi32, #tpu.memory_space<vmem>>
    %dma_start3A_452 = arith.constant 0 : i32
    %dma_start3A_453 = arith.constant 0 : i32
    %dma_start3A_454 = tpu.memref_slice %arg12[%dma_start3A_452, %dma_start3A_453] : memref<10000x128xf32, #tpu.memory_space<vmem_shared>> -> memref<10000x128xf32, #tpu.memory_space<vmem_shared>>
    tpu.enqueue_indirect_dma source(%arg11 : memref<128x128xf32, #tpu.memory_space<vmem>>) target(%dma_start3A_454 : memref<10000x128xf32, #tpu.memory_space<vmem_shared>>) offsets(%dma_start3A_451 : memref<128xi32, #tpu.memory_space<vmem>>) semaphore(%arg16 : memref<!tpu.dma_semaphore, #tpu.memory_space<semaphore_mem>>) {add = true}
    %dma_wait3A_455 = arith.constant 1 : i32
    %dma_wait3A_456 = arith.constant 1920 : i32
    %dma_wait3A_457 = tpu.memref_slice %arg8[%dma_wait3A_455, %dma_wait3A_456] : memref<2x3328xi32, #tpu.memory_space<vmem>> -> memref<1x128xi32, #tpu.memory_space<vmem>>
    %dma_wait3A_458 = tpu.memref_squeeze %dma_wait3A_457 : memref<1x128xi32, #tpu.memory_space<vmem>> -> memref<128xi32, #tpu.memory_space<vmem>>
    %dma_wait3A_459 = arith.constant 0 : i32
    %dma_wait3A_460 = arith.constant 0 : i32
    %dma_wait3A_461 = tpu.memref_slice %arg12[%dma_wait3A_459, %dma_wait3A_460] : memref<10000x128xf32, #tpu.memory_space<vmem_shared>> -> memref<10000x128xf32, #tpu.memory_space<vmem_shared>>
    tpu.wait_indirect_dma semaphore(%arg16 : memref<!tpu.dma_semaphore, #tpu.memory_space<semaphore_mem>>) src(%arg11 : memref<128x128xf32, #tpu.memory_space<vmem>>) dst(%dma_wait3A_461 : memref<10000x128xf32, #tpu.memory_space<vmem_shared>>)
    %dma_start3A_462 = arith.constant 0 : i32
    %dma_start3A_463 = arith.constant 2176 : i32
    %dma_start3A_464 = tpu.memref_slice %arg8[%dma_start3A_462, %dma_start3A_463] : memref<2x3328xi32, #tpu.memory_space<vmem>> -> memref<1x128xi32, #tpu.memory_space<vmem>>
    %dma_start3A_465 = tpu.memref_squeeze %dma_start3A_464 : memref<1x128xi32, #tpu.memory_space<vmem>> -> memref<128xi32, #tpu.memory_space<vmem>>
    %dma_start3A_466 = arith.constant 0 : i32
    %dma_start3A_467 = arith.constant 0 : i32
    %dma_start3A_468 = tpu.memref_slice %arg2[%dma_start3A_466, %dma_start3A_467] : memref<20000x128xf32, #tpu.memory_space<hbm>> -> memref<20000x128xf32, #tpu.memory_space<hbm>>
    tpu.enqueue_indirect_dma source(%dma_start3A_468 : memref<20000x128xf32, #tpu.memory_space<hbm>>) target(%arg11 : memref<128x128xf32, #tpu.memory_space<vmem>>) offsets(%dma_start3A_465 : memref<128xi32, #tpu.memory_space<vmem>>) semaphore(%arg14 : memref<!tpu.dma_semaphore, #tpu.memory_space<semaphore_mem>>)
    %dma_wait3A_469 = arith.constant 0 : i32
    %dma_wait3A_470 = arith.constant 2048 : i32
    %dma_wait3A_471 = tpu.memref_slice %arg8[%dma_wait3A_469, %dma_wait3A_470] : memref<2x3328xi32, #tpu.memory_space<vmem>> -> memref<1x128xi32, #tpu.memory_space<vmem>>
    %dma_wait3A_472 = tpu.memref_squeeze %dma_wait3A_471 : memref<1x128xi32, #tpu.memory_space<vmem>> -> memref<128xi32, #tpu.memory_space<vmem>>
    %dma_wait3A_473 = arith.constant 0 : i32
    %dma_wait3A_474 = arith.constant 0 : i32
    %dma_wait3A_475 = tpu.memref_slice %arg2[%dma_wait3A_473, %dma_wait3A_474] : memref<20000x128xf32, #tpu.memory_space<hbm>> -> memref<20000x128xf32, #tpu.memory_space<hbm>>
    tpu.wait_indirect_dma semaphore(%arg13 : memref<!tpu.dma_semaphore, #tpu.memory_space<semaphore_mem>>) src(%dma_wait3A_475 : memref<20000x128xf32, #tpu.memory_space<hbm>>) dst(%arg10 : memref<128x128xf32, #tpu.memory_space<vmem>>)
    %dma_start3A_476 = arith.constant 1 : i32
    %dma_start3A_477 = arith.constant 2048 : i32
    %dma_start3A_478 = tpu.memref_slice %arg8[%dma_start3A_476, %dma_start3A_477] : memref<2x3328xi32, #tpu.memory_space<vmem>> -> memref<1x128xi32, #tpu.memory_space<vmem>>
    %dma_start3A_479 = tpu.memref_squeeze %dma_start3A_478 : memref<1x128xi32, #tpu.memory_space<vmem>> -> memref<128xi32, #tpu.memory_space<vmem>>
    %dma_start3A_480 = arith.constant 0 : i32
    %dma_start3A_481 = arith.constant 0 : i32
    %dma_start3A_482 = tpu.memref_slice %arg12[%dma_start3A_480, %dma_start3A_481] : memref<10000x128xf32, #tpu.memory_space<vmem_shared>> -> memref<10000x128xf32, #tpu.memory_space<vmem_shared>>
    tpu.enqueue_indirect_dma source(%arg10 : memref<128x128xf32, #tpu.memory_space<vmem>>) target(%dma_start3A_482 : memref<10000x128xf32, #tpu.memory_space<vmem_shared>>) offsets(%dma_start3A_479 : memref<128xi32, #tpu.memory_space<vmem>>) semaphore(%arg15 : memref<!tpu.dma_semaphore, #tpu.memory_space<semaphore_mem>>) {add = true}
    %dma_wait3A_483 = arith.constant 1 : i32
    %dma_wait3A_484 = arith.constant 2048 : i32
    %dma_wait3A_485 = tpu.memref_slice %arg8[%dma_wait3A_483, %dma_wait3A_484] : memref<2x3328xi32, #tpu.memory_space<vmem>> -> memref<1x128xi32, #tpu.memory_space<vmem>>
    %dma_wait3A_486 = tpu.memref_squeeze %dma_wait3A_485 : memref<1x128xi32, #tpu.memory_space<vmem>> -> memref<128xi32, #tpu.memory_space<vmem>>
    %dma_wait3A_487 = arith.constant 0 : i32
    %dma_wait3A_488 = arith.constant 0 : i32
    %dma_wait3A_489 = tpu.memref_slice %arg12[%dma_wait3A_487, %dma_wait3A_488] : memref<10000x128xf32, #tpu.memory_space<vmem_shared>> -> memref<10000x128xf32, #tpu.memory_space<vmem_shared>>
    tpu.wait_indirect_dma semaphore(%arg15 : memref<!tpu.dma_semaphore, #tpu.memory_space<semaphore_mem>>) src(%arg10 : memref<128x128xf32, #tpu.memory_space<vmem>>) dst(%dma_wait3A_489 : memref<10000x128xf32, #tpu.memory_space<vmem_shared>>)
    %dma_start3A_490 = arith.constant 0 : i32
    %dma_start3A_491 = arith.constant 2304 : i32
    %dma_start3A_492 = tpu.memref_slice %arg8[%dma_start3A_490, %dma_start3A_491] : memref<2x3328xi32, #tpu.memory_space<vmem>> -> memref<1x128xi32, #tpu.memory_space<vmem>>
    %dma_start3A_493 = tpu.memref_squeeze %dma_start3A_492 : memref<1x128xi32, #tpu.memory_space<vmem>> -> memref<128xi32, #tpu.memory_space<vmem>>
    %dma_start3A_494 = arith.constant 0 : i32
    %dma_start3A_495 = arith.constant 0 : i32
    %dma_start3A_496 = tpu.memref_slice %arg2[%dma_start3A_494, %dma_start3A_495] : memref<20000x128xf32, #tpu.memory_space<hbm>> -> memref<20000x128xf32, #tpu.memory_space<hbm>>
    tpu.enqueue_indirect_dma source(%dma_start3A_496 : memref<20000x128xf32, #tpu.memory_space<hbm>>) target(%arg10 : memref<128x128xf32, #tpu.memory_space<vmem>>) offsets(%dma_start3A_493 : memref<128xi32, #tpu.memory_space<vmem>>) semaphore(%arg13 : memref<!tpu.dma_semaphore, #tpu.memory_space<semaphore_mem>>)
    %dma_wait3A_497 = arith.constant 0 : i32
    %dma_wait3A_498 = arith.constant 2176 : i32
    %dma_wait3A_499 = tpu.memref_slice %arg8[%dma_wait3A_497, %dma_wait3A_498] : memref<2x3328xi32, #tpu.memory_space<vmem>> -> memref<1x128xi32, #tpu.memory_space<vmem>>
    %dma_wait3A_500 = tpu.memref_squeeze %dma_wait3A_499 : memref<1x128xi32, #tpu.memory_space<vmem>> -> memref<128xi32, #tpu.memory_space<vmem>>
    %dma_wait3A_501 = arith.constant 0 : i32
    %dma_wait3A_502 = arith.constant 0 : i32
    %dma_wait3A_503 = tpu.memref_slice %arg2[%dma_wait3A_501, %dma_wait3A_502] : memref<20000x128xf32, #tpu.memory_space<hbm>> -> memref<20000x128xf32, #tpu.memory_space<hbm>>
    tpu.wait_indirect_dma semaphore(%arg14 : memref<!tpu.dma_semaphore, #tpu.memory_space<semaphore_mem>>) src(%dma_wait3A_503 : memref<20000x128xf32, #tpu.memory_space<hbm>>) dst(%arg11 : memref<128x128xf32, #tpu.memory_space<vmem>>)
    %dma_start3A_504 = arith.constant 1 : i32
    %dma_start3A_505 = arith.constant 2176 : i32
    %dma_start3A_506 = tpu.memref_slice %arg8[%dma_start3A_504, %dma_start3A_505] : memref<2x3328xi32, #tpu.memory_space<vmem>> -> memref<1x128xi32, #tpu.memory_space<vmem>>
    %dma_start3A_507 = tpu.memref_squeeze %dma_start3A_506 : memref<1x128xi32, #tpu.memory_space<vmem>> -> memref<128xi32, #tpu.memory_space<vmem>>
    %dma_start3A_508 = arith.constant 0 : i32
    %dma_start3A_509 = arith.constant 0 : i32
    %dma_start3A_510 = tpu.memref_slice %arg12[%dma_start3A_508, %dma_start3A_509] : memref<10000x128xf32, #tpu.memory_space<vmem_shared>> -> memref<10000x128xf32, #tpu.memory_space<vmem_shared>>
    tpu.enqueue_indirect_dma source(%arg11 : memref<128x128xf32, #tpu.memory_space<vmem>>) target(%dma_start3A_510 : memref<10000x128xf32, #tpu.memory_space<vmem_shared>>) offsets(%dma_start3A_507 : memref<128xi32, #tpu.memory_space<vmem>>) semaphore(%arg16 : memref<!tpu.dma_semaphore, #tpu.memory_space<semaphore_mem>>) {add = true}
    %dma_wait3A_511 = arith.constant 1 : i32
    %dma_wait3A_512 = arith.constant 2176 : i32
    %dma_wait3A_513 = tpu.memref_slice %arg8[%dma_wait3A_511, %dma_wait3A_512] : memref<2x3328xi32, #tpu.memory_space<vmem>> -> memref<1x128xi32, #tpu.memory_space<vmem>>
    %dma_wait3A_514 = tpu.memref_squeeze %dma_wait3A_513 : memref<1x128xi32, #tpu.memory_space<vmem>> -> memref<128xi32, #tpu.memory_space<vmem>>
    %dma_wait3A_515 = arith.constant 0 : i32
    %dma_wait3A_516 = arith.constant 0 : i32
    %dma_wait3A_517 = tpu.memref_slice %arg12[%dma_wait3A_515, %dma_wait3A_516] : memref<10000x128xf32, #tpu.memory_space<vmem_shared>> -> memref<10000x128xf32, #tpu.memory_space<vmem_shared>>
    tpu.wait_indirect_dma semaphore(%arg16 : memref<!tpu.dma_semaphore, #tpu.memory_space<semaphore_mem>>) src(%arg11 : memref<128x128xf32, #tpu.memory_space<vmem>>) dst(%dma_wait3A_517 : memref<10000x128xf32, #tpu.memory_space<vmem_shared>>)
    %dma_start3A_518 = arith.constant 0 : i32
    %dma_start3A_519 = arith.constant 2432 : i32
    %dma_start3A_520 = tpu.memref_slice %arg8[%dma_start3A_518, %dma_start3A_519] : memref<2x3328xi32, #tpu.memory_space<vmem>> -> memref<1x128xi32, #tpu.memory_space<vmem>>
    %dma_start3A_521 = tpu.memref_squeeze %dma_start3A_520 : memref<1x128xi32, #tpu.memory_space<vmem>> -> memref<128xi32, #tpu.memory_space<vmem>>
    %dma_start3A_522 = arith.constant 0 : i32
    %dma_start3A_523 = arith.constant 0 : i32
    %dma_start3A_524 = tpu.memref_slice %arg2[%dma_start3A_522, %dma_start3A_523] : memref<20000x128xf32, #tpu.memory_space<hbm>> -> memref<20000x128xf32, #tpu.memory_space<hbm>>
    tpu.enqueue_indirect_dma source(%dma_start3A_524 : memref<20000x128xf32, #tpu.memory_space<hbm>>) target(%arg11 : memref<128x128xf32, #tpu.memory_space<vmem>>) offsets(%dma_start3A_521 : memref<128xi32, #tpu.memory_space<vmem>>) semaphore(%arg14 : memref<!tpu.dma_semaphore, #tpu.memory_space<semaphore_mem>>)
    %dma_wait3A_525 = arith.constant 0 : i32
    %dma_wait3A_526 = arith.constant 2304 : i32
    %dma_wait3A_527 = tpu.memref_slice %arg8[%dma_wait3A_525, %dma_wait3A_526] : memref<2x3328xi32, #tpu.memory_space<vmem>> -> memref<1x128xi32, #tpu.memory_space<vmem>>
    %dma_wait3A_528 = tpu.memref_squeeze %dma_wait3A_527 : memref<1x128xi32, #tpu.memory_space<vmem>> -> memref<128xi32, #tpu.memory_space<vmem>>
    %dma_wait3A_529 = arith.constant 0 : i32
    %dma_wait3A_530 = arith.constant 0 : i32
    %dma_wait3A_531 = tpu.memref_slice %arg2[%dma_wait3A_529, %dma_wait3A_530] : memref<20000x128xf32, #tpu.memory_space<hbm>> -> memref<20000x128xf32, #tpu.memory_space<hbm>>
    tpu.wait_indirect_dma semaphore(%arg13 : memref<!tpu.dma_semaphore, #tpu.memory_space<semaphore_mem>>) src(%dma_wait3A_531 : memref<20000x128xf32, #tpu.memory_space<hbm>>) dst(%arg10 : memref<128x128xf32, #tpu.memory_space<vmem>>)
    %dma_start3A_532 = arith.constant 1 : i32
    %dma_start3A_533 = arith.constant 2304 : i32
    %dma_start3A_534 = tpu.memref_slice %arg8[%dma_start3A_532, %dma_start3A_533] : memref<2x3328xi32, #tpu.memory_space<vmem>> -> memref<1x128xi32, #tpu.memory_space<vmem>>
    %dma_start3A_535 = tpu.memref_squeeze %dma_start3A_534 : memref<1x128xi32, #tpu.memory_space<vmem>> -> memref<128xi32, #tpu.memory_space<vmem>>
    %dma_start3A_536 = arith.constant 0 : i32
    %dma_start3A_537 = arith.constant 0 : i32
    %dma_start3A_538 = tpu.memref_slice %arg12[%dma_start3A_536, %dma_start3A_537] : memref<10000x128xf32, #tpu.memory_space<vmem_shared>> -> memref<10000x128xf32, #tpu.memory_space<vmem_shared>>
    tpu.enqueue_indirect_dma source(%arg10 : memref<128x128xf32, #tpu.memory_space<vmem>>) target(%dma_start3A_538 : memref<10000x128xf32, #tpu.memory_space<vmem_shared>>) offsets(%dma_start3A_535 : memref<128xi32, #tpu.memory_space<vmem>>) semaphore(%arg15 : memref<!tpu.dma_semaphore, #tpu.memory_space<semaphore_mem>>) {add = true}
    %dma_wait3A_539 = arith.constant 1 : i32
    %dma_wait3A_540 = arith.constant 2304 : i32
    %dma_wait3A_541 = tpu.memref_slice %arg8[%dma_wait3A_539, %dma_wait3A_540] : memref<2x3328xi32, #tpu.memory_space<vmem>> -> memref<1x128xi32, #tpu.memory_space<vmem>>
    %dma_wait3A_542 = tpu.memref_squeeze %dma_wait3A_541 : memref<1x128xi32, #tpu.memory_space<vmem>> -> memref<128xi32, #tpu.memory_space<vmem>>
    %dma_wait3A_543 = arith.constant 0 : i32
    %dma_wait3A_544 = arith.constant 0 : i32
    %dma_wait3A_545 = tpu.memref_slice %arg12[%dma_wait3A_543, %dma_wait3A_544] : memref<10000x128xf32, #tpu.memory_space<vmem_shared>> -> memref<10000x128xf32, #tpu.memory_space<vmem_shared>>
    tpu.wait_indirect_dma semaphore(%arg15 : memref<!tpu.dma_semaphore, #tpu.memory_space<semaphore_mem>>) src(%arg10 : memref<128x128xf32, #tpu.memory_space<vmem>>) dst(%dma_wait3A_545 : memref<10000x128xf32, #tpu.memory_space<vmem_shared>>)
    %dma_start3A_546 = arith.constant 0 : i32
    %dma_start3A_547 = arith.constant 2560 : i32
    %dma_start3A_548 = tpu.memref_slice %arg8[%dma_start3A_546, %dma_start3A_547] : memref<2x3328xi32, #tpu.memory_space<vmem>> -> memref<1x128xi32, #tpu.memory_space<vmem>>
    %dma_start3A_549 = tpu.memref_squeeze %dma_start3A_548 : memref<1x128xi32, #tpu.memory_space<vmem>> -> memref<128xi32, #tpu.memory_space<vmem>>
    %dma_start3A_550 = arith.constant 0 : i32
    %dma_start3A_551 = arith.constant 0 : i32
    %dma_start3A_552 = tpu.memref_slice %arg2[%dma_start3A_550, %dma_start3A_551] : memref<20000x128xf32, #tpu.memory_space<hbm>> -> memref<20000x128xf32, #tpu.memory_space<hbm>>
    tpu.enqueue_indirect_dma source(%dma_start3A_552 : memref<20000x128xf32, #tpu.memory_space<hbm>>) target(%arg10 : memref<128x128xf32, #tpu.memory_space<vmem>>) offsets(%dma_start3A_549 : memref<128xi32, #tpu.memory_space<vmem>>) semaphore(%arg13 : memref<!tpu.dma_semaphore, #tpu.memory_space<semaphore_mem>>)
    %dma_wait3A_553 = arith.constant 0 : i32
    %dma_wait3A_554 = arith.constant 2432 : i32
    %dma_wait3A_555 = tpu.memref_slice %arg8[%dma_wait3A_553, %dma_wait3A_554] : memref<2x3328xi32, #tpu.memory_space<vmem>> -> memref<1x128xi32, #tpu.memory_space<vmem>>
    %dma_wait3A_556 = tpu.memref_squeeze %dma_wait3A_555 : memref<1x128xi32, #tpu.memory_space<vmem>> -> memref<128xi32, #tpu.memory_space<vmem>>
    %dma_wait3A_557 = arith.constant 0 : i32
    %dma_wait3A_558 = arith.constant 0 : i32
    %dma_wait3A_559 = tpu.memref_slice %arg2[%dma_wait3A_557, %dma_wait3A_558] : memref<20000x128xf32, #tpu.memory_space<hbm>> -> memref<20000x128xf32, #tpu.memory_space<hbm>>
    tpu.wait_indirect_dma semaphore(%arg14 : memref<!tpu.dma_semaphore, #tpu.memory_space<semaphore_mem>>) src(%dma_wait3A_559 : memref<20000x128xf32, #tpu.memory_space<hbm>>) dst(%arg11 : memref<128x128xf32, #tpu.memory_space<vmem>>)
    %dma_start3A_560 = arith.constant 1 : i32
    %dma_start3A_561 = arith.constant 2432 : i32
    %dma_start3A_562 = tpu.memref_slice %arg8[%dma_start3A_560, %dma_start3A_561] : memref<2x3328xi32, #tpu.memory_space<vmem>> -> memref<1x128xi32, #tpu.memory_space<vmem>>
    %dma_start3A_563 = tpu.memref_squeeze %dma_start3A_562 : memref<1x128xi32, #tpu.memory_space<vmem>> -> memref<128xi32, #tpu.memory_space<vmem>>
    %dma_start3A_564 = arith.constant 0 : i32
    %dma_start3A_565 = arith.constant 0 : i32
    %dma_start3A_566 = tpu.memref_slice %arg12[%dma_start3A_564, %dma_start3A_565] : memref<10000x128xf32, #tpu.memory_space<vmem_shared>> -> memref<10000x128xf32, #tpu.memory_space<vmem_shared>>
    tpu.enqueue_indirect_dma source(%arg11 : memref<128x128xf32, #tpu.memory_space<vmem>>) target(%dma_start3A_566 : memref<10000x128xf32, #tpu.memory_space<vmem_shared>>) offsets(%dma_start3A_563 : memref<128xi32, #tpu.memory_space<vmem>>) semaphore(%arg16 : memref<!tpu.dma_semaphore, #tpu.memory_space<semaphore_mem>>) {add = true}
    %dma_wait3A_567 = arith.constant 1 : i32
    %dma_wait3A_568 = arith.constant 2432 : i32
    %dma_wait3A_569 = tpu.memref_slice %arg8[%dma_wait3A_567, %dma_wait3A_568] : memref<2x3328xi32, #tpu.memory_space<vmem>> -> memref<1x128xi32, #tpu.memory_space<vmem>>
    %dma_wait3A_570 = tpu.memref_squeeze %dma_wait3A_569 : memref<1x128xi32, #tpu.memory_space<vmem>> -> memref<128xi32, #tpu.memory_space<vmem>>
    %dma_wait3A_571 = arith.constant 0 : i32
    %dma_wait3A_572 = arith.constant 0 : i32
    %dma_wait3A_573 = tpu.memref_slice %arg12[%dma_wait3A_571, %dma_wait3A_572] : memref<10000x128xf32, #tpu.memory_space<vmem_shared>> -> memref<10000x128xf32, #tpu.memory_space<vmem_shared>>
    tpu.wait_indirect_dma semaphore(%arg16 : memref<!tpu.dma_semaphore, #tpu.memory_space<semaphore_mem>>) src(%arg11 : memref<128x128xf32, #tpu.memory_space<vmem>>) dst(%dma_wait3A_573 : memref<10000x128xf32, #tpu.memory_space<vmem_shared>>)
    %dma_start3A_574 = arith.constant 0 : i32
    %dma_start3A_575 = arith.constant 2688 : i32
    %dma_start3A_576 = tpu.memref_slice %arg8[%dma_start3A_574, %dma_start3A_575] : memref<2x3328xi32, #tpu.memory_space<vmem>> -> memref<1x128xi32, #tpu.memory_space<vmem>>
    %dma_start3A_577 = tpu.memref_squeeze %dma_start3A_576 : memref<1x128xi32, #tpu.memory_space<vmem>> -> memref<128xi32, #tpu.memory_space<vmem>>
    %dma_start3A_578 = arith.constant 0 : i32
    %dma_start3A_579 = arith.constant 0 : i32
    %dma_start3A_580 = tpu.memref_slice %arg2[%dma_start3A_578, %dma_start3A_579] : memref<20000x128xf32, #tpu.memory_space<hbm>> -> memref<20000x128xf32, #tpu.memory_space<hbm>>
    tpu.enqueue_indirect_dma source(%dma_start3A_580 : memref<20000x128xf32, #tpu.memory_space<hbm>>) target(%arg11 : memref<128x128xf32, #tpu.memory_space<vmem>>) offsets(%dma_start3A_577 : memref<128xi32, #tpu.memory_space<vmem>>) semaphore(%arg14 : memref<!tpu.dma_semaphore, #tpu.memory_space<semaphore_mem>>)
    %dma_wait3A_581 = arith.constant 0 : i32
    %dma_wait3A_582 = arith.constant 2560 : i32
    %dma_wait3A_583 = tpu.memref_slice %arg8[%dma_wait3A_581, %dma_wait3A_582] : memref<2x3328xi32, #tpu.memory_space<vmem>> -> memref<1x128xi32, #tpu.memory_space<vmem>>
    %dma_wait3A_584 = tpu.memref_squeeze %dma_wait3A_583 : memref<1x128xi32, #tpu.memory_space<vmem>> -> memref<128xi32, #tpu.memory_space<vmem>>
    %dma_wait3A_585 = arith.constant 0 : i32
    %dma_wait3A_586 = arith.constant 0 : i32
    %dma_wait3A_587 = tpu.memref_slice %arg2[%dma_wait3A_585, %dma_wait3A_586] : memref<20000x128xf32, #tpu.memory_space<hbm>> -> memref<20000x128xf32, #tpu.memory_space<hbm>>
    tpu.wait_indirect_dma semaphore(%arg13 : memref<!tpu.dma_semaphore, #tpu.memory_space<semaphore_mem>>) src(%dma_wait3A_587 : memref<20000x128xf32, #tpu.memory_space<hbm>>) dst(%arg10 : memref<128x128xf32, #tpu.memory_space<vmem>>)
    %dma_start3A_588 = arith.constant 1 : i32
    %dma_start3A_589 = arith.constant 2560 : i32
    %dma_start3A_590 = tpu.memref_slice %arg8[%dma_start3A_588, %dma_start3A_589] : memref<2x3328xi32, #tpu.memory_space<vmem>> -> memref<1x128xi32, #tpu.memory_space<vmem>>
    %dma_start3A_591 = tpu.memref_squeeze %dma_start3A_590 : memref<1x128xi32, #tpu.memory_space<vmem>> -> memref<128xi32, #tpu.memory_space<vmem>>
    %dma_start3A_592 = arith.constant 0 : i32
    %dma_start3A_593 = arith.constant 0 : i32
    %dma_start3A_594 = tpu.memref_slice %arg12[%dma_start3A_592, %dma_start3A_593] : memref<10000x128xf32, #tpu.memory_space<vmem_shared>> -> memref<10000x128xf32, #tpu.memory_space<vmem_shared>>
    tpu.enqueue_indirect_dma source(%arg10 : memref<128x128xf32, #tpu.memory_space<vmem>>) target(%dma_start3A_594 : memref<10000x128xf32, #tpu.memory_space<vmem_shared>>) offsets(%dma_start3A_591 : memref<128xi32, #tpu.memory_space<vmem>>) semaphore(%arg15 : memref<!tpu.dma_semaphore, #tpu.memory_space<semaphore_mem>>) {add = true}
    %dma_wait3A_595 = arith.constant 1 : i32
    %dma_wait3A_596 = arith.constant 2560 : i32
    %dma_wait3A_597 = tpu.memref_slice %arg8[%dma_wait3A_595, %dma_wait3A_596] : memref<2x3328xi32, #tpu.memory_space<vmem>> -> memref<1x128xi32, #tpu.memory_space<vmem>>
    %dma_wait3A_598 = tpu.memref_squeeze %dma_wait3A_597 : memref<1x128xi32, #tpu.memory_space<vmem>> -> memref<128xi32, #tpu.memory_space<vmem>>
    %dma_wait3A_599 = arith.constant 0 : i32
    %dma_wait3A_600 = arith.constant 0 : i32
    %dma_wait3A_601 = tpu.memref_slice %arg12[%dma_wait3A_599, %dma_wait3A_600] : memref<10000x128xf32, #tpu.memory_space<vmem_shared>> -> memref<10000x128xf32, #tpu.memory_space<vmem_shared>>
    tpu.wait_indirect_dma semaphore(%arg15 : memref<!tpu.dma_semaphore, #tpu.memory_space<semaphore_mem>>) src(%arg10 : memref<128x128xf32, #tpu.memory_space<vmem>>) dst(%dma_wait3A_601 : memref<10000x128xf32, #tpu.memory_space<vmem_shared>>)
    %dma_start3A_602 = arith.constant 0 : i32
    %dma_start3A_603 = arith.constant 2816 : i32
    %dma_start3A_604 = tpu.memref_slice %arg8[%dma_start3A_602, %dma_start3A_603] : memref<2x3328xi32, #tpu.memory_space<vmem>> -> memref<1x128xi32, #tpu.memory_space<vmem>>
    %dma_start3A_605 = tpu.memref_squeeze %dma_start3A_604 : memref<1x128xi32, #tpu.memory_space<vmem>> -> memref<128xi32, #tpu.memory_space<vmem>>
    %dma_start3A_606 = arith.constant 0 : i32
    %dma_start3A_607 = arith.constant 0 : i32
    %dma_start3A_608 = tpu.memref_slice %arg2[%dma_start3A_606, %dma_start3A_607] : memref<20000x128xf32, #tpu.memory_space<hbm>> -> memref<20000x128xf32, #tpu.memory_space<hbm>>
    tpu.enqueue_indirect_dma source(%dma_start3A_608 : memref<20000x128xf32, #tpu.memory_space<hbm>>) target(%arg10 : memref<128x128xf32, #tpu.memory_space<vmem>>) offsets(%dma_start3A_605 : memref<128xi32, #tpu.memory_space<vmem>>) semaphore(%arg13 : memref<!tpu.dma_semaphore, #tpu.memory_space<semaphore_mem>>)
    %dma_wait3A_609 = arith.constant 0 : i32
    %dma_wait3A_610 = arith.constant 2688 : i32
    %dma_wait3A_611 = tpu.memref_slice %arg8[%dma_wait3A_609, %dma_wait3A_610] : memref<2x3328xi32, #tpu.memory_space<vmem>> -> memref<1x128xi32, #tpu.memory_space<vmem>>
    %dma_wait3A_612 = tpu.memref_squeeze %dma_wait3A_611 : memref<1x128xi32, #tpu.memory_space<vmem>> -> memref<128xi32, #tpu.memory_space<vmem>>
    %dma_wait3A_613 = arith.constant 0 : i32
    %dma_wait3A_614 = arith.constant 0 : i32
    %dma_wait3A_615 = tpu.memref_slice %arg2[%dma_wait3A_613, %dma_wait3A_614] : memref<20000x128xf32, #tpu.memory_space<hbm>> -> memref<20000x128xf32, #tpu.memory_space<hbm>>
    tpu.wait_indirect_dma semaphore(%arg14 : memref<!tpu.dma_semaphore, #tpu.memory_space<semaphore_mem>>) src(%dma_wait3A_615 : memref<20000x128xf32, #tpu.memory_space<hbm>>) dst(%arg11 : memref<128x128xf32, #tpu.memory_space<vmem>>)
    %dma_start3A_616 = arith.constant 1 : i32
    %dma_start3A_617 = arith.constant 2688 : i32
    %dma_start3A_618 = tpu.memref_slice %arg8[%dma_start3A_616, %dma_start3A_617] : memref<2x3328xi32, #tpu.memory_space<vmem>> -> memref<1x128xi32, #tpu.memory_space<vmem>>
    %dma_start3A_619 = tpu.memref_squeeze %dma_start3A_618 : memref<1x128xi32, #tpu.memory_space<vmem>> -> memref<128xi32, #tpu.memory_space<vmem>>
    %dma_start3A_620 = arith.constant 0 : i32
    %dma_start3A_621 = arith.constant 0 : i32
    %dma_start3A_622 = tpu.memref_slice %arg12[%dma_start3A_620, %dma_start3A_621] : memref<10000x128xf32, #tpu.memory_space<vmem_shared>> -> memref<10000x128xf32, #tpu.memory_space<vmem_shared>>
    tpu.enqueue_indirect_dma source(%arg11 : memref<128x128xf32, #tpu.memory_space<vmem>>) target(%dma_start3A_622 : memref<10000x128xf32, #tpu.memory_space<vmem_shared>>) offsets(%dma_start3A_619 : memref<128xi32, #tpu.memory_space<vmem>>) semaphore(%arg16 : memref<!tpu.dma_semaphore, #tpu.memory_space<semaphore_mem>>) {add = true}
    %dma_wait3A_623 = arith.constant 1 : i32
    %dma_wait3A_624 = arith.constant 2688 : i32
    %dma_wait3A_625 = tpu.memref_slice %arg8[%dma_wait3A_623, %dma_wait3A_624] : memref<2x3328xi32, #tpu.memory_space<vmem>> -> memref<1x128xi32, #tpu.memory_space<vmem>>
    %dma_wait3A_626 = tpu.memref_squeeze %dma_wait3A_625 : memref<1x128xi32, #tpu.memory_space<vmem>> -> memref<128xi32, #tpu.memory_space<vmem>>
    %dma_wait3A_627 = arith.constant 0 : i32
    %dma_wait3A_628 = arith.constant 0 : i32
    %dma_wait3A_629 = tpu.memref_slice %arg12[%dma_wait3A_627, %dma_wait3A_628] : memref<10000x128xf32, #tpu.memory_space<vmem_shared>> -> memref<10000x128xf32, #tpu.memory_space<vmem_shared>>
    tpu.wait_indirect_dma semaphore(%arg16 : memref<!tpu.dma_semaphore, #tpu.memory_space<semaphore_mem>>) src(%arg11 : memref<128x128xf32, #tpu.memory_space<vmem>>) dst(%dma_wait3A_629 : memref<10000x128xf32, #tpu.memory_space<vmem_shared>>)
    %dma_start3A_630 = arith.constant 0 : i32
    %dma_start3A_631 = arith.constant 2944 : i32
    %dma_start3A_632 = tpu.memref_slice %arg8[%dma_start3A_630, %dma_start3A_631] : memref<2x3328xi32, #tpu.memory_space<vmem>> -> memref<1x128xi32, #tpu.memory_space<vmem>>
    %dma_start3A_633 = tpu.memref_squeeze %dma_start3A_632 : memref<1x128xi32, #tpu.memory_space<vmem>> -> memref<128xi32, #tpu.memory_space<vmem>>
    %dma_start3A_634 = arith.constant 0 : i32
    %dma_start3A_635 = arith.constant 0 : i32
    %dma_start3A_636 = tpu.memref_slice %arg2[%dma_start3A_634, %dma_start3A_635] : memref<20000x128xf32, #tpu.memory_space<hbm>> -> memref<20000x128xf32, #tpu.memory_space<hbm>>
    tpu.enqueue_indirect_dma source(%dma_start3A_636 : memref<20000x128xf32, #tpu.memory_space<hbm>>) target(%arg11 : memref<128x128xf32, #tpu.memory_space<vmem>>) offsets(%dma_start3A_633 : memref<128xi32, #tpu.memory_space<vmem>>) semaphore(%arg14 : memref<!tpu.dma_semaphore, #tpu.memory_space<semaphore_mem>>)
    %dma_wait3A_637 = arith.constant 0 : i32
    %dma_wait3A_638 = arith.constant 2816 : i32
    %dma_wait3A_639 = tpu.memref_slice %arg8[%dma_wait3A_637, %dma_wait3A_638] : memref<2x3328xi32, #tpu.memory_space<vmem>> -> memref<1x128xi32, #tpu.memory_space<vmem>>
    %dma_wait3A_640 = tpu.memref_squeeze %dma_wait3A_639 : memref<1x128xi32, #tpu.memory_space<vmem>> -> memref<128xi32, #tpu.memory_space<vmem>>
    %dma_wait3A_641 = arith.constant 0 : i32
    %dma_wait3A_642 = arith.constant 0 : i32
    %dma_wait3A_643 = tpu.memref_slice %arg2[%dma_wait3A_641, %dma_wait3A_642] : memref<20000x128xf32, #tpu.memory_space<hbm>> -> memref<20000x128xf32, #tpu.memory_space<hbm>>
    tpu.wait_indirect_dma semaphore(%arg13 : memref<!tpu.dma_semaphore, #tpu.memory_space<semaphore_mem>>) src(%dma_wait3A_643 : memref<20000x128xf32, #tpu.memory_space<hbm>>) dst(%arg10 : memref<128x128xf32, #tpu.memory_space<vmem>>)
    %dma_start3A_644 = arith.constant 1 : i32
    %dma_start3A_645 = arith.constant 2816 : i32
    %dma_start3A_646 = tpu.memref_slice %arg8[%dma_start3A_644, %dma_start3A_645] : memref<2x3328xi32, #tpu.memory_space<vmem>> -> memref<1x128xi32, #tpu.memory_space<vmem>>
    %dma_start3A_647 = tpu.memref_squeeze %dma_start3A_646 : memref<1x128xi32, #tpu.memory_space<vmem>> -> memref<128xi32, #tpu.memory_space<vmem>>
    %dma_start3A_648 = arith.constant 0 : i32
    %dma_start3A_649 = arith.constant 0 : i32
    %dma_start3A_650 = tpu.memref_slice %arg12[%dma_start3A_648, %dma_start3A_649] : memref<10000x128xf32, #tpu.memory_space<vmem_shared>> -> memref<10000x128xf32, #tpu.memory_space<vmem_shared>>
    tpu.enqueue_indirect_dma source(%arg10 : memref<128x128xf32, #tpu.memory_space<vmem>>) target(%dma_start3A_650 : memref<10000x128xf32, #tpu.memory_space<vmem_shared>>) offsets(%dma_start3A_647 : memref<128xi32, #tpu.memory_space<vmem>>) semaphore(%arg15 : memref<!tpu.dma_semaphore, #tpu.memory_space<semaphore_mem>>) {add = true}
    %dma_wait3A_651 = arith.constant 1 : i32
    %dma_wait3A_652 = arith.constant 2816 : i32
    %dma_wait3A_653 = tpu.memref_slice %arg8[%dma_wait3A_651, %dma_wait3A_652] : memref<2x3328xi32, #tpu.memory_space<vmem>> -> memref<1x128xi32, #tpu.memory_space<vmem>>
    %dma_wait3A_654 = tpu.memref_squeeze %dma_wait3A_653 : memref<1x128xi32, #tpu.memory_space<vmem>> -> memref<128xi32, #tpu.memory_space<vmem>>
    %dma_wait3A_655 = arith.constant 0 : i32
    %dma_wait3A_656 = arith.constant 0 : i32
    %dma_wait3A_657 = tpu.memref_slice %arg12[%dma_wait3A_655, %dma_wait3A_656] : memref<10000x128xf32, #tpu.memory_space<vmem_shared>> -> memref<10000x128xf32, #tpu.memory_space<vmem_shared>>
    tpu.wait_indirect_dma semaphore(%arg15 : memref<!tpu.dma_semaphore, #tpu.memory_space<semaphore_mem>>) src(%arg10 : memref<128x128xf32, #tpu.memory_space<vmem>>) dst(%dma_wait3A_657 : memref<10000x128xf32, #tpu.memory_space<vmem_shared>>)
    %dma_start3A_658 = arith.constant 0 : i32
    %dma_start3A_659 = arith.constant 3072 : i32
    %dma_start3A_660 = tpu.memref_slice %arg8[%dma_start3A_658, %dma_start3A_659] : memref<2x3328xi32, #tpu.memory_space<vmem>> -> memref<1x128xi32, #tpu.memory_space<vmem>>
    %dma_start3A_661 = tpu.memref_squeeze %dma_start3A_660 : memref<1x128xi32, #tpu.memory_space<vmem>> -> memref<128xi32, #tpu.memory_space<vmem>>
    %dma_start3A_662 = arith.constant 0 : i32
    %dma_start3A_663 = arith.constant 0 : i32
    %dma_start3A_664 = tpu.memref_slice %arg2[%dma_start3A_662, %dma_start3A_663] : memref<20000x128xf32, #tpu.memory_space<hbm>> -> memref<20000x128xf32, #tpu.memory_space<hbm>>
    tpu.enqueue_indirect_dma source(%dma_start3A_664 : memref<20000x128xf32, #tpu.memory_space<hbm>>) target(%arg10 : memref<128x128xf32, #tpu.memory_space<vmem>>) offsets(%dma_start3A_661 : memref<128xi32, #tpu.memory_space<vmem>>) semaphore(%arg13 : memref<!tpu.dma_semaphore, #tpu.memory_space<semaphore_mem>>)
    %dma_wait3A_665 = arith.constant 0 : i32
    %dma_wait3A_666 = arith.constant 2944 : i32
    %dma_wait3A_667 = tpu.memref_slice %arg8[%dma_wait3A_665, %dma_wait3A_666] : memref<2x3328xi32, #tpu.memory_space<vmem>> -> memref<1x128xi32, #tpu.memory_space<vmem>>
    %dma_wait3A_668 = tpu.memref_squeeze %dma_wait3A_667 : memref<1x128xi32, #tpu.memory_space<vmem>> -> memref<128xi32, #tpu.memory_space<vmem>>
    %dma_wait3A_669 = arith.constant 0 : i32
    %dma_wait3A_670 = arith.constant 0 : i32
    %dma_wait3A_671 = tpu.memref_slice %arg2[%dma_wait3A_669, %dma_wait3A_670] : memref<20000x128xf32, #tpu.memory_space<hbm>> -> memref<20000x128xf32, #tpu.memory_space<hbm>>
    tpu.wait_indirect_dma semaphore(%arg14 : memref<!tpu.dma_semaphore, #tpu.memory_space<semaphore_mem>>) src(%dma_wait3A_671 : memref<20000x128xf32, #tpu.memory_space<hbm>>) dst(%arg11 : memref<128x128xf32, #tpu.memory_space<vmem>>)
    %dma_start3A_672 = arith.constant 1 : i32
    %dma_start3A_673 = arith.constant 2944 : i32
    %dma_start3A_674 = tpu.memref_slice %arg8[%dma_start3A_672, %dma_start3A_673] : memref<2x3328xi32, #tpu.memory_space<vmem>> -> memref<1x128xi32, #tpu.memory_space<vmem>>
    %dma_start3A_675 = tpu.memref_squeeze %dma_start3A_674 : memref<1x128xi32, #tpu.memory_space<vmem>> -> memref<128xi32, #tpu.memory_space<vmem>>
    %dma_start3A_676 = arith.constant 0 : i32
    %dma_start3A_677 = arith.constant 0 : i32
    %dma_start3A_678 = tpu.memref_slice %arg12[%dma_start3A_676, %dma_start3A_677] : memref<10000x128xf32, #tpu.memory_space<vmem_shared>> -> memref<10000x128xf32, #tpu.memory_space<vmem_shared>>
    tpu.enqueue_indirect_dma source(%arg11 : memref<128x128xf32, #tpu.memory_space<vmem>>) target(%dma_start3A_678 : memref<10000x128xf32, #tpu.memory_space<vmem_shared>>) offsets(%dma_start3A_675 : memref<128xi32, #tpu.memory_space<vmem>>) semaphore(%arg16 : memref<!tpu.dma_semaphore, #tpu.memory_space<semaphore_mem>>) {add = true}
    %dma_wait3A_679 = arith.constant 1 : i32
    %dma_wait3A_680 = arith.constant 2944 : i32
    %dma_wait3A_681 = tpu.memref_slice %arg8[%dma_wait3A_679, %dma_wait3A_680] : memref<2x3328xi32, #tpu.memory_space<vmem>> -> memref<1x128xi32, #tpu.memory_space<vmem>>
    %dma_wait3A_682 = tpu.memref_squeeze %dma_wait3A_681 : memref<1x128xi32, #tpu.memory_space<vmem>> -> memref<128xi32, #tpu.memory_space<vmem>>
    %dma_wait3A_683 = arith.constant 0 : i32
    %dma_wait3A_684 = arith.constant 0 : i32
    %dma_wait3A_685 = tpu.memref_slice %arg12[%dma_wait3A_683, %dma_wait3A_684] : memref<10000x128xf32, #tpu.memory_space<vmem_shared>> -> memref<10000x128xf32, #tpu.memory_space<vmem_shared>>
    tpu.wait_indirect_dma semaphore(%arg16 : memref<!tpu.dma_semaphore, #tpu.memory_space<semaphore_mem>>) src(%arg11 : memref<128x128xf32, #tpu.memory_space<vmem>>) dst(%dma_wait3A_685 : memref<10000x128xf32, #tpu.memory_space<vmem_shared>>)
    %dma_start3A_686 = arith.constant 0 : i32
    %dma_start3A_687 = arith.constant 3200 : i32
    %dma_start3A_688 = tpu.memref_slice %arg8[%dma_start3A_686, %dma_start3A_687] : memref<2x3328xi32, #tpu.memory_space<vmem>> -> memref<1x128xi32, #tpu.memory_space<vmem>>
    %dma_start3A_689 = tpu.memref_squeeze %dma_start3A_688 : memref<1x128xi32, #tpu.memory_space<vmem>> -> memref<128xi32, #tpu.memory_space<vmem>>
    %dma_start3A_690 = arith.constant 0 : i32
    %dma_start3A_691 = arith.constant 0 : i32
    %dma_start3A_692 = tpu.memref_slice %arg2[%dma_start3A_690, %dma_start3A_691] : memref<20000x128xf32, #tpu.memory_space<hbm>> -> memref<20000x128xf32, #tpu.memory_space<hbm>>
    tpu.enqueue_indirect_dma source(%dma_start3A_692 : memref<20000x128xf32, #tpu.memory_space<hbm>>) target(%arg11 : memref<128x128xf32, #tpu.memory_space<vmem>>) offsets(%dma_start3A_689 : memref<128xi32, #tpu.memory_space<vmem>>) semaphore(%arg14 : memref<!tpu.dma_semaphore, #tpu.memory_space<semaphore_mem>>)
    %dma_wait3A_693 = arith.constant 0 : i32
    %dma_wait3A_694 = arith.constant 3072 : i32
    %dma_wait3A_695 = tpu.memref_slice %arg8[%dma_wait3A_693, %dma_wait3A_694] : memref<2x3328xi32, #tpu.memory_space<vmem>> -> memref<1x128xi32, #tpu.memory_space<vmem>>
    %dma_wait3A_696 = tpu.memref_squeeze %dma_wait3A_695 : memref<1x128xi32, #tpu.memory_space<vmem>> -> memref<128xi32, #tpu.memory_space<vmem>>
    %dma_wait3A_697 = arith.constant 0 : i32
    %dma_wait3A_698 = arith.constant 0 : i32
    %dma_wait3A_699 = tpu.memref_slice %arg2[%dma_wait3A_697, %dma_wait3A_698] : memref<20000x128xf32, #tpu.memory_space<hbm>> -> memref<20000x128xf32, #tpu.memory_space<hbm>>
    tpu.wait_indirect_dma semaphore(%arg13 : memref<!tpu.dma_semaphore, #tpu.memory_space<semaphore_mem>>) src(%dma_wait3A_699 : memref<20000x128xf32, #tpu.memory_space<hbm>>) dst(%arg10 : memref<128x128xf32, #tpu.memory_space<vmem>>)
    %dma_start3A_700 = arith.constant 1 : i32
    %dma_start3A_701 = arith.constant 3072 : i32
    %dma_start3A_702 = tpu.memref_slice %arg8[%dma_start3A_700, %dma_start3A_701] : memref<2x3328xi32, #tpu.memory_space<vmem>> -> memref<1x128xi32, #tpu.memory_space<vmem>>
    %dma_start3A_703 = tpu.memref_squeeze %dma_start3A_702 : memref<1x128xi32, #tpu.memory_space<vmem>> -> memref<128xi32, #tpu.memory_space<vmem>>
    %dma_start3A_704 = arith.constant 0 : i32
    %dma_start3A_705 = arith.constant 0 : i32
    %dma_start3A_706 = tpu.memref_slice %arg12[%dma_start3A_704, %dma_start3A_705] : memref<10000x128xf32, #tpu.memory_space<vmem_shared>> -> memref<10000x128xf32, #tpu.memory_space<vmem_shared>>
    tpu.enqueue_indirect_dma source(%arg10 : memref<128x128xf32, #tpu.memory_space<vmem>>) target(%dma_start3A_706 : memref<10000x128xf32, #tpu.memory_space<vmem_shared>>) offsets(%dma_start3A_703 : memref<128xi32, #tpu.memory_space<vmem>>) semaphore(%arg15 : memref<!tpu.dma_semaphore, #tpu.memory_space<semaphore_mem>>) {add = true}
    %dma_wait3A_707 = arith.constant 1 : i32
    %dma_wait3A_708 = arith.constant 3072 : i32
    %dma_wait3A_709 = tpu.memref_slice %arg8[%dma_wait3A_707, %dma_wait3A_708] : memref<2x3328xi32, #tpu.memory_space<vmem>> -> memref<1x128xi32, #tpu.memory_space<vmem>>
    %dma_wait3A_710 = tpu.memref_squeeze %dma_wait3A_709 : memref<1x128xi32, #tpu.memory_space<vmem>> -> memref<128xi32, #tpu.memory_space<vmem>>
    %dma_wait3A_711 = arith.constant 0 : i32
    %dma_wait3A_712 = arith.constant 0 : i32
    %dma_wait3A_713 = tpu.memref_slice %arg12[%dma_wait3A_711, %dma_wait3A_712] : memref<10000x128xf32, #tpu.memory_space<vmem_shared>> -> memref<10000x128xf32, #tpu.memory_space<vmem_shared>>
    tpu.wait_indirect_dma semaphore(%arg15 : memref<!tpu.dma_semaphore, #tpu.memory_space<semaphore_mem>>) src(%arg10 : memref<128x128xf32, #tpu.memory_space<vmem>>) dst(%dma_wait3A_713 : memref<10000x128xf32, #tpu.memory_space<vmem_shared>>)
    %dma_start3A_714 = arith.constant 0 : i32
    %dma_start3A_715 = arith.constant 0 : i32
    %dma_start3A_716 = tpu.memref_slice %arg9[%dma_start3A_714, %dma_start3A_715] : memref<2x3328xi32, #tpu.memory_space<vmem>> -> memref<1x128xi32, #tpu.memory_space<vmem>>
    %dma_start3A_717 = tpu.memref_squeeze %dma_start3A_716 : memref<1x128xi32, #tpu.memory_space<vmem>> -> memref<128xi32, #tpu.memory_space<vmem>>
    %dma_start3A_718 = arith.constant 0 : i32
    %dma_start3A_719 = arith.constant 0 : i32
    %dma_start3A_720 = tpu.memref_slice %arg2[%dma_start3A_718, %dma_start3A_719] : memref<20000x128xf32, #tpu.memory_space<hbm>> -> memref<20000x128xf32, #tpu.memory_space<hbm>>
    tpu.enqueue_indirect_dma source(%dma_start3A_720 : memref<20000x128xf32, #tpu.memory_space<hbm>>) target(%arg10 : memref<128x128xf32, #tpu.memory_space<vmem>>) offsets(%dma_start3A_717 : memref<128xi32, #tpu.memory_space<vmem>>) semaphore(%arg13 : memref<!tpu.dma_semaphore, #tpu.memory_space<semaphore_mem>>)
    %dma_wait3A_721 = arith.constant 0 : i32
    %dma_wait3A_722 = arith.constant 3200 : i32
    %dma_wait3A_723 = tpu.memref_slice %arg8[%dma_wait3A_721, %dma_wait3A_722] : memref<2x3328xi32, #tpu.memory_space<vmem>> -> memref<1x128xi32, #tpu.memory_space<vmem>>
    %dma_wait3A_724 = tpu.memref_squeeze %dma_wait3A_723 : memref<1x128xi32, #tpu.memory_space<vmem>> -> memref<128xi32, #tpu.memory_space<vmem>>
    %dma_wait3A_725 = arith.constant 0 : i32
    %dma_wait3A_726 = arith.constant 0 : i32
    %dma_wait3A_727 = tpu.memref_slice %arg2[%dma_wait3A_725, %dma_wait3A_726] : memref<20000x128xf32, #tpu.memory_space<hbm>> -> memref<20000x128xf32, #tpu.memory_space<hbm>>
    tpu.wait_indirect_dma semaphore(%arg14 : memref<!tpu.dma_semaphore, #tpu.memory_space<semaphore_mem>>) src(%dma_wait3A_727 : memref<20000x128xf32, #tpu.memory_space<hbm>>) dst(%arg11 : memref<128x128xf32, #tpu.memory_space<vmem>>)
    %dma_start3A_728 = arith.constant 1 : i32
    %dma_start3A_729 = arith.constant 3200 : i32
    %dma_start3A_730 = tpu.memref_slice %arg8[%dma_start3A_728, %dma_start3A_729] : memref<2x3328xi32, #tpu.memory_space<vmem>> -> memref<1x128xi32, #tpu.memory_space<vmem>>
    %dma_start3A_731 = tpu.memref_squeeze %dma_start3A_730 : memref<1x128xi32, #tpu.memory_space<vmem>> -> memref<128xi32, #tpu.memory_space<vmem>>
    %dma_start3A_732 = arith.constant 0 : i32
    %dma_start3A_733 = arith.constant 0 : i32
    %dma_start3A_734 = tpu.memref_slice %arg12[%dma_start3A_732, %dma_start3A_733] : memref<10000x128xf32, #tpu.memory_space<vmem_shared>> -> memref<10000x128xf32, #tpu.memory_space<vmem_shared>>
    tpu.enqueue_indirect_dma source(%arg11 : memref<128x128xf32, #tpu.memory_space<vmem>>) target(%dma_start3A_734 : memref<10000x128xf32, #tpu.memory_space<vmem_shared>>) offsets(%dma_start3A_731 : memref<128xi32, #tpu.memory_space<vmem>>) semaphore(%arg16 : memref<!tpu.dma_semaphore, #tpu.memory_space<semaphore_mem>>) {add = true}
    %dma_wait3A_735 = arith.constant 1 : i32
    %dma_wait3A_736 = arith.constant 3200 : i32
    %dma_wait3A_737 = tpu.memref_slice %arg8[%dma_wait3A_735, %dma_wait3A_736] : memref<2x3328xi32, #tpu.memory_space<vmem>> -> memref<1x128xi32, #tpu.memory_space<vmem>>
    %dma_wait3A_738 = tpu.memref_squeeze %dma_wait3A_737 : memref<1x128xi32, #tpu.memory_space<vmem>> -> memref<128xi32, #tpu.memory_space<vmem>>
    %dma_wait3A_739 = arith.constant 0 : i32
    %dma_wait3A_740 = arith.constant 0 : i32
    %dma_wait3A_741 = tpu.memref_slice %arg12[%dma_wait3A_739, %dma_wait3A_740] : memref<10000x128xf32, #tpu.memory_space<vmem_shared>> -> memref<10000x128xf32, #tpu.memory_space<vmem_shared>>
    tpu.wait_indirect_dma semaphore(%arg16 : memref<!tpu.dma_semaphore, #tpu.memory_space<semaphore_mem>>) src(%arg11 : memref<128x128xf32, #tpu.memory_space<vmem>>) dst(%dma_wait3A_741 : memref<10000x128xf32, #tpu.memory_space<vmem_shared>>)
    %dma_start3A_742 = arith.constant 0 : i32
    %dma_start3A_743 = arith.constant 128 : i32
    %dma_start3A_744 = tpu.memref_slice %arg9[%dma_start3A_742, %dma_start3A_743] : memref<2x3328xi32, #tpu.memory_space<vmem>> -> memref<1x128xi32, #tpu.memory_space<vmem>>
    %dma_start3A_745 = tpu.memref_squeeze %dma_start3A_744 : memref<1x128xi32, #tpu.memory_space<vmem>> -> memref<128xi32, #tpu.memory_space<vmem>>
    %dma_start3A_746 = arith.constant 0 : i32
    %dma_start3A_747 = arith.constant 0 : i32
    %dma_start3A_748 = tpu.memref_slice %arg2[%dma_start3A_746, %dma_start3A_747] : memref<20000x128xf32, #tpu.memory_space<hbm>> -> memref<20000x128xf32, #tpu.memory_space<hbm>>
    tpu.enqueue_indirect_dma source(%dma_start3A_748 : memref<20000x128xf32, #tpu.memory_space<hbm>>) target(%arg11 : memref<128x128xf32, #tpu.memory_space<vmem>>) offsets(%dma_start3A_745 : memref<128xi32, #tpu.memory_space<vmem>>) semaphore(%arg14 : memref<!tpu.dma_semaphore, #tpu.memory_space<semaphore_mem>>)
    %dma_wait3A_749 = arith.constant 0 : i32
    %dma_wait3A_750 = arith.constant 0 : i32
    %dma_wait3A_751 = tpu.memref_slice %arg9[%dma_wait3A_749, %dma_wait3A_750] : memref<2x3328xi32, #tpu.memory_space<vmem>> -> memref<1x128xi32, #tpu.memory_space<vmem>>
    %dma_wait3A_752 = tpu.memref_squeeze %dma_wait3A_751 : memref<1x128xi32, #tpu.memory_space<vmem>> -> memref<128xi32, #tpu.memory_space<vmem>>
    %dma_wait3A_753 = arith.constant 0 : i32
    %dma_wait3A_754 = arith.constant 0 : i32
    %dma_wait3A_755 = tpu.memref_slice %arg2[%dma_wait3A_753, %dma_wait3A_754] : memref<20000x128xf32, #tpu.memory_space<hbm>> -> memref<20000x128xf32, #tpu.memory_space<hbm>>
    tpu.wait_indirect_dma semaphore(%arg13 : memref<!tpu.dma_semaphore, #tpu.memory_space<semaphore_mem>>) src(%dma_wait3A_755 : memref<20000x128xf32, #tpu.memory_space<hbm>>) dst(%arg10 : memref<128x128xf32, #tpu.memory_space<vmem>>)
    %dma_start3A_756 = arith.constant 1 : i32
    %dma_start3A_757 = arith.constant 0 : i32
    %dma_start3A_758 = tpu.memref_slice %arg9[%dma_start3A_756, %dma_start3A_757] : memref<2x3328xi32, #tpu.memory_space<vmem>> -> memref<1x128xi32, #tpu.memory_space<vmem>>
    %dma_start3A_759 = tpu.memref_squeeze %dma_start3A_758 : memref<1x128xi32, #tpu.memory_space<vmem>> -> memref<128xi32, #tpu.memory_space<vmem>>
    %dma_start3A_760 = arith.constant 0 : i32
    %dma_start3A_761 = arith.constant 0 : i32
    %dma_start3A_762 = tpu.memref_slice %arg12[%dma_start3A_760, %dma_start3A_761] : memref<10000x128xf32, #tpu.memory_space<vmem_shared>> -> memref<10000x128xf32, #tpu.memory_space<vmem_shared>>
    tpu.enqueue_indirect_dma source(%arg10 : memref<128x128xf32, #tpu.memory_space<vmem>>) target(%dma_start3A_762 : memref<10000x128xf32, #tpu.memory_space<vmem_shared>>) offsets(%dma_start3A_759 : memref<128xi32, #tpu.memory_space<vmem>>) semaphore(%arg15 : memref<!tpu.dma_semaphore, #tpu.memory_space<semaphore_mem>>) {add = true}
    %add3A_763 = arith.constant 6656 : i32
    %add3A_764 = arith.addi %add3A, %add3A_763 : i32
    "tpu.region"() ({
      %run_scoped3A_2264 = tpu.sem_alloc : memref<!tpu.dma_semaphore, #tpu.memory_space<semaphore_mem>>
      %dma_start3A_2265 = arith.constant 0 : i32
      %dma_start3A_2266 = tpu.memref_slice %arg3[%dma_start3A_2265, %add3A_764] : memref<2x320000xi32, #tpu.memory_space<hbm>> -> memref<2x3328xi32, #tpu.memory_space<hbm>>
      %dma_start3A_2267 = arith.constant 0 : i32
      %dma_start3A_2268 = tpu.memref_slice %arg3[%dma_start3A_2267, %add3A_764] : memref<2x320000xi32, #tpu.memory_space<hbm>> -> memref<2x3328xi32, #tpu.memory_space<hbm>>
      tpu.enqueue_dma source(%dma_start3A_2268 : memref<2x3328xi32, #tpu.memory_space<hbm>>) target(%arg8 : memref<2x3328xi32, #tpu.memory_space<vmem>>) target_semaphore(%run_scoped3A_2264 : memref<!tpu.dma_semaphore, #tpu.memory_space<semaphore_mem>>)
      %dma_wait3A_2269 = arith.constant 0 : i32
      %dma_wait3A_2270 = tpu.memref_slice %arg3[%dma_wait3A_2269, %add3A_764] : memref<2x320000xi32, #tpu.memory_space<hbm>> -> memref<2x3328xi32, #tpu.memory_space<hbm>>
      %dma_wait3A_2271 = arith.constant 0 : i32
      %dma_wait3A_2272 = tpu.memref_slice %arg3[%dma_wait3A_2271, %add3A_764] : memref<2x320000xi32, #tpu.memory_space<hbm>> -> memref<2x3328xi32, #tpu.memory_space<hbm>>
      tpu.wait_dma2 semaphore(%run_scoped3A_2264 : memref<!tpu.dma_semaphore, #tpu.memory_space<semaphore_mem>>) src(%dma_wait3A_2272 : memref<2x3328xi32, #tpu.memory_space<hbm>>) dst(%arg8 : memref<2x3328xi32, #tpu.memory_space<vmem>>)
      tpu.yield
    }) : () -> ()
    %dma_wait3A_765 = arith.constant 1 : i32
    %dma_wait3A_766 = arith.constant 0 : i32
    %dma_wait3A_767 = tpu.memref_slice %arg9[%dma_wait3A_765, %dma_wait3A_766] : memref<2x3328xi32, #tpu.memory_space<vmem>> -> memref<1x128xi32, #tpu.memory_space<vmem>>
    %dma_wait3A_768 = tpu.memref_squeeze %dma_wait3A_767 : memref<1x128xi32, #tpu.memory_space<vmem>> -> memref<128xi32, #tpu.memory_space<vmem>>
    %dma_wait3A_769 = arith.constant 0 : i32
    %dma_wait3A_770 = arith.constant 0 : i32
    %dma_wait3A_771 = tpu.memref_slice %arg12[%dma_wait3A_769, %dma_wait3A_770] : memref<10000x128xf32, #tpu.memory_space<vmem_shared>> -> memref<10000x128xf32, #tpu.memory_space<vmem_shared>>
    tpu.wait_indirect_dma semaphore(%arg15 : memref<!tpu.dma_semaphore, #tpu.memory_space<semaphore_mem>>) src(%arg10 : memref<128x128xf32, #tpu.memory_space<vmem>>) dst(%dma_wait3A_771 : memref<10000x128xf32, #tpu.memory_space<vmem_shared>>)
    %dma_start3A_772 = arith.constant 0 : i32
    %dma_start3A_773 = arith.constant 256 : i32
    %dma_start3A_774 = tpu.memref_slice %arg9[%dma_start3A_772, %dma_start3A_773] : memref<2x3328xi32, #tpu.memory_space<vmem>> -> memref<1x128xi32, #tpu.memory_space<vmem>>
    %dma_start3A_775 = tpu.memref_squeeze %dma_start3A_774 : memref<1x128xi32, #tpu.memory_space<vmem>> -> memref<128xi32, #tpu.memory_space<vmem>>
    %dma_start3A_776 = arith.constant 0 : i32
    %dma_start3A_777 = arith.constant 0 : i32
    %dma_start3A_778 = tpu.memref_slice %arg2[%dma_start3A_776, %dma_start3A_777] : memref<20000x128xf32, #tpu.memory_space<hbm>> -> memref<20000x128xf32, #tpu.memory_space<hbm>>
    tpu.enqueue_indirect_dma source(%dma_start3A_778 : memref<20000x128xf32, #tpu.memory_space<hbm>>) target(%arg10 : memref<128x128xf32, #tpu.memory_space<vmem>>) offsets(%dma_start3A_775 : memref<128xi32, #tpu.memory_space<vmem>>) semaphore(%arg13 : memref<!tpu.dma_semaphore, #tpu.memory_space<semaphore_mem>>)
    %dma_wait3A_779 = arith.constant 0 : i32
    %dma_wait3A_780 = arith.constant 128 : i32
    %dma_wait3A_781 = tpu.memref_slice %arg9[%dma_wait3A_779, %dma_wait3A_780] : memref<2x3328xi32, #tpu.memory_space<vmem>> -> memref<1x128xi32, #tpu.memory_space<vmem>>
    %dma_wait3A_782 = tpu.memref_squeeze %dma_wait3A_781 : memref<1x128xi32, #tpu.memory_space<vmem>> -> memref<128xi32, #tpu.memory_space<vmem>>
    %dma_wait3A_783 = arith.constant 0 : i32
    %dma_wait3A_784 = arith.constant 0 : i32
    %dma_wait3A_785 = tpu.memref_slice %arg2[%dma_wait3A_783, %dma_wait3A_784] : memref<20000x128xf32, #tpu.memory_space<hbm>> -> memref<20000x128xf32, #tpu.memory_space<hbm>>
    tpu.wait_indirect_dma semaphore(%arg14 : memref<!tpu.dma_semaphore, #tpu.memory_space<semaphore_mem>>) src(%dma_wait3A_785 : memref<20000x128xf32, #tpu.memory_space<hbm>>) dst(%arg11 : memref<128x128xf32, #tpu.memory_space<vmem>>)
    %dma_start3A_786 = arith.constant 1 : i32
    %dma_start3A_787 = arith.constant 128 : i32
    %dma_start3A_788 = tpu.memref_slice %arg9[%dma_start3A_786, %dma_start3A_787] : memref<2x3328xi32, #tpu.memory_space<vmem>> -> memref<1x128xi32, #tpu.memory_space<vmem>>
    %dma_start3A_789 = tpu.memref_squeeze %dma_start3A_788 : memref<1x128xi32, #tpu.memory_space<vmem>> -> memref<128xi32, #tpu.memory_space<vmem>>
    %dma_start3A_790 = arith.constant 0 : i32
    %dma_start3A_791 = arith.constant 0 : i32
    %dma_start3A_792 = tpu.memref_slice %arg12[%dma_start3A_790, %dma_start3A_791] : memref<10000x128xf32, #tpu.memory_space<vmem_shared>> -> memref<10000x128xf32, #tpu.memory_space<vmem_shared>>
    tpu.enqueue_indirect_dma source(%arg11 : memref<128x128xf32, #tpu.memory_space<vmem>>) target(%dma_start3A_792 : memref<10000x128xf32, #tpu.memory_space<vmem_shared>>) offsets(%dma_start3A_789 : memref<128xi32, #tpu.memory_space<vmem>>) semaphore(%arg16 : memref<!tpu.dma_semaphore, #tpu.memory_space<semaphore_mem>>) {add = true}
    %dma_wait3A_793 = arith.constant 1 : i32
    %dma_wait3A_794 = arith.constant 128 : i32
    %dma_wait3A_795 = tpu.memref_slice %arg9[%dma_wait3A_793, %dma_wait3A_794] : memref<2x3328xi32, #tpu.memory_space<vmem>> -> memref<1x128xi32, #tpu.memory_space<vmem>>
    %dma_wait3A_796 = tpu.memref_squeeze %dma_wait3A_795 : memref<1x128xi32, #tpu.memory_space<vmem>> -> memref<128xi32, #tpu.memory_space<vmem>>
    %dma_wait3A_797 = arith.constant 0 : i32
    %dma_wait3A_798 = arith.constant 0 : i32
    %dma_wait3A_799 = tpu.memref_slice %arg12[%dma_wait3A_797, %dma_wait3A_798] : memref<10000x128xf32, #tpu.memory_space<vmem_shared>> -> memref<10000x128xf32, #tpu.memory_space<vmem_shared>>
    tpu.wait_indirect_dma semaphore(%arg16 : memref<!tpu.dma_semaphore, #tpu.memory_space<semaphore_mem>>) src(%arg11 : memref<128x128xf32, #tpu.memory_space<vmem>>) dst(%dma_wait3A_799 : memref<10000x128xf32, #tpu.memory_space<vmem_shared>>)
    %dma_start3A_800 = arith.constant 0 : i32
    %dma_start3A_801 = arith.constant 384 : i32
    %dma_start3A_802 = tpu.memref_slice %arg9[%dma_start3A_800, %dma_start3A_801] : memref<2x3328xi32, #tpu.memory_space<vmem>> -> memref<1x128xi32, #tpu.memory_space<vmem>>
    %dma_start3A_803 = tpu.memref_squeeze %dma_start3A_802 : memref<1x128xi32, #tpu.memory_space<vmem>> -> memref<128xi32, #tpu.memory_space<vmem>>
    %dma_start3A_804 = arith.constant 0 : i32
    %dma_start3A_805 = arith.constant 0 : i32
    %dma_start3A_806 = tpu.memref_slice %arg2[%dma_start3A_804, %dma_start3A_805] : memref<20000x128xf32, #tpu.memory_space<hbm>> -> memref<20000x128xf32, #tpu.memory_space<hbm>>
    tpu.enqueue_indirect_dma source(%dma_start3A_806 : memref<20000x128xf32, #tpu.memory_space<hbm>>) target(%arg11 : memref<128x128xf32, #tpu.memory_space<vmem>>) offsets(%dma_start3A_803 : memref<128xi32, #tpu.memory_space<vmem>>) semaphore(%arg14 : memref<!tpu.dma_semaphore, #tpu.memory_space<semaphore_mem>>)
    %dma_wait3A_807 = arith.constant 0 : i32
    %dma_wait3A_808 = arith.constant 256 : i32
    %dma_wait3A_809 = tpu.memref_slice %arg9[%dma_wait3A_807, %dma_wait3A_808] : memref<2x3328xi32, #tpu.memory_space<vmem>> -> memref<1x128xi32, #tpu.memory_space<vmem>>
    %dma_wait3A_810 = tpu.memref_squeeze %dma_wait3A_809 : memref<1x128xi32, #tpu.memory_space<vmem>> -> memref<128xi32, #tpu.memory_space<vmem>>
    %dma_wait3A_811 = arith.constant 0 : i32
    %dma_wait3A_812 = arith.constant 0 : i32
    %dma_wait3A_813 = tpu.memref_slice %arg2[%dma_wait3A_811, %dma_wait3A_812] : memref<20000x128xf32, #tpu.memory_space<hbm>> -> memref<20000x128xf32, #tpu.memory_space<hbm>>
    tpu.wait_indirect_dma semaphore(%arg13 : memref<!tpu.dma_semaphore, #tpu.memory_space<semaphore_mem>>) src(%dma_wait3A_813 : memref<20000x128xf32, #tpu.memory_space<hbm>>) dst(%arg10 : memref<128x128xf32, #tpu.memory_space<vmem>>)
    %dma_start3A_814 = arith.constant 1 : i32
    %dma_start3A_815 = arith.constant 256 : i32
    %dma_start3A_816 = tpu.memref_slice %arg9[%dma_start3A_814, %dma_start3A_815] : memref<2x3328xi32, #tpu.memory_space<vmem>> -> memref<1x128xi32, #tpu.memory_space<vmem>>
    %dma_start3A_817 = tpu.memref_squeeze %dma_start3A_816 : memref<1x128xi32, #tpu.memory_space<vmem>> -> memref<128xi32, #tpu.memory_space<vmem>>
    %dma_start3A_818 = arith.constant 0 : i32
    %dma_start3A_819 = arith.constant 0 : i32
    %dma_start3A_820 = tpu.memref_slice %arg12[%dma_start3A_818, %dma_start3A_819] : memref<10000x128xf32, #tpu.memory_space<vmem_shared>> -> memref<10000x128xf32, #tpu.memory_space<vmem_shared>>
    tpu.enqueue_indirect_dma source(%arg10 : memref<128x128xf32, #tpu.memory_space<vmem>>) target(%dma_start3A_820 : memref<10000x128xf32, #tpu.memory_space<vmem_shared>>) offsets(%dma_start3A_817 : memref<128xi32, #tpu.memory_space<vmem>>) semaphore(%arg15 : memref<!tpu.dma_semaphore, #tpu.memory_space<semaphore_mem>>) {add = true}
    %dma_wait3A_821 = arith.constant 1 : i32
    %dma_wait3A_822 = arith.constant 256 : i32
    %dma_wait3A_823 = tpu.memref_slice %arg9[%dma_wait3A_821, %dma_wait3A_822] : memref<2x3328xi32, #tpu.memory_space<vmem>> -> memref<1x128xi32, #tpu.memory_space<vmem>>
    %dma_wait3A_824 = tpu.memref_squeeze %dma_wait3A_823 : memref<1x128xi32, #tpu.memory_space<vmem>> -> memref<128xi32, #tpu.memory_space<vmem>>
    %dma_wait3A_825 = arith.constant 0 : i32
    %dma_wait3A_826 = arith.constant 0 : i32
    %dma_wait3A_827 = tpu.memref_slice %arg12[%dma_wait3A_825, %dma_wait3A_826] : memref<10000x128xf32, #tpu.memory_space<vmem_shared>> -> memref<10000x128xf32, #tpu.memory_space<vmem_shared>>
    tpu.wait_indirect_dma semaphore(%arg15 : memref<!tpu.dma_semaphore, #tpu.memory_space<semaphore_mem>>) src(%arg10 : memref<128x128xf32, #tpu.memory_space<vmem>>) dst(%dma_wait3A_827 : memref<10000x128xf32, #tpu.memory_space<vmem_shared>>)
    %dma_start3A_828 = arith.constant 0 : i32
    %dma_start3A_829 = arith.constant 512 : i32
    %dma_start3A_830 = tpu.memref_slice %arg9[%dma_start3A_828, %dma_start3A_829] : memref<2x3328xi32, #tpu.memory_space<vmem>> -> memref<1x128xi32, #tpu.memory_space<vmem>>
    %dma_start3A_831 = tpu.memref_squeeze %dma_start3A_830 : memref<1x128xi32, #tpu.memory_space<vmem>> -> memref<128xi32, #tpu.memory_space<vmem>>
    %dma_start3A_832 = arith.constant 0 : i32
    %dma_start3A_833 = arith.constant 0 : i32
    %dma_start3A_834 = tpu.memref_slice %arg2[%dma_start3A_832, %dma_start3A_833] : memref<20000x128xf32, #tpu.memory_space<hbm>> -> memref<20000x128xf32, #tpu.memory_space<hbm>>
    tpu.enqueue_indirect_dma source(%dma_start3A_834 : memref<20000x128xf32, #tpu.memory_space<hbm>>) target(%arg10 : memref<128x128xf32, #tpu.memory_space<vmem>>) offsets(%dma_start3A_831 : memref<128xi32, #tpu.memory_space<vmem>>) semaphore(%arg13 : memref<!tpu.dma_semaphore, #tpu.memory_space<semaphore_mem>>)
    %dma_wait3A_835 = arith.constant 0 : i32
    %dma_wait3A_836 = arith.constant 384 : i32
    %dma_wait3A_837 = tpu.memref_slice %arg9[%dma_wait3A_835, %dma_wait3A_836] : memref<2x3328xi32, #tpu.memory_space<vmem>> -> memref<1x128xi32, #tpu.memory_space<vmem>>
    %dma_wait3A_838 = tpu.memref_squeeze %dma_wait3A_837 : memref<1x128xi32, #tpu.memory_space<vmem>> -> memref<128xi32, #tpu.memory_space<vmem>>
    %dma_wait3A_839 = arith.constant 0 : i32
    %dma_wait3A_840 = arith.constant 0 : i32
    %dma_wait3A_841 = tpu.memref_slice %arg2[%dma_wait3A_839, %dma_wait3A_840] : memref<20000x128xf32, #tpu.memory_space<hbm>> -> memref<20000x128xf32, #tpu.memory_space<hbm>>
    tpu.wait_indirect_dma semaphore(%arg14 : memref<!tpu.dma_semaphore, #tpu.memory_space<semaphore_mem>>) src(%dma_wait3A_841 : memref<20000x128xf32, #tpu.memory_space<hbm>>) dst(%arg11 : memref<128x128xf32, #tpu.memory_space<vmem>>)
    %dma_start3A_842 = arith.constant 1 : i32
    %dma_start3A_843 = arith.constant 384 : i32
    %dma_start3A_844 = tpu.memref_slice %arg9[%dma_start3A_842, %dma_start3A_843] : memref<2x3328xi32, #tpu.memory_space<vmem>> -> memref<1x128xi32, #tpu.memory_space<vmem>>
    %dma_start3A_845 = tpu.memref_squeeze %dma_start3A_844 : memref<1x128xi32, #tpu.memory_space<vmem>> -> memref<128xi32, #tpu.memory_space<vmem>>
    %dma_start3A_846 = arith.constant 0 : i32
    %dma_start3A_847 = arith.constant 0 : i32
    %dma_start3A_848 = tpu.memref_slice %arg12[%dma_start3A_846, %dma_start3A_847] : memref<10000x128xf32, #tpu.memory_space<vmem_shared>> -> memref<10000x128xf32, #tpu.memory_space<vmem_shared>>
    tpu.enqueue_indirect_dma source(%arg11 : memref<128x128xf32, #tpu.memory_space<vmem>>) target(%dma_start3A_848 : memref<10000x128xf32, #tpu.memory_space<vmem_shared>>) offsets(%dma_start3A_845 : memref<128xi32, #tpu.memory_space<vmem>>) semaphore(%arg16 : memref<!tpu.dma_semaphore, #tpu.memory_space<semaphore_mem>>) {add = true}
    %dma_wait3A_849 = arith.constant 1 : i32
    %dma_wait3A_850 = arith.constant 384 : i32
    %dma_wait3A_851 = tpu.memref_slice %arg9[%dma_wait3A_849, %dma_wait3A_850] : memref<2x3328xi32, #tpu.memory_space<vmem>> -> memref<1x128xi32, #tpu.memory_space<vmem>>
    %dma_wait3A_852 = tpu.memref_squeeze %dma_wait3A_851 : memref<1x128xi32, #tpu.memory_space<vmem>> -> memref<128xi32, #tpu.memory_space<vmem>>
    %dma_wait3A_853 = arith.constant 0 : i32
    %dma_wait3A_854 = arith.constant 0 : i32
    %dma_wait3A_855 = tpu.memref_slice %arg12[%dma_wait3A_853, %dma_wait3A_854] : memref<10000x128xf32, #tpu.memory_space<vmem_shared>> -> memref<10000x128xf32, #tpu.memory_space<vmem_shared>>
    tpu.wait_indirect_dma semaphore(%arg16 : memref<!tpu.dma_semaphore, #tpu.memory_space<semaphore_mem>>) src(%arg11 : memref<128x128xf32, #tpu.memory_space<vmem>>) dst(%dma_wait3A_855 : memref<10000x128xf32, #tpu.memory_space<vmem_shared>>)
    %dma_start3A_856 = arith.constant 0 : i32
    %dma_start3A_857 = arith.constant 640 : i32
    %dma_start3A_858 = tpu.memref_slice %arg9[%dma_start3A_856, %dma_start3A_857] : memref<2x3328xi32, #tpu.memory_space<vmem>> -> memref<1x128xi32, #tpu.memory_space<vmem>>
    %dma_start3A_859 = tpu.memref_squeeze %dma_start3A_858 : memref<1x128xi32, #tpu.memory_space<vmem>> -> memref<128xi32, #tpu.memory_space<vmem>>
    %dma_start3A_860 = arith.constant 0 : i32
    %dma_start3A_861 = arith.constant 0 : i32
    %dma_start3A_862 = tpu.memref_slice %arg2[%dma_start3A_860, %dma_start3A_861] : memref<20000x128xf32, #tpu.memory_space<hbm>> -> memref<20000x128xf32, #tpu.memory_space<hbm>>
    tpu.enqueue_indirect_dma source(%dma_start3A_862 : memref<20000x128xf32, #tpu.memory_space<hbm>>) target(%arg11 : memref<128x128xf32, #tpu.memory_space<vmem>>) offsets(%dma_start3A_859 : memref<128xi32, #tpu.memory_space<vmem>>) semaphore(%arg14 : memref<!tpu.dma_semaphore, #tpu.memory_space<semaphore_mem>>)
    %dma_wait3A_863 = arith.constant 0 : i32
    %dma_wait3A_864 = arith.constant 512 : i32
    %dma_wait3A_865 = tpu.memref_slice %arg9[%dma_wait3A_863, %dma_wait3A_864] : memref<2x3328xi32, #tpu.memory_space<vmem>> -> memref<1x128xi32, #tpu.memory_space<vmem>>
    %dma_wait3A_866 = tpu.memref_squeeze %dma_wait3A_865 : memref<1x128xi32, #tpu.memory_space<vmem>> -> memref<128xi32, #tpu.memory_space<vmem>>
    %dma_wait3A_867 = arith.constant 0 : i32
    %dma_wait3A_868 = arith.constant 0 : i32
    %dma_wait3A_869 = tpu.memref_slice %arg2[%dma_wait3A_867, %dma_wait3A_868] : memref<20000x128xf32, #tpu.memory_space<hbm>> -> memref<20000x128xf32, #tpu.memory_space<hbm>>
    tpu.wait_indirect_dma semaphore(%arg13 : memref<!tpu.dma_semaphore, #tpu.memory_space<semaphore_mem>>) src(%dma_wait3A_869 : memref<20000x128xf32, #tpu.memory_space<hbm>>) dst(%arg10 : memref<128x128xf32, #tpu.memory_space<vmem>>)
    %dma_start3A_870 = arith.constant 1 : i32
    %dma_start3A_871 = arith.constant 512 : i32
    %dma_start3A_872 = tpu.memref_slice %arg9[%dma_start3A_870, %dma_start3A_871] : memref<2x3328xi32, #tpu.memory_space<vmem>> -> memref<1x128xi32, #tpu.memory_space<vmem>>
    %dma_start3A_873 = tpu.memref_squeeze %dma_start3A_872 : memref<1x128xi32, #tpu.memory_space<vmem>> -> memref<128xi32, #tpu.memory_space<vmem>>
    %dma_start3A_874 = arith.constant 0 : i32
    %dma_start3A_875 = arith.constant 0 : i32
    %dma_start3A_876 = tpu.memref_slice %arg12[%dma_start3A_874, %dma_start3A_875] : memref<10000x128xf32, #tpu.memory_space<vmem_shared>> -> memref<10000x128xf32, #tpu.memory_space<vmem_shared>>
    tpu.enqueue_indirect_dma source(%arg10 : memref<128x128xf32, #tpu.memory_space<vmem>>) target(%dma_start3A_876 : memref<10000x128xf32, #tpu.memory_space<vmem_shared>>) offsets(%dma_start3A_873 : memref<128xi32, #tpu.memory_space<vmem>>) semaphore(%arg15 : memref<!tpu.dma_semaphore, #tpu.memory_space<semaphore_mem>>) {add = true}
    %dma_wait3A_877 = arith.constant 1 : i32
    %dma_wait3A_878 = arith.constant 512 : i32
    %dma_wait3A_879 = tpu.memref_slice %arg9[%dma_wait3A_877, %dma_wait3A_878] : memref<2x3328xi32, #tpu.memory_space<vmem>> -> memref<1x128xi32, #tpu.memory_space<vmem>>
    %dma_wait3A_880 = tpu.memref_squeeze %dma_wait3A_879 : memref<1x128xi32, #tpu.memory_space<vmem>> -> memref<128xi32, #tpu.memory_space<vmem>>
    %dma_wait3A_881 = arith.constant 0 : i32
    %dma_wait3A_882 = arith.constant 0 : i32
    %dma_wait3A_883 = tpu.memref_slice %arg12[%dma_wait3A_881, %dma_wait3A_882] : memref<10000x128xf32, #tpu.memory_space<vmem_shared>> -> memref<10000x128xf32, #tpu.memory_space<vmem_shared>>
    tpu.wait_indirect_dma semaphore(%arg15 : memref<!tpu.dma_semaphore, #tpu.memory_space<semaphore_mem>>) src(%arg10 : memref<128x128xf32, #tpu.memory_space<vmem>>) dst(%dma_wait3A_883 : memref<10000x128xf32, #tpu.memory_space<vmem_shared>>)
    %dma_start3A_884 = arith.constant 0 : i32
    %dma_start3A_885 = arith.constant 768 : i32
    %dma_start3A_886 = tpu.memref_slice %arg9[%dma_start3A_884, %dma_start3A_885] : memref<2x3328xi32, #tpu.memory_space<vmem>> -> memref<1x128xi32, #tpu.memory_space<vmem>>
    %dma_start3A_887 = tpu.memref_squeeze %dma_start3A_886 : memref<1x128xi32, #tpu.memory_space<vmem>> -> memref<128xi32, #tpu.memory_space<vmem>>
    %dma_start3A_888 = arith.constant 0 : i32
    %dma_start3A_889 = arith.constant 0 : i32
    %dma_start3A_890 = tpu.memref_slice %arg2[%dma_start3A_888, %dma_start3A_889] : memref<20000x128xf32, #tpu.memory_space<hbm>> -> memref<20000x128xf32, #tpu.memory_space<hbm>>
    tpu.enqueue_indirect_dma source(%dma_start3A_890 : memref<20000x128xf32, #tpu.memory_space<hbm>>) target(%arg10 : memref<128x128xf32, #tpu.memory_space<vmem>>) offsets(%dma_start3A_887 : memref<128xi32, #tpu.memory_space<vmem>>) semaphore(%arg13 : memref<!tpu.dma_semaphore, #tpu.memory_space<semaphore_mem>>)
    %dma_wait3A_891 = arith.constant 0 : i32
    %dma_wait3A_892 = arith.constant 640 : i32
    %dma_wait3A_893 = tpu.memref_slice %arg9[%dma_wait3A_891, %dma_wait3A_892] : memref<2x3328xi32, #tpu.memory_space<vmem>> -> memref<1x128xi32, #tpu.memory_space<vmem>>
    %dma_wait3A_894 = tpu.memref_squeeze %dma_wait3A_893 : memref<1x128xi32, #tpu.memory_space<vmem>> -> memref<128xi32, #tpu.memory_space<vmem>>
    %dma_wait3A_895 = arith.constant 0 : i32
    %dma_wait3A_896 = arith.constant 0 : i32
    %dma_wait3A_897 = tpu.memref_slice %arg2[%dma_wait3A_895, %dma_wait3A_896] : memref<20000x128xf32, #tpu.memory_space<hbm>> -> memref<20000x128xf32, #tpu.memory_space<hbm>>
    tpu.wait_indirect_dma semaphore(%arg14 : memref<!tpu.dma_semaphore, #tpu.memory_space<semaphore_mem>>) src(%dma_wait3A_897 : memref<20000x128xf32, #tpu.memory_space<hbm>>) dst(%arg11 : memref<128x128xf32, #tpu.memory_space<vmem>>)
    %dma_start3A_898 = arith.constant 1 : i32
    %dma_start3A_899 = arith.constant 640 : i32
    %dma_start3A_900 = tpu.memref_slice %arg9[%dma_start3A_898, %dma_start3A_899] : memref<2x3328xi32, #tpu.memory_space<vmem>> -> memref<1x128xi32, #tpu.memory_space<vmem>>
    %dma_start3A_901 = tpu.memref_squeeze %dma_start3A_900 : memref<1x128xi32, #tpu.memory_space<vmem>> -> memref<128xi32, #tpu.memory_space<vmem>>
    %dma_start3A_902 = arith.constant 0 : i32
    %dma_start3A_903 = arith.constant 0 : i32
    %dma_start3A_904 = tpu.memref_slice %arg12[%dma_start3A_902, %dma_start3A_903] : memref<10000x128xf32, #tpu.memory_space<vmem_shared>> -> memref<10000x128xf32, #tpu.memory_space<vmem_shared>>
    tpu.enqueue_indirect_dma source(%arg11 : memref<128x128xf32, #tpu.memory_space<vmem>>) target(%dma_start3A_904 : memref<10000x128xf32, #tpu.memory_space<vmem_shared>>) offsets(%dma_start3A_901 : memref<128xi32, #tpu.memory_space<vmem>>) semaphore(%arg16 : memref<!tpu.dma_semaphore, #tpu.memory_space<semaphore_mem>>) {add = true}
    %dma_wait3A_905 = arith.constant 1 : i32
    %dma_wait3A_906 = arith.constant 640 : i32
    %dma_wait3A_907 = tpu.memref_slice %arg9[%dma_wait3A_905, %dma_wait3A_906] : memref<2x3328xi32, #tpu.memory_space<vmem>> -> memref<1x128xi32, #tpu.memory_space<vmem>>
    %dma_wait3A_908 = tpu.memref_squeeze %dma_wait3A_907 : memref<1x128xi32, #tpu.memory_space<vmem>> -> memref<128xi32, #tpu.memory_space<vmem>>
    %dma_wait3A_909 = arith.constant 0 : i32
    %dma_wait3A_910 = arith.constant 0 : i32
    %dma_wait3A_911 = tpu.memref_slice %arg12[%dma_wait3A_909, %dma_wait3A_910] : memref<10000x128xf32, #tpu.memory_space<vmem_shared>> -> memref<10000x128xf32, #tpu.memory_space<vmem_shared>>
    tpu.wait_indirect_dma semaphore(%arg16 : memref<!tpu.dma_semaphore, #tpu.memory_space<semaphore_mem>>) src(%arg11 : memref<128x128xf32, #tpu.memory_space<vmem>>) dst(%dma_wait3A_911 : memref<10000x128xf32, #tpu.memory_space<vmem_shared>>)
    %dma_start3A_912 = arith.constant 0 : i32
    %dma_start3A_913 = arith.constant 896 : i32
    %dma_start3A_914 = tpu.memref_slice %arg9[%dma_start3A_912, %dma_start3A_913] : memref<2x3328xi32, #tpu.memory_space<vmem>> -> memref<1x128xi32, #tpu.memory_space<vmem>>
    %dma_start3A_915 = tpu.memref_squeeze %dma_start3A_914 : memref<1x128xi32, #tpu.memory_space<vmem>> -> memref<128xi32, #tpu.memory_space<vmem>>
    %dma_start3A_916 = arith.constant 0 : i32
    %dma_start3A_917 = arith.constant 0 : i32
    %dma_start3A_918 = tpu.memref_slice %arg2[%dma_start3A_916, %dma_start3A_917] : memref<20000x128xf32, #tpu.memory_space<hbm>> -> memref<20000x128xf32, #tpu.memory_space<hbm>>
    tpu.enqueue_indirect_dma source(%dma_start3A_918 : memref<20000x128xf32, #tpu.memory_space<hbm>>) target(%arg11 : memref<128x128xf32, #tpu.memory_space<vmem>>) offsets(%dma_start3A_915 : memref<128xi32, #tpu.memory_space<vmem>>) semaphore(%arg14 : memref<!tpu.dma_semaphore, #tpu.memory_space<semaphore_mem>>)
    %dma_wait3A_919 = arith.constant 0 : i32
    %dma_wait3A_920 = arith.constant 768 : i32
    %dma_wait3A_921 = tpu.memref_slice %arg9[%dma_wait3A_919, %dma_wait3A_920] : memref<2x3328xi32, #tpu.memory_space<vmem>> -> memref<1x128xi32, #tpu.memory_space<vmem>>
    %dma_wait3A_922 = tpu.memref_squeeze %dma_wait3A_921 : memref<1x128xi32, #tpu.memory_space<vmem>> -> memref<128xi32, #tpu.memory_space<vmem>>
    %dma_wait3A_923 = arith.constant 0 : i32
    %dma_wait3A_924 = arith.constant 0 : i32
    %dma_wait3A_925 = tpu.memref_slice %arg2[%dma_wait3A_923, %dma_wait3A_924] : memref<20000x128xf32, #tpu.memory_space<hbm>> -> memref<20000x128xf32, #tpu.memory_space<hbm>>
    tpu.wait_indirect_dma semaphore(%arg13 : memref<!tpu.dma_semaphore, #tpu.memory_space<semaphore_mem>>) src(%dma_wait3A_925 : memref<20000x128xf32, #tpu.memory_space<hbm>>) dst(%arg10 : memref<128x128xf32, #tpu.memory_space<vmem>>)
    %dma_start3A_926 = arith.constant 1 : i32
    %dma_start3A_927 = arith.constant 768 : i32
    %dma_start3A_928 = tpu.memref_slice %arg9[%dma_start3A_926, %dma_start3A_927] : memref<2x3328xi32, #tpu.memory_space<vmem>> -> memref<1x128xi32, #tpu.memory_space<vmem>>
    %dma_start3A_929 = tpu.memref_squeeze %dma_start3A_928 : memref<1x128xi32, #tpu.memory_space<vmem>> -> memref<128xi32, #tpu.memory_space<vmem>>
    %dma_start3A_930 = arith.constant 0 : i32
    %dma_start3A_931 = arith.constant 0 : i32
    %dma_start3A_932 = tpu.memref_slice %arg12[%dma_start3A_930, %dma_start3A_931] : memref<10000x128xf32, #tpu.memory_space<vmem_shared>> -> memref<10000x128xf32, #tpu.memory_space<vmem_shared>>
    tpu.enqueue_indirect_dma source(%arg10 : memref<128x128xf32, #tpu.memory_space<vmem>>) target(%dma_start3A_932 : memref<10000x128xf32, #tpu.memory_space<vmem_shared>>) offsets(%dma_start3A_929 : memref<128xi32, #tpu.memory_space<vmem>>) semaphore(%arg15 : memref<!tpu.dma_semaphore, #tpu.memory_space<semaphore_mem>>) {add = true}
    %dma_wait3A_933 = arith.constant 1 : i32
    %dma_wait3A_934 = arith.constant 768 : i32
    %dma_wait3A_935 = tpu.memref_slice %arg9[%dma_wait3A_933, %dma_wait3A_934] : memref<2x3328xi32, #tpu.memory_space<vmem>> -> memref<1x128xi32, #tpu.memory_space<vmem>>
    %dma_wait3A_936 = tpu.memref_squeeze %dma_wait3A_935 : memref<1x128xi32, #tpu.memory_space<vmem>> -> memref<128xi32, #tpu.memory_space<vmem>>
    %dma_wait3A_937 = arith.constant 0 : i32
    %dma_wait3A_938 = arith.constant 0 : i32
    %dma_wait3A_939 = tpu.memref_slice %arg12[%dma_wait3A_937, %dma_wait3A_938] : memref<10000x128xf32, #tpu.memory_space<vmem_shared>> -> memref<10000x128xf32, #tpu.memory_space<vmem_shared>>
    tpu.wait_indirect_dma semaphore(%arg15 : memref<!tpu.dma_semaphore, #tpu.memory_space<semaphore_mem>>) src(%arg10 : memref<128x128xf32, #tpu.memory_space<vmem>>) dst(%dma_wait3A_939 : memref<10000x128xf32, #tpu.memory_space<vmem_shared>>)
    %dma_start3A_940 = arith.constant 0 : i32
    %dma_start3A_941 = arith.constant 1024 : i32
    %dma_start3A_942 = tpu.memref_slice %arg9[%dma_start3A_940, %dma_start3A_941] : memref<2x3328xi32, #tpu.memory_space<vmem>> -> memref<1x128xi32, #tpu.memory_space<vmem>>
    %dma_start3A_943 = tpu.memref_squeeze %dma_start3A_942 : memref<1x128xi32, #tpu.memory_space<vmem>> -> memref<128xi32, #tpu.memory_space<vmem>>
    %dma_start3A_944 = arith.constant 0 : i32
    %dma_start3A_945 = arith.constant 0 : i32
    %dma_start3A_946 = tpu.memref_slice %arg2[%dma_start3A_944, %dma_start3A_945] : memref<20000x128xf32, #tpu.memory_space<hbm>> -> memref<20000x128xf32, #tpu.memory_space<hbm>>
    tpu.enqueue_indirect_dma source(%dma_start3A_946 : memref<20000x128xf32, #tpu.memory_space<hbm>>) target(%arg10 : memref<128x128xf32, #tpu.memory_space<vmem>>) offsets(%dma_start3A_943 : memref<128xi32, #tpu.memory_space<vmem>>) semaphore(%arg13 : memref<!tpu.dma_semaphore, #tpu.memory_space<semaphore_mem>>)
    %dma_wait3A_947 = arith.constant 0 : i32
    %dma_wait3A_948 = arith.constant 896 : i32
    %dma_wait3A_949 = tpu.memref_slice %arg9[%dma_wait3A_947, %dma_wait3A_948] : memref<2x3328xi32, #tpu.memory_space<vmem>> -> memref<1x128xi32, #tpu.memory_space<vmem>>
    %dma_wait3A_950 = tpu.memref_squeeze %dma_wait3A_949 : memref<1x128xi32, #tpu.memory_space<vmem>> -> memref<128xi32, #tpu.memory_space<vmem>>
    %dma_wait3A_951 = arith.constant 0 : i32
    %dma_wait3A_952 = arith.constant 0 : i32
    %dma_wait3A_953 = tpu.memref_slice %arg2[%dma_wait3A_951, %dma_wait3A_952] : memref<20000x128xf32, #tpu.memory_space<hbm>> -> memref<20000x128xf32, #tpu.memory_space<hbm>>
    tpu.wait_indirect_dma semaphore(%arg14 : memref<!tpu.dma_semaphore, #tpu.memory_space<semaphore_mem>>) src(%dma_wait3A_953 : memref<20000x128xf32, #tpu.memory_space<hbm>>) dst(%arg11 : memref<128x128xf32, #tpu.memory_space<vmem>>)
    %dma_start3A_954 = arith.constant 1 : i32
    %dma_start3A_955 = arith.constant 896 : i32
    %dma_start3A_956 = tpu.memref_slice %arg9[%dma_start3A_954, %dma_start3A_955] : memref<2x3328xi32, #tpu.memory_space<vmem>> -> memref<1x128xi32, #tpu.memory_space<vmem>>
    %dma_start3A_957 = tpu.memref_squeeze %dma_start3A_956 : memref<1x128xi32, #tpu.memory_space<vmem>> -> memref<128xi32, #tpu.memory_space<vmem>>
    %dma_start3A_958 = arith.constant 0 : i32
    %dma_start3A_959 = arith.constant 0 : i32
    %dma_start3A_960 = tpu.memref_slice %arg12[%dma_start3A_958, %dma_start3A_959] : memref<10000x128xf32, #tpu.memory_space<vmem_shared>> -> memref<10000x128xf32, #tpu.memory_space<vmem_shared>>
    tpu.enqueue_indirect_dma source(%arg11 : memref<128x128xf32, #tpu.memory_space<vmem>>) target(%dma_start3A_960 : memref<10000x128xf32, #tpu.memory_space<vmem_shared>>) offsets(%dma_start3A_957 : memref<128xi32, #tpu.memory_space<vmem>>) semaphore(%arg16 : memref<!tpu.dma_semaphore, #tpu.memory_space<semaphore_mem>>) {add = true}
    %dma_wait3A_961 = arith.constant 1 : i32
    %dma_wait3A_962 = arith.constant 896 : i32
    %dma_wait3A_963 = tpu.memref_slice %arg9[%dma_wait3A_961, %dma_wait3A_962] : memref<2x3328xi32, #tpu.memory_space<vmem>> -> memref<1x128xi32, #tpu.memory_space<vmem>>
    %dma_wait3A_964 = tpu.memref_squeeze %dma_wait3A_963 : memref<1x128xi32, #tpu.memory_space<vmem>> -> memref<128xi32, #tpu.memory_space<vmem>>
    %dma_wait3A_965 = arith.constant 0 : i32
    %dma_wait3A_966 = arith.constant 0 : i32
    %dma_wait3A_967 = tpu.memref_slice %arg12[%dma_wait3A_965, %dma_wait3A_966] : memref<10000x128xf32, #tpu.memory_space<vmem_shared>> -> memref<10000x128xf32, #tpu.memory_space<vmem_shared>>
    tpu.wait_indirect_dma semaphore(%arg16 : memref<!tpu.dma_semaphore, #tpu.memory_space<semaphore_mem>>) src(%arg11 : memref<128x128xf32, #tpu.memory_space<vmem>>) dst(%dma_wait3A_967 : memref<10000x128xf32, #tpu.memory_space<vmem_shared>>)
    %dma_start3A_968 = arith.constant 0 : i32
    %dma_start3A_969 = arith.constant 1152 : i32
    %dma_start3A_970 = tpu.memref_slice %arg9[%dma_start3A_968, %dma_start3A_969] : memref<2x3328xi32, #tpu.memory_space<vmem>> -> memref<1x128xi32, #tpu.memory_space<vmem>>
    %dma_start3A_971 = tpu.memref_squeeze %dma_start3A_970 : memref<1x128xi32, #tpu.memory_space<vmem>> -> memref<128xi32, #tpu.memory_space<vmem>>
    %dma_start3A_972 = arith.constant 0 : i32
    %dma_start3A_973 = arith.constant 0 : i32
    %dma_start3A_974 = tpu.memref_slice %arg2[%dma_start3A_972, %dma_start3A_973] : memref<20000x128xf32, #tpu.memory_space<hbm>> -> memref<20000x128xf32, #tpu.memory_space<hbm>>
    tpu.enqueue_indirect_dma source(%dma_start3A_974 : memref<20000x128xf32, #tpu.memory_space<hbm>>) target(%arg11 : memref<128x128xf32, #tpu.memory_space<vmem>>) offsets(%dma_start3A_971 : memref<128xi32, #tpu.memory_space<vmem>>) semaphore(%arg14 : memref<!tpu.dma_semaphore, #tpu.memory_space<semaphore_mem>>)
    %dma_wait3A_975 = arith.constant 0 : i32
    %dma_wait3A_976 = arith.constant 1024 : i32
    %dma_wait3A_977 = tpu.memref_slice %arg9[%dma_wait3A_975, %dma_wait3A_976] : memref<2x3328xi32, #tpu.memory_space<vmem>> -> memref<1x128xi32, #tpu.memory_space<vmem>>
    %dma_wait3A_978 = tpu.memref_squeeze %dma_wait3A_977 : memref<1x128xi32, #tpu.memory_space<vmem>> -> memref<128xi32, #tpu.memory_space<vmem>>
    %dma_wait3A_979 = arith.constant 0 : i32
    %dma_wait3A_980 = arith.constant 0 : i32
    %dma_wait3A_981 = tpu.memref_slice %arg2[%dma_wait3A_979, %dma_wait3A_980] : memref<20000x128xf32, #tpu.memory_space<hbm>> -> memref<20000x128xf32, #tpu.memory_space<hbm>>
    tpu.wait_indirect_dma semaphore(%arg13 : memref<!tpu.dma_semaphore, #tpu.memory_space<semaphore_mem>>) src(%dma_wait3A_981 : memref<20000x128xf32, #tpu.memory_space<hbm>>) dst(%arg10 : memref<128x128xf32, #tpu.memory_space<vmem>>)
    %dma_start3A_982 = arith.constant 1 : i32
    %dma_start3A_983 = arith.constant 1024 : i32
    %dma_start3A_984 = tpu.memref_slice %arg9[%dma_start3A_982, %dma_start3A_983] : memref<2x3328xi32, #tpu.memory_space<vmem>> -> memref<1x128xi32, #tpu.memory_space<vmem>>
    %dma_start3A_985 = tpu.memref_squeeze %dma_start3A_984 : memref<1x128xi32, #tpu.memory_space<vmem>> -> memref<128xi32, #tpu.memory_space<vmem>>
    %dma_start3A_986 = arith.constant 0 : i32
    %dma_start3A_987 = arith.constant 0 : i32
    %dma_start3A_988 = tpu.memref_slice %arg12[%dma_start3A_986, %dma_start3A_987] : memref<10000x128xf32, #tpu.memory_space<vmem_shared>> -> memref<10000x128xf32, #tpu.memory_space<vmem_shared>>
    tpu.enqueue_indirect_dma source(%arg10 : memref<128x128xf32, #tpu.memory_space<vmem>>) target(%dma_start3A_988 : memref<10000x128xf32, #tpu.memory_space<vmem_shared>>) offsets(%dma_start3A_985 : memref<128xi32, #tpu.memory_space<vmem>>) semaphore(%arg15 : memref<!tpu.dma_semaphore, #tpu.memory_space<semaphore_mem>>) {add = true}
    %dma_wait3A_989 = arith.constant 1 : i32
    %dma_wait3A_990 = arith.constant 1024 : i32
    %dma_wait3A_991 = tpu.memref_slice %arg9[%dma_wait3A_989, %dma_wait3A_990] : memref<2x3328xi32, #tpu.memory_space<vmem>> -> memref<1x128xi32, #tpu.memory_space<vmem>>
    %dma_wait3A_992 = tpu.memref_squeeze %dma_wait3A_991 : memref<1x128xi32, #tpu.memory_space<vmem>> -> memref<128xi32, #tpu.memory_space<vmem>>
    %dma_wait3A_993 = arith.constant 0 : i32
    %dma_wait3A_994 = arith.constant 0 : i32
    %dma_wait3A_995 = tpu.memref_slice %arg12[%dma_wait3A_993, %dma_wait3A_994] : memref<10000x128xf32, #tpu.memory_space<vmem_shared>> -> memref<10000x128xf32, #tpu.memory_space<vmem_shared>>
    tpu.wait_indirect_dma semaphore(%arg15 : memref<!tpu.dma_semaphore, #tpu.memory_space<semaphore_mem>>) src(%arg10 : memref<128x128xf32, #tpu.memory_space<vmem>>) dst(%dma_wait3A_995 : memref<10000x128xf32, #tpu.memory_space<vmem_shared>>)
    %dma_start3A_996 = arith.constant 0 : i32
    %dma_start3A_997 = arith.constant 1280 : i32
    %dma_start3A_998 = tpu.memref_slice %arg9[%dma_start3A_996, %dma_start3A_997] : memref<2x3328xi32, #tpu.memory_space<vmem>> -> memref<1x128xi32, #tpu.memory_space<vmem>>
    %dma_start3A_999 = tpu.memref_squeeze %dma_start3A_998 : memref<1x128xi32, #tpu.memory_space<vmem>> -> memref<128xi32, #tpu.memory_space<vmem>>
    %dma_start3A_1000 = arith.constant 0 : i32
    %dma_start3A_1001 = arith.constant 0 : i32
    %dma_start3A_1002 = tpu.memref_slice %arg2[%dma_start3A_1000, %dma_start3A_1001] : memref<20000x128xf32, #tpu.memory_space<hbm>> -> memref<20000x128xf32, #tpu.memory_space<hbm>>
    tpu.enqueue_indirect_dma source(%dma_start3A_1002 : memref<20000x128xf32, #tpu.memory_space<hbm>>) target(%arg10 : memref<128x128xf32, #tpu.memory_space<vmem>>) offsets(%dma_start3A_999 : memref<128xi32, #tpu.memory_space<vmem>>) semaphore(%arg13 : memref<!tpu.dma_semaphore, #tpu.memory_space<semaphore_mem>>)
    %dma_wait3A_1003 = arith.constant 0 : i32
    %dma_wait3A_1004 = arith.constant 1152 : i32
    %dma_wait3A_1005 = tpu.memref_slice %arg9[%dma_wait3A_1003, %dma_wait3A_1004] : memref<2x3328xi32, #tpu.memory_space<vmem>> -> memref<1x128xi32, #tpu.memory_space<vmem>>
    %dma_wait3A_1006 = tpu.memref_squeeze %dma_wait3A_1005 : memref<1x128xi32, #tpu.memory_space<vmem>> -> memref<128xi32, #tpu.memory_space<vmem>>
    %dma_wait3A_1007 = arith.constant 0 : i32
    %dma_wait3A_1008 = arith.constant 0 : i32
    %dma_wait3A_1009 = tpu.memref_slice %arg2[%dma_wait3A_1007, %dma_wait3A_1008] : memref<20000x128xf32, #tpu.memory_space<hbm>> -> memref<20000x128xf32, #tpu.memory_space<hbm>>
    tpu.wait_indirect_dma semaphore(%arg14 : memref<!tpu.dma_semaphore, #tpu.memory_space<semaphore_mem>>) src(%dma_wait3A_1009 : memref<20000x128xf32, #tpu.memory_space<hbm>>) dst(%arg11 : memref<128x128xf32, #tpu.memory_space<vmem>>)
    %dma_start3A_1010 = arith.constant 1 : i32
    %dma_start3A_1011 = arith.constant 1152 : i32
    %dma_start3A_1012 = tpu.memref_slice %arg9[%dma_start3A_1010, %dma_start3A_1011] : memref<2x3328xi32, #tpu.memory_space<vmem>> -> memref<1x128xi32, #tpu.memory_space<vmem>>
    %dma_start3A_1013 = tpu.memref_squeeze %dma_start3A_1012 : memref<1x128xi32, #tpu.memory_space<vmem>> -> memref<128xi32, #tpu.memory_space<vmem>>
    %dma_start3A_1014 = arith.constant 0 : i32
    %dma_start3A_1015 = arith.constant 0 : i32
    %dma_start3A_1016 = tpu.memref_slice %arg12[%dma_start3A_1014, %dma_start3A_1015] : memref<10000x128xf32, #tpu.memory_space<vmem_shared>> -> memref<10000x128xf32, #tpu.memory_space<vmem_shared>>
    tpu.enqueue_indirect_dma source(%arg11 : memref<128x128xf32, #tpu.memory_space<vmem>>) target(%dma_start3A_1016 : memref<10000x128xf32, #tpu.memory_space<vmem_shared>>) offsets(%dma_start3A_1013 : memref<128xi32, #tpu.memory_space<vmem>>) semaphore(%arg16 : memref<!tpu.dma_semaphore, #tpu.memory_space<semaphore_mem>>) {add = true}
    %dma_wait3A_1017 = arith.constant 1 : i32
    %dma_wait3A_1018 = arith.constant 1152 : i32
    %dma_wait3A_1019 = tpu.memref_slice %arg9[%dma_wait3A_1017, %dma_wait3A_1018] : memref<2x3328xi32, #tpu.memory_space<vmem>> -> memref<1x128xi32, #tpu.memory_space<vmem>>
    %dma_wait3A_1020 = tpu.memref_squeeze %dma_wait3A_1019 : memref<1x128xi32, #tpu.memory_space<vmem>> -> memref<128xi32, #tpu.memory_space<vmem>>
    %dma_wait3A_1021 = arith.constant 0 : i32
    %dma_wait3A_1022 = arith.constant 0 : i32
    %dma_wait3A_1023 = tpu.memref_slice %arg12[%dma_wait3A_1021, %dma_wait3A_1022] : memref<10000x128xf32, #tpu.memory_space<vmem_shared>> -> memref<10000x128xf32, #tpu.memory_space<vmem_shared>>
    tpu.wait_indirect_dma semaphore(%arg16 : memref<!tpu.dma_semaphore, #tpu.memory_space<semaphore_mem>>) src(%arg11 : memref<128x128xf32, #tpu.memory_space<vmem>>) dst(%dma_wait3A_1023 : memref<10000x128xf32, #tpu.memory_space<vmem_shared>>)
    %dma_start3A_1024 = arith.constant 0 : i32
    %dma_start3A_1025 = arith.constant 1408 : i32
    %dma_start3A_1026 = tpu.memref_slice %arg9[%dma_start3A_1024, %dma_start3A_1025] : memref<2x3328xi32, #tpu.memory_space<vmem>> -> memref<1x128xi32, #tpu.memory_space<vmem>>
    %dma_start3A_1027 = tpu.memref_squeeze %dma_start3A_1026 : memref<1x128xi32, #tpu.memory_space<vmem>> -> memref<128xi32, #tpu.memory_space<vmem>>
    %dma_start3A_1028 = arith.constant 0 : i32
    %dma_start3A_1029 = arith.constant 0 : i32
    %dma_start3A_1030 = tpu.memref_slice %arg2[%dma_start3A_1028, %dma_start3A_1029] : memref<20000x128xf32, #tpu.memory_space<hbm>> -> memref<20000x128xf32, #tpu.memory_space<hbm>>
    tpu.enqueue_indirect_dma source(%dma_start3A_1030 : memref<20000x128xf32, #tpu.memory_space<hbm>>) target(%arg11 : memref<128x128xf32, #tpu.memory_space<vmem>>) offsets(%dma_start3A_1027 : memref<128xi32, #tpu.memory_space<vmem>>) semaphore(%arg14 : memref<!tpu.dma_semaphore, #tpu.memory_space<semaphore_mem>>)
    %dma_wait3A_1031 = arith.constant 0 : i32
    %dma_wait3A_1032 = arith.constant 1280 : i32
    %dma_wait3A_1033 = tpu.memref_slice %arg9[%dma_wait3A_1031, %dma_wait3A_1032] : memref<2x3328xi32, #tpu.memory_space<vmem>> -> memref<1x128xi32, #tpu.memory_space<vmem>>
    %dma_wait3A_1034 = tpu.memref_squeeze %dma_wait3A_1033 : memref<1x128xi32, #tpu.memory_space<vmem>> -> memref<128xi32, #tpu.memory_space<vmem>>
    %dma_wait3A_1035 = arith.constant 0 : i32
    %dma_wait3A_1036 = arith.constant 0 : i32
    %dma_wait3A_1037 = tpu.memref_slice %arg2[%dma_wait3A_1035, %dma_wait3A_1036] : memref<20000x128xf32, #tpu.memory_space<hbm>> -> memref<20000x128xf32, #tpu.memory_space<hbm>>
    tpu.wait_indirect_dma semaphore(%arg13 : memref<!tpu.dma_semaphore, #tpu.memory_space<semaphore_mem>>) src(%dma_wait3A_1037 : memref<20000x128xf32, #tpu.memory_space<hbm>>) dst(%arg10 : memref<128x128xf32, #tpu.memory_space<vmem>>)
    %dma_start3A_1038 = arith.constant 1 : i32
    %dma_start3A_1039 = arith.constant 1280 : i32
    %dma_start3A_1040 = tpu.memref_slice %arg9[%dma_start3A_1038, %dma_start3A_1039] : memref<2x3328xi32, #tpu.memory_space<vmem>> -> memref<1x128xi32, #tpu.memory_space<vmem>>
    %dma_start3A_1041 = tpu.memref_squeeze %dma_start3A_1040 : memref<1x128xi32, #tpu.memory_space<vmem>> -> memref<128xi32, #tpu.memory_space<vmem>>
    %dma_start3A_1042 = arith.constant 0 : i32
    %dma_start3A_1043 = arith.constant 0 : i32
    %dma_start3A_1044 = tpu.memref_slice %arg12[%dma_start3A_1042, %dma_start3A_1043] : memref<10000x128xf32, #tpu.memory_space<vmem_shared>> -> memref<10000x128xf32, #tpu.memory_space<vmem_shared>>
    tpu.enqueue_indirect_dma source(%arg10 : memref<128x128xf32, #tpu.memory_space<vmem>>) target(%dma_start3A_1044 : memref<10000x128xf32, #tpu.memory_space<vmem_shared>>) offsets(%dma_start3A_1041 : memref<128xi32, #tpu.memory_space<vmem>>) semaphore(%arg15 : memref<!tpu.dma_semaphore, #tpu.memory_space<semaphore_mem>>) {add = true}
    %dma_wait3A_1045 = arith.constant 1 : i32
    %dma_wait3A_1046 = arith.constant 1280 : i32
    %dma_wait3A_1047 = tpu.memref_slice %arg9[%dma_wait3A_1045, %dma_wait3A_1046] : memref<2x3328xi32, #tpu.memory_space<vmem>> -> memref<1x128xi32, #tpu.memory_space<vmem>>
    %dma_wait3A_1048 = tpu.memref_squeeze %dma_wait3A_1047 : memref<1x128xi32, #tpu.memory_space<vmem>> -> memref<128xi32, #tpu.memory_space<vmem>>
    %dma_wait3A_1049 = arith.constant 0 : i32
    %dma_wait3A_1050 = arith.constant 0 : i32
    %dma_wait3A_1051 = tpu.memref_slice %arg12[%dma_wait3A_1049, %dma_wait3A_1050] : memref<10000x128xf32, #tpu.memory_space<vmem_shared>> -> memref<10000x128xf32, #tpu.memory_space<vmem_shared>>
    tpu.wait_indirect_dma semaphore(%arg15 : memref<!tpu.dma_semaphore, #tpu.memory_space<semaphore_mem>>) src(%arg10 : memref<128x128xf32, #tpu.memory_space<vmem>>) dst(%dma_wait3A_1051 : memref<10000x128xf32, #tpu.memory_space<vmem_shared>>)
    %dma_start3A_1052 = arith.constant 0 : i32
    %dma_start3A_1053 = arith.constant 1536 : i32
    %dma_start3A_1054 = tpu.memref_slice %arg9[%dma_start3A_1052, %dma_start3A_1053] : memref<2x3328xi32, #tpu.memory_space<vmem>> -> memref<1x128xi32, #tpu.memory_space<vmem>>
    %dma_start3A_1055 = tpu.memref_squeeze %dma_start3A_1054 : memref<1x128xi32, #tpu.memory_space<vmem>> -> memref<128xi32, #tpu.memory_space<vmem>>
    %dma_start3A_1056 = arith.constant 0 : i32
    %dma_start3A_1057 = arith.constant 0 : i32
    %dma_start3A_1058 = tpu.memref_slice %arg2[%dma_start3A_1056, %dma_start3A_1057] : memref<20000x128xf32, #tpu.memory_space<hbm>> -> memref<20000x128xf32, #tpu.memory_space<hbm>>
    tpu.enqueue_indirect_dma source(%dma_start3A_1058 : memref<20000x128xf32, #tpu.memory_space<hbm>>) target(%arg10 : memref<128x128xf32, #tpu.memory_space<vmem>>) offsets(%dma_start3A_1055 : memref<128xi32, #tpu.memory_space<vmem>>) semaphore(%arg13 : memref<!tpu.dma_semaphore, #tpu.memory_space<semaphore_mem>>)
    %dma_wait3A_1059 = arith.constant 0 : i32
    %dma_wait3A_1060 = arith.constant 1408 : i32
    %dma_wait3A_1061 = tpu.memref_slice %arg9[%dma_wait3A_1059, %dma_wait3A_1060] : memref<2x3328xi32, #tpu.memory_space<vmem>> -> memref<1x128xi32, #tpu.memory_space<vmem>>
    %dma_wait3A_1062 = tpu.memref_squeeze %dma_wait3A_1061 : memref<1x128xi32, #tpu.memory_space<vmem>> -> memref<128xi32, #tpu.memory_space<vmem>>
    %dma_wait3A_1063 = arith.constant 0 : i32
    %dma_wait3A_1064 = arith.constant 0 : i32
    %dma_wait3A_1065 = tpu.memref_slice %arg2[%dma_wait3A_1063, %dma_wait3A_1064] : memref<20000x128xf32, #tpu.memory_space<hbm>> -> memref<20000x128xf32, #tpu.memory_space<hbm>>
    tpu.wait_indirect_dma semaphore(%arg14 : memref<!tpu.dma_semaphore, #tpu.memory_space<semaphore_mem>>) src(%dma_wait3A_1065 : memref<20000x128xf32, #tpu.memory_space<hbm>>) dst(%arg11 : memref<128x128xf32, #tpu.memory_space<vmem>>)
    %dma_start3A_1066 = arith.constant 1 : i32
    %dma_start3A_1067 = arith.constant 1408 : i32
    %dma_start3A_1068 = tpu.memref_slice %arg9[%dma_start3A_1066, %dma_start3A_1067] : memref<2x3328xi32, #tpu.memory_space<vmem>> -> memref<1x128xi32, #tpu.memory_space<vmem>>
    %dma_start3A_1069 = tpu.memref_squeeze %dma_start3A_1068 : memref<1x128xi32, #tpu.memory_space<vmem>> -> memref<128xi32, #tpu.memory_space<vmem>>
    %dma_start3A_1070 = arith.constant 0 : i32
    %dma_start3A_1071 = arith.constant 0 : i32
    %dma_start3A_1072 = tpu.memref_slice %arg12[%dma_start3A_1070, %dma_start3A_1071] : memref<10000x128xf32, #tpu.memory_space<vmem_shared>> -> memref<10000x128xf32, #tpu.memory_space<vmem_shared>>
    tpu.enqueue_indirect_dma source(%arg11 : memref<128x128xf32, #tpu.memory_space<vmem>>) target(%dma_start3A_1072 : memref<10000x128xf32, #tpu.memory_space<vmem_shared>>) offsets(%dma_start3A_1069 : memref<128xi32, #tpu.memory_space<vmem>>) semaphore(%arg16 : memref<!tpu.dma_semaphore, #tpu.memory_space<semaphore_mem>>) {add = true}
    %dma_wait3A_1073 = arith.constant 1 : i32
    %dma_wait3A_1074 = arith.constant 1408 : i32
    %dma_wait3A_1075 = tpu.memref_slice %arg9[%dma_wait3A_1073, %dma_wait3A_1074] : memref<2x3328xi32, #tpu.memory_space<vmem>> -> memref<1x128xi32, #tpu.memory_space<vmem>>
    %dma_wait3A_1076 = tpu.memref_squeeze %dma_wait3A_1075 : memref<1x128xi32, #tpu.memory_space<vmem>> -> memref<128xi32, #tpu.memory_space<vmem>>
    %dma_wait3A_1077 = arith.constant 0 : i32
    %dma_wait3A_1078 = arith.constant 0 : i32
    %dma_wait3A_1079 = tpu.memref_slice %arg12[%dma_wait3A_1077, %dma_wait3A_1078] : memref<10000x128xf32, #tpu.memory_space<vmem_shared>> -> memref<10000x128xf32, #tpu.memory_space<vmem_shared>>
    tpu.wait_indirect_dma semaphore(%arg16 : memref<!tpu.dma_semaphore, #tpu.memory_space<semaphore_mem>>) src(%arg11 : memref<128x128xf32, #tpu.memory_space<vmem>>) dst(%dma_wait3A_1079 : memref<10000x128xf32, #tpu.memory_space<vmem_shared>>)
    %dma_start3A_1080 = arith.constant 0 : i32
    %dma_start3A_1081 = arith.constant 1664 : i32
    %dma_start3A_1082 = tpu.memref_slice %arg9[%dma_start3A_1080, %dma_start3A_1081] : memref<2x3328xi32, #tpu.memory_space<vmem>> -> memref<1x128xi32, #tpu.memory_space<vmem>>
    %dma_start3A_1083 = tpu.memref_squeeze %dma_start3A_1082 : memref<1x128xi32, #tpu.memory_space<vmem>> -> memref<128xi32, #tpu.memory_space<vmem>>
    %dma_start3A_1084 = arith.constant 0 : i32
    %dma_start3A_1085 = arith.constant 0 : i32
    %dma_start3A_1086 = tpu.memref_slice %arg2[%dma_start3A_1084, %dma_start3A_1085] : memref<20000x128xf32, #tpu.memory_space<hbm>> -> memref<20000x128xf32, #tpu.memory_space<hbm>>
    tpu.enqueue_indirect_dma source(%dma_start3A_1086 : memref<20000x128xf32, #tpu.memory_space<hbm>>) target(%arg11 : memref<128x128xf32, #tpu.memory_space<vmem>>) offsets(%dma_start3A_1083 : memref<128xi32, #tpu.memory_space<vmem>>) semaphore(%arg14 : memref<!tpu.dma_semaphore, #tpu.memory_space<semaphore_mem>>)
    %dma_wait3A_1087 = arith.constant 0 : i32
    %dma_wait3A_1088 = arith.constant 1536 : i32
    %dma_wait3A_1089 = tpu.memref_slice %arg9[%dma_wait3A_1087, %dma_wait3A_1088] : memref<2x3328xi32, #tpu.memory_space<vmem>> -> memref<1x128xi32, #tpu.memory_space<vmem>>
    %dma_wait3A_1090 = tpu.memref_squeeze %dma_wait3A_1089 : memref<1x128xi32, #tpu.memory_space<vmem>> -> memref<128xi32, #tpu.memory_space<vmem>>
    %dma_wait3A_1091 = arith.constant 0 : i32
    %dma_wait3A_1092 = arith.constant 0 : i32
    %dma_wait3A_1093 = tpu.memref_slice %arg2[%dma_wait3A_1091, %dma_wait3A_1092] : memref<20000x128xf32, #tpu.memory_space<hbm>> -> memref<20000x128xf32, #tpu.memory_space<hbm>>
    tpu.wait_indirect_dma semaphore(%arg13 : memref<!tpu.dma_semaphore, #tpu.memory_space<semaphore_mem>>) src(%dma_wait3A_1093 : memref<20000x128xf32, #tpu.memory_space<hbm>>) dst(%arg10 : memref<128x128xf32, #tpu.memory_space<vmem>>)
    %dma_start3A_1094 = arith.constant 1 : i32
    %dma_start3A_1095 = arith.constant 1536 : i32
    %dma_start3A_1096 = tpu.memref_slice %arg9[%dma_start3A_1094, %dma_start3A_1095] : memref<2x3328xi32, #tpu.memory_space<vmem>> -> memref<1x128xi32, #tpu.memory_space<vmem>>
    %dma_start3A_1097 = tpu.memref_squeeze %dma_start3A_1096 : memref<1x128xi32, #tpu.memory_space<vmem>> -> memref<128xi32, #tpu.memory_space<vmem>>
    %dma_start3A_1098 = arith.constant 0 : i32
    %dma_start3A_1099 = arith.constant 0 : i32
    %dma_start3A_1100 = tpu.memref_slice %arg12[%dma_start3A_1098, %dma_start3A_1099] : memref<10000x128xf32, #tpu.memory_space<vmem_shared>> -> memref<10000x128xf32, #tpu.memory_space<vmem_shared>>
    tpu.enqueue_indirect_dma source(%arg10 : memref<128x128xf32, #tpu.memory_space<vmem>>) target(%dma_start3A_1100 : memref<10000x128xf32, #tpu.memory_space<vmem_shared>>) offsets(%dma_start3A_1097 : memref<128xi32, #tpu.memory_space<vmem>>) semaphore(%arg15 : memref<!tpu.dma_semaphore, #tpu.memory_space<semaphore_mem>>) {add = true}
    %dma_wait3A_1101 = arith.constant 1 : i32
    %dma_wait3A_1102 = arith.constant 1536 : i32
    %dma_wait3A_1103 = tpu.memref_slice %arg9[%dma_wait3A_1101, %dma_wait3A_1102] : memref<2x3328xi32, #tpu.memory_space<vmem>> -> memref<1x128xi32, #tpu.memory_space<vmem>>
    %dma_wait3A_1104 = tpu.memref_squeeze %dma_wait3A_1103 : memref<1x128xi32, #tpu.memory_space<vmem>> -> memref<128xi32, #tpu.memory_space<vmem>>
    %dma_wait3A_1105 = arith.constant 0 : i32
    %dma_wait3A_1106 = arith.constant 0 : i32
    %dma_wait3A_1107 = tpu.memref_slice %arg12[%dma_wait3A_1105, %dma_wait3A_1106] : memref<10000x128xf32, #tpu.memory_space<vmem_shared>> -> memref<10000x128xf32, #tpu.memory_space<vmem_shared>>
    tpu.wait_indirect_dma semaphore(%arg15 : memref<!tpu.dma_semaphore, #tpu.memory_space<semaphore_mem>>) src(%arg10 : memref<128x128xf32, #tpu.memory_space<vmem>>) dst(%dma_wait3A_1107 : memref<10000x128xf32, #tpu.memory_space<vmem_shared>>)
    %dma_start3A_1108 = arith.constant 0 : i32
    %dma_start3A_1109 = arith.constant 1792 : i32
    %dma_start3A_1110 = tpu.memref_slice %arg9[%dma_start3A_1108, %dma_start3A_1109] : memref<2x3328xi32, #tpu.memory_space<vmem>> -> memref<1x128xi32, #tpu.memory_space<vmem>>
    %dma_start3A_1111 = tpu.memref_squeeze %dma_start3A_1110 : memref<1x128xi32, #tpu.memory_space<vmem>> -> memref<128xi32, #tpu.memory_space<vmem>>
    %dma_start3A_1112 = arith.constant 0 : i32
    %dma_start3A_1113 = arith.constant 0 : i32
    %dma_start3A_1114 = tpu.memref_slice %arg2[%dma_start3A_1112, %dma_start3A_1113] : memref<20000x128xf32, #tpu.memory_space<hbm>> -> memref<20000x128xf32, #tpu.memory_space<hbm>>
    tpu.enqueue_indirect_dma source(%dma_start3A_1114 : memref<20000x128xf32, #tpu.memory_space<hbm>>) target(%arg10 : memref<128x128xf32, #tpu.memory_space<vmem>>) offsets(%dma_start3A_1111 : memref<128xi32, #tpu.memory_space<vmem>>) semaphore(%arg13 : memref<!tpu.dma_semaphore, #tpu.memory_space<semaphore_mem>>)
    %dma_wait3A_1115 = arith.constant 0 : i32
    %dma_wait3A_1116 = arith.constant 1664 : i32
    %dma_wait3A_1117 = tpu.memref_slice %arg9[%dma_wait3A_1115, %dma_wait3A_1116] : memref<2x3328xi32, #tpu.memory_space<vmem>> -> memref<1x128xi32, #tpu.memory_space<vmem>>
    %dma_wait3A_1118 = tpu.memref_squeeze %dma_wait3A_1117 : memref<1x128xi32, #tpu.memory_space<vmem>> -> memref<128xi32, #tpu.memory_space<vmem>>
    %dma_wait3A_1119 = arith.constant 0 : i32
    %dma_wait3A_1120 = arith.constant 0 : i32
    %dma_wait3A_1121 = tpu.memref_slice %arg2[%dma_wait3A_1119, %dma_wait3A_1120] : memref<20000x128xf32, #tpu.memory_space<hbm>> -> memref<20000x128xf32, #tpu.memory_space<hbm>>
    tpu.wait_indirect_dma semaphore(%arg14 : memref<!tpu.dma_semaphore, #tpu.memory_space<semaphore_mem>>) src(%dma_wait3A_1121 : memref<20000x128xf32, #tpu.memory_space<hbm>>) dst(%arg11 : memref<128x128xf32, #tpu.memory_space<vmem>>)
    %dma_start3A_1122 = arith.constant 1 : i32
    %dma_start3A_1123 = arith.constant 1664 : i32
    %dma_start3A_1124 = tpu.memref_slice %arg9[%dma_start3A_1122, %dma_start3A_1123] : memref<2x3328xi32, #tpu.memory_space<vmem>> -> memref<1x128xi32, #tpu.memory_space<vmem>>
    %dma_start3A_1125 = tpu.memref_squeeze %dma_start3A_1124 : memref<1x128xi32, #tpu.memory_space<vmem>> -> memref<128xi32, #tpu.memory_space<vmem>>
    %dma_start3A_1126 = arith.constant 0 : i32
    %dma_start3A_1127 = arith.constant 0 : i32
    %dma_start3A_1128 = tpu.memref_slice %arg12[%dma_start3A_1126, %dma_start3A_1127] : memref<10000x128xf32, #tpu.memory_space<vmem_shared>> -> memref<10000x128xf32, #tpu.memory_space<vmem_shared>>
    tpu.enqueue_indirect_dma source(%arg11 : memref<128x128xf32, #tpu.memory_space<vmem>>) target(%dma_start3A_1128 : memref<10000x128xf32, #tpu.memory_space<vmem_shared>>) offsets(%dma_start3A_1125 : memref<128xi32, #tpu.memory_space<vmem>>) semaphore(%arg16 : memref<!tpu.dma_semaphore, #tpu.memory_space<semaphore_mem>>) {add = true}
    %dma_wait3A_1129 = arith.constant 1 : i32
    %dma_wait3A_1130 = arith.constant 1664 : i32
    %dma_wait3A_1131 = tpu.memref_slice %arg9[%dma_wait3A_1129, %dma_wait3A_1130] : memref<2x3328xi32, #tpu.memory_space<vmem>> -> memref<1x128xi32, #tpu.memory_space<vmem>>
    %dma_wait3A_1132 = tpu.memref_squeeze %dma_wait3A_1131 : memref<1x128xi32, #tpu.memory_space<vmem>> -> memref<128xi32, #tpu.memory_space<vmem>>
    %dma_wait3A_1133 = arith.constant 0 : i32
    %dma_wait3A_1134 = arith.constant 0 : i32
    %dma_wait3A_1135 = tpu.memref_slice %arg12[%dma_wait3A_1133, %dma_wait3A_1134] : memref<10000x128xf32, #tpu.memory_space<vmem_shared>> -> memref<10000x128xf32, #tpu.memory_space<vmem_shared>>
    tpu.wait_indirect_dma semaphore(%arg16 : memref<!tpu.dma_semaphore, #tpu.memory_space<semaphore_mem>>) src(%arg11 : memref<128x128xf32, #tpu.memory_space<vmem>>) dst(%dma_wait3A_1135 : memref<10000x128xf32, #tpu.memory_space<vmem_shared>>)
    %dma_start3A_1136 = arith.constant 0 : i32
    %dma_start3A_1137 = arith.constant 1920 : i32
    %dma_start3A_1138 = tpu.memref_slice %arg9[%dma_start3A_1136, %dma_start3A_1137] : memref<2x3328xi32, #tpu.memory_space<vmem>> -> memref<1x128xi32, #tpu.memory_space<vmem>>
    %dma_start3A_1139 = tpu.memref_squeeze %dma_start3A_1138 : memref<1x128xi32, #tpu.memory_space<vmem>> -> memref<128xi32, #tpu.memory_space<vmem>>
    %dma_start3A_1140 = arith.constant 0 : i32
    %dma_start3A_1141 = arith.constant 0 : i32
    %dma_start3A_1142 = tpu.memref_slice %arg2[%dma_start3A_1140, %dma_start3A_1141] : memref<20000x128xf32, #tpu.memory_space<hbm>> -> memref<20000x128xf32, #tpu.memory_space<hbm>>
    tpu.enqueue_indirect_dma source(%dma_start3A_1142 : memref<20000x128xf32, #tpu.memory_space<hbm>>) target(%arg11 : memref<128x128xf32, #tpu.memory_space<vmem>>) offsets(%dma_start3A_1139 : memref<128xi32, #tpu.memory_space<vmem>>) semaphore(%arg14 : memref<!tpu.dma_semaphore, #tpu.memory_space<semaphore_mem>>)
    %dma_wait3A_1143 = arith.constant 0 : i32
    %dma_wait3A_1144 = arith.constant 1792 : i32
    %dma_wait3A_1145 = tpu.memref_slice %arg9[%dma_wait3A_1143, %dma_wait3A_1144] : memref<2x3328xi32, #tpu.memory_space<vmem>> -> memref<1x128xi32, #tpu.memory_space<vmem>>
    %dma_wait3A_1146 = tpu.memref_squeeze %dma_wait3A_1145 : memref<1x128xi32, #tpu.memory_space<vmem>> -> memref<128xi32, #tpu.memory_space<vmem>>
    %dma_wait3A_1147 = arith.constant 0 : i32
    %dma_wait3A_1148 = arith.constant 0 : i32
    %dma_wait3A_1149 = tpu.memref_slice %arg2[%dma_wait3A_1147, %dma_wait3A_1148] : memref<20000x128xf32, #tpu.memory_space<hbm>> -> memref<20000x128xf32, #tpu.memory_space<hbm>>
    tpu.wait_indirect_dma semaphore(%arg13 : memref<!tpu.dma_semaphore, #tpu.memory_space<semaphore_mem>>) src(%dma_wait3A_1149 : memref<20000x128xf32, #tpu.memory_space<hbm>>) dst(%arg10 : memref<128x128xf32, #tpu.memory_space<vmem>>)
    %dma_start3A_1150 = arith.constant 1 : i32
    %dma_start3A_1151 = arith.constant 1792 : i32
    %dma_start3A_1152 = tpu.memref_slice %arg9[%dma_start3A_1150, %dma_start3A_1151] : memref<2x3328xi32, #tpu.memory_space<vmem>> -> memref<1x128xi32, #tpu.memory_space<vmem>>
    %dma_start3A_1153 = tpu.memref_squeeze %dma_start3A_1152 : memref<1x128xi32, #tpu.memory_space<vmem>> -> memref<128xi32, #tpu.memory_space<vmem>>
    %dma_start3A_1154 = arith.constant 0 : i32
    %dma_start3A_1155 = arith.constant 0 : i32
    %dma_start3A_1156 = tpu.memref_slice %arg12[%dma_start3A_1154, %dma_start3A_1155] : memref<10000x128xf32, #tpu.memory_space<vmem_shared>> -> memref<10000x128xf32, #tpu.memory_space<vmem_shared>>
    tpu.enqueue_indirect_dma source(%arg10 : memref<128x128xf32, #tpu.memory_space<vmem>>) target(%dma_start3A_1156 : memref<10000x128xf32, #tpu.memory_space<vmem_shared>>) offsets(%dma_start3A_1153 : memref<128xi32, #tpu.memory_space<vmem>>) semaphore(%arg15 : memref<!tpu.dma_semaphore, #tpu.memory_space<semaphore_mem>>) {add = true}
    %dma_wait3A_1157 = arith.constant 1 : i32
    %dma_wait3A_1158 = arith.constant 1792 : i32
    %dma_wait3A_1159 = tpu.memref_slice %arg9[%dma_wait3A_1157, %dma_wait3A_1158] : memref<2x3328xi32, #tpu.memory_space<vmem>> -> memref<1x128xi32, #tpu.memory_space<vmem>>
    %dma_wait3A_1160 = tpu.memref_squeeze %dma_wait3A_1159 : memref<1x128xi32, #tpu.memory_space<vmem>> -> memref<128xi32, #tpu.memory_space<vmem>>
    %dma_wait3A_1161 = arith.constant 0 : i32
    %dma_wait3A_1162 = arith.constant 0 : i32
    %dma_wait3A_1163 = tpu.memref_slice %arg12[%dma_wait3A_1161, %dma_wait3A_1162] : memref<10000x128xf32, #tpu.memory_space<vmem_shared>> -> memref<10000x128xf32, #tpu.memory_space<vmem_shared>>
    tpu.wait_indirect_dma semaphore(%arg15 : memref<!tpu.dma_semaphore, #tpu.memory_space<semaphore_mem>>) src(%arg10 : memref<128x128xf32, #tpu.memory_space<vmem>>) dst(%dma_wait3A_1163 : memref<10000x128xf32, #tpu.memory_space<vmem_shared>>)
    %dma_start3A_1164 = arith.constant 0 : i32
    %dma_start3A_1165 = arith.constant 2048 : i32
    %dma_start3A_1166 = tpu.memref_slice %arg9[%dma_start3A_1164, %dma_start3A_1165] : memref<2x3328xi32, #tpu.memory_space<vmem>> -> memref<1x128xi32, #tpu.memory_space<vmem>>
    %dma_start3A_1167 = tpu.memref_squeeze %dma_start3A_1166 : memref<1x128xi32, #tpu.memory_space<vmem>> -> memref<128xi32, #tpu.memory_space<vmem>>
    %dma_start3A_1168 = arith.constant 0 : i32
    %dma_start3A_1169 = arith.constant 0 : i32
    %dma_start3A_1170 = tpu.memref_slice %arg2[%dma_start3A_1168, %dma_start3A_1169] : memref<20000x128xf32, #tpu.memory_space<hbm>> -> memref<20000x128xf32, #tpu.memory_space<hbm>>
    tpu.enqueue_indirect_dma source(%dma_start3A_1170 : memref<20000x128xf32, #tpu.memory_space<hbm>>) target(%arg10 : memref<128x128xf32, #tpu.memory_space<vmem>>) offsets(%dma_start3A_1167 : memref<128xi32, #tpu.memory_space<vmem>>) semaphore(%arg13 : memref<!tpu.dma_semaphore, #tpu.memory_space<semaphore_mem>>)
    %dma_wait3A_1171 = arith.constant 0 : i32
    %dma_wait3A_1172 = arith.constant 1920 : i32
    %dma_wait3A_1173 = tpu.memref_slice %arg9[%dma_wait3A_1171, %dma_wait3A_1172] : memref<2x3328xi32, #tpu.memory_space<vmem>> -> memref<1x128xi32, #tpu.memory_space<vmem>>
    %dma_wait3A_1174 = tpu.memref_squeeze %dma_wait3A_1173 : memref<1x128xi32, #tpu.memory_space<vmem>> -> memref<128xi32, #tpu.memory_space<vmem>>
    %dma_wait3A_1175 = arith.constant 0 : i32
    %dma_wait3A_1176 = arith.constant 0 : i32
    %dma_wait3A_1177 = tpu.memref_slice %arg2[%dma_wait3A_1175, %dma_wait3A_1176] : memref<20000x128xf32, #tpu.memory_space<hbm>> -> memref<20000x128xf32, #tpu.memory_space<hbm>>
    tpu.wait_indirect_dma semaphore(%arg14 : memref<!tpu.dma_semaphore, #tpu.memory_space<semaphore_mem>>) src(%dma_wait3A_1177 : memref<20000x128xf32, #tpu.memory_space<hbm>>) dst(%arg11 : memref<128x128xf32, #tpu.memory_space<vmem>>)
    %dma_start3A_1178 = arith.constant 1 : i32
    %dma_start3A_1179 = arith.constant 1920 : i32
    %dma_start3A_1180 = tpu.memref_slice %arg9[%dma_start3A_1178, %dma_start3A_1179] : memref<2x3328xi32, #tpu.memory_space<vmem>> -> memref<1x128xi32, #tpu.memory_space<vmem>>
    %dma_start3A_1181 = tpu.memref_squeeze %dma_start3A_1180 : memref<1x128xi32, #tpu.memory_space<vmem>> -> memref<128xi32, #tpu.memory_space<vmem>>
    %dma_start3A_1182 = arith.constant 0 : i32
    %dma_start3A_1183 = arith.constant 0 : i32
    %dma_start3A_1184 = tpu.memref_slice %arg12[%dma_start3A_1182, %dma_start3A_1183] : memref<10000x128xf32, #tpu.memory_space<vmem_shared>> -> memref<10000x128xf32, #tpu.memory_space<vmem_shared>>
    tpu.enqueue_indirect_dma source(%arg11 : memref<128x128xf32, #tpu.memory_space<vmem>>) target(%dma_start3A_1184 : memref<10000x128xf32, #tpu.memory_space<vmem_shared>>) offsets(%dma_start3A_1181 : memref<128xi32, #tpu.memory_space<vmem>>) semaphore(%arg16 : memref<!tpu.dma_semaphore, #tpu.memory_space<semaphore_mem>>) {add = true}
    %dma_wait3A_1185 = arith.constant 1 : i32
    %dma_wait3A_1186 = arith.constant 1920 : i32
    %dma_wait3A_1187 = tpu.memref_slice %arg9[%dma_wait3A_1185, %dma_wait3A_1186] : memref<2x3328xi32, #tpu.memory_space<vmem>> -> memref<1x128xi32, #tpu.memory_space<vmem>>
    %dma_wait3A_1188 = tpu.memref_squeeze %dma_wait3A_1187 : memref<1x128xi32, #tpu.memory_space<vmem>> -> memref<128xi32, #tpu.memory_space<vmem>>
    %dma_wait3A_1189 = arith.constant 0 : i32
    %dma_wait3A_1190 = arith.constant 0 : i32
    %dma_wait3A_1191 = tpu.memref_slice %arg12[%dma_wait3A_1189, %dma_wait3A_1190] : memref<10000x128xf32, #tpu.memory_space<vmem_shared>> -> memref<10000x128xf32, #tpu.memory_space<vmem_shared>>
    tpu.wait_indirect_dma semaphore(%arg16 : memref<!tpu.dma_semaphore, #tpu.memory_space<semaphore_mem>>) src(%arg11 : memref<128x128xf32, #tpu.memory_space<vmem>>) dst(%dma_wait3A_1191 : memref<10000x128xf32, #tpu.memory_space<vmem_shared>>)
    %dma_start3A_1192 = arith.constant 0 : i32
    %dma_start3A_1193 = arith.constant 2176 : i32
    %dma_start3A_1194 = tpu.memref_slice %arg9[%dma_start3A_1192, %dma_start3A_1193] : memref<2x3328xi32, #tpu.memory_space<vmem>> -> memref<1x128xi32, #tpu.memory_space<vmem>>
    %dma_start3A_1195 = tpu.memref_squeeze %dma_start3A_1194 : memref<1x128xi32, #tpu.memory_space<vmem>> -> memref<128xi32, #tpu.memory_space<vmem>>
    %dma_start3A_1196 = arith.constant 0 : i32
    %dma_start3A_1197 = arith.constant 0 : i32
    %dma_start3A_1198 = tpu.memref_slice %arg2[%dma_start3A_1196, %dma_start3A_1197] : memref<20000x128xf32, #tpu.memory_space<hbm>> -> memref<20000x128xf32, #tpu.memory_space<hbm>>
    tpu.enqueue_indirect_dma source(%dma_start3A_1198 : memref<20000x128xf32, #tpu.memory_space<hbm>>) target(%arg11 : memref<128x128xf32, #tpu.memory_space<vmem>>) offsets(%dma_start3A_1195 : memref<128xi32, #tpu.memory_space<vmem>>) semaphore(%arg14 : memref<!tpu.dma_semaphore, #tpu.memory_space<semaphore_mem>>)
    %dma_wait3A_1199 = arith.constant 0 : i32
    %dma_wait3A_1200 = arith.constant 2048 : i32
    %dma_wait3A_1201 = tpu.memref_slice %arg9[%dma_wait3A_1199, %dma_wait3A_1200] : memref<2x3328xi32, #tpu.memory_space<vmem>> -> memref<1x128xi32, #tpu.memory_space<vmem>>
    %dma_wait3A_1202 = tpu.memref_squeeze %dma_wait3A_1201 : memref<1x128xi32, #tpu.memory_space<vmem>> -> memref<128xi32, #tpu.memory_space<vmem>>
    %dma_wait3A_1203 = arith.constant 0 : i32
    %dma_wait3A_1204 = arith.constant 0 : i32
    %dma_wait3A_1205 = tpu.memref_slice %arg2[%dma_wait3A_1203, %dma_wait3A_1204] : memref<20000x128xf32, #tpu.memory_space<hbm>> -> memref<20000x128xf32, #tpu.memory_space<hbm>>
    tpu.wait_indirect_dma semaphore(%arg13 : memref<!tpu.dma_semaphore, #tpu.memory_space<semaphore_mem>>) src(%dma_wait3A_1205 : memref<20000x128xf32, #tpu.memory_space<hbm>>) dst(%arg10 : memref<128x128xf32, #tpu.memory_space<vmem>>)
    %dma_start3A_1206 = arith.constant 1 : i32
    %dma_start3A_1207 = arith.constant 2048 : i32
    %dma_start3A_1208 = tpu.memref_slice %arg9[%dma_start3A_1206, %dma_start3A_1207] : memref<2x3328xi32, #tpu.memory_space<vmem>> -> memref<1x128xi32, #tpu.memory_space<vmem>>
    %dma_start3A_1209 = tpu.memref_squeeze %dma_start3A_1208 : memref<1x128xi32, #tpu.memory_space<vmem>> -> memref<128xi32, #tpu.memory_space<vmem>>
    %dma_start3A_1210 = arith.constant 0 : i32
    %dma_start3A_1211 = arith.constant 0 : i32
    %dma_start3A_1212 = tpu.memref_slice %arg12[%dma_start3A_1210, %dma_start3A_1211] : memref<10000x128xf32, #tpu.memory_space<vmem_shared>> -> memref<10000x128xf32, #tpu.memory_space<vmem_shared>>
    tpu.enqueue_indirect_dma source(%arg10 : memref<128x128xf32, #tpu.memory_space<vmem>>) target(%dma_start3A_1212 : memref<10000x128xf32, #tpu.memory_space<vmem_shared>>) offsets(%dma_start3A_1209 : memref<128xi32, #tpu.memory_space<vmem>>) semaphore(%arg15 : memref<!tpu.dma_semaphore, #tpu.memory_space<semaphore_mem>>) {add = true}
    %dma_wait3A_1213 = arith.constant 1 : i32
    %dma_wait3A_1214 = arith.constant 2048 : i32
    %dma_wait3A_1215 = tpu.memref_slice %arg9[%dma_wait3A_1213, %dma_wait3A_1214] : memref<2x3328xi32, #tpu.memory_space<vmem>> -> memref<1x128xi32, #tpu.memory_space<vmem>>
    %dma_wait3A_1216 = tpu.memref_squeeze %dma_wait3A_1215 : memref<1x128xi32, #tpu.memory_space<vmem>> -> memref<128xi32, #tpu.memory_space<vmem>>
    %dma_wait3A_1217 = arith.constant 0 : i32
    %dma_wait3A_1218 = arith.constant 0 : i32
    %dma_wait3A_1219 = tpu.memref_slice %arg12[%dma_wait3A_1217, %dma_wait3A_1218] : memref<10000x128xf32, #tpu.memory_space<vmem_shared>> -> memref<10000x128xf32, #tpu.memory_space<vmem_shared>>
    tpu.wait_indirect_dma semaphore(%arg15 : memref<!tpu.dma_semaphore, #tpu.memory_space<semaphore_mem>>) src(%arg10 : memref<128x128xf32, #tpu.memory_space<vmem>>) dst(%dma_wait3A_1219 : memref<10000x128xf32, #tpu.memory_space<vmem_shared>>)
    %dma_start3A_1220 = arith.constant 0 : i32
    %dma_start3A_1221 = arith.constant 2304 : i32
    %dma_start3A_1222 = tpu.memref_slice %arg9[%dma_start3A_1220, %dma_start3A_1221] : memref<2x3328xi32, #tpu.memory_space<vmem>> -> memref<1x128xi32, #tpu.memory_space<vmem>>
    %dma_start3A_1223 = tpu.memref_squeeze %dma_start3A_1222 : memref<1x128xi32, #tpu.memory_space<vmem>> -> memref<128xi32, #tpu.memory_space<vmem>>
    %dma_start3A_1224 = arith.constant 0 : i32
    %dma_start3A_1225 = arith.constant 0 : i32
    %dma_start3A_1226 = tpu.memref_slice %arg2[%dma_start3A_1224, %dma_start3A_1225] : memref<20000x128xf32, #tpu.memory_space<hbm>> -> memref<20000x128xf32, #tpu.memory_space<hbm>>
    tpu.enqueue_indirect_dma source(%dma_start3A_1226 : memref<20000x128xf32, #tpu.memory_space<hbm>>) target(%arg10 : memref<128x128xf32, #tpu.memory_space<vmem>>) offsets(%dma_start3A_1223 : memref<128xi32, #tpu.memory_space<vmem>>) semaphore(%arg13 : memref<!tpu.dma_semaphore, #tpu.memory_space<semaphore_mem>>)
    %dma_wait3A_1227 = arith.constant 0 : i32
    %dma_wait3A_1228 = arith.constant 2176 : i32
    %dma_wait3A_1229 = tpu.memref_slice %arg9[%dma_wait3A_1227, %dma_wait3A_1228] : memref<2x3328xi32, #tpu.memory_space<vmem>> -> memref<1x128xi32, #tpu.memory_space<vmem>>
    %dma_wait3A_1230 = tpu.memref_squeeze %dma_wait3A_1229 : memref<1x128xi32, #tpu.memory_space<vmem>> -> memref<128xi32, #tpu.memory_space<vmem>>
    %dma_wait3A_1231 = arith.constant 0 : i32
    %dma_wait3A_1232 = arith.constant 0 : i32
    %dma_wait3A_1233 = tpu.memref_slice %arg2[%dma_wait3A_1231, %dma_wait3A_1232] : memref<20000x128xf32, #tpu.memory_space<hbm>> -> memref<20000x128xf32, #tpu.memory_space<hbm>>
    tpu.wait_indirect_dma semaphore(%arg14 : memref<!tpu.dma_semaphore, #tpu.memory_space<semaphore_mem>>) src(%dma_wait3A_1233 : memref<20000x128xf32, #tpu.memory_space<hbm>>) dst(%arg11 : memref<128x128xf32, #tpu.memory_space<vmem>>)
    %dma_start3A_1234 = arith.constant 1 : i32
    %dma_start3A_1235 = arith.constant 2176 : i32
    %dma_start3A_1236 = tpu.memref_slice %arg9[%dma_start3A_1234, %dma_start3A_1235] : memref<2x3328xi32, #tpu.memory_space<vmem>> -> memref<1x128xi32, #tpu.memory_space<vmem>>
    %dma_start3A_1237 = tpu.memref_squeeze %dma_start3A_1236 : memref<1x128xi32, #tpu.memory_space<vmem>> -> memref<128xi32, #tpu.memory_space<vmem>>
    %dma_start3A_1238 = arith.constant 0 : i32
    %dma_start3A_1239 = arith.constant 0 : i32
    %dma_start3A_1240 = tpu.memref_slice %arg12[%dma_start3A_1238, %dma_start3A_1239] : memref<10000x128xf32, #tpu.memory_space<vmem_shared>> -> memref<10000x128xf32, #tpu.memory_space<vmem_shared>>
    tpu.enqueue_indirect_dma source(%arg11 : memref<128x128xf32, #tpu.memory_space<vmem>>) target(%dma_start3A_1240 : memref<10000x128xf32, #tpu.memory_space<vmem_shared>>) offsets(%dma_start3A_1237 : memref<128xi32, #tpu.memory_space<vmem>>) semaphore(%arg16 : memref<!tpu.dma_semaphore, #tpu.memory_space<semaphore_mem>>) {add = true}
    %dma_wait3A_1241 = arith.constant 1 : i32
    %dma_wait3A_1242 = arith.constant 2176 : i32
    %dma_wait3A_1243 = tpu.memref_slice %arg9[%dma_wait3A_1241, %dma_wait3A_1242] : memref<2x3328xi32, #tpu.memory_space<vmem>> -> memref<1x128xi32, #tpu.memory_space<vmem>>
    %dma_wait3A_1244 = tpu.memref_squeeze %dma_wait3A_1243 : memref<1x128xi32, #tpu.memory_space<vmem>> -> memref<128xi32, #tpu.memory_space<vmem>>
    %dma_wait3A_1245 = arith.constant 0 : i32
    %dma_wait3A_1246 = arith.constant 0 : i32
    %dma_wait3A_1247 = tpu.memref_slice %arg12[%dma_wait3A_1245, %dma_wait3A_1246] : memref<10000x128xf32, #tpu.memory_space<vmem_shared>> -> memref<10000x128xf32, #tpu.memory_space<vmem_shared>>
    tpu.wait_indirect_dma semaphore(%arg16 : memref<!tpu.dma_semaphore, #tpu.memory_space<semaphore_mem>>) src(%arg11 : memref<128x128xf32, #tpu.memory_space<vmem>>) dst(%dma_wait3A_1247 : memref<10000x128xf32, #tpu.memory_space<vmem_shared>>)
    %dma_start3A_1248 = arith.constant 0 : i32
    %dma_start3A_1249 = arith.constant 2432 : i32
    %dma_start3A_1250 = tpu.memref_slice %arg9[%dma_start3A_1248, %dma_start3A_1249] : memref<2x3328xi32, #tpu.memory_space<vmem>> -> memref<1x128xi32, #tpu.memory_space<vmem>>
    %dma_start3A_1251 = tpu.memref_squeeze %dma_start3A_1250 : memref<1x128xi32, #tpu.memory_space<vmem>> -> memref<128xi32, #tpu.memory_space<vmem>>
    %dma_start3A_1252 = arith.constant 0 : i32
    %dma_start3A_1253 = arith.constant 0 : i32
    %dma_start3A_1254 = tpu.memref_slice %arg2[%dma_start3A_1252, %dma_start3A_1253] : memref<20000x128xf32, #tpu.memory_space<hbm>> -> memref<20000x128xf32, #tpu.memory_space<hbm>>
    tpu.enqueue_indirect_dma source(%dma_start3A_1254 : memref<20000x128xf32, #tpu.memory_space<hbm>>) target(%arg11 : memref<128x128xf32, #tpu.memory_space<vmem>>) offsets(%dma_start3A_1251 : memref<128xi32, #tpu.memory_space<vmem>>) semaphore(%arg14 : memref<!tpu.dma_semaphore, #tpu.memory_space<semaphore_mem>>)
    %dma_wait3A_1255 = arith.constant 0 : i32
    %dma_wait3A_1256 = arith.constant 2304 : i32
    %dma_wait3A_1257 = tpu.memref_slice %arg9[%dma_wait3A_1255, %dma_wait3A_1256] : memref<2x3328xi32, #tpu.memory_space<vmem>> -> memref<1x128xi32, #tpu.memory_space<vmem>>
    %dma_wait3A_1258 = tpu.memref_squeeze %dma_wait3A_1257 : memref<1x128xi32, #tpu.memory_space<vmem>> -> memref<128xi32, #tpu.memory_space<vmem>>
    %dma_wait3A_1259 = arith.constant 0 : i32
    %dma_wait3A_1260 = arith.constant 0 : i32
    %dma_wait3A_1261 = tpu.memref_slice %arg2[%dma_wait3A_1259, %dma_wait3A_1260] : memref<20000x128xf32, #tpu.memory_space<hbm>> -> memref<20000x128xf32, #tpu.memory_space<hbm>>
    tpu.wait_indirect_dma semaphore(%arg13 : memref<!tpu.dma_semaphore, #tpu.memory_space<semaphore_mem>>) src(%dma_wait3A_1261 : memref<20000x128xf32, #tpu.memory_space<hbm>>) dst(%arg10 : memref<128x128xf32, #tpu.memory_space<vmem>>)
    %dma_start3A_1262 = arith.constant 1 : i32
    %dma_start3A_1263 = arith.constant 2304 : i32
    %dma_start3A_1264 = tpu.memref_slice %arg9[%dma_start3A_1262, %dma_start3A_1263] : memref<2x3328xi32, #tpu.memory_space<vmem>> -> memref<1x128xi32, #tpu.memory_space<vmem>>
    %dma_start3A_1265 = tpu.memref_squeeze %dma_start3A_1264 : memref<1x128xi32, #tpu.memory_space<vmem>> -> memref<128xi32, #tpu.memory_space<vmem>>
    %dma_start3A_1266 = arith.constant 0 : i32
    %dma_start3A_1267 = arith.constant 0 : i32
    %dma_start3A_1268 = tpu.memref_slice %arg12[%dma_start3A_1266, %dma_start3A_1267] : memref<10000x128xf32, #tpu.memory_space<vmem_shared>> -> memref<10000x128xf32, #tpu.memory_space<vmem_shared>>
    tpu.enqueue_indirect_dma source(%arg10 : memref<128x128xf32, #tpu.memory_space<vmem>>) target(%dma_start3A_1268 : memref<10000x128xf32, #tpu.memory_space<vmem_shared>>) offsets(%dma_start3A_1265 : memref<128xi32, #tpu.memory_space<vmem>>) semaphore(%arg15 : memref<!tpu.dma_semaphore, #tpu.memory_space<semaphore_mem>>) {add = true}
    %dma_wait3A_1269 = arith.constant 1 : i32
    %dma_wait3A_1270 = arith.constant 2304 : i32
    %dma_wait3A_1271 = tpu.memref_slice %arg9[%dma_wait3A_1269, %dma_wait3A_1270] : memref<2x3328xi32, #tpu.memory_space<vmem>> -> memref<1x128xi32, #tpu.memory_space<vmem>>
    %dma_wait3A_1272 = tpu.memref_squeeze %dma_wait3A_1271 : memref<1x128xi32, #tpu.memory_space<vmem>> -> memref<128xi32, #tpu.memory_space<vmem>>
    %dma_wait3A_1273 = arith.constant 0 : i32
    %dma_wait3A_1274 = arith.constant 0 : i32
    %dma_wait3A_1275 = tpu.memref_slice %arg12[%dma_wait3A_1273, %dma_wait3A_1274] : memref<10000x128xf32, #tpu.memory_space<vmem_shared>> -> memref<10000x128xf32, #tpu.memory_space<vmem_shared>>
    tpu.wait_indirect_dma semaphore(%arg15 : memref<!tpu.dma_semaphore, #tpu.memory_space<semaphore_mem>>) src(%arg10 : memref<128x128xf32, #tpu.memory_space<vmem>>) dst(%dma_wait3A_1275 : memref<10000x128xf32, #tpu.memory_space<vmem_shared>>)
    %dma_start3A_1276 = arith.constant 0 : i32
    %dma_start3A_1277 = arith.constant 2560 : i32
    %dma_start3A_1278 = tpu.memref_slice %arg9[%dma_start3A_1276, %dma_start3A_1277] : memref<2x3328xi32, #tpu.memory_space<vmem>> -> memref<1x128xi32, #tpu.memory_space<vmem>>
    %dma_start3A_1279 = tpu.memref_squeeze %dma_start3A_1278 : memref<1x128xi32, #tpu.memory_space<vmem>> -> memref<128xi32, #tpu.memory_space<vmem>>
    %dma_start3A_1280 = arith.constant 0 : i32
    %dma_start3A_1281 = arith.constant 0 : i32
    %dma_start3A_1282 = tpu.memref_slice %arg2[%dma_start3A_1280, %dma_start3A_1281] : memref<20000x128xf32, #tpu.memory_space<hbm>> -> memref<20000x128xf32, #tpu.memory_space<hbm>>
    tpu.enqueue_indirect_dma source(%dma_start3A_1282 : memref<20000x128xf32, #tpu.memory_space<hbm>>) target(%arg10 : memref<128x128xf32, #tpu.memory_space<vmem>>) offsets(%dma_start3A_1279 : memref<128xi32, #tpu.memory_space<vmem>>) semaphore(%arg13 : memref<!tpu.dma_semaphore, #tpu.memory_space<semaphore_mem>>)
    %dma_wait3A_1283 = arith.constant 0 : i32
    %dma_wait3A_1284 = arith.constant 2432 : i32
    %dma_wait3A_1285 = tpu.memref_slice %arg9[%dma_wait3A_1283, %dma_wait3A_1284] : memref<2x3328xi32, #tpu.memory_space<vmem>> -> memref<1x128xi32, #tpu.memory_space<vmem>>
    %dma_wait3A_1286 = tpu.memref_squeeze %dma_wait3A_1285 : memref<1x128xi32, #tpu.memory_space<vmem>> -> memref<128xi32, #tpu.memory_space<vmem>>
    %dma_wait3A_1287 = arith.constant 0 : i32
    %dma_wait3A_1288 = arith.constant 0 : i32
    %dma_wait3A_1289 = tpu.memref_slice %arg2[%dma_wait3A_1287, %dma_wait3A_1288] : memref<20000x128xf32, #tpu.memory_space<hbm>> -> memref<20000x128xf32, #tpu.memory_space<hbm>>
    tpu.wait_indirect_dma semaphore(%arg14 : memref<!tpu.dma_semaphore, #tpu.memory_space<semaphore_mem>>) src(%dma_wait3A_1289 : memref<20000x128xf32, #tpu.memory_space<hbm>>) dst(%arg11 : memref<128x128xf32, #tpu.memory_space<vmem>>)
    %dma_start3A_1290 = arith.constant 1 : i32
    %dma_start3A_1291 = arith.constant 2432 : i32
    %dma_start3A_1292 = tpu.memref_slice %arg9[%dma_start3A_1290, %dma_start3A_1291] : memref<2x3328xi32, #tpu.memory_space<vmem>> -> memref<1x128xi32, #tpu.memory_space<vmem>>
    %dma_start3A_1293 = tpu.memref_squeeze %dma_start3A_1292 : memref<1x128xi32, #tpu.memory_space<vmem>> -> memref<128xi32, #tpu.memory_space<vmem>>
    %dma_start3A_1294 = arith.constant 0 : i32
    %dma_start3A_1295 = arith.constant 0 : i32
    %dma_start3A_1296 = tpu.memref_slice %arg12[%dma_start3A_1294, %dma_start3A_1295] : memref<10000x128xf32, #tpu.memory_space<vmem_shared>> -> memref<10000x128xf32, #tpu.memory_space<vmem_shared>>
    tpu.enqueue_indirect_dma source(%arg11 : memref<128x128xf32, #tpu.memory_space<vmem>>) target(%dma_start3A_1296 : memref<10000x128xf32, #tpu.memory_space<vmem_shared>>) offsets(%dma_start3A_1293 : memref<128xi32, #tpu.memory_space<vmem>>) semaphore(%arg16 : memref<!tpu.dma_semaphore, #tpu.memory_space<semaphore_mem>>) {add = true}
    %dma_wait3A_1297 = arith.constant 1 : i32
    %dma_wait3A_1298 = arith.constant 2432 : i32
    %dma_wait3A_1299 = tpu.memref_slice %arg9[%dma_wait3A_1297, %dma_wait3A_1298] : memref<2x3328xi32, #tpu.memory_space<vmem>> -> memref<1x128xi32, #tpu.memory_space<vmem>>
    %dma_wait3A_1300 = tpu.memref_squeeze %dma_wait3A_1299 : memref<1x128xi32, #tpu.memory_space<vmem>> -> memref<128xi32, #tpu.memory_space<vmem>>
    %dma_wait3A_1301 = arith.constant 0 : i32
    %dma_wait3A_1302 = arith.constant 0 : i32
    %dma_wait3A_1303 = tpu.memref_slice %arg12[%dma_wait3A_1301, %dma_wait3A_1302] : memref<10000x128xf32, #tpu.memory_space<vmem_shared>> -> memref<10000x128xf32, #tpu.memory_space<vmem_shared>>
    tpu.wait_indirect_dma semaphore(%arg16 : memref<!tpu.dma_semaphore, #tpu.memory_space<semaphore_mem>>) src(%arg11 : memref<128x128xf32, #tpu.memory_space<vmem>>) dst(%dma_wait3A_1303 : memref<10000x128xf32, #tpu.memory_space<vmem_shared>>)
    %dma_start3A_1304 = arith.constant 0 : i32
    %dma_start3A_1305 = arith.constant 2688 : i32
    %dma_start3A_1306 = tpu.memref_slice %arg9[%dma_start3A_1304, %dma_start3A_1305] : memref<2x3328xi32, #tpu.memory_space<vmem>> -> memref<1x128xi32, #tpu.memory_space<vmem>>
    %dma_start3A_1307 = tpu.memref_squeeze %dma_start3A_1306 : memref<1x128xi32, #tpu.memory_space<vmem>> -> memref<128xi32, #tpu.memory_space<vmem>>
    %dma_start3A_1308 = arith.constant 0 : i32
    %dma_start3A_1309 = arith.constant 0 : i32
    %dma_start3A_1310 = tpu.memref_slice %arg2[%dma_start3A_1308, %dma_start3A_1309] : memref<20000x128xf32, #tpu.memory_space<hbm>> -> memref<20000x128xf32, #tpu.memory_space<hbm>>
    tpu.enqueue_indirect_dma source(%dma_start3A_1310 : memref<20000x128xf32, #tpu.memory_space<hbm>>) target(%arg11 : memref<128x128xf32, #tpu.memory_space<vmem>>) offsets(%dma_start3A_1307 : memref<128xi32, #tpu.memory_space<vmem>>) semaphore(%arg14 : memref<!tpu.dma_semaphore, #tpu.memory_space<semaphore_mem>>)
    %dma_wait3A_1311 = arith.constant 0 : i32
    %dma_wait3A_1312 = arith.constant 2560 : i32
    %dma_wait3A_1313 = tpu.memref_slice %arg9[%dma_wait3A_1311, %dma_wait3A_1312] : memref<2x3328xi32, #tpu.memory_space<vmem>> -> memref<1x128xi32, #tpu.memory_space<vmem>>
    %dma_wait3A_1314 = tpu.memref_squeeze %dma_wait3A_1313 : memref<1x128xi32, #tpu.memory_space<vmem>> -> memref<128xi32, #tpu.memory_space<vmem>>
    %dma_wait3A_1315 = arith.constant 0 : i32
    %dma_wait3A_1316 = arith.constant 0 : i32
    %dma_wait3A_1317 = tpu.memref_slice %arg2[%dma_wait3A_1315, %dma_wait3A_1316] : memref<20000x128xf32, #tpu.memory_space<hbm>> -> memref<20000x128xf32, #tpu.memory_space<hbm>>
    tpu.wait_indirect_dma semaphore(%arg13 : memref<!tpu.dma_semaphore, #tpu.memory_space<semaphore_mem>>) src(%dma_wait3A_1317 : memref<20000x128xf32, #tpu.memory_space<hbm>>) dst(%arg10 : memref<128x128xf32, #tpu.memory_space<vmem>>)
    %dma_start3A_1318 = arith.constant 1 : i32
    %dma_start3A_1319 = arith.constant 2560 : i32
    %dma_start3A_1320 = tpu.memref_slice %arg9[%dma_start3A_1318, %dma_start3A_1319] : memref<2x3328xi32, #tpu.memory_space<vmem>> -> memref<1x128xi32, #tpu.memory_space<vmem>>
    %dma_start3A_1321 = tpu.memref_squeeze %dma_start3A_1320 : memref<1x128xi32, #tpu.memory_space<vmem>> -> memref<128xi32, #tpu.memory_space<vmem>>
    %dma_start3A_1322 = arith.constant 0 : i32
    %dma_start3A_1323 = arith.constant 0 : i32
    %dma_start3A_1324 = tpu.memref_slice %arg12[%dma_start3A_1322, %dma_start3A_1323] : memref<10000x128xf32, #tpu.memory_space<vmem_shared>> -> memref<10000x128xf32, #tpu.memory_space<vmem_shared>>
    tpu.enqueue_indirect_dma source(%arg10 : memref<128x128xf32, #tpu.memory_space<vmem>>) target(%dma_start3A_1324 : memref<10000x128xf32, #tpu.memory_space<vmem_shared>>) offsets(%dma_start3A_1321 : memref<128xi32, #tpu.memory_space<vmem>>) semaphore(%arg15 : memref<!tpu.dma_semaphore, #tpu.memory_space<semaphore_mem>>) {add = true}
    %dma_wait3A_1325 = arith.constant 1 : i32
    %dma_wait3A_1326 = arith.constant 2560 : i32
    %dma_wait3A_1327 = tpu.memref_slice %arg9[%dma_wait3A_1325, %dma_wait3A_1326] : memref<2x3328xi32, #tpu.memory_space<vmem>> -> memref<1x128xi32, #tpu.memory_space<vmem>>
    %dma_wait3A_1328 = tpu.memref_squeeze %dma_wait3A_1327 : memref<1x128xi32, #tpu.memory_space<vmem>> -> memref<128xi32, #tpu.memory_space<vmem>>
    %dma_wait3A_1329 = arith.constant 0 : i32
    %dma_wait3A_1330 = arith.constant 0 : i32
    %dma_wait3A_1331 = tpu.memref_slice %arg12[%dma_wait3A_1329, %dma_wait3A_1330] : memref<10000x128xf32, #tpu.memory_space<vmem_shared>> -> memref<10000x128xf32, #tpu.memory_space<vmem_shared>>
    tpu.wait_indirect_dma semaphore(%arg15 : memref<!tpu.dma_semaphore, #tpu.memory_space<semaphore_mem>>) src(%arg10 : memref<128x128xf32, #tpu.memory_space<vmem>>) dst(%dma_wait3A_1331 : memref<10000x128xf32, #tpu.memory_space<vmem_shared>>)
    %dma_start3A_1332 = arith.constant 0 : i32
    %dma_start3A_1333 = arith.constant 2816 : i32
    %dma_start3A_1334 = tpu.memref_slice %arg9[%dma_start3A_1332, %dma_start3A_1333] : memref<2x3328xi32, #tpu.memory_space<vmem>> -> memref<1x128xi32, #tpu.memory_space<vmem>>
    %dma_start3A_1335 = tpu.memref_squeeze %dma_start3A_1334 : memref<1x128xi32, #tpu.memory_space<vmem>> -> memref<128xi32, #tpu.memory_space<vmem>>
    %dma_start3A_1336 = arith.constant 0 : i32
    %dma_start3A_1337 = arith.constant 0 : i32
    %dma_start3A_1338 = tpu.memref_slice %arg2[%dma_start3A_1336, %dma_start3A_1337] : memref<20000x128xf32, #tpu.memory_space<hbm>> -> memref<20000x128xf32, #tpu.memory_space<hbm>>
    tpu.enqueue_indirect_dma source(%dma_start3A_1338 : memref<20000x128xf32, #tpu.memory_space<hbm>>) target(%arg10 : memref<128x128xf32, #tpu.memory_space<vmem>>) offsets(%dma_start3A_1335 : memref<128xi32, #tpu.memory_space<vmem>>) semaphore(%arg13 : memref<!tpu.dma_semaphore, #tpu.memory_space<semaphore_mem>>)
    %dma_wait3A_1339 = arith.constant 0 : i32
    %dma_wait3A_1340 = arith.constant 2688 : i32
    %dma_wait3A_1341 = tpu.memref_slice %arg9[%dma_wait3A_1339, %dma_wait3A_1340] : memref<2x3328xi32, #tpu.memory_space<vmem>> -> memref<1x128xi32, #tpu.memory_space<vmem>>
    %dma_wait3A_1342 = tpu.memref_squeeze %dma_wait3A_1341 : memref<1x128xi32, #tpu.memory_space<vmem>> -> memref<128xi32, #tpu.memory_space<vmem>>
    %dma_wait3A_1343 = arith.constant 0 : i32
    %dma_wait3A_1344 = arith.constant 0 : i32
    %dma_wait3A_1345 = tpu.memref_slice %arg2[%dma_wait3A_1343, %dma_wait3A_1344] : memref<20000x128xf32, #tpu.memory_space<hbm>> -> memref<20000x128xf32, #tpu.memory_space<hbm>>
    tpu.wait_indirect_dma semaphore(%arg14 : memref<!tpu.dma_semaphore, #tpu.memory_space<semaphore_mem>>) src(%dma_wait3A_1345 : memref<20000x128xf32, #tpu.memory_space<hbm>>) dst(%arg11 : memref<128x128xf32, #tpu.memory_space<vmem>>)
    %dma_start3A_1346 = arith.constant 1 : i32
    %dma_start3A_1347 = arith.constant 2688 : i32
    %dma_start3A_1348 = tpu.memref_slice %arg9[%dma_start3A_1346, %dma_start3A_1347] : memref<2x3328xi32, #tpu.memory_space<vmem>> -> memref<1x128xi32, #tpu.memory_space<vmem>>
    %dma_start3A_1349 = tpu.memref_squeeze %dma_start3A_1348 : memref<1x128xi32, #tpu.memory_space<vmem>> -> memref<128xi32, #tpu.memory_space<vmem>>
    %dma_start3A_1350 = arith.constant 0 : i32
    %dma_start3A_1351 = arith.constant 0 : i32
    %dma_start3A_1352 = tpu.memref_slice %arg12[%dma_start3A_1350, %dma_start3A_1351] : memref<10000x128xf32, #tpu.memory_space<vmem_shared>> -> memref<10000x128xf32, #tpu.memory_space<vmem_shared>>
    tpu.enqueue_indirect_dma source(%arg11 : memref<128x128xf32, #tpu.memory_space<vmem>>) target(%dma_start3A_1352 : memref<10000x128xf32, #tpu.memory_space<vmem_shared>>) offsets(%dma_start3A_1349 : memref<128xi32, #tpu.memory_space<vmem>>) semaphore(%arg16 : memref<!tpu.dma_semaphore, #tpu.memory_space<semaphore_mem>>) {add = true}
    %dma_wait3A_1353 = arith.constant 1 : i32
    %dma_wait3A_1354 = arith.constant 2688 : i32
    %dma_wait3A_1355 = tpu.memref_slice %arg9[%dma_wait3A_1353, %dma_wait3A_1354] : memref<2x3328xi32, #tpu.memory_space<vmem>> -> memref<1x128xi32, #tpu.memory_space<vmem>>
    %dma_wait3A_1356 = tpu.memref_squeeze %dma_wait3A_1355 : memref<1x128xi32, #tpu.memory_space<vmem>> -> memref<128xi32, #tpu.memory_space<vmem>>
    %dma_wait3A_1357 = arith.constant 0 : i32
    %dma_wait3A_1358 = arith.constant 0 : i32
    %dma_wait3A_1359 = tpu.memref_slice %arg12[%dma_wait3A_1357, %dma_wait3A_1358] : memref<10000x128xf32, #tpu.memory_space<vmem_shared>> -> memref<10000x128xf32, #tpu.memory_space<vmem_shared>>
    tpu.wait_indirect_dma semaphore(%arg16 : memref<!tpu.dma_semaphore, #tpu.memory_space<semaphore_mem>>) src(%arg11 : memref<128x128xf32, #tpu.memory_space<vmem>>) dst(%dma_wait3A_1359 : memref<10000x128xf32, #tpu.memory_space<vmem_shared>>)
    %dma_start3A_1360 = arith.constant 0 : i32
    %dma_start3A_1361 = arith.constant 2944 : i32
    %dma_start3A_1362 = tpu.memref_slice %arg9[%dma_start3A_1360, %dma_start3A_1361] : memref<2x3328xi32, #tpu.memory_space<vmem>> -> memref<1x128xi32, #tpu.memory_space<vmem>>
    %dma_start3A_1363 = tpu.memref_squeeze %dma_start3A_1362 : memref<1x128xi32, #tpu.memory_space<vmem>> -> memref<128xi32, #tpu.memory_space<vmem>>
    %dma_start3A_1364 = arith.constant 0 : i32
    %dma_start3A_1365 = arith.constant 0 : i32
    %dma_start3A_1366 = tpu.memref_slice %arg2[%dma_start3A_1364, %dma_start3A_1365] : memref<20000x128xf32, #tpu.memory_space<hbm>> -> memref<20000x128xf32, #tpu.memory_space<hbm>>
    tpu.enqueue_indirect_dma source(%dma_start3A_1366 : memref<20000x128xf32, #tpu.memory_space<hbm>>) target(%arg11 : memref<128x128xf32, #tpu.memory_space<vmem>>) offsets(%dma_start3A_1363 : memref<128xi32, #tpu.memory_space<vmem>>) semaphore(%arg14 : memref<!tpu.dma_semaphore, #tpu.memory_space<semaphore_mem>>)
    %dma_wait3A_1367 = arith.constant 0 : i32
    %dma_wait3A_1368 = arith.constant 2816 : i32
    %dma_wait3A_1369 = tpu.memref_slice %arg9[%dma_wait3A_1367, %dma_wait3A_1368] : memref<2x3328xi32, #tpu.memory_space<vmem>> -> memref<1x128xi32, #tpu.memory_space<vmem>>
    %dma_wait3A_1370 = tpu.memref_squeeze %dma_wait3A_1369 : memref<1x128xi32, #tpu.memory_space<vmem>> -> memref<128xi32, #tpu.memory_space<vmem>>
    %dma_wait3A_1371 = arith.constant 0 : i32
    %dma_wait3A_1372 = arith.constant 0 : i32
    %dma_wait3A_1373 = tpu.memref_slice %arg2[%dma_wait3A_1371, %dma_wait3A_1372] : memref<20000x128xf32, #tpu.memory_space<hbm>> -> memref<20000x128xf32, #tpu.memory_space<hbm>>
    tpu.wait_indirect_dma semaphore(%arg13 : memref<!tpu.dma_semaphore, #tpu.memory_space<semaphore_mem>>) src(%dma_wait3A_1373 : memref<20000x128xf32, #tpu.memory_space<hbm>>) dst(%arg10 : memref<128x128xf32, #tpu.memory_space<vmem>>)
    %dma_start3A_1374 = arith.constant 1 : i32
    %dma_start3A_1375 = arith.constant 2816 : i32
    %dma_start3A_1376 = tpu.memref_slice %arg9[%dma_start3A_1374, %dma_start3A_1375] : memref<2x3328xi32, #tpu.memory_space<vmem>> -> memref<1x128xi32, #tpu.memory_space<vmem>>
    %dma_start3A_1377 = tpu.memref_squeeze %dma_start3A_1376 : memref<1x128xi32, #tpu.memory_space<vmem>> -> memref<128xi32, #tpu.memory_space<vmem>>
    %dma_start3A_1378 = arith.constant 0 : i32
    %dma_start3A_1379 = arith.constant 0 : i32
    %dma_start3A_1380 = tpu.memref_slice %arg12[%dma_start3A_1378, %dma_start3A_1379] : memref<10000x128xf32, #tpu.memory_space<vmem_shared>> -> memref<10000x128xf32, #tpu.memory_space<vmem_shared>>
    tpu.enqueue_indirect_dma source(%arg10 : memref<128x128xf32, #tpu.memory_space<vmem>>) target(%dma_start3A_1380 : memref<10000x128xf32, #tpu.memory_space<vmem_shared>>) offsets(%dma_start3A_1377 : memref<128xi32, #tpu.memory_space<vmem>>) semaphore(%arg15 : memref<!tpu.dma_semaphore, #tpu.memory_space<semaphore_mem>>) {add = true}
    %dma_wait3A_1381 = arith.constant 1 : i32
    %dma_wait3A_1382 = arith.constant 2816 : i32
    %dma_wait3A_1383 = tpu.memref_slice %arg9[%dma_wait3A_1381, %dma_wait3A_1382] : memref<2x3328xi32, #tpu.memory_space<vmem>> -> memref<1x128xi32, #tpu.memory_space<vmem>>
    %dma_wait3A_1384 = tpu.memref_squeeze %dma_wait3A_1383 : memref<1x128xi32, #tpu.memory_space<vmem>> -> memref<128xi32, #tpu.memory_space<vmem>>
    %dma_wait3A_1385 = arith.constant 0 : i32
    %dma_wait3A_1386 = arith.constant 0 : i32
    %dma_wait3A_1387 = tpu.memref_slice %arg12[%dma_wait3A_1385, %dma_wait3A_1386] : memref<10000x128xf32, #tpu.memory_space<vmem_shared>> -> memref<10000x128xf32, #tpu.memory_space<vmem_shared>>
    tpu.wait_indirect_dma semaphore(%arg15 : memref<!tpu.dma_semaphore, #tpu.memory_space<semaphore_mem>>) src(%arg10 : memref<128x128xf32, #tpu.memory_space<vmem>>) dst(%dma_wait3A_1387 : memref<10000x128xf32, #tpu.memory_space<vmem_shared>>)
    %dma_start3A_1388 = arith.constant 0 : i32
    %dma_start3A_1389 = arith.constant 3072 : i32
    %dma_start3A_1390 = tpu.memref_slice %arg9[%dma_start3A_1388, %dma_start3A_1389] : memref<2x3328xi32, #tpu.memory_space<vmem>> -> memref<1x128xi32, #tpu.memory_space<vmem>>
    %dma_start3A_1391 = tpu.memref_squeeze %dma_start3A_1390 : memref<1x128xi32, #tpu.memory_space<vmem>> -> memref<128xi32, #tpu.memory_space<vmem>>
    %dma_start3A_1392 = arith.constant 0 : i32
    %dma_start3A_1393 = arith.constant 0 : i32
    %dma_start3A_1394 = tpu.memref_slice %arg2[%dma_start3A_1392, %dma_start3A_1393] : memref<20000x128xf32, #tpu.memory_space<hbm>> -> memref<20000x128xf32, #tpu.memory_space<hbm>>
    tpu.enqueue_indirect_dma source(%dma_start3A_1394 : memref<20000x128xf32, #tpu.memory_space<hbm>>) target(%arg10 : memref<128x128xf32, #tpu.memory_space<vmem>>) offsets(%dma_start3A_1391 : memref<128xi32, #tpu.memory_space<vmem>>) semaphore(%arg13 : memref<!tpu.dma_semaphore, #tpu.memory_space<semaphore_mem>>)
    %dma_wait3A_1395 = arith.constant 0 : i32
    %dma_wait3A_1396 = arith.constant 2944 : i32
    %dma_wait3A_1397 = tpu.memref_slice %arg9[%dma_wait3A_1395, %dma_wait3A_1396] : memref<2x3328xi32, #tpu.memory_space<vmem>> -> memref<1x128xi32, #tpu.memory_space<vmem>>
    %dma_wait3A_1398 = tpu.memref_squeeze %dma_wait3A_1397 : memref<1x128xi32, #tpu.memory_space<vmem>> -> memref<128xi32, #tpu.memory_space<vmem>>
    %dma_wait3A_1399 = arith.constant 0 : i32
    %dma_wait3A_1400 = arith.constant 0 : i32
    %dma_wait3A_1401 = tpu.memref_slice %arg2[%dma_wait3A_1399, %dma_wait3A_1400] : memref<20000x128xf32, #tpu.memory_space<hbm>> -> memref<20000x128xf32, #tpu.memory_space<hbm>>
    tpu.wait_indirect_dma semaphore(%arg14 : memref<!tpu.dma_semaphore, #tpu.memory_space<semaphore_mem>>) src(%dma_wait3A_1401 : memref<20000x128xf32, #tpu.memory_space<hbm>>) dst(%arg11 : memref<128x128xf32, #tpu.memory_space<vmem>>)
    %dma_start3A_1402 = arith.constant 1 : i32
    %dma_start3A_1403 = arith.constant 2944 : i32
    %dma_start3A_1404 = tpu.memref_slice %arg9[%dma_start3A_1402, %dma_start3A_1403] : memref<2x3328xi32, #tpu.memory_space<vmem>> -> memref<1x128xi32, #tpu.memory_space<vmem>>
    %dma_start3A_1405 = tpu.memref_squeeze %dma_start3A_1404 : memref<1x128xi32, #tpu.memory_space<vmem>> -> memref<128xi32, #tpu.memory_space<vmem>>
    %dma_start3A_1406 = arith.constant 0 : i32
    %dma_start3A_1407 = arith.constant 0 : i32
    %dma_start3A_1408 = tpu.memref_slice %arg12[%dma_start3A_1406, %dma_start3A_1407] : memref<10000x128xf32, #tpu.memory_space<vmem_shared>> -> memref<10000x128xf32, #tpu.memory_space<vmem_shared>>
    tpu.enqueue_indirect_dma source(%arg11 : memref<128x128xf32, #tpu.memory_space<vmem>>) target(%dma_start3A_1408 : memref<10000x128xf32, #tpu.memory_space<vmem_shared>>) offsets(%dma_start3A_1405 : memref<128xi32, #tpu.memory_space<vmem>>) semaphore(%arg16 : memref<!tpu.dma_semaphore, #tpu.memory_space<semaphore_mem>>) {add = true}
    %dma_wait3A_1409 = arith.constant 1 : i32
    %dma_wait3A_1410 = arith.constant 2944 : i32
    %dma_wait3A_1411 = tpu.memref_slice %arg9[%dma_wait3A_1409, %dma_wait3A_1410] : memref<2x3328xi32, #tpu.memory_space<vmem>> -> memref<1x128xi32, #tpu.memory_space<vmem>>
    %dma_wait3A_1412 = tpu.memref_squeeze %dma_wait3A_1411 : memref<1x128xi32, #tpu.memory_space<vmem>> -> memref<128xi32, #tpu.memory_space<vmem>>
    %dma_wait3A_1413 = arith.constant 0 : i32
    %dma_wait3A_1414 = arith.constant 0 : i32
    %dma_wait3A_1415 = tpu.memref_slice %arg12[%dma_wait3A_1413, %dma_wait3A_1414] : memref<10000x128xf32, #tpu.memory_space<vmem_shared>> -> memref<10000x128xf32, #tpu.memory_space<vmem_shared>>
    tpu.wait_indirect_dma semaphore(%arg16 : memref<!tpu.dma_semaphore, #tpu.memory_space<semaphore_mem>>) src(%arg11 : memref<128x128xf32, #tpu.memory_space<vmem>>) dst(%dma_wait3A_1415 : memref<10000x128xf32, #tpu.memory_space<vmem_shared>>)
    %dma_start3A_1416 = arith.constant 0 : i32
    %dma_start3A_1417 = arith.constant 3200 : i32
    %dma_start3A_1418 = tpu.memref_slice %arg9[%dma_start3A_1416, %dma_start3A_1417] : memref<2x3328xi32, #tpu.memory_space<vmem>> -> memref<1x128xi32, #tpu.memory_space<vmem>>
    %dma_start3A_1419 = tpu.memref_squeeze %dma_start3A_1418 : memref<1x128xi32, #tpu.memory_space<vmem>> -> memref<128xi32, #tpu.memory_space<vmem>>
    %dma_start3A_1420 = arith.constant 0 : i32
    %dma_start3A_1421 = arith.constant 0 : i32
    %dma_start3A_1422 = tpu.memref_slice %arg2[%dma_start3A_1420, %dma_start3A_1421] : memref<20000x128xf32, #tpu.memory_space<hbm>> -> memref<20000x128xf32, #tpu.memory_space<hbm>>
    tpu.enqueue_indirect_dma source(%dma_start3A_1422 : memref<20000x128xf32, #tpu.memory_space<hbm>>) target(%arg11 : memref<128x128xf32, #tpu.memory_space<vmem>>) offsets(%dma_start3A_1419 : memref<128xi32, #tpu.memory_space<vmem>>) semaphore(%arg14 : memref<!tpu.dma_semaphore, #tpu.memory_space<semaphore_mem>>)
    %dma_wait3A_1423 = arith.constant 0 : i32
    %dma_wait3A_1424 = arith.constant 3072 : i32
    %dma_wait3A_1425 = tpu.memref_slice %arg9[%dma_wait3A_1423, %dma_wait3A_1424] : memref<2x3328xi32, #tpu.memory_space<vmem>> -> memref<1x128xi32, #tpu.memory_space<vmem>>
    %dma_wait3A_1426 = tpu.memref_squeeze %dma_wait3A_1425 : memref<1x128xi32, #tpu.memory_space<vmem>> -> memref<128xi32, #tpu.memory_space<vmem>>
    %dma_wait3A_1427 = arith.constant 0 : i32
    %dma_wait3A_1428 = arith.constant 0 : i32
    %dma_wait3A_1429 = tpu.memref_slice %arg2[%dma_wait3A_1427, %dma_wait3A_1428] : memref<20000x128xf32, #tpu.memory_space<hbm>> -> memref<20000x128xf32, #tpu.memory_space<hbm>>
    tpu.wait_indirect_dma semaphore(%arg13 : memref<!tpu.dma_semaphore, #tpu.memory_space<semaphore_mem>>) src(%dma_wait3A_1429 : memref<20000x128xf32, #tpu.memory_space<hbm>>) dst(%arg10 : memref<128x128xf32, #tpu.memory_space<vmem>>)
    %dma_start3A_1430 = arith.constant 1 : i32
    %dma_start3A_1431 = arith.constant 3072 : i32
    %dma_start3A_1432 = tpu.memref_slice %arg9[%dma_start3A_1430, %dma_start3A_1431] : memref<2x3328xi32, #tpu.memory_space<vmem>> -> memref<1x128xi32, #tpu.memory_space<vmem>>
    %dma_start3A_1433 = tpu.memref_squeeze %dma_start3A_1432 : memref<1x128xi32, #tpu.memory_space<vmem>> -> memref<128xi32, #tpu.memory_space<vmem>>
    %dma_start3A_1434 = arith.constant 0 : i32
    %dma_start3A_1435 = arith.constant 0 : i32
    %dma_start3A_1436 = tpu.memref_slice %arg12[%dma_start3A_1434, %dma_start3A_1435] : memref<10000x128xf32, #tpu.memory_space<vmem_shared>> -> memref<10000x128xf32, #tpu.memory_space<vmem_shared>>
    tpu.enqueue_indirect_dma source(%arg10 : memref<128x128xf32, #tpu.memory_space<vmem>>) target(%dma_start3A_1436 : memref<10000x128xf32, #tpu.memory_space<vmem_shared>>) offsets(%dma_start3A_1433 : memref<128xi32, #tpu.memory_space<vmem>>) semaphore(%arg15 : memref<!tpu.dma_semaphore, #tpu.memory_space<semaphore_mem>>) {add = true}
    %dma_wait3A_1437 = arith.constant 1 : i32
    %dma_wait3A_1438 = arith.constant 3072 : i32
    %dma_wait3A_1439 = tpu.memref_slice %arg9[%dma_wait3A_1437, %dma_wait3A_1438] : memref<2x3328xi32, #tpu.memory_space<vmem>> -> memref<1x128xi32, #tpu.memory_space<vmem>>
    %dma_wait3A_1440 = tpu.memref_squeeze %dma_wait3A_1439 : memref<1x128xi32, #tpu.memory_space<vmem>> -> memref<128xi32, #tpu.memory_space<vmem>>
    %dma_wait3A_1441 = arith.constant 0 : i32
    %dma_wait3A_1442 = arith.constant 0 : i32
    %dma_wait3A_1443 = tpu.memref_slice %arg12[%dma_wait3A_1441, %dma_wait3A_1442] : memref<10000x128xf32, #tpu.memory_space<vmem_shared>> -> memref<10000x128xf32, #tpu.memory_space<vmem_shared>>
    tpu.wait_indirect_dma semaphore(%arg15 : memref<!tpu.dma_semaphore, #tpu.memory_space<semaphore_mem>>) src(%arg10 : memref<128x128xf32, #tpu.memory_space<vmem>>) dst(%dma_wait3A_1443 : memref<10000x128xf32, #tpu.memory_space<vmem_shared>>)
    %dma_start3A_1444 = arith.constant 0 : i32
    %dma_start3A_1445 = arith.constant 0 : i32
    %dma_start3A_1446 = tpu.memref_slice %arg8[%dma_start3A_1444, %dma_start3A_1445] : memref<2x3328xi32, #tpu.memory_space<vmem>> -> memref<1x128xi32, #tpu.memory_space<vmem>>
    %dma_start3A_1447 = tpu.memref_squeeze %dma_start3A_1446 : memref<1x128xi32, #tpu.memory_space<vmem>> -> memref<128xi32, #tpu.memory_space<vmem>>
    %dma_start3A_1448 = arith.constant 0 : i32
    %dma_start3A_1449 = arith.constant 0 : i32
    %dma_start3A_1450 = tpu.memref_slice %arg2[%dma_start3A_1448, %dma_start3A_1449] : memref<20000x128xf32, #tpu.memory_space<hbm>> -> memref<20000x128xf32, #tpu.memory_space<hbm>>
    tpu.enqueue_indirect_dma source(%dma_start3A_1450 : memref<20000x128xf32, #tpu.memory_space<hbm>>) target(%arg10 : memref<128x128xf32, #tpu.memory_space<vmem>>) offsets(%dma_start3A_1447 : memref<128xi32, #tpu.memory_space<vmem>>) semaphore(%arg13 : memref<!tpu.dma_semaphore, #tpu.memory_space<semaphore_mem>>)
    %dma_wait3A_1451 = arith.constant 0 : i32
    %dma_wait3A_1452 = arith.constant 3200 : i32
    %dma_wait3A_1453 = tpu.memref_slice %arg9[%dma_wait3A_1451, %dma_wait3A_1452] : memref<2x3328xi32, #tpu.memory_space<vmem>> -> memref<1x128xi32, #tpu.memory_space<vmem>>
    %dma_wait3A_1454 = tpu.memref_squeeze %dma_wait3A_1453 : memref<1x128xi32, #tpu.memory_space<vmem>> -> memref<128xi32, #tpu.memory_space<vmem>>
    %dma_wait3A_1455 = arith.constant 0 : i32
    %dma_wait3A_1456 = arith.constant 0 : i32
    %dma_wait3A_1457 = tpu.memref_slice %arg2[%dma_wait3A_1455, %dma_wait3A_1456] : memref<20000x128xf32, #tpu.memory_space<hbm>> -> memref<20000x128xf32, #tpu.memory_space<hbm>>
    tpu.wait_indirect_dma semaphore(%arg14 : memref<!tpu.dma_semaphore, #tpu.memory_space<semaphore_mem>>) src(%dma_wait3A_1457 : memref<20000x128xf32, #tpu.memory_space<hbm>>) dst(%arg11 : memref<128x128xf32, #tpu.memory_space<vmem>>)
    %dma_start3A_1458 = arith.constant 1 : i32
    %dma_start3A_1459 = arith.constant 3200 : i32
    %dma_start3A_1460 = tpu.memref_slice %arg9[%dma_start3A_1458, %dma_start3A_1459] : memref<2x3328xi32, #tpu.memory_space<vmem>> -> memref<1x128xi32, #tpu.memory_space<vmem>>
    %dma_start3A_1461 = tpu.memref_squeeze %dma_start3A_1460 : memref<1x128xi32, #tpu.memory_space<vmem>> -> memref<128xi32, #tpu.memory_space<vmem>>
    %dma_start3A_1462 = arith.constant 0 : i32
    %dma_start3A_1463 = arith.constant 0 : i32
    %dma_start3A_1464 = tpu.memref_slice %arg12[%dma_start3A_1462, %dma_start3A_1463] : memref<10000x128xf32, #tpu.memory_space<vmem_shared>> -> memref<10000x128xf32, #tpu.memory_space<vmem_shared>>
    tpu.enqueue_indirect_dma source(%arg11 : memref<128x128xf32, #tpu.memory_space<vmem>>) target(%dma_start3A_1464 : memref<10000x128xf32, #tpu.memory_space<vmem_shared>>) offsets(%dma_start3A_1461 : memref<128xi32, #tpu.memory_space<vmem>>) semaphore(%arg16 : memref<!tpu.dma_semaphore, #tpu.memory_space<semaphore_mem>>) {add = true}
    %dma_wait3A_1465 = arith.constant 1 : i32
    %dma_wait3A_1466 = arith.constant 3200 : i32
    %dma_wait3A_1467 = tpu.memref_slice %arg9[%dma_wait3A_1465, %dma_wait3A_1466] : memref<2x3328xi32, #tpu.memory_space<vmem>> -> memref<1x128xi32, #tpu.memory_space<vmem>>
    %dma_wait3A_1468 = tpu.memref_squeeze %dma_wait3A_1467 : memref<1x128xi32, #tpu.memory_space<vmem>> -> memref<128xi32, #tpu.memory_space<vmem>>
    %dma_wait3A_1469 = arith.constant 0 : i32
    %dma_wait3A_1470 = arith.constant 0 : i32
    %dma_wait3A_1471 = tpu.memref_slice %arg12[%dma_wait3A_1469, %dma_wait3A_1470] : memref<10000x128xf32, #tpu.memory_space<vmem_shared>> -> memref<10000x128xf32, #tpu.memory_space<vmem_shared>>
    tpu.wait_indirect_dma semaphore(%arg16 : memref<!tpu.dma_semaphore, #tpu.memory_space<semaphore_mem>>) src(%arg11 : memref<128x128xf32, #tpu.memory_space<vmem>>) dst(%dma_wait3A_1471 : memref<10000x128xf32, #tpu.memory_space<vmem_shared>>)
    %dma_start3A_1472 = arith.constant 0 : i32
    %dma_start3A_1473 = arith.constant 128 : i32
    %dma_start3A_1474 = tpu.memref_slice %arg8[%dma_start3A_1472, %dma_start3A_1473] : memref<2x3328xi32, #tpu.memory_space<vmem>> -> memref<1x128xi32, #tpu.memory_space<vmem>>
    %dma_start3A_1475 = tpu.memref_squeeze %dma_start3A_1474 : memref<1x128xi32, #tpu.memory_space<vmem>> -> memref<128xi32, #tpu.memory_space<vmem>>
    %dma_start3A_1476 = arith.constant 0 : i32
    %dma_start3A_1477 = arith.constant 0 : i32
    %dma_start3A_1478 = tpu.memref_slice %arg2[%dma_start3A_1476, %dma_start3A_1477] : memref<20000x128xf32, #tpu.memory_space<hbm>> -> memref<20000x128xf32, #tpu.memory_space<hbm>>
    tpu.enqueue_indirect_dma source(%dma_start3A_1478 : memref<20000x128xf32, #tpu.memory_space<hbm>>) target(%arg11 : memref<128x128xf32, #tpu.memory_space<vmem>>) offsets(%dma_start3A_1475 : memref<128xi32, #tpu.memory_space<vmem>>) semaphore(%arg14 : memref<!tpu.dma_semaphore, #tpu.memory_space<semaphore_mem>>)
    %dma_wait3A_1479 = arith.constant 0 : i32
    %dma_wait3A_1480 = arith.constant 0 : i32
    %dma_wait3A_1481 = tpu.memref_slice %arg8[%dma_wait3A_1479, %dma_wait3A_1480] : memref<2x3328xi32, #tpu.memory_space<vmem>> -> memref<1x128xi32, #tpu.memory_space<vmem>>
    %dma_wait3A_1482 = tpu.memref_squeeze %dma_wait3A_1481 : memref<1x128xi32, #tpu.memory_space<vmem>> -> memref<128xi32, #tpu.memory_space<vmem>>
    %dma_wait3A_1483 = arith.constant 0 : i32
    %dma_wait3A_1484 = arith.constant 0 : i32
    %dma_wait3A_1485 = tpu.memref_slice %arg2[%dma_wait3A_1483, %dma_wait3A_1484] : memref<20000x128xf32, #tpu.memory_space<hbm>> -> memref<20000x128xf32, #tpu.memory_space<hbm>>
    tpu.wait_indirect_dma semaphore(%arg13 : memref<!tpu.dma_semaphore, #tpu.memory_space<semaphore_mem>>) src(%dma_wait3A_1485 : memref<20000x128xf32, #tpu.memory_space<hbm>>) dst(%arg10 : memref<128x128xf32, #tpu.memory_space<vmem>>)
    %dma_start3A_1486 = arith.constant 1 : i32
    %dma_start3A_1487 = arith.constant 0 : i32
    %dma_start3A_1488 = tpu.memref_slice %arg8[%dma_start3A_1486, %dma_start3A_1487] : memref<2x3328xi32, #tpu.memory_space<vmem>> -> memref<1x128xi32, #tpu.memory_space<vmem>>
    %dma_start3A_1489 = tpu.memref_squeeze %dma_start3A_1488 : memref<1x128xi32, #tpu.memory_space<vmem>> -> memref<128xi32, #tpu.memory_space<vmem>>
    %dma_start3A_1490 = arith.constant 0 : i32
    %dma_start3A_1491 = arith.constant 0 : i32
    %dma_start3A_1492 = tpu.memref_slice %arg12[%dma_start3A_1490, %dma_start3A_1491] : memref<10000x128xf32, #tpu.memory_space<vmem_shared>> -> memref<10000x128xf32, #tpu.memory_space<vmem_shared>>
    tpu.enqueue_indirect_dma source(%arg10 : memref<128x128xf32, #tpu.memory_space<vmem>>) target(%dma_start3A_1492 : memref<10000x128xf32, #tpu.memory_space<vmem_shared>>) offsets(%dma_start3A_1489 : memref<128xi32, #tpu.memory_space<vmem>>) semaphore(%arg15 : memref<!tpu.dma_semaphore, #tpu.memory_space<semaphore_mem>>) {add = true}
    %dma_wait3A_1493 = arith.constant 1 : i32
    %dma_wait3A_1494 = arith.constant 0 : i32
    %dma_wait3A_1495 = tpu.memref_slice %arg8[%dma_wait3A_1493, %dma_wait3A_1494] : memref<2x3328xi32, #tpu.memory_space<vmem>> -> memref<1x128xi32, #tpu.memory_space<vmem>>
    %dma_wait3A_1496 = tpu.memref_squeeze %dma_wait3A_1495 : memref<1x128xi32, #tpu.memory_space<vmem>> -> memref<128xi32, #tpu.memory_space<vmem>>
    %dma_wait3A_1497 = arith.constant 0 : i32
    %dma_wait3A_1498 = arith.constant 0 : i32
    %dma_wait3A_1499 = tpu.memref_slice %arg12[%dma_wait3A_1497, %dma_wait3A_1498] : memref<10000x128xf32, #tpu.memory_space<vmem_shared>> -> memref<10000x128xf32, #tpu.memory_space<vmem_shared>>
    tpu.wait_indirect_dma semaphore(%arg15 : memref<!tpu.dma_semaphore, #tpu.memory_space<semaphore_mem>>) src(%arg10 : memref<128x128xf32, #tpu.memory_space<vmem>>) dst(%dma_wait3A_1499 : memref<10000x128xf32, #tpu.memory_space<vmem_shared>>)
    %dma_start3A_1500 = arith.constant 0 : i32
    %dma_start3A_1501 = arith.constant 256 : i32
    %dma_start3A_1502 = tpu.memref_slice %arg8[%dma_start3A_1500, %dma_start3A_1501] : memref<2x3328xi32, #tpu.memory_space<vmem>> -> memref<1x128xi32, #tpu.memory_space<vmem>>
    %dma_start3A_1503 = tpu.memref_squeeze %dma_start3A_1502 : memref<1x128xi32, #tpu.memory_space<vmem>> -> memref<128xi32, #tpu.memory_space<vmem>>
    %dma_start3A_1504 = arith.constant 0 : i32
    %dma_start3A_1505 = arith.constant 0 : i32
    %dma_start3A_1506 = tpu.memref_slice %arg2[%dma_start3A_1504, %dma_start3A_1505] : memref<20000x128xf32, #tpu.memory_space<hbm>> -> memref<20000x128xf32, #tpu.memory_space<hbm>>
    tpu.enqueue_indirect_dma source(%dma_start3A_1506 : memref<20000x128xf32, #tpu.memory_space<hbm>>) target(%arg10 : memref<128x128xf32, #tpu.memory_space<vmem>>) offsets(%dma_start3A_1503 : memref<128xi32, #tpu.memory_space<vmem>>) semaphore(%arg13 : memref<!tpu.dma_semaphore, #tpu.memory_space<semaphore_mem>>)
    %dma_wait3A_1507 = arith.constant 0 : i32
    %dma_wait3A_1508 = arith.constant 128 : i32
    %dma_wait3A_1509 = tpu.memref_slice %arg8[%dma_wait3A_1507, %dma_wait3A_1508] : memref<2x3328xi32, #tpu.memory_space<vmem>> -> memref<1x128xi32, #tpu.memory_space<vmem>>
    %dma_wait3A_1510 = tpu.memref_squeeze %dma_wait3A_1509 : memref<1x128xi32, #tpu.memory_space<vmem>> -> memref<128xi32, #tpu.memory_space<vmem>>
    %dma_wait3A_1511 = arith.constant 0 : i32
    %dma_wait3A_1512 = arith.constant 0 : i32
    %dma_wait3A_1513 = tpu.memref_slice %arg2[%dma_wait3A_1511, %dma_wait3A_1512] : memref<20000x128xf32, #tpu.memory_space<hbm>> -> memref<20000x128xf32, #tpu.memory_space<hbm>>
    tpu.wait_indirect_dma semaphore(%arg14 : memref<!tpu.dma_semaphore, #tpu.memory_space<semaphore_mem>>) src(%dma_wait3A_1513 : memref<20000x128xf32, #tpu.memory_space<hbm>>) dst(%arg11 : memref<128x128xf32, #tpu.memory_space<vmem>>)
    %dma_start3A_1514 = arith.constant 1 : i32
    %dma_start3A_1515 = arith.constant 128 : i32
    %dma_start3A_1516 = tpu.memref_slice %arg8[%dma_start3A_1514, %dma_start3A_1515] : memref<2x3328xi32, #tpu.memory_space<vmem>> -> memref<1x128xi32, #tpu.memory_space<vmem>>
    %dma_start3A_1517 = tpu.memref_squeeze %dma_start3A_1516 : memref<1x128xi32, #tpu.memory_space<vmem>> -> memref<128xi32, #tpu.memory_space<vmem>>
    %dma_start3A_1518 = arith.constant 0 : i32
    %dma_start3A_1519 = arith.constant 0 : i32
    %dma_start3A_1520 = tpu.memref_slice %arg12[%dma_start3A_1518, %dma_start3A_1519] : memref<10000x128xf32, #tpu.memory_space<vmem_shared>> -> memref<10000x128xf32, #tpu.memory_space<vmem_shared>>
    tpu.enqueue_indirect_dma source(%arg11 : memref<128x128xf32, #tpu.memory_space<vmem>>) target(%dma_start3A_1520 : memref<10000x128xf32, #tpu.memory_space<vmem_shared>>) offsets(%dma_start3A_1517 : memref<128xi32, #tpu.memory_space<vmem>>) semaphore(%arg16 : memref<!tpu.dma_semaphore, #tpu.memory_space<semaphore_mem>>) {add = true}
    %dma_wait3A_1521 = arith.constant 1 : i32
    %dma_wait3A_1522 = arith.constant 128 : i32
    %dma_wait3A_1523 = tpu.memref_slice %arg8[%dma_wait3A_1521, %dma_wait3A_1522] : memref<2x3328xi32, #tpu.memory_space<vmem>> -> memref<1x128xi32, #tpu.memory_space<vmem>>
    %dma_wait3A_1524 = tpu.memref_squeeze %dma_wait3A_1523 : memref<1x128xi32, #tpu.memory_space<vmem>> -> memref<128xi32, #tpu.memory_space<vmem>>
    %dma_wait3A_1525 = arith.constant 0 : i32
    %dma_wait3A_1526 = arith.constant 0 : i32
    %dma_wait3A_1527 = tpu.memref_slice %arg12[%dma_wait3A_1525, %dma_wait3A_1526] : memref<10000x128xf32, #tpu.memory_space<vmem_shared>> -> memref<10000x128xf32, #tpu.memory_space<vmem_shared>>
    tpu.wait_indirect_dma semaphore(%arg16 : memref<!tpu.dma_semaphore, #tpu.memory_space<semaphore_mem>>) src(%arg11 : memref<128x128xf32, #tpu.memory_space<vmem>>) dst(%dma_wait3A_1527 : memref<10000x128xf32, #tpu.memory_space<vmem_shared>>)
    %dma_start3A_1528 = arith.constant 0 : i32
    %dma_start3A_1529 = arith.constant 384 : i32
    %dma_start3A_1530 = tpu.memref_slice %arg8[%dma_start3A_1528, %dma_start3A_1529] : memref<2x3328xi32, #tpu.memory_space<vmem>> -> memref<1x128xi32, #tpu.memory_space<vmem>>
    %dma_start3A_1531 = tpu.memref_squeeze %dma_start3A_1530 : memref<1x128xi32, #tpu.memory_space<vmem>> -> memref<128xi32, #tpu.memory_space<vmem>>
    %dma_start3A_1532 = arith.constant 0 : i32
    %dma_start3A_1533 = arith.constant 0 : i32
    %dma_start3A_1534 = tpu.memref_slice %arg2[%dma_start3A_1532, %dma_start3A_1533] : memref<20000x128xf32, #tpu.memory_space<hbm>> -> memref<20000x128xf32, #tpu.memory_space<hbm>>
    tpu.enqueue_indirect_dma source(%dma_start3A_1534 : memref<20000x128xf32, #tpu.memory_space<hbm>>) target(%arg11 : memref<128x128xf32, #tpu.memory_space<vmem>>) offsets(%dma_start3A_1531 : memref<128xi32, #tpu.memory_space<vmem>>) semaphore(%arg14 : memref<!tpu.dma_semaphore, #tpu.memory_space<semaphore_mem>>)
    %dma_wait3A_1535 = arith.constant 0 : i32
    %dma_wait3A_1536 = arith.constant 256 : i32
    %dma_wait3A_1537 = tpu.memref_slice %arg8[%dma_wait3A_1535, %dma_wait3A_1536] : memref<2x3328xi32, #tpu.memory_space<vmem>> -> memref<1x128xi32, #tpu.memory_space<vmem>>
    %dma_wait3A_1538 = tpu.memref_squeeze %dma_wait3A_1537 : memref<1x128xi32, #tpu.memory_space<vmem>> -> memref<128xi32, #tpu.memory_space<vmem>>
    %dma_wait3A_1539 = arith.constant 0 : i32
    %dma_wait3A_1540 = arith.constant 0 : i32
    %dma_wait3A_1541 = tpu.memref_slice %arg2[%dma_wait3A_1539, %dma_wait3A_1540] : memref<20000x128xf32, #tpu.memory_space<hbm>> -> memref<20000x128xf32, #tpu.memory_space<hbm>>
    tpu.wait_indirect_dma semaphore(%arg13 : memref<!tpu.dma_semaphore, #tpu.memory_space<semaphore_mem>>) src(%dma_wait3A_1541 : memref<20000x128xf32, #tpu.memory_space<hbm>>) dst(%arg10 : memref<128x128xf32, #tpu.memory_space<vmem>>)
    %dma_start3A_1542 = arith.constant 1 : i32
    %dma_start3A_1543 = arith.constant 256 : i32
    %dma_start3A_1544 = tpu.memref_slice %arg8[%dma_start3A_1542, %dma_start3A_1543] : memref<2x3328xi32, #tpu.memory_space<vmem>> -> memref<1x128xi32, #tpu.memory_space<vmem>>
    %dma_start3A_1545 = tpu.memref_squeeze %dma_start3A_1544 : memref<1x128xi32, #tpu.memory_space<vmem>> -> memref<128xi32, #tpu.memory_space<vmem>>
    %dma_start3A_1546 = arith.constant 0 : i32
    %dma_start3A_1547 = arith.constant 0 : i32
    %dma_start3A_1548 = tpu.memref_slice %arg12[%dma_start3A_1546, %dma_start3A_1547] : memref<10000x128xf32, #tpu.memory_space<vmem_shared>> -> memref<10000x128xf32, #tpu.memory_space<vmem_shared>>
    tpu.enqueue_indirect_dma source(%arg10 : memref<128x128xf32, #tpu.memory_space<vmem>>) target(%dma_start3A_1548 : memref<10000x128xf32, #tpu.memory_space<vmem_shared>>) offsets(%dma_start3A_1545 : memref<128xi32, #tpu.memory_space<vmem>>) semaphore(%arg15 : memref<!tpu.dma_semaphore, #tpu.memory_space<semaphore_mem>>) {add = true}
    %dma_wait3A_1549 = arith.constant 1 : i32
    %dma_wait3A_1550 = arith.constant 256 : i32
    %dma_wait3A_1551 = tpu.memref_slice %arg8[%dma_wait3A_1549, %dma_wait3A_1550] : memref<2x3328xi32, #tpu.memory_space<vmem>> -> memref<1x128xi32, #tpu.memory_space<vmem>>
    %dma_wait3A_1552 = tpu.memref_squeeze %dma_wait3A_1551 : memref<1x128xi32, #tpu.memory_space<vmem>> -> memref<128xi32, #tpu.memory_space<vmem>>
    %dma_wait3A_1553 = arith.constant 0 : i32
    %dma_wait3A_1554 = arith.constant 0 : i32
    %dma_wait3A_1555 = tpu.memref_slice %arg12[%dma_wait3A_1553, %dma_wait3A_1554] : memref<10000x128xf32, #tpu.memory_space<vmem_shared>> -> memref<10000x128xf32, #tpu.memory_space<vmem_shared>>
    tpu.wait_indirect_dma semaphore(%arg15 : memref<!tpu.dma_semaphore, #tpu.memory_space<semaphore_mem>>) src(%arg10 : memref<128x128xf32, #tpu.memory_space<vmem>>) dst(%dma_wait3A_1555 : memref<10000x128xf32, #tpu.memory_space<vmem_shared>>)
    %dma_start3A_1556 = arith.constant 0 : i32
    %dma_start3A_1557 = arith.constant 512 : i32
    %dma_start3A_1558 = tpu.memref_slice %arg8[%dma_start3A_1556, %dma_start3A_1557] : memref<2x3328xi32, #tpu.memory_space<vmem>> -> memref<1x128xi32, #tpu.memory_space<vmem>>
    %dma_start3A_1559 = tpu.memref_squeeze %dma_start3A_1558 : memref<1x128xi32, #tpu.memory_space<vmem>> -> memref<128xi32, #tpu.memory_space<vmem>>
    %dma_start3A_1560 = arith.constant 0 : i32
    %dma_start3A_1561 = arith.constant 0 : i32
    %dma_start3A_1562 = tpu.memref_slice %arg2[%dma_start3A_1560, %dma_start3A_1561] : memref<20000x128xf32, #tpu.memory_space<hbm>> -> memref<20000x128xf32, #tpu.memory_space<hbm>>
    tpu.enqueue_indirect_dma source(%dma_start3A_1562 : memref<20000x128xf32, #tpu.memory_space<hbm>>) target(%arg10 : memref<128x128xf32, #tpu.memory_space<vmem>>) offsets(%dma_start3A_1559 : memref<128xi32, #tpu.memory_space<vmem>>) semaphore(%arg13 : memref<!tpu.dma_semaphore, #tpu.memory_space<semaphore_mem>>)
    %dma_wait3A_1563 = arith.constant 0 : i32
    %dma_wait3A_1564 = arith.constant 384 : i32
    %dma_wait3A_1565 = tpu.memref_slice %arg8[%dma_wait3A_1563, %dma_wait3A_1564] : memref<2x3328xi32, #tpu.memory_space<vmem>> -> memref<1x128xi32, #tpu.memory_space<vmem>>
    %dma_wait3A_1566 = tpu.memref_squeeze %dma_wait3A_1565 : memref<1x128xi32, #tpu.memory_space<vmem>> -> memref<128xi32, #tpu.memory_space<vmem>>
    %dma_wait3A_1567 = arith.constant 0 : i32
    %dma_wait3A_1568 = arith.constant 0 : i32
    %dma_wait3A_1569 = tpu.memref_slice %arg2[%dma_wait3A_1567, %dma_wait3A_1568] : memref<20000x128xf32, #tpu.memory_space<hbm>> -> memref<20000x128xf32, #tpu.memory_space<hbm>>
    tpu.wait_indirect_dma semaphore(%arg14 : memref<!tpu.dma_semaphore, #tpu.memory_space<semaphore_mem>>) src(%dma_wait3A_1569 : memref<20000x128xf32, #tpu.memory_space<hbm>>) dst(%arg11 : memref<128x128xf32, #tpu.memory_space<vmem>>)
    %dma_start3A_1570 = arith.constant 1 : i32
    %dma_start3A_1571 = arith.constant 384 : i32
    %dma_start3A_1572 = tpu.memref_slice %arg8[%dma_start3A_1570, %dma_start3A_1571] : memref<2x3328xi32, #tpu.memory_space<vmem>> -> memref<1x128xi32, #tpu.memory_space<vmem>>
    %dma_start3A_1573 = tpu.memref_squeeze %dma_start3A_1572 : memref<1x128xi32, #tpu.memory_space<vmem>> -> memref<128xi32, #tpu.memory_space<vmem>>
    %dma_start3A_1574 = arith.constant 0 : i32
    %dma_start3A_1575 = arith.constant 0 : i32
    %dma_start3A_1576 = tpu.memref_slice %arg12[%dma_start3A_1574, %dma_start3A_1575] : memref<10000x128xf32, #tpu.memory_space<vmem_shared>> -> memref<10000x128xf32, #tpu.memory_space<vmem_shared>>
    tpu.enqueue_indirect_dma source(%arg11 : memref<128x128xf32, #tpu.memory_space<vmem>>) target(%dma_start3A_1576 : memref<10000x128xf32, #tpu.memory_space<vmem_shared>>) offsets(%dma_start3A_1573 : memref<128xi32, #tpu.memory_space<vmem>>) semaphore(%arg16 : memref<!tpu.dma_semaphore, #tpu.memory_space<semaphore_mem>>) {add = true}
    %dma_wait3A_1577 = arith.constant 1 : i32
    %dma_wait3A_1578 = arith.constant 384 : i32
    %dma_wait3A_1579 = tpu.memref_slice %arg8[%dma_wait3A_1577, %dma_wait3A_1578] : memref<2x3328xi32, #tpu.memory_space<vmem>> -> memref<1x128xi32, #tpu.memory_space<vmem>>
    %dma_wait3A_1580 = tpu.memref_squeeze %dma_wait3A_1579 : memref<1x128xi32, #tpu.memory_space<vmem>> -> memref<128xi32, #tpu.memory_space<vmem>>
    %dma_wait3A_1581 = arith.constant 0 : i32
    %dma_wait3A_1582 = arith.constant 0 : i32
    %dma_wait3A_1583 = tpu.memref_slice %arg12[%dma_wait3A_1581, %dma_wait3A_1582] : memref<10000x128xf32, #tpu.memory_space<vmem_shared>> -> memref<10000x128xf32, #tpu.memory_space<vmem_shared>>
    tpu.wait_indirect_dma semaphore(%arg16 : memref<!tpu.dma_semaphore, #tpu.memory_space<semaphore_mem>>) src(%arg11 : memref<128x128xf32, #tpu.memory_space<vmem>>) dst(%dma_wait3A_1583 : memref<10000x128xf32, #tpu.memory_space<vmem_shared>>)
    %dma_start3A_1584 = arith.constant 0 : i32
    %dma_start3A_1585 = arith.constant 640 : i32
    %dma_start3A_1586 = tpu.memref_slice %arg8[%dma_start3A_1584, %dma_start3A_1585] : memref<2x3328xi32, #tpu.memory_space<vmem>> -> memref<1x128xi32, #tpu.memory_space<vmem>>
    %dma_start3A_1587 = tpu.memref_squeeze %dma_start3A_1586 : memref<1x128xi32, #tpu.memory_space<vmem>> -> memref<128xi32, #tpu.memory_space<vmem>>
    %dma_start3A_1588 = arith.constant 0 : i32
    %dma_start3A_1589 = arith.constant 0 : i32
    %dma_start3A_1590 = tpu.memref_slice %arg2[%dma_start3A_1588, %dma_start3A_1589] : memref<20000x128xf32, #tpu.memory_space<hbm>> -> memref<20000x128xf32, #tpu.memory_space<hbm>>
    tpu.enqueue_indirect_dma source(%dma_start3A_1590 : memref<20000x128xf32, #tpu.memory_space<hbm>>) target(%arg11 : memref<128x128xf32, #tpu.memory_space<vmem>>) offsets(%dma_start3A_1587 : memref<128xi32, #tpu.memory_space<vmem>>) semaphore(%arg14 : memref<!tpu.dma_semaphore, #tpu.memory_space<semaphore_mem>>)
    %dma_wait3A_1591 = arith.constant 0 : i32
    %dma_wait3A_1592 = arith.constant 512 : i32
    %dma_wait3A_1593 = tpu.memref_slice %arg8[%dma_wait3A_1591, %dma_wait3A_1592] : memref<2x3328xi32, #tpu.memory_space<vmem>> -> memref<1x128xi32, #tpu.memory_space<vmem>>
    %dma_wait3A_1594 = tpu.memref_squeeze %dma_wait3A_1593 : memref<1x128xi32, #tpu.memory_space<vmem>> -> memref<128xi32, #tpu.memory_space<vmem>>
    %dma_wait3A_1595 = arith.constant 0 : i32
    %dma_wait3A_1596 = arith.constant 0 : i32
    %dma_wait3A_1597 = tpu.memref_slice %arg2[%dma_wait3A_1595, %dma_wait3A_1596] : memref<20000x128xf32, #tpu.memory_space<hbm>> -> memref<20000x128xf32, #tpu.memory_space<hbm>>
    tpu.wait_indirect_dma semaphore(%arg13 : memref<!tpu.dma_semaphore, #tpu.memory_space<semaphore_mem>>) src(%dma_wait3A_1597 : memref<20000x128xf32, #tpu.memory_space<hbm>>) dst(%arg10 : memref<128x128xf32, #tpu.memory_space<vmem>>)
    %dma_start3A_1598 = arith.constant 1 : i32
    %dma_start3A_1599 = arith.constant 512 : i32
    %dma_start3A_1600 = tpu.memref_slice %arg8[%dma_start3A_1598, %dma_start3A_1599] : memref<2x3328xi32, #tpu.memory_space<vmem>> -> memref<1x128xi32, #tpu.memory_space<vmem>>
    %dma_start3A_1601 = tpu.memref_squeeze %dma_start3A_1600 : memref<1x128xi32, #tpu.memory_space<vmem>> -> memref<128xi32, #tpu.memory_space<vmem>>
    %dma_start3A_1602 = arith.constant 0 : i32
    %dma_start3A_1603 = arith.constant 0 : i32
    %dma_start3A_1604 = tpu.memref_slice %arg12[%dma_start3A_1602, %dma_start3A_1603] : memref<10000x128xf32, #tpu.memory_space<vmem_shared>> -> memref<10000x128xf32, #tpu.memory_space<vmem_shared>>
    tpu.enqueue_indirect_dma source(%arg10 : memref<128x128xf32, #tpu.memory_space<vmem>>) target(%dma_start3A_1604 : memref<10000x128xf32, #tpu.memory_space<vmem_shared>>) offsets(%dma_start3A_1601 : memref<128xi32, #tpu.memory_space<vmem>>) semaphore(%arg15 : memref<!tpu.dma_semaphore, #tpu.memory_space<semaphore_mem>>) {add = true}
    %dma_wait3A_1605 = arith.constant 1 : i32
    %dma_wait3A_1606 = arith.constant 512 : i32
    %dma_wait3A_1607 = tpu.memref_slice %arg8[%dma_wait3A_1605, %dma_wait3A_1606] : memref<2x3328xi32, #tpu.memory_space<vmem>> -> memref<1x128xi32, #tpu.memory_space<vmem>>
    %dma_wait3A_1608 = tpu.memref_squeeze %dma_wait3A_1607 : memref<1x128xi32, #tpu.memory_space<vmem>> -> memref<128xi32, #tpu.memory_space<vmem>>
    %dma_wait3A_1609 = arith.constant 0 : i32
    %dma_wait3A_1610 = arith.constant 0 : i32
    %dma_wait3A_1611 = tpu.memref_slice %arg12[%dma_wait3A_1609, %dma_wait3A_1610] : memref<10000x128xf32, #tpu.memory_space<vmem_shared>> -> memref<10000x128xf32, #tpu.memory_space<vmem_shared>>
    tpu.wait_indirect_dma semaphore(%arg15 : memref<!tpu.dma_semaphore, #tpu.memory_space<semaphore_mem>>) src(%arg10 : memref<128x128xf32, #tpu.memory_space<vmem>>) dst(%dma_wait3A_1611 : memref<10000x128xf32, #tpu.memory_space<vmem_shared>>)
    %dma_start3A_1612 = arith.constant 0 : i32
    %dma_start3A_1613 = arith.constant 768 : i32
    %dma_start3A_1614 = tpu.memref_slice %arg8[%dma_start3A_1612, %dma_start3A_1613] : memref<2x3328xi32, #tpu.memory_space<vmem>> -> memref<1x128xi32, #tpu.memory_space<vmem>>
    %dma_start3A_1615 = tpu.memref_squeeze %dma_start3A_1614 : memref<1x128xi32, #tpu.memory_space<vmem>> -> memref<128xi32, #tpu.memory_space<vmem>>
    %dma_start3A_1616 = arith.constant 0 : i32
    %dma_start3A_1617 = arith.constant 0 : i32
    %dma_start3A_1618 = tpu.memref_slice %arg2[%dma_start3A_1616, %dma_start3A_1617] : memref<20000x128xf32, #tpu.memory_space<hbm>> -> memref<20000x128xf32, #tpu.memory_space<hbm>>
    tpu.enqueue_indirect_dma source(%dma_start3A_1618 : memref<20000x128xf32, #tpu.memory_space<hbm>>) target(%arg10 : memref<128x128xf32, #tpu.memory_space<vmem>>) offsets(%dma_start3A_1615 : memref<128xi32, #tpu.memory_space<vmem>>) semaphore(%arg13 : memref<!tpu.dma_semaphore, #tpu.memory_space<semaphore_mem>>)
    %dma_wait3A_1619 = arith.constant 0 : i32
    %dma_wait3A_1620 = arith.constant 640 : i32
    %dma_wait3A_1621 = tpu.memref_slice %arg8[%dma_wait3A_1619, %dma_wait3A_1620] : memref<2x3328xi32, #tpu.memory_space<vmem>> -> memref<1x128xi32, #tpu.memory_space<vmem>>
    %dma_wait3A_1622 = tpu.memref_squeeze %dma_wait3A_1621 : memref<1x128xi32, #tpu.memory_space<vmem>> -> memref<128xi32, #tpu.memory_space<vmem>>
    %dma_wait3A_1623 = arith.constant 0 : i32
    %dma_wait3A_1624 = arith.constant 0 : i32
    %dma_wait3A_1625 = tpu.memref_slice %arg2[%dma_wait3A_1623, %dma_wait3A_1624] : memref<20000x128xf32, #tpu.memory_space<hbm>> -> memref<20000x128xf32, #tpu.memory_space<hbm>>
    tpu.wait_indirect_dma semaphore(%arg14 : memref<!tpu.dma_semaphore, #tpu.memory_space<semaphore_mem>>) src(%dma_wait3A_1625 : memref<20000x128xf32, #tpu.memory_space<hbm>>) dst(%arg11 : memref<128x128xf32, #tpu.memory_space<vmem>>)
    %dma_start3A_1626 = arith.constant 1 : i32
    %dma_start3A_1627 = arith.constant 640 : i32
    %dma_start3A_1628 = tpu.memref_slice %arg8[%dma_start3A_1626, %dma_start3A_1627] : memref<2x3328xi32, #tpu.memory_space<vmem>> -> memref<1x128xi32, #tpu.memory_space<vmem>>
    %dma_start3A_1629 = tpu.memref_squeeze %dma_start3A_1628 : memref<1x128xi32, #tpu.memory_space<vmem>> -> memref<128xi32, #tpu.memory_space<vmem>>
    %dma_start3A_1630 = arith.constant 0 : i32
    %dma_start3A_1631 = arith.constant 0 : i32
    %dma_start3A_1632 = tpu.memref_slice %arg12[%dma_start3A_1630, %dma_start3A_1631] : memref<10000x128xf32, #tpu.memory_space<vmem_shared>> -> memref<10000x128xf32, #tpu.memory_space<vmem_shared>>
    tpu.enqueue_indirect_dma source(%arg11 : memref<128x128xf32, #tpu.memory_space<vmem>>) target(%dma_start3A_1632 : memref<10000x128xf32, #tpu.memory_space<vmem_shared>>) offsets(%dma_start3A_1629 : memref<128xi32, #tpu.memory_space<vmem>>) semaphore(%arg16 : memref<!tpu.dma_semaphore, #tpu.memory_space<semaphore_mem>>) {add = true}
    %dma_wait3A_1633 = arith.constant 1 : i32
    %dma_wait3A_1634 = arith.constant 640 : i32
    %dma_wait3A_1635 = tpu.memref_slice %arg8[%dma_wait3A_1633, %dma_wait3A_1634] : memref<2x3328xi32, #tpu.memory_space<vmem>> -> memref<1x128xi32, #tpu.memory_space<vmem>>
    %dma_wait3A_1636 = tpu.memref_squeeze %dma_wait3A_1635 : memref<1x128xi32, #tpu.memory_space<vmem>> -> memref<128xi32, #tpu.memory_space<vmem>>
    %dma_wait3A_1637 = arith.constant 0 : i32
    %dma_wait3A_1638 = arith.constant 0 : i32
    %dma_wait3A_1639 = tpu.memref_slice %arg12[%dma_wait3A_1637, %dma_wait3A_1638] : memref<10000x128xf32, #tpu.memory_space<vmem_shared>> -> memref<10000x128xf32, #tpu.memory_space<vmem_shared>>
    tpu.wait_indirect_dma semaphore(%arg16 : memref<!tpu.dma_semaphore, #tpu.memory_space<semaphore_mem>>) src(%arg11 : memref<128x128xf32, #tpu.memory_space<vmem>>) dst(%dma_wait3A_1639 : memref<10000x128xf32, #tpu.memory_space<vmem_shared>>)
    %dma_start3A_1640 = arith.constant 0 : i32
    %dma_start3A_1641 = arith.constant 896 : i32
    %dma_start3A_1642 = tpu.memref_slice %arg8[%dma_start3A_1640, %dma_start3A_1641] : memref<2x3328xi32, #tpu.memory_space<vmem>> -> memref<1x128xi32, #tpu.memory_space<vmem>>
    %dma_start3A_1643 = tpu.memref_squeeze %dma_start3A_1642 : memref<1x128xi32, #tpu.memory_space<vmem>> -> memref<128xi32, #tpu.memory_space<vmem>>
    %dma_start3A_1644 = arith.constant 0 : i32
    %dma_start3A_1645 = arith.constant 0 : i32
    %dma_start3A_1646 = tpu.memref_slice %arg2[%dma_start3A_1644, %dma_start3A_1645] : memref<20000x128xf32, #tpu.memory_space<hbm>> -> memref<20000x128xf32, #tpu.memory_space<hbm>>
    tpu.enqueue_indirect_dma source(%dma_start3A_1646 : memref<20000x128xf32, #tpu.memory_space<hbm>>) target(%arg11 : memref<128x128xf32, #tpu.memory_space<vmem>>) offsets(%dma_start3A_1643 : memref<128xi32, #tpu.memory_space<vmem>>) semaphore(%arg14 : memref<!tpu.dma_semaphore, #tpu.memory_space<semaphore_mem>>)
    %dma_wait3A_1647 = arith.constant 0 : i32
    %dma_wait3A_1648 = arith.constant 768 : i32
    %dma_wait3A_1649 = tpu.memref_slice %arg8[%dma_wait3A_1647, %dma_wait3A_1648] : memref<2x3328xi32, #tpu.memory_space<vmem>> -> memref<1x128xi32, #tpu.memory_space<vmem>>
    %dma_wait3A_1650 = tpu.memref_squeeze %dma_wait3A_1649 : memref<1x128xi32, #tpu.memory_space<vmem>> -> memref<128xi32, #tpu.memory_space<vmem>>
    %dma_wait3A_1651 = arith.constant 0 : i32
    %dma_wait3A_1652 = arith.constant 0 : i32
    %dma_wait3A_1653 = tpu.memref_slice %arg2[%dma_wait3A_1651, %dma_wait3A_1652] : memref<20000x128xf32, #tpu.memory_space<hbm>> -> memref<20000x128xf32, #tpu.memory_space<hbm>>
    tpu.wait_indirect_dma semaphore(%arg13 : memref<!tpu.dma_semaphore, #tpu.memory_space<semaphore_mem>>) src(%dma_wait3A_1653 : memref<20000x128xf32, #tpu.memory_space<hbm>>) dst(%arg10 : memref<128x128xf32, #tpu.memory_space<vmem>>)
    %dma_start3A_1654 = arith.constant 1 : i32
    %dma_start3A_1655 = arith.constant 768 : i32
    %dma_start3A_1656 = tpu.memref_slice %arg8[%dma_start3A_1654, %dma_start3A_1655] : memref<2x3328xi32, #tpu.memory_space<vmem>> -> memref<1x128xi32, #tpu.memory_space<vmem>>
    %dma_start3A_1657 = tpu.memref_squeeze %dma_start3A_1656 : memref<1x128xi32, #tpu.memory_space<vmem>> -> memref<128xi32, #tpu.memory_space<vmem>>
    %dma_start3A_1658 = arith.constant 0 : i32
    %dma_start3A_1659 = arith.constant 0 : i32
    %dma_start3A_1660 = tpu.memref_slice %arg12[%dma_start3A_1658, %dma_start3A_1659] : memref<10000x128xf32, #tpu.memory_space<vmem_shared>> -> memref<10000x128xf32, #tpu.memory_space<vmem_shared>>
    tpu.enqueue_indirect_dma source(%arg10 : memref<128x128xf32, #tpu.memory_space<vmem>>) target(%dma_start3A_1660 : memref<10000x128xf32, #tpu.memory_space<vmem_shared>>) offsets(%dma_start3A_1657 : memref<128xi32, #tpu.memory_space<vmem>>) semaphore(%arg15 : memref<!tpu.dma_semaphore, #tpu.memory_space<semaphore_mem>>) {add = true}
    %dma_wait3A_1661 = arith.constant 1 : i32
    %dma_wait3A_1662 = arith.constant 768 : i32
    %dma_wait3A_1663 = tpu.memref_slice %arg8[%dma_wait3A_1661, %dma_wait3A_1662] : memref<2x3328xi32, #tpu.memory_space<vmem>> -> memref<1x128xi32, #tpu.memory_space<vmem>>
    %dma_wait3A_1664 = tpu.memref_squeeze %dma_wait3A_1663 : memref<1x128xi32, #tpu.memory_space<vmem>> -> memref<128xi32, #tpu.memory_space<vmem>>
    %dma_wait3A_1665 = arith.constant 0 : i32
    %dma_wait3A_1666 = arith.constant 0 : i32
    %dma_wait3A_1667 = tpu.memref_slice %arg12[%dma_wait3A_1665, %dma_wait3A_1666] : memref<10000x128xf32, #tpu.memory_space<vmem_shared>> -> memref<10000x128xf32, #tpu.memory_space<vmem_shared>>
    tpu.wait_indirect_dma semaphore(%arg15 : memref<!tpu.dma_semaphore, #tpu.memory_space<semaphore_mem>>) src(%arg10 : memref<128x128xf32, #tpu.memory_space<vmem>>) dst(%dma_wait3A_1667 : memref<10000x128xf32, #tpu.memory_space<vmem_shared>>)
    %dma_start3A_1668 = arith.constant 0 : i32
    %dma_start3A_1669 = arith.constant 1024 : i32
    %dma_start3A_1670 = tpu.memref_slice %arg8[%dma_start3A_1668, %dma_start3A_1669] : memref<2x3328xi32, #tpu.memory_space<vmem>> -> memref<1x128xi32, #tpu.memory_space<vmem>>
    %dma_start3A_1671 = tpu.memref_squeeze %dma_start3A_1670 : memref<1x128xi32, #tpu.memory_space<vmem>> -> memref<128xi32, #tpu.memory_space<vmem>>
    %dma_start3A_1672 = arith.constant 0 : i32
    %dma_start3A_1673 = arith.constant 0 : i32
    %dma_start3A_1674 = tpu.memref_slice %arg2[%dma_start3A_1672, %dma_start3A_1673] : memref<20000x128xf32, #tpu.memory_space<hbm>> -> memref<20000x128xf32, #tpu.memory_space<hbm>>
    tpu.enqueue_indirect_dma source(%dma_start3A_1674 : memref<20000x128xf32, #tpu.memory_space<hbm>>) target(%arg10 : memref<128x128xf32, #tpu.memory_space<vmem>>) offsets(%dma_start3A_1671 : memref<128xi32, #tpu.memory_space<vmem>>) semaphore(%arg13 : memref<!tpu.dma_semaphore, #tpu.memory_space<semaphore_mem>>)
    %dma_wait3A_1675 = arith.constant 0 : i32
    %dma_wait3A_1676 = arith.constant 896 : i32
    %dma_wait3A_1677 = tpu.memref_slice %arg8[%dma_wait3A_1675, %dma_wait3A_1676] : memref<2x3328xi32, #tpu.memory_space<vmem>> -> memref<1x128xi32, #tpu.memory_space<vmem>>
    %dma_wait3A_1678 = tpu.memref_squeeze %dma_wait3A_1677 : memref<1x128xi32, #tpu.memory_space<vmem>> -> memref<128xi32, #tpu.memory_space<vmem>>
    %dma_wait3A_1679 = arith.constant 0 : i32
    %dma_wait3A_1680 = arith.constant 0 : i32
    %dma_wait3A_1681 = tpu.memref_slice %arg2[%dma_wait3A_1679, %dma_wait3A_1680] : memref<20000x128xf32, #tpu.memory_space<hbm>> -> memref<20000x128xf32, #tpu.memory_space<hbm>>
    tpu.wait_indirect_dma semaphore(%arg14 : memref<!tpu.dma_semaphore, #tpu.memory_space<semaphore_mem>>) src(%dma_wait3A_1681 : memref<20000x128xf32, #tpu.memory_space<hbm>>) dst(%arg11 : memref<128x128xf32, #tpu.memory_space<vmem>>)
    %dma_start3A_1682 = arith.constant 1 : i32
    %dma_start3A_1683 = arith.constant 896 : i32
    %dma_start3A_1684 = tpu.memref_slice %arg8[%dma_start3A_1682, %dma_start3A_1683] : memref<2x3328xi32, #tpu.memory_space<vmem>> -> memref<1x128xi32, #tpu.memory_space<vmem>>
    %dma_start3A_1685 = tpu.memref_squeeze %dma_start3A_1684 : memref<1x128xi32, #tpu.memory_space<vmem>> -> memref<128xi32, #tpu.memory_space<vmem>>
    %dma_start3A_1686 = arith.constant 0 : i32
    %dma_start3A_1687 = arith.constant 0 : i32
    %dma_start3A_1688 = tpu.memref_slice %arg12[%dma_start3A_1686, %dma_start3A_1687] : memref<10000x128xf32, #tpu.memory_space<vmem_shared>> -> memref<10000x128xf32, #tpu.memory_space<vmem_shared>>
    tpu.enqueue_indirect_dma source(%arg11 : memref<128x128xf32, #tpu.memory_space<vmem>>) target(%dma_start3A_1688 : memref<10000x128xf32, #tpu.memory_space<vmem_shared>>) offsets(%dma_start3A_1685 : memref<128xi32, #tpu.memory_space<vmem>>) semaphore(%arg16 : memref<!tpu.dma_semaphore, #tpu.memory_space<semaphore_mem>>) {add = true}
    %dma_wait3A_1689 = arith.constant 1 : i32
    %dma_wait3A_1690 = arith.constant 896 : i32
    %dma_wait3A_1691 = tpu.memref_slice %arg8[%dma_wait3A_1689, %dma_wait3A_1690] : memref<2x3328xi32, #tpu.memory_space<vmem>> -> memref<1x128xi32, #tpu.memory_space<vmem>>
    %dma_wait3A_1692 = tpu.memref_squeeze %dma_wait3A_1691 : memref<1x128xi32, #tpu.memory_space<vmem>> -> memref<128xi32, #tpu.memory_space<vmem>>
    %dma_wait3A_1693 = arith.constant 0 : i32
    %dma_wait3A_1694 = arith.constant 0 : i32
    %dma_wait3A_1695 = tpu.memref_slice %arg12[%dma_wait3A_1693, %dma_wait3A_1694] : memref<10000x128xf32, #tpu.memory_space<vmem_shared>> -> memref<10000x128xf32, #tpu.memory_space<vmem_shared>>
    tpu.wait_indirect_dma semaphore(%arg16 : memref<!tpu.dma_semaphore, #tpu.memory_space<semaphore_mem>>) src(%arg11 : memref<128x128xf32, #tpu.memory_space<vmem>>) dst(%dma_wait3A_1695 : memref<10000x128xf32, #tpu.memory_space<vmem_shared>>)
    %dma_start3A_1696 = arith.constant 0 : i32
    %dma_start3A_1697 = arith.constant 1152 : i32
    %dma_start3A_1698 = tpu.memref_slice %arg8[%dma_start3A_1696, %dma_start3A_1697] : memref<2x3328xi32, #tpu.memory_space<vmem>> -> memref<1x128xi32, #tpu.memory_space<vmem>>
    %dma_start3A_1699 = tpu.memref_squeeze %dma_start3A_1698 : memref<1x128xi32, #tpu.memory_space<vmem>> -> memref<128xi32, #tpu.memory_space<vmem>>
    %dma_start3A_1700 = arith.constant 0 : i32
    %dma_start3A_1701 = arith.constant 0 : i32
    %dma_start3A_1702 = tpu.memref_slice %arg2[%dma_start3A_1700, %dma_start3A_1701] : memref<20000x128xf32, #tpu.memory_space<hbm>> -> memref<20000x128xf32, #tpu.memory_space<hbm>>
    tpu.enqueue_indirect_dma source(%dma_start3A_1702 : memref<20000x128xf32, #tpu.memory_space<hbm>>) target(%arg11 : memref<128x128xf32, #tpu.memory_space<vmem>>) offsets(%dma_start3A_1699 : memref<128xi32, #tpu.memory_space<vmem>>) semaphore(%arg14 : memref<!tpu.dma_semaphore, #tpu.memory_space<semaphore_mem>>)
    %dma_wait3A_1703 = arith.constant 0 : i32
    %dma_wait3A_1704 = arith.constant 1024 : i32
    %dma_wait3A_1705 = tpu.memref_slice %arg8[%dma_wait3A_1703, %dma_wait3A_1704] : memref<2x3328xi32, #tpu.memory_space<vmem>> -> memref<1x128xi32, #tpu.memory_space<vmem>>
    %dma_wait3A_1706 = tpu.memref_squeeze %dma_wait3A_1705 : memref<1x128xi32, #tpu.memory_space<vmem>> -> memref<128xi32, #tpu.memory_space<vmem>>
    %dma_wait3A_1707 = arith.constant 0 : i32
    %dma_wait3A_1708 = arith.constant 0 : i32
    %dma_wait3A_1709 = tpu.memref_slice %arg2[%dma_wait3A_1707, %dma_wait3A_1708] : memref<20000x128xf32, #tpu.memory_space<hbm>> -> memref<20000x128xf32, #tpu.memory_space<hbm>>
    tpu.wait_indirect_dma semaphore(%arg13 : memref<!tpu.dma_semaphore, #tpu.memory_space<semaphore_mem>>) src(%dma_wait3A_1709 : memref<20000x128xf32, #tpu.memory_space<hbm>>) dst(%arg10 : memref<128x128xf32, #tpu.memory_space<vmem>>)
    %dma_start3A_1710 = arith.constant 1 : i32
    %dma_start3A_1711 = arith.constant 1024 : i32
    %dma_start3A_1712 = tpu.memref_slice %arg8[%dma_start3A_1710, %dma_start3A_1711] : memref<2x3328xi32, #tpu.memory_space<vmem>> -> memref<1x128xi32, #tpu.memory_space<vmem>>
    %dma_start3A_1713 = tpu.memref_squeeze %dma_start3A_1712 : memref<1x128xi32, #tpu.memory_space<vmem>> -> memref<128xi32, #tpu.memory_space<vmem>>
    %dma_start3A_1714 = arith.constant 0 : i32
    %dma_start3A_1715 = arith.constant 0 : i32
    %dma_start3A_1716 = tpu.memref_slice %arg12[%dma_start3A_1714, %dma_start3A_1715] : memref<10000x128xf32, #tpu.memory_space<vmem_shared>> -> memref<10000x128xf32, #tpu.memory_space<vmem_shared>>
    tpu.enqueue_indirect_dma source(%arg10 : memref<128x128xf32, #tpu.memory_space<vmem>>) target(%dma_start3A_1716 : memref<10000x128xf32, #tpu.memory_space<vmem_shared>>) offsets(%dma_start3A_1713 : memref<128xi32, #tpu.memory_space<vmem>>) semaphore(%arg15 : memref<!tpu.dma_semaphore, #tpu.memory_space<semaphore_mem>>) {add = true}
    %dma_wait3A_1717 = arith.constant 1 : i32
    %dma_wait3A_1718 = arith.constant 1024 : i32
    %dma_wait3A_1719 = tpu.memref_slice %arg8[%dma_wait3A_1717, %dma_wait3A_1718] : memref<2x3328xi32, #tpu.memory_space<vmem>> -> memref<1x128xi32, #tpu.memory_space<vmem>>
    %dma_wait3A_1720 = tpu.memref_squeeze %dma_wait3A_1719 : memref<1x128xi32, #tpu.memory_space<vmem>> -> memref<128xi32, #tpu.memory_space<vmem>>
    %dma_wait3A_1721 = arith.constant 0 : i32
    %dma_wait3A_1722 = arith.constant 0 : i32
    %dma_wait3A_1723 = tpu.memref_slice %arg12[%dma_wait3A_1721, %dma_wait3A_1722] : memref<10000x128xf32, #tpu.memory_space<vmem_shared>> -> memref<10000x128xf32, #tpu.memory_space<vmem_shared>>
    tpu.wait_indirect_dma semaphore(%arg15 : memref<!tpu.dma_semaphore, #tpu.memory_space<semaphore_mem>>) src(%arg10 : memref<128x128xf32, #tpu.memory_space<vmem>>) dst(%dma_wait3A_1723 : memref<10000x128xf32, #tpu.memory_space<vmem_shared>>)
    %dma_start3A_1724 = arith.constant 0 : i32
    %dma_start3A_1725 = arith.constant 1280 : i32
    %dma_start3A_1726 = tpu.memref_slice %arg8[%dma_start3A_1724, %dma_start3A_1725] : memref<2x3328xi32, #tpu.memory_space<vmem>> -> memref<1x128xi32, #tpu.memory_space<vmem>>
    %dma_start3A_1727 = tpu.memref_squeeze %dma_start3A_1726 : memref<1x128xi32, #tpu.memory_space<vmem>> -> memref<128xi32, #tpu.memory_space<vmem>>
    %dma_start3A_1728 = arith.constant 0 : i32
    %dma_start3A_1729 = arith.constant 0 : i32
    %dma_start3A_1730 = tpu.memref_slice %arg2[%dma_start3A_1728, %dma_start3A_1729] : memref<20000x128xf32, #tpu.memory_space<hbm>> -> memref<20000x128xf32, #tpu.memory_space<hbm>>
    tpu.enqueue_indirect_dma source(%dma_start3A_1730 : memref<20000x128xf32, #tpu.memory_space<hbm>>) target(%arg10 : memref<128x128xf32, #tpu.memory_space<vmem>>) offsets(%dma_start3A_1727 : memref<128xi32, #tpu.memory_space<vmem>>) semaphore(%arg13 : memref<!tpu.dma_semaphore, #tpu.memory_space<semaphore_mem>>)
    %dma_wait3A_1731 = arith.constant 0 : i32
    %dma_wait3A_1732 = arith.constant 1152 : i32
    %dma_wait3A_1733 = tpu.memref_slice %arg8[%dma_wait3A_1731, %dma_wait3A_1732] : memref<2x3328xi32, #tpu.memory_space<vmem>> -> memref<1x128xi32, #tpu.memory_space<vmem>>
    %dma_wait3A_1734 = tpu.memref_squeeze %dma_wait3A_1733 : memref<1x128xi32, #tpu.memory_space<vmem>> -> memref<128xi32, #tpu.memory_space<vmem>>
    %dma_wait3A_1735 = arith.constant 0 : i32
    %dma_wait3A_1736 = arith.constant 0 : i32
    %dma_wait3A_1737 = tpu.memref_slice %arg2[%dma_wait3A_1735, %dma_wait3A_1736] : memref<20000x128xf32, #tpu.memory_space<hbm>> -> memref<20000x128xf32, #tpu.memory_space<hbm>>
    tpu.wait_indirect_dma semaphore(%arg14 : memref<!tpu.dma_semaphore, #tpu.memory_space<semaphore_mem>>) src(%dma_wait3A_1737 : memref<20000x128xf32, #tpu.memory_space<hbm>>) dst(%arg11 : memref<128x128xf32, #tpu.memory_space<vmem>>)
    %dma_start3A_1738 = arith.constant 1 : i32
    %dma_start3A_1739 = arith.constant 1152 : i32
    %dma_start3A_1740 = tpu.memref_slice %arg8[%dma_start3A_1738, %dma_start3A_1739] : memref<2x3328xi32, #tpu.memory_space<vmem>> -> memref<1x128xi32, #tpu.memory_space<vmem>>
    %dma_start3A_1741 = tpu.memref_squeeze %dma_start3A_1740 : memref<1x128xi32, #tpu.memory_space<vmem>> -> memref<128xi32, #tpu.memory_space<vmem>>
    %dma_start3A_1742 = arith.constant 0 : i32
    %dma_start3A_1743 = arith.constant 0 : i32
    %dma_start3A_1744 = tpu.memref_slice %arg12[%dma_start3A_1742, %dma_start3A_1743] : memref<10000x128xf32, #tpu.memory_space<vmem_shared>> -> memref<10000x128xf32, #tpu.memory_space<vmem_shared>>
    tpu.enqueue_indirect_dma source(%arg11 : memref<128x128xf32, #tpu.memory_space<vmem>>) target(%dma_start3A_1744 : memref<10000x128xf32, #tpu.memory_space<vmem_shared>>) offsets(%dma_start3A_1741 : memref<128xi32, #tpu.memory_space<vmem>>) semaphore(%arg16 : memref<!tpu.dma_semaphore, #tpu.memory_space<semaphore_mem>>) {add = true}
    %dma_wait3A_1745 = arith.constant 1 : i32
    %dma_wait3A_1746 = arith.constant 1152 : i32
    %dma_wait3A_1747 = tpu.memref_slice %arg8[%dma_wait3A_1745, %dma_wait3A_1746] : memref<2x3328xi32, #tpu.memory_space<vmem>> -> memref<1x128xi32, #tpu.memory_space<vmem>>
    %dma_wait3A_1748 = tpu.memref_squeeze %dma_wait3A_1747 : memref<1x128xi32, #tpu.memory_space<vmem>> -> memref<128xi32, #tpu.memory_space<vmem>>
    %dma_wait3A_1749 = arith.constant 0 : i32
    %dma_wait3A_1750 = arith.constant 0 : i32
    %dma_wait3A_1751 = tpu.memref_slice %arg12[%dma_wait3A_1749, %dma_wait3A_1750] : memref<10000x128xf32, #tpu.memory_space<vmem_shared>> -> memref<10000x128xf32, #tpu.memory_space<vmem_shared>>
    tpu.wait_indirect_dma semaphore(%arg16 : memref<!tpu.dma_semaphore, #tpu.memory_space<semaphore_mem>>) src(%arg11 : memref<128x128xf32, #tpu.memory_space<vmem>>) dst(%dma_wait3A_1751 : memref<10000x128xf32, #tpu.memory_space<vmem_shared>>)
    %dma_start3A_1752 = arith.constant 0 : i32
    %dma_start3A_1753 = arith.constant 1408 : i32
    %dma_start3A_1754 = tpu.memref_slice %arg8[%dma_start3A_1752, %dma_start3A_1753] : memref<2x3328xi32, #tpu.memory_space<vmem>> -> memref<1x128xi32, #tpu.memory_space<vmem>>
    %dma_start3A_1755 = tpu.memref_squeeze %dma_start3A_1754 : memref<1x128xi32, #tpu.memory_space<vmem>> -> memref<128xi32, #tpu.memory_space<vmem>>
    %dma_start3A_1756 = arith.constant 0 : i32
    %dma_start3A_1757 = arith.constant 0 : i32
    %dma_start3A_1758 = tpu.memref_slice %arg2[%dma_start3A_1756, %dma_start3A_1757] : memref<20000x128xf32, #tpu.memory_space<hbm>> -> memref<20000x128xf32, #tpu.memory_space<hbm>>
    tpu.enqueue_indirect_dma source(%dma_start3A_1758 : memref<20000x128xf32, #tpu.memory_space<hbm>>) target(%arg11 : memref<128x128xf32, #tpu.memory_space<vmem>>) offsets(%dma_start3A_1755 : memref<128xi32, #tpu.memory_space<vmem>>) semaphore(%arg14 : memref<!tpu.dma_semaphore, #tpu.memory_space<semaphore_mem>>)
    %dma_wait3A_1759 = arith.constant 0 : i32
    %dma_wait3A_1760 = arith.constant 1280 : i32
    %dma_wait3A_1761 = tpu.memref_slice %arg8[%dma_wait3A_1759, %dma_wait3A_1760] : memref<2x3328xi32, #tpu.memory_space<vmem>> -> memref<1x128xi32, #tpu.memory_space<vmem>>
    %dma_wait3A_1762 = tpu.memref_squeeze %dma_wait3A_1761 : memref<1x128xi32, #tpu.memory_space<vmem>> -> memref<128xi32, #tpu.memory_space<vmem>>
    %dma_wait3A_1763 = arith.constant 0 : i32
    %dma_wait3A_1764 = arith.constant 0 : i32
    %dma_wait3A_1765 = tpu.memref_slice %arg2[%dma_wait3A_1763, %dma_wait3A_1764] : memref<20000x128xf32, #tpu.memory_space<hbm>> -> memref<20000x128xf32, #tpu.memory_space<hbm>>
    tpu.wait_indirect_dma semaphore(%arg13 : memref<!tpu.dma_semaphore, #tpu.memory_space<semaphore_mem>>) src(%dma_wait3A_1765 : memref<20000x128xf32, #tpu.memory_space<hbm>>) dst(%arg10 : memref<128x128xf32, #tpu.memory_space<vmem>>)
    %dma_start3A_1766 = arith.constant 1 : i32
    %dma_start3A_1767 = arith.constant 1280 : i32
    %dma_start3A_1768 = tpu.memref_slice %arg8[%dma_start3A_1766, %dma_start3A_1767] : memref<2x3328xi32, #tpu.memory_space<vmem>> -> memref<1x128xi32, #tpu.memory_space<vmem>>
    %dma_start3A_1769 = tpu.memref_squeeze %dma_start3A_1768 : memref<1x128xi32, #tpu.memory_space<vmem>> -> memref<128xi32, #tpu.memory_space<vmem>>
    %dma_start3A_1770 = arith.constant 0 : i32
    %dma_start3A_1771 = arith.constant 0 : i32
    %dma_start3A_1772 = tpu.memref_slice %arg12[%dma_start3A_1770, %dma_start3A_1771] : memref<10000x128xf32, #tpu.memory_space<vmem_shared>> -> memref<10000x128xf32, #tpu.memory_space<vmem_shared>>
    tpu.enqueue_indirect_dma source(%arg10 : memref<128x128xf32, #tpu.memory_space<vmem>>) target(%dma_start3A_1772 : memref<10000x128xf32, #tpu.memory_space<vmem_shared>>) offsets(%dma_start3A_1769 : memref<128xi32, #tpu.memory_space<vmem>>) semaphore(%arg15 : memref<!tpu.dma_semaphore, #tpu.memory_space<semaphore_mem>>) {add = true}
    %dma_wait3A_1773 = arith.constant 1 : i32
    %dma_wait3A_1774 = arith.constant 1280 : i32
    %dma_wait3A_1775 = tpu.memref_slice %arg8[%dma_wait3A_1773, %dma_wait3A_1774] : memref<2x3328xi32, #tpu.memory_space<vmem>> -> memref<1x128xi32, #tpu.memory_space<vmem>>
    %dma_wait3A_1776 = tpu.memref_squeeze %dma_wait3A_1775 : memref<1x128xi32, #tpu.memory_space<vmem>> -> memref<128xi32, #tpu.memory_space<vmem>>
    %dma_wait3A_1777 = arith.constant 0 : i32
    %dma_wait3A_1778 = arith.constant 0 : i32
    %dma_wait3A_1779 = tpu.memref_slice %arg12[%dma_wait3A_1777, %dma_wait3A_1778] : memref<10000x128xf32, #tpu.memory_space<vmem_shared>> -> memref<10000x128xf32, #tpu.memory_space<vmem_shared>>
    tpu.wait_indirect_dma semaphore(%arg15 : memref<!tpu.dma_semaphore, #tpu.memory_space<semaphore_mem>>) src(%arg10 : memref<128x128xf32, #tpu.memory_space<vmem>>) dst(%dma_wait3A_1779 : memref<10000x128xf32, #tpu.memory_space<vmem_shared>>)
    %dma_start3A_1780 = arith.constant 0 : i32
    %dma_start3A_1781 = arith.constant 1536 : i32
    %dma_start3A_1782 = tpu.memref_slice %arg8[%dma_start3A_1780, %dma_start3A_1781] : memref<2x3328xi32, #tpu.memory_space<vmem>> -> memref<1x128xi32, #tpu.memory_space<vmem>>
    %dma_start3A_1783 = tpu.memref_squeeze %dma_start3A_1782 : memref<1x128xi32, #tpu.memory_space<vmem>> -> memref<128xi32, #tpu.memory_space<vmem>>
    %dma_start3A_1784 = arith.constant 0 : i32
    %dma_start3A_1785 = arith.constant 0 : i32
    %dma_start3A_1786 = tpu.memref_slice %arg2[%dma_start3A_1784, %dma_start3A_1785] : memref<20000x128xf32, #tpu.memory_space<hbm>> -> memref<20000x128xf32, #tpu.memory_space<hbm>>
    tpu.enqueue_indirect_dma source(%dma_start3A_1786 : memref<20000x128xf32, #tpu.memory_space<hbm>>) target(%arg10 : memref<128x128xf32, #tpu.memory_space<vmem>>) offsets(%dma_start3A_1783 : memref<128xi32, #tpu.memory_space<vmem>>) semaphore(%arg13 : memref<!tpu.dma_semaphore, #tpu.memory_space<semaphore_mem>>)
    %dma_wait3A_1787 = arith.constant 0 : i32
    %dma_wait3A_1788 = arith.constant 1408 : i32
    %dma_wait3A_1789 = tpu.memref_slice %arg8[%dma_wait3A_1787, %dma_wait3A_1788] : memref<2x3328xi32, #tpu.memory_space<vmem>> -> memref<1x128xi32, #tpu.memory_space<vmem>>
    %dma_wait3A_1790 = tpu.memref_squeeze %dma_wait3A_1789 : memref<1x128xi32, #tpu.memory_space<vmem>> -> memref<128xi32, #tpu.memory_space<vmem>>
    %dma_wait3A_1791 = arith.constant 0 : i32
    %dma_wait3A_1792 = arith.constant 0 : i32
    %dma_wait3A_1793 = tpu.memref_slice %arg2[%dma_wait3A_1791, %dma_wait3A_1792] : memref<20000x128xf32, #tpu.memory_space<hbm>> -> memref<20000x128xf32, #tpu.memory_space<hbm>>
    tpu.wait_indirect_dma semaphore(%arg14 : memref<!tpu.dma_semaphore, #tpu.memory_space<semaphore_mem>>) src(%dma_wait3A_1793 : memref<20000x128xf32, #tpu.memory_space<hbm>>) dst(%arg11 : memref<128x128xf32, #tpu.memory_space<vmem>>)
    %dma_start3A_1794 = arith.constant 1 : i32
    %dma_start3A_1795 = arith.constant 1408 : i32
    %dma_start3A_1796 = tpu.memref_slice %arg8[%dma_start3A_1794, %dma_start3A_1795] : memref<2x3328xi32, #tpu.memory_space<vmem>> -> memref<1x128xi32, #tpu.memory_space<vmem>>
    %dma_start3A_1797 = tpu.memref_squeeze %dma_start3A_1796 : memref<1x128xi32, #tpu.memory_space<vmem>> -> memref<128xi32, #tpu.memory_space<vmem>>
    %dma_start3A_1798 = arith.constant 0 : i32
    %dma_start3A_1799 = arith.constant 0 : i32
    %dma_start3A_1800 = tpu.memref_slice %arg12[%dma_start3A_1798, %dma_start3A_1799] : memref<10000x128xf32, #tpu.memory_space<vmem_shared>> -> memref<10000x128xf32, #tpu.memory_space<vmem_shared>>
    tpu.enqueue_indirect_dma source(%arg11 : memref<128x128xf32, #tpu.memory_space<vmem>>) target(%dma_start3A_1800 : memref<10000x128xf32, #tpu.memory_space<vmem_shared>>) offsets(%dma_start3A_1797 : memref<128xi32, #tpu.memory_space<vmem>>) semaphore(%arg16 : memref<!tpu.dma_semaphore, #tpu.memory_space<semaphore_mem>>) {add = true}
    %dma_wait3A_1801 = arith.constant 1 : i32
    %dma_wait3A_1802 = arith.constant 1408 : i32
    %dma_wait3A_1803 = tpu.memref_slice %arg8[%dma_wait3A_1801, %dma_wait3A_1802] : memref<2x3328xi32, #tpu.memory_space<vmem>> -> memref<1x128xi32, #tpu.memory_space<vmem>>
    %dma_wait3A_1804 = tpu.memref_squeeze %dma_wait3A_1803 : memref<1x128xi32, #tpu.memory_space<vmem>> -> memref<128xi32, #tpu.memory_space<vmem>>
    %dma_wait3A_1805 = arith.constant 0 : i32
    %dma_wait3A_1806 = arith.constant 0 : i32
    %dma_wait3A_1807 = tpu.memref_slice %arg12[%dma_wait3A_1805, %dma_wait3A_1806] : memref<10000x128xf32, #tpu.memory_space<vmem_shared>> -> memref<10000x128xf32, #tpu.memory_space<vmem_shared>>
    tpu.wait_indirect_dma semaphore(%arg16 : memref<!tpu.dma_semaphore, #tpu.memory_space<semaphore_mem>>) src(%arg11 : memref<128x128xf32, #tpu.memory_space<vmem>>) dst(%dma_wait3A_1807 : memref<10000x128xf32, #tpu.memory_space<vmem_shared>>)
    %dma_start3A_1808 = arith.constant 0 : i32
    %dma_start3A_1809 = arith.constant 1664 : i32
    %dma_start3A_1810 = tpu.memref_slice %arg8[%dma_start3A_1808, %dma_start3A_1809] : memref<2x3328xi32, #tpu.memory_space<vmem>> -> memref<1x128xi32, #tpu.memory_space<vmem>>
    %dma_start3A_1811 = tpu.memref_squeeze %dma_start3A_1810 : memref<1x128xi32, #tpu.memory_space<vmem>> -> memref<128xi32, #tpu.memory_space<vmem>>
    %dma_start3A_1812 = arith.constant 0 : i32
    %dma_start3A_1813 = arith.constant 0 : i32
    %dma_start3A_1814 = tpu.memref_slice %arg2[%dma_start3A_1812, %dma_start3A_1813] : memref<20000x128xf32, #tpu.memory_space<hbm>> -> memref<20000x128xf32, #tpu.memory_space<hbm>>
    tpu.enqueue_indirect_dma source(%dma_start3A_1814 : memref<20000x128xf32, #tpu.memory_space<hbm>>) target(%arg11 : memref<128x128xf32, #tpu.memory_space<vmem>>) offsets(%dma_start3A_1811 : memref<128xi32, #tpu.memory_space<vmem>>) semaphore(%arg14 : memref<!tpu.dma_semaphore, #tpu.memory_space<semaphore_mem>>)
    %dma_wait3A_1815 = arith.constant 0 : i32
    %dma_wait3A_1816 = arith.constant 1536 : i32
    %dma_wait3A_1817 = tpu.memref_slice %arg8[%dma_wait3A_1815, %dma_wait3A_1816] : memref<2x3328xi32, #tpu.memory_space<vmem>> -> memref<1x128xi32, #tpu.memory_space<vmem>>
    %dma_wait3A_1818 = tpu.memref_squeeze %dma_wait3A_1817 : memref<1x128xi32, #tpu.memory_space<vmem>> -> memref<128xi32, #tpu.memory_space<vmem>>
    %dma_wait3A_1819 = arith.constant 0 : i32
    %dma_wait3A_1820 = arith.constant 0 : i32
    %dma_wait3A_1821 = tpu.memref_slice %arg2[%dma_wait3A_1819, %dma_wait3A_1820] : memref<20000x128xf32, #tpu.memory_space<hbm>> -> memref<20000x128xf32, #tpu.memory_space<hbm>>
    tpu.wait_indirect_dma semaphore(%arg13 : memref<!tpu.dma_semaphore, #tpu.memory_space<semaphore_mem>>) src(%dma_wait3A_1821 : memref<20000x128xf32, #tpu.memory_space<hbm>>) dst(%arg10 : memref<128x128xf32, #tpu.memory_space<vmem>>)
    %dma_start3A_1822 = arith.constant 1 : i32
    %dma_start3A_1823 = arith.constant 1536 : i32
    %dma_start3A_1824 = tpu.memref_slice %arg8[%dma_start3A_1822, %dma_start3A_1823] : memref<2x3328xi32, #tpu.memory_space<vmem>> -> memref<1x128xi32, #tpu.memory_space<vmem>>
    %dma_start3A_1825 = tpu.memref_squeeze %dma_start3A_1824 : memref<1x128xi32, #tpu.memory_space<vmem>> -> memref<128xi32, #tpu.memory_space<vmem>>
    %dma_start3A_1826 = arith.constant 0 : i32
    %dma_start3A_1827 = arith.constant 0 : i32
    %dma_start3A_1828 = tpu.memref_slice %arg12[%dma_start3A_1826, %dma_start3A_1827] : memref<10000x128xf32, #tpu.memory_space<vmem_shared>> -> memref<10000x128xf32, #tpu.memory_space<vmem_shared>>
    tpu.enqueue_indirect_dma source(%arg10 : memref<128x128xf32, #tpu.memory_space<vmem>>) target(%dma_start3A_1828 : memref<10000x128xf32, #tpu.memory_space<vmem_shared>>) offsets(%dma_start3A_1825 : memref<128xi32, #tpu.memory_space<vmem>>) semaphore(%arg15 : memref<!tpu.dma_semaphore, #tpu.memory_space<semaphore_mem>>) {add = true}
    %dma_wait3A_1829 = arith.constant 1 : i32
    %dma_wait3A_1830 = arith.constant 1536 : i32
    %dma_wait3A_1831 = tpu.memref_slice %arg8[%dma_wait3A_1829, %dma_wait3A_1830] : memref<2x3328xi32, #tpu.memory_space<vmem>> -> memref<1x128xi32, #tpu.memory_space<vmem>>
    %dma_wait3A_1832 = tpu.memref_squeeze %dma_wait3A_1831 : memref<1x128xi32, #tpu.memory_space<vmem>> -> memref<128xi32, #tpu.memory_space<vmem>>
    %dma_wait3A_1833 = arith.constant 0 : i32
    %dma_wait3A_1834 = arith.constant 0 : i32
    %dma_wait3A_1835 = tpu.memref_slice %arg12[%dma_wait3A_1833, %dma_wait3A_1834] : memref<10000x128xf32, #tpu.memory_space<vmem_shared>> -> memref<10000x128xf32, #tpu.memory_space<vmem_shared>>
    tpu.wait_indirect_dma semaphore(%arg15 : memref<!tpu.dma_semaphore, #tpu.memory_space<semaphore_mem>>) src(%arg10 : memref<128x128xf32, #tpu.memory_space<vmem>>) dst(%dma_wait3A_1835 : memref<10000x128xf32, #tpu.memory_space<vmem_shared>>)
    %dma_start3A_1836 = arith.constant 0 : i32
    %dma_start3A_1837 = arith.constant 1792 : i32
    %dma_start3A_1838 = tpu.memref_slice %arg8[%dma_start3A_1836, %dma_start3A_1837] : memref<2x3328xi32, #tpu.memory_space<vmem>> -> memref<1x128xi32, #tpu.memory_space<vmem>>
    %dma_start3A_1839 = tpu.memref_squeeze %dma_start3A_1838 : memref<1x128xi32, #tpu.memory_space<vmem>> -> memref<128xi32, #tpu.memory_space<vmem>>
    %dma_start3A_1840 = arith.constant 0 : i32
    %dma_start3A_1841 = arith.constant 0 : i32
    %dma_start3A_1842 = tpu.memref_slice %arg2[%dma_start3A_1840, %dma_start3A_1841] : memref<20000x128xf32, #tpu.memory_space<hbm>> -> memref<20000x128xf32, #tpu.memory_space<hbm>>
    tpu.enqueue_indirect_dma source(%dma_start3A_1842 : memref<20000x128xf32, #tpu.memory_space<hbm>>) target(%arg10 : memref<128x128xf32, #tpu.memory_space<vmem>>) offsets(%dma_start3A_1839 : memref<128xi32, #tpu.memory_space<vmem>>) semaphore(%arg13 : memref<!tpu.dma_semaphore, #tpu.memory_space<semaphore_mem>>)
    %dma_wait3A_1843 = arith.constant 0 : i32
    %dma_wait3A_1844 = arith.constant 1664 : i32
    %dma_wait3A_1845 = tpu.memref_slice %arg8[%dma_wait3A_1843, %dma_wait3A_1844] : memref<2x3328xi32, #tpu.memory_space<vmem>> -> memref<1x128xi32, #tpu.memory_space<vmem>>
    %dma_wait3A_1846 = tpu.memref_squeeze %dma_wait3A_1845 : memref<1x128xi32, #tpu.memory_space<vmem>> -> memref<128xi32, #tpu.memory_space<vmem>>
    %dma_wait3A_1847 = arith.constant 0 : i32
    %dma_wait3A_1848 = arith.constant 0 : i32
    %dma_wait3A_1849 = tpu.memref_slice %arg2[%dma_wait3A_1847, %dma_wait3A_1848] : memref<20000x128xf32, #tpu.memory_space<hbm>> -> memref<20000x128xf32, #tpu.memory_space<hbm>>
    tpu.wait_indirect_dma semaphore(%arg14 : memref<!tpu.dma_semaphore, #tpu.memory_space<semaphore_mem>>) src(%dma_wait3A_1849 : memref<20000x128xf32, #tpu.memory_space<hbm>>) dst(%arg11 : memref<128x128xf32, #tpu.memory_space<vmem>>)
    %dma_start3A_1850 = arith.constant 1 : i32
    %dma_start3A_1851 = arith.constant 1664 : i32
    %dma_start3A_1852 = tpu.memref_slice %arg8[%dma_start3A_1850, %dma_start3A_1851] : memref<2x3328xi32, #tpu.memory_space<vmem>> -> memref<1x128xi32, #tpu.memory_space<vmem>>
    %dma_start3A_1853 = tpu.memref_squeeze %dma_start3A_1852 : memref<1x128xi32, #tpu.memory_space<vmem>> -> memref<128xi32, #tpu.memory_space<vmem>>
    %dma_start3A_1854 = arith.constant 0 : i32
    %dma_start3A_1855 = arith.constant 0 : i32
    %dma_start3A_1856 = tpu.memref_slice %arg12[%dma_start3A_1854, %dma_start3A_1855] : memref<10000x128xf32, #tpu.memory_space<vmem_shared>> -> memref<10000x128xf32, #tpu.memory_space<vmem_shared>>
    tpu.enqueue_indirect_dma source(%arg11 : memref<128x128xf32, #tpu.memory_space<vmem>>) target(%dma_start3A_1856 : memref<10000x128xf32, #tpu.memory_space<vmem_shared>>) offsets(%dma_start3A_1853 : memref<128xi32, #tpu.memory_space<vmem>>) semaphore(%arg16 : memref<!tpu.dma_semaphore, #tpu.memory_space<semaphore_mem>>) {add = true}
    %dma_wait3A_1857 = arith.constant 1 : i32
    %dma_wait3A_1858 = arith.constant 1664 : i32
    %dma_wait3A_1859 = tpu.memref_slice %arg8[%dma_wait3A_1857, %dma_wait3A_1858] : memref<2x3328xi32, #tpu.memory_space<vmem>> -> memref<1x128xi32, #tpu.memory_space<vmem>>
    %dma_wait3A_1860 = tpu.memref_squeeze %dma_wait3A_1859 : memref<1x128xi32, #tpu.memory_space<vmem>> -> memref<128xi32, #tpu.memory_space<vmem>>
    %dma_wait3A_1861 = arith.constant 0 : i32
    %dma_wait3A_1862 = arith.constant 0 : i32
    %dma_wait3A_1863 = tpu.memref_slice %arg12[%dma_wait3A_1861, %dma_wait3A_1862] : memref<10000x128xf32, #tpu.memory_space<vmem_shared>> -> memref<10000x128xf32, #tpu.memory_space<vmem_shared>>
    tpu.wait_indirect_dma semaphore(%arg16 : memref<!tpu.dma_semaphore, #tpu.memory_space<semaphore_mem>>) src(%arg11 : memref<128x128xf32, #tpu.memory_space<vmem>>) dst(%dma_wait3A_1863 : memref<10000x128xf32, #tpu.memory_space<vmem_shared>>)
    %dma_start3A_1864 = arith.constant 0 : i32
    %dma_start3A_1865 = arith.constant 1920 : i32
    %dma_start3A_1866 = tpu.memref_slice %arg8[%dma_start3A_1864, %dma_start3A_1865] : memref<2x3328xi32, #tpu.memory_space<vmem>> -> memref<1x128xi32, #tpu.memory_space<vmem>>
    %dma_start3A_1867 = tpu.memref_squeeze %dma_start3A_1866 : memref<1x128xi32, #tpu.memory_space<vmem>> -> memref<128xi32, #tpu.memory_space<vmem>>
    %dma_start3A_1868 = arith.constant 0 : i32
    %dma_start3A_1869 = arith.constant 0 : i32
    %dma_start3A_1870 = tpu.memref_slice %arg2[%dma_start3A_1868, %dma_start3A_1869] : memref<20000x128xf32, #tpu.memory_space<hbm>> -> memref<20000x128xf32, #tpu.memory_space<hbm>>
    tpu.enqueue_indirect_dma source(%dma_start3A_1870 : memref<20000x128xf32, #tpu.memory_space<hbm>>) target(%arg11 : memref<128x128xf32, #tpu.memory_space<vmem>>) offsets(%dma_start3A_1867 : memref<128xi32, #tpu.memory_space<vmem>>) semaphore(%arg14 : memref<!tpu.dma_semaphore, #tpu.memory_space<semaphore_mem>>)
    %dma_wait3A_1871 = arith.constant 0 : i32
    %dma_wait3A_1872 = arith.constant 1792 : i32
    %dma_wait3A_1873 = tpu.memref_slice %arg8[%dma_wait3A_1871, %dma_wait3A_1872] : memref<2x3328xi32, #tpu.memory_space<vmem>> -> memref<1x128xi32, #tpu.memory_space<vmem>>
    %dma_wait3A_1874 = tpu.memref_squeeze %dma_wait3A_1873 : memref<1x128xi32, #tpu.memory_space<vmem>> -> memref<128xi32, #tpu.memory_space<vmem>>
    %dma_wait3A_1875 = arith.constant 0 : i32
    %dma_wait3A_1876 = arith.constant 0 : i32
    %dma_wait3A_1877 = tpu.memref_slice %arg2[%dma_wait3A_1875, %dma_wait3A_1876] : memref<20000x128xf32, #tpu.memory_space<hbm>> -> memref<20000x128xf32, #tpu.memory_space<hbm>>
    tpu.wait_indirect_dma semaphore(%arg13 : memref<!tpu.dma_semaphore, #tpu.memory_space<semaphore_mem>>) src(%dma_wait3A_1877 : memref<20000x128xf32, #tpu.memory_space<hbm>>) dst(%arg10 : memref<128x128xf32, #tpu.memory_space<vmem>>)
    %dma_start3A_1878 = arith.constant 1 : i32
    %dma_start3A_1879 = arith.constant 1792 : i32
    %dma_start3A_1880 = tpu.memref_slice %arg8[%dma_start3A_1878, %dma_start3A_1879] : memref<2x3328xi32, #tpu.memory_space<vmem>> -> memref<1x128xi32, #tpu.memory_space<vmem>>
    %dma_start3A_1881 = tpu.memref_squeeze %dma_start3A_1880 : memref<1x128xi32, #tpu.memory_space<vmem>> -> memref<128xi32, #tpu.memory_space<vmem>>
    %dma_start3A_1882 = arith.constant 0 : i32
    %dma_start3A_1883 = arith.constant 0 : i32
    %dma_start3A_1884 = tpu.memref_slice %arg12[%dma_start3A_1882, %dma_start3A_1883] : memref<10000x128xf32, #tpu.memory_space<vmem_shared>> -> memref<10000x128xf32, #tpu.memory_space<vmem_shared>>
    tpu.enqueue_indirect_dma source(%arg10 : memref<128x128xf32, #tpu.memory_space<vmem>>) target(%dma_start3A_1884 : memref<10000x128xf32, #tpu.memory_space<vmem_shared>>) offsets(%dma_start3A_1881 : memref<128xi32, #tpu.memory_space<vmem>>) semaphore(%arg15 : memref<!tpu.dma_semaphore, #tpu.memory_space<semaphore_mem>>) {add = true}
    %dma_wait3A_1885 = arith.constant 1 : i32
    %dma_wait3A_1886 = arith.constant 1792 : i32
    %dma_wait3A_1887 = tpu.memref_slice %arg8[%dma_wait3A_1885, %dma_wait3A_1886] : memref<2x3328xi32, #tpu.memory_space<vmem>> -> memref<1x128xi32, #tpu.memory_space<vmem>>
    %dma_wait3A_1888 = tpu.memref_squeeze %dma_wait3A_1887 : memref<1x128xi32, #tpu.memory_space<vmem>> -> memref<128xi32, #tpu.memory_space<vmem>>
    %dma_wait3A_1889 = arith.constant 0 : i32
    %dma_wait3A_1890 = arith.constant 0 : i32
    %dma_wait3A_1891 = tpu.memref_slice %arg12[%dma_wait3A_1889, %dma_wait3A_1890] : memref<10000x128xf32, #tpu.memory_space<vmem_shared>> -> memref<10000x128xf32, #tpu.memory_space<vmem_shared>>
    tpu.wait_indirect_dma semaphore(%arg15 : memref<!tpu.dma_semaphore, #tpu.memory_space<semaphore_mem>>) src(%arg10 : memref<128x128xf32, #tpu.memory_space<vmem>>) dst(%dma_wait3A_1891 : memref<10000x128xf32, #tpu.memory_space<vmem_shared>>)
    %dma_start3A_1892 = arith.constant 0 : i32
    %dma_start3A_1893 = arith.constant 2048 : i32
    %dma_start3A_1894 = tpu.memref_slice %arg8[%dma_start3A_1892, %dma_start3A_1893] : memref<2x3328xi32, #tpu.memory_space<vmem>> -> memref<1x128xi32, #tpu.memory_space<vmem>>
    %dma_start3A_1895 = tpu.memref_squeeze %dma_start3A_1894 : memref<1x128xi32, #tpu.memory_space<vmem>> -> memref<128xi32, #tpu.memory_space<vmem>>
    %dma_start3A_1896 = arith.constant 0 : i32
    %dma_start3A_1897 = arith.constant 0 : i32
    %dma_start3A_1898 = tpu.memref_slice %arg2[%dma_start3A_1896, %dma_start3A_1897] : memref<20000x128xf32, #tpu.memory_space<hbm>> -> memref<20000x128xf32, #tpu.memory_space<hbm>>
    tpu.enqueue_indirect_dma source(%dma_start3A_1898 : memref<20000x128xf32, #tpu.memory_space<hbm>>) target(%arg10 : memref<128x128xf32, #tpu.memory_space<vmem>>) offsets(%dma_start3A_1895 : memref<128xi32, #tpu.memory_space<vmem>>) semaphore(%arg13 : memref<!tpu.dma_semaphore, #tpu.memory_space<semaphore_mem>>)
    %dma_wait3A_1899 = arith.constant 0 : i32
    %dma_wait3A_1900 = arith.constant 1920 : i32
    %dma_wait3A_1901 = tpu.memref_slice %arg8[%dma_wait3A_1899, %dma_wait3A_1900] : memref<2x3328xi32, #tpu.memory_space<vmem>> -> memref<1x128xi32, #tpu.memory_space<vmem>>
    %dma_wait3A_1902 = tpu.memref_squeeze %dma_wait3A_1901 : memref<1x128xi32, #tpu.memory_space<vmem>> -> memref<128xi32, #tpu.memory_space<vmem>>
    %dma_wait3A_1903 = arith.constant 0 : i32
    %dma_wait3A_1904 = arith.constant 0 : i32
    %dma_wait3A_1905 = tpu.memref_slice %arg2[%dma_wait3A_1903, %dma_wait3A_1904] : memref<20000x128xf32, #tpu.memory_space<hbm>> -> memref<20000x128xf32, #tpu.memory_space<hbm>>
    tpu.wait_indirect_dma semaphore(%arg14 : memref<!tpu.dma_semaphore, #tpu.memory_space<semaphore_mem>>) src(%dma_wait3A_1905 : memref<20000x128xf32, #tpu.memory_space<hbm>>) dst(%arg11 : memref<128x128xf32, #tpu.memory_space<vmem>>)
    %dma_start3A_1906 = arith.constant 1 : i32
    %dma_start3A_1907 = arith.constant 1920 : i32
    %dma_start3A_1908 = tpu.memref_slice %arg8[%dma_start3A_1906, %dma_start3A_1907] : memref<2x3328xi32, #tpu.memory_space<vmem>> -> memref<1x128xi32, #tpu.memory_space<vmem>>
    %dma_start3A_1909 = tpu.memref_squeeze %dma_start3A_1908 : memref<1x128xi32, #tpu.memory_space<vmem>> -> memref<128xi32, #tpu.memory_space<vmem>>
    %dma_start3A_1910 = arith.constant 0 : i32
    %dma_start3A_1911 = arith.constant 0 : i32
    %dma_start3A_1912 = tpu.memref_slice %arg12[%dma_start3A_1910, %dma_start3A_1911] : memref<10000x128xf32, #tpu.memory_space<vmem_shared>> -> memref<10000x128xf32, #tpu.memory_space<vmem_shared>>
    tpu.enqueue_indirect_dma source(%arg11 : memref<128x128xf32, #tpu.memory_space<vmem>>) target(%dma_start3A_1912 : memref<10000x128xf32, #tpu.memory_space<vmem_shared>>) offsets(%dma_start3A_1909 : memref<128xi32, #tpu.memory_space<vmem>>) semaphore(%arg16 : memref<!tpu.dma_semaphore, #tpu.memory_space<semaphore_mem>>) {add = true}
    %dma_wait3A_1913 = arith.constant 1 : i32
    %dma_wait3A_1914 = arith.constant 1920 : i32
    %dma_wait3A_1915 = tpu.memref_slice %arg8[%dma_wait3A_1913, %dma_wait3A_1914] : memref<2x3328xi32, #tpu.memory_space<vmem>> -> memref<1x128xi32, #tpu.memory_space<vmem>>
    %dma_wait3A_1916 = tpu.memref_squeeze %dma_wait3A_1915 : memref<1x128xi32, #tpu.memory_space<vmem>> -> memref<128xi32, #tpu.memory_space<vmem>>
    %dma_wait3A_1917 = arith.constant 0 : i32
    %dma_wait3A_1918 = arith.constant 0 : i32
    %dma_wait3A_1919 = tpu.memref_slice %arg12[%dma_wait3A_1917, %dma_wait3A_1918] : memref<10000x128xf32, #tpu.memory_space<vmem_shared>> -> memref<10000x128xf32, #tpu.memory_space<vmem_shared>>
    tpu.wait_indirect_dma semaphore(%arg16 : memref<!tpu.dma_semaphore, #tpu.memory_space<semaphore_mem>>) src(%arg11 : memref<128x128xf32, #tpu.memory_space<vmem>>) dst(%dma_wait3A_1919 : memref<10000x128xf32, #tpu.memory_space<vmem_shared>>)
    %dma_start3A_1920 = arith.constant 0 : i32
    %dma_start3A_1921 = arith.constant 2176 : i32
    %dma_start3A_1922 = tpu.memref_slice %arg8[%dma_start3A_1920, %dma_start3A_1921] : memref<2x3328xi32, #tpu.memory_space<vmem>> -> memref<1x128xi32, #tpu.memory_space<vmem>>
    %dma_start3A_1923 = tpu.memref_squeeze %dma_start3A_1922 : memref<1x128xi32, #tpu.memory_space<vmem>> -> memref<128xi32, #tpu.memory_space<vmem>>
    %dma_start3A_1924 = arith.constant 0 : i32
    %dma_start3A_1925 = arith.constant 0 : i32
    %dma_start3A_1926 = tpu.memref_slice %arg2[%dma_start3A_1924, %dma_start3A_1925] : memref<20000x128xf32, #tpu.memory_space<hbm>> -> memref<20000x128xf32, #tpu.memory_space<hbm>>
    tpu.enqueue_indirect_dma source(%dma_start3A_1926 : memref<20000x128xf32, #tpu.memory_space<hbm>>) target(%arg11 : memref<128x128xf32, #tpu.memory_space<vmem>>) offsets(%dma_start3A_1923 : memref<128xi32, #tpu.memory_space<vmem>>) semaphore(%arg14 : memref<!tpu.dma_semaphore, #tpu.memory_space<semaphore_mem>>)
    %dma_wait3A_1927 = arith.constant 0 : i32
    %dma_wait3A_1928 = arith.constant 2048 : i32
    %dma_wait3A_1929 = tpu.memref_slice %arg8[%dma_wait3A_1927, %dma_wait3A_1928] : memref<2x3328xi32, #tpu.memory_space<vmem>> -> memref<1x128xi32, #tpu.memory_space<vmem>>
    %dma_wait3A_1930 = tpu.memref_squeeze %dma_wait3A_1929 : memref<1x128xi32, #tpu.memory_space<vmem>> -> memref<128xi32, #tpu.memory_space<vmem>>
    %dma_wait3A_1931 = arith.constant 0 : i32
    %dma_wait3A_1932 = arith.constant 0 : i32
    %dma_wait3A_1933 = tpu.memref_slice %arg2[%dma_wait3A_1931, %dma_wait3A_1932] : memref<20000x128xf32, #tpu.memory_space<hbm>> -> memref<20000x128xf32, #tpu.memory_space<hbm>>
    tpu.wait_indirect_dma semaphore(%arg13 : memref<!tpu.dma_semaphore, #tpu.memory_space<semaphore_mem>>) src(%dma_wait3A_1933 : memref<20000x128xf32, #tpu.memory_space<hbm>>) dst(%arg10 : memref<128x128xf32, #tpu.memory_space<vmem>>)
    %dma_start3A_1934 = arith.constant 1 : i32
    %dma_start3A_1935 = arith.constant 2048 : i32
    %dma_start3A_1936 = tpu.memref_slice %arg8[%dma_start3A_1934, %dma_start3A_1935] : memref<2x3328xi32, #tpu.memory_space<vmem>> -> memref<1x128xi32, #tpu.memory_space<vmem>>
    %dma_start3A_1937 = tpu.memref_squeeze %dma_start3A_1936 : memref<1x128xi32, #tpu.memory_space<vmem>> -> memref<128xi32, #tpu.memory_space<vmem>>
    %dma_start3A_1938 = arith.constant 0 : i32
    %dma_start3A_1939 = arith.constant 0 : i32
    %dma_start3A_1940 = tpu.memref_slice %arg12[%dma_start3A_1938, %dma_start3A_1939] : memref<10000x128xf32, #tpu.memory_space<vmem_shared>> -> memref<10000x128xf32, #tpu.memory_space<vmem_shared>>
    tpu.enqueue_indirect_dma source(%arg10 : memref<128x128xf32, #tpu.memory_space<vmem>>) target(%dma_start3A_1940 : memref<10000x128xf32, #tpu.memory_space<vmem_shared>>) offsets(%dma_start3A_1937 : memref<128xi32, #tpu.memory_space<vmem>>) semaphore(%arg15 : memref<!tpu.dma_semaphore, #tpu.memory_space<semaphore_mem>>) {add = true}
    %dma_wait3A_1941 = arith.constant 1 : i32
    %dma_wait3A_1942 = arith.constant 2048 : i32
    %dma_wait3A_1943 = tpu.memref_slice %arg8[%dma_wait3A_1941, %dma_wait3A_1942] : memref<2x3328xi32, #tpu.memory_space<vmem>> -> memref<1x128xi32, #tpu.memory_space<vmem>>
    %dma_wait3A_1944 = tpu.memref_squeeze %dma_wait3A_1943 : memref<1x128xi32, #tpu.memory_space<vmem>> -> memref<128xi32, #tpu.memory_space<vmem>>
    %dma_wait3A_1945 = arith.constant 0 : i32
    %dma_wait3A_1946 = arith.constant 0 : i32
    %dma_wait3A_1947 = tpu.memref_slice %arg12[%dma_wait3A_1945, %dma_wait3A_1946] : memref<10000x128xf32, #tpu.memory_space<vmem_shared>> -> memref<10000x128xf32, #tpu.memory_space<vmem_shared>>
    tpu.wait_indirect_dma semaphore(%arg15 : memref<!tpu.dma_semaphore, #tpu.memory_space<semaphore_mem>>) src(%arg10 : memref<128x128xf32, #tpu.memory_space<vmem>>) dst(%dma_wait3A_1947 : memref<10000x128xf32, #tpu.memory_space<vmem_shared>>)
    %dma_start3A_1948 = arith.constant 0 : i32
    %dma_start3A_1949 = arith.constant 2304 : i32
    %dma_start3A_1950 = tpu.memref_slice %arg8[%dma_start3A_1948, %dma_start3A_1949] : memref<2x3328xi32, #tpu.memory_space<vmem>> -> memref<1x128xi32, #tpu.memory_space<vmem>>
    %dma_start3A_1951 = tpu.memref_squeeze %dma_start3A_1950 : memref<1x128xi32, #tpu.memory_space<vmem>> -> memref<128xi32, #tpu.memory_space<vmem>>
    %dma_start3A_1952 = arith.constant 0 : i32
    %dma_start3A_1953 = arith.constant 0 : i32
    %dma_start3A_1954 = tpu.memref_slice %arg2[%dma_start3A_1952, %dma_start3A_1953] : memref<20000x128xf32, #tpu.memory_space<hbm>> -> memref<20000x128xf32, #tpu.memory_space<hbm>>
    tpu.enqueue_indirect_dma source(%dma_start3A_1954 : memref<20000x128xf32, #tpu.memory_space<hbm>>) target(%arg10 : memref<128x128xf32, #tpu.memory_space<vmem>>) offsets(%dma_start3A_1951 : memref<128xi32, #tpu.memory_space<vmem>>) semaphore(%arg13 : memref<!tpu.dma_semaphore, #tpu.memory_space<semaphore_mem>>)
    %dma_wait3A_1955 = arith.constant 0 : i32
    %dma_wait3A_1956 = arith.constant 2176 : i32
    %dma_wait3A_1957 = tpu.memref_slice %arg8[%dma_wait3A_1955, %dma_wait3A_1956] : memref<2x3328xi32, #tpu.memory_space<vmem>> -> memref<1x128xi32, #tpu.memory_space<vmem>>
    %dma_wait3A_1958 = tpu.memref_squeeze %dma_wait3A_1957 : memref<1x128xi32, #tpu.memory_space<vmem>> -> memref<128xi32, #tpu.memory_space<vmem>>
    %dma_wait3A_1959 = arith.constant 0 : i32
    %dma_wait3A_1960 = arith.constant 0 : i32
    %dma_wait3A_1961 = tpu.memref_slice %arg2[%dma_wait3A_1959, %dma_wait3A_1960] : memref<20000x128xf32, #tpu.memory_space<hbm>> -> memref<20000x128xf32, #tpu.memory_space<hbm>>
    tpu.wait_indirect_dma semaphore(%arg14 : memref<!tpu.dma_semaphore, #tpu.memory_space<semaphore_mem>>) src(%dma_wait3A_1961 : memref<20000x128xf32, #tpu.memory_space<hbm>>) dst(%arg11 : memref<128x128xf32, #tpu.memory_space<vmem>>)
    %dma_start3A_1962 = arith.constant 1 : i32
    %dma_start3A_1963 = arith.constant 2176 : i32
    %dma_start3A_1964 = tpu.memref_slice %arg8[%dma_start3A_1962, %dma_start3A_1963] : memref<2x3328xi32, #tpu.memory_space<vmem>> -> memref<1x128xi32, #tpu.memory_space<vmem>>
    %dma_start3A_1965 = tpu.memref_squeeze %dma_start3A_1964 : memref<1x128xi32, #tpu.memory_space<vmem>> -> memref<128xi32, #tpu.memory_space<vmem>>
    %dma_start3A_1966 = arith.constant 0 : i32
    %dma_start3A_1967 = arith.constant 0 : i32
    %dma_start3A_1968 = tpu.memref_slice %arg12[%dma_start3A_1966, %dma_start3A_1967] : memref<10000x128xf32, #tpu.memory_space<vmem_shared>> -> memref<10000x128xf32, #tpu.memory_space<vmem_shared>>
    tpu.enqueue_indirect_dma source(%arg11 : memref<128x128xf32, #tpu.memory_space<vmem>>) target(%dma_start3A_1968 : memref<10000x128xf32, #tpu.memory_space<vmem_shared>>) offsets(%dma_start3A_1965 : memref<128xi32, #tpu.memory_space<vmem>>) semaphore(%arg16 : memref<!tpu.dma_semaphore, #tpu.memory_space<semaphore_mem>>) {add = true}
    %dma_wait3A_1969 = arith.constant 1 : i32
    %dma_wait3A_1970 = arith.constant 2176 : i32
    %dma_wait3A_1971 = tpu.memref_slice %arg8[%dma_wait3A_1969, %dma_wait3A_1970] : memref<2x3328xi32, #tpu.memory_space<vmem>> -> memref<1x128xi32, #tpu.memory_space<vmem>>
    %dma_wait3A_1972 = tpu.memref_squeeze %dma_wait3A_1971 : memref<1x128xi32, #tpu.memory_space<vmem>> -> memref<128xi32, #tpu.memory_space<vmem>>
    %dma_wait3A_1973 = arith.constant 0 : i32
    %dma_wait3A_1974 = arith.constant 0 : i32
    %dma_wait3A_1975 = tpu.memref_slice %arg12[%dma_wait3A_1973, %dma_wait3A_1974] : memref<10000x128xf32, #tpu.memory_space<vmem_shared>> -> memref<10000x128xf32, #tpu.memory_space<vmem_shared>>
    tpu.wait_indirect_dma semaphore(%arg16 : memref<!tpu.dma_semaphore, #tpu.memory_space<semaphore_mem>>) src(%arg11 : memref<128x128xf32, #tpu.memory_space<vmem>>) dst(%dma_wait3A_1975 : memref<10000x128xf32, #tpu.memory_space<vmem_shared>>)
    %dma_start3A_1976 = arith.constant 0 : i32
    %dma_start3A_1977 = arith.constant 2432 : i32
    %dma_start3A_1978 = tpu.memref_slice %arg8[%dma_start3A_1976, %dma_start3A_1977] : memref<2x3328xi32, #tpu.memory_space<vmem>> -> memref<1x128xi32, #tpu.memory_space<vmem>>
    %dma_start3A_1979 = tpu.memref_squeeze %dma_start3A_1978 : memref<1x128xi32, #tpu.memory_space<vmem>> -> memref<128xi32, #tpu.memory_space<vmem>>
    %dma_start3A_1980 = arith.constant 0 : i32
    %dma_start3A_1981 = arith.constant 0 : i32
    %dma_start3A_1982 = tpu.memref_slice %arg2[%dma_start3A_1980, %dma_start3A_1981] : memref<20000x128xf32, #tpu.memory_space<hbm>> -> memref<20000x128xf32, #tpu.memory_space<hbm>>
    tpu.enqueue_indirect_dma source(%dma_start3A_1982 : memref<20000x128xf32, #tpu.memory_space<hbm>>) target(%arg11 : memref<128x128xf32, #tpu.memory_space<vmem>>) offsets(%dma_start3A_1979 : memref<128xi32, #tpu.memory_space<vmem>>) semaphore(%arg14 : memref<!tpu.dma_semaphore, #tpu.memory_space<semaphore_mem>>)
    %dma_wait3A_1983 = arith.constant 0 : i32
    %dma_wait3A_1984 = arith.constant 2304 : i32
    %dma_wait3A_1985 = tpu.memref_slice %arg8[%dma_wait3A_1983, %dma_wait3A_1984] : memref<2x3328xi32, #tpu.memory_space<vmem>> -> memref<1x128xi32, #tpu.memory_space<vmem>>
    %dma_wait3A_1986 = tpu.memref_squeeze %dma_wait3A_1985 : memref<1x128xi32, #tpu.memory_space<vmem>> -> memref<128xi32, #tpu.memory_space<vmem>>
    %dma_wait3A_1987 = arith.constant 0 : i32
    %dma_wait3A_1988 = arith.constant 0 : i32
    %dma_wait3A_1989 = tpu.memref_slice %arg2[%dma_wait3A_1987, %dma_wait3A_1988] : memref<20000x128xf32, #tpu.memory_space<hbm>> -> memref<20000x128xf32, #tpu.memory_space<hbm>>
    tpu.wait_indirect_dma semaphore(%arg13 : memref<!tpu.dma_semaphore, #tpu.memory_space<semaphore_mem>>) src(%dma_wait3A_1989 : memref<20000x128xf32, #tpu.memory_space<hbm>>) dst(%arg10 : memref<128x128xf32, #tpu.memory_space<vmem>>)
    %dma_start3A_1990 = arith.constant 1 : i32
    %dma_start3A_1991 = arith.constant 2304 : i32
    %dma_start3A_1992 = tpu.memref_slice %arg8[%dma_start3A_1990, %dma_start3A_1991] : memref<2x3328xi32, #tpu.memory_space<vmem>> -> memref<1x128xi32, #tpu.memory_space<vmem>>
    %dma_start3A_1993 = tpu.memref_squeeze %dma_start3A_1992 : memref<1x128xi32, #tpu.memory_space<vmem>> -> memref<128xi32, #tpu.memory_space<vmem>>
    %dma_start3A_1994 = arith.constant 0 : i32
    %dma_start3A_1995 = arith.constant 0 : i32
    %dma_start3A_1996 = tpu.memref_slice %arg12[%dma_start3A_1994, %dma_start3A_1995] : memref<10000x128xf32, #tpu.memory_space<vmem_shared>> -> memref<10000x128xf32, #tpu.memory_space<vmem_shared>>
    tpu.enqueue_indirect_dma source(%arg10 : memref<128x128xf32, #tpu.memory_space<vmem>>) target(%dma_start3A_1996 : memref<10000x128xf32, #tpu.memory_space<vmem_shared>>) offsets(%dma_start3A_1993 : memref<128xi32, #tpu.memory_space<vmem>>) semaphore(%arg15 : memref<!tpu.dma_semaphore, #tpu.memory_space<semaphore_mem>>) {add = true}
    %dma_wait3A_1997 = arith.constant 1 : i32
    %dma_wait3A_1998 = arith.constant 2304 : i32
    %dma_wait3A_1999 = tpu.memref_slice %arg8[%dma_wait3A_1997, %dma_wait3A_1998] : memref<2x3328xi32, #tpu.memory_space<vmem>> -> memref<1x128xi32, #tpu.memory_space<vmem>>
    %dma_wait3A_2000 = tpu.memref_squeeze %dma_wait3A_1999 : memref<1x128xi32, #tpu.memory_space<vmem>> -> memref<128xi32, #tpu.memory_space<vmem>>
    %dma_wait3A_2001 = arith.constant 0 : i32
    %dma_wait3A_2002 = arith.constant 0 : i32
    %dma_wait3A_2003 = tpu.memref_slice %arg12[%dma_wait3A_2001, %dma_wait3A_2002] : memref<10000x128xf32, #tpu.memory_space<vmem_shared>> -> memref<10000x128xf32, #tpu.memory_space<vmem_shared>>
    tpu.wait_indirect_dma semaphore(%arg15 : memref<!tpu.dma_semaphore, #tpu.memory_space<semaphore_mem>>) src(%arg10 : memref<128x128xf32, #tpu.memory_space<vmem>>) dst(%dma_wait3A_2003 : memref<10000x128xf32, #tpu.memory_space<vmem_shared>>)
    %dma_start3A_2004 = arith.constant 0 : i32
    %dma_start3A_2005 = arith.constant 2560 : i32
    %dma_start3A_2006 = tpu.memref_slice %arg8[%dma_start3A_2004, %dma_start3A_2005] : memref<2x3328xi32, #tpu.memory_space<vmem>> -> memref<1x128xi32, #tpu.memory_space<vmem>>
    %dma_start3A_2007 = tpu.memref_squeeze %dma_start3A_2006 : memref<1x128xi32, #tpu.memory_space<vmem>> -> memref<128xi32, #tpu.memory_space<vmem>>
    %dma_start3A_2008 = arith.constant 0 : i32
    %dma_start3A_2009 = arith.constant 0 : i32
    %dma_start3A_2010 = tpu.memref_slice %arg2[%dma_start3A_2008, %dma_start3A_2009] : memref<20000x128xf32, #tpu.memory_space<hbm>> -> memref<20000x128xf32, #tpu.memory_space<hbm>>
    tpu.enqueue_indirect_dma source(%dma_start3A_2010 : memref<20000x128xf32, #tpu.memory_space<hbm>>) target(%arg10 : memref<128x128xf32, #tpu.memory_space<vmem>>) offsets(%dma_start3A_2007 : memref<128xi32, #tpu.memory_space<vmem>>) semaphore(%arg13 : memref<!tpu.dma_semaphore, #tpu.memory_space<semaphore_mem>>)
    %dma_wait3A_2011 = arith.constant 0 : i32
    %dma_wait3A_2012 = arith.constant 2432 : i32
    %dma_wait3A_2013 = tpu.memref_slice %arg8[%dma_wait3A_2011, %dma_wait3A_2012] : memref<2x3328xi32, #tpu.memory_space<vmem>> -> memref<1x128xi32, #tpu.memory_space<vmem>>
    %dma_wait3A_2014 = tpu.memref_squeeze %dma_wait3A_2013 : memref<1x128xi32, #tpu.memory_space<vmem>> -> memref<128xi32, #tpu.memory_space<vmem>>
    %dma_wait3A_2015 = arith.constant 0 : i32
    %dma_wait3A_2016 = arith.constant 0 : i32
    %dma_wait3A_2017 = tpu.memref_slice %arg2[%dma_wait3A_2015, %dma_wait3A_2016] : memref<20000x128xf32, #tpu.memory_space<hbm>> -> memref<20000x128xf32, #tpu.memory_space<hbm>>
    tpu.wait_indirect_dma semaphore(%arg14 : memref<!tpu.dma_semaphore, #tpu.memory_space<semaphore_mem>>) src(%dma_wait3A_2017 : memref<20000x128xf32, #tpu.memory_space<hbm>>) dst(%arg11 : memref<128x128xf32, #tpu.memory_space<vmem>>)
    %dma_start3A_2018 = arith.constant 1 : i32
    %dma_start3A_2019 = arith.constant 2432 : i32
    %dma_start3A_2020 = tpu.memref_slice %arg8[%dma_start3A_2018, %dma_start3A_2019] : memref<2x3328xi32, #tpu.memory_space<vmem>> -> memref<1x128xi32, #tpu.memory_space<vmem>>
    %dma_start3A_2021 = tpu.memref_squeeze %dma_start3A_2020 : memref<1x128xi32, #tpu.memory_space<vmem>> -> memref<128xi32, #tpu.memory_space<vmem>>
    %dma_start3A_2022 = arith.constant 0 : i32
    %dma_start3A_2023 = arith.constant 0 : i32
    %dma_start3A_2024 = tpu.memref_slice %arg12[%dma_start3A_2022, %dma_start3A_2023] : memref<10000x128xf32, #tpu.memory_space<vmem_shared>> -> memref<10000x128xf32, #tpu.memory_space<vmem_shared>>
    tpu.enqueue_indirect_dma source(%arg11 : memref<128x128xf32, #tpu.memory_space<vmem>>) target(%dma_start3A_2024 : memref<10000x128xf32, #tpu.memory_space<vmem_shared>>) offsets(%dma_start3A_2021 : memref<128xi32, #tpu.memory_space<vmem>>) semaphore(%arg16 : memref<!tpu.dma_semaphore, #tpu.memory_space<semaphore_mem>>) {add = true}
    %dma_wait3A_2025 = arith.constant 1 : i32
    %dma_wait3A_2026 = arith.constant 2432 : i32
    %dma_wait3A_2027 = tpu.memref_slice %arg8[%dma_wait3A_2025, %dma_wait3A_2026] : memref<2x3328xi32, #tpu.memory_space<vmem>> -> memref<1x128xi32, #tpu.memory_space<vmem>>
    %dma_wait3A_2028 = tpu.memref_squeeze %dma_wait3A_2027 : memref<1x128xi32, #tpu.memory_space<vmem>> -> memref<128xi32, #tpu.memory_space<vmem>>
    %dma_wait3A_2029 = arith.constant 0 : i32
    %dma_wait3A_2030 = arith.constant 0 : i32
    %dma_wait3A_2031 = tpu.memref_slice %arg12[%dma_wait3A_2029, %dma_wait3A_2030] : memref<10000x128xf32, #tpu.memory_space<vmem_shared>> -> memref<10000x128xf32, #tpu.memory_space<vmem_shared>>
    tpu.wait_indirect_dma semaphore(%arg16 : memref<!tpu.dma_semaphore, #tpu.memory_space<semaphore_mem>>) src(%arg11 : memref<128x128xf32, #tpu.memory_space<vmem>>) dst(%dma_wait3A_2031 : memref<10000x128xf32, #tpu.memory_space<vmem_shared>>)
    %dma_start3A_2032 = arith.constant 0 : i32
    %dma_start3A_2033 = arith.constant 2688 : i32
    %dma_start3A_2034 = tpu.memref_slice %arg8[%dma_start3A_2032, %dma_start3A_2033] : memref<2x3328xi32, #tpu.memory_space<vmem>> -> memref<1x128xi32, #tpu.memory_space<vmem>>
    %dma_start3A_2035 = tpu.memref_squeeze %dma_start3A_2034 : memref<1x128xi32, #tpu.memory_space<vmem>> -> memref<128xi32, #tpu.memory_space<vmem>>
    %dma_start3A_2036 = arith.constant 0 : i32
    %dma_start3A_2037 = arith.constant 0 : i32
    %dma_start3A_2038 = tpu.memref_slice %arg2[%dma_start3A_2036, %dma_start3A_2037] : memref<20000x128xf32, #tpu.memory_space<hbm>> -> memref<20000x128xf32, #tpu.memory_space<hbm>>
    tpu.enqueue_indirect_dma source(%dma_start3A_2038 : memref<20000x128xf32, #tpu.memory_space<hbm>>) target(%arg11 : memref<128x128xf32, #tpu.memory_space<vmem>>) offsets(%dma_start3A_2035 : memref<128xi32, #tpu.memory_space<vmem>>) semaphore(%arg14 : memref<!tpu.dma_semaphore, #tpu.memory_space<semaphore_mem>>)
    %dma_wait3A_2039 = arith.constant 0 : i32
    %dma_wait3A_2040 = arith.constant 2560 : i32
    %dma_wait3A_2041 = tpu.memref_slice %arg8[%dma_wait3A_2039, %dma_wait3A_2040] : memref<2x3328xi32, #tpu.memory_space<vmem>> -> memref<1x128xi32, #tpu.memory_space<vmem>>
    %dma_wait3A_2042 = tpu.memref_squeeze %dma_wait3A_2041 : memref<1x128xi32, #tpu.memory_space<vmem>> -> memref<128xi32, #tpu.memory_space<vmem>>
    %dma_wait3A_2043 = arith.constant 0 : i32
    %dma_wait3A_2044 = arith.constant 0 : i32
    %dma_wait3A_2045 = tpu.memref_slice %arg2[%dma_wait3A_2043, %dma_wait3A_2044] : memref<20000x128xf32, #tpu.memory_space<hbm>> -> memref<20000x128xf32, #tpu.memory_space<hbm>>
    tpu.wait_indirect_dma semaphore(%arg13 : memref<!tpu.dma_semaphore, #tpu.memory_space<semaphore_mem>>) src(%dma_wait3A_2045 : memref<20000x128xf32, #tpu.memory_space<hbm>>) dst(%arg10 : memref<128x128xf32, #tpu.memory_space<vmem>>)
    %dma_start3A_2046 = arith.constant 1 : i32
    %dma_start3A_2047 = arith.constant 2560 : i32
    %dma_start3A_2048 = tpu.memref_slice %arg8[%dma_start3A_2046, %dma_start3A_2047] : memref<2x3328xi32, #tpu.memory_space<vmem>> -> memref<1x128xi32, #tpu.memory_space<vmem>>
    %dma_start3A_2049 = tpu.memref_squeeze %dma_start3A_2048 : memref<1x128xi32, #tpu.memory_space<vmem>> -> memref<128xi32, #tpu.memory_space<vmem>>
    %dma_start3A_2050 = arith.constant 0 : i32
    %dma_start3A_2051 = arith.constant 0 : i32
    %dma_start3A_2052 = tpu.memref_slice %arg12[%dma_start3A_2050, %dma_start3A_2051] : memref<10000x128xf32, #tpu.memory_space<vmem_shared>> -> memref<10000x128xf32, #tpu.memory_space<vmem_shared>>
    tpu.enqueue_indirect_dma source(%arg10 : memref<128x128xf32, #tpu.memory_space<vmem>>) target(%dma_start3A_2052 : memref<10000x128xf32, #tpu.memory_space<vmem_shared>>) offsets(%dma_start3A_2049 : memref<128xi32, #tpu.memory_space<vmem>>) semaphore(%arg15 : memref<!tpu.dma_semaphore, #tpu.memory_space<semaphore_mem>>) {add = true}
    %dma_wait3A_2053 = arith.constant 1 : i32
    %dma_wait3A_2054 = arith.constant 2560 : i32
    %dma_wait3A_2055 = tpu.memref_slice %arg8[%dma_wait3A_2053, %dma_wait3A_2054] : memref<2x3328xi32, #tpu.memory_space<vmem>> -> memref<1x128xi32, #tpu.memory_space<vmem>>
    %dma_wait3A_2056 = tpu.memref_squeeze %dma_wait3A_2055 : memref<1x128xi32, #tpu.memory_space<vmem>> -> memref<128xi32, #tpu.memory_space<vmem>>
    %dma_wait3A_2057 = arith.constant 0 : i32
    %dma_wait3A_2058 = arith.constant 0 : i32
    %dma_wait3A_2059 = tpu.memref_slice %arg12[%dma_wait3A_2057, %dma_wait3A_2058] : memref<10000x128xf32, #tpu.memory_space<vmem_shared>> -> memref<10000x128xf32, #tpu.memory_space<vmem_shared>>
    tpu.wait_indirect_dma semaphore(%arg15 : memref<!tpu.dma_semaphore, #tpu.memory_space<semaphore_mem>>) src(%arg10 : memref<128x128xf32, #tpu.memory_space<vmem>>) dst(%dma_wait3A_2059 : memref<10000x128xf32, #tpu.memory_space<vmem_shared>>)
    %dma_start3A_2060 = arith.constant 0 : i32
    %dma_start3A_2061 = arith.constant 2816 : i32
    %dma_start3A_2062 = tpu.memref_slice %arg8[%dma_start3A_2060, %dma_start3A_2061] : memref<2x3328xi32, #tpu.memory_space<vmem>> -> memref<1x128xi32, #tpu.memory_space<vmem>>
    %dma_start3A_2063 = tpu.memref_squeeze %dma_start3A_2062 : memref<1x128xi32, #tpu.memory_space<vmem>> -> memref<128xi32, #tpu.memory_space<vmem>>
    %dma_start3A_2064 = arith.constant 0 : i32
    %dma_start3A_2065 = arith.constant 0 : i32
    %dma_start3A_2066 = tpu.memref_slice %arg2[%dma_start3A_2064, %dma_start3A_2065] : memref<20000x128xf32, #tpu.memory_space<hbm>> -> memref<20000x128xf32, #tpu.memory_space<hbm>>
    tpu.enqueue_indirect_dma source(%dma_start3A_2066 : memref<20000x128xf32, #tpu.memory_space<hbm>>) target(%arg10 : memref<128x128xf32, #tpu.memory_space<vmem>>) offsets(%dma_start3A_2063 : memref<128xi32, #tpu.memory_space<vmem>>) semaphore(%arg13 : memref<!tpu.dma_semaphore, #tpu.memory_space<semaphore_mem>>)
    %dma_wait3A_2067 = arith.constant 0 : i32
    %dma_wait3A_2068 = arith.constant 2688 : i32
    %dma_wait3A_2069 = tpu.memref_slice %arg8[%dma_wait3A_2067, %dma_wait3A_2068] : memref<2x3328xi32, #tpu.memory_space<vmem>> -> memref<1x128xi32, #tpu.memory_space<vmem>>
    %dma_wait3A_2070 = tpu.memref_squeeze %dma_wait3A_2069 : memref<1x128xi32, #tpu.memory_space<vmem>> -> memref<128xi32, #tpu.memory_space<vmem>>
    %dma_wait3A_2071 = arith.constant 0 : i32
    %dma_wait3A_2072 = arith.constant 0 : i32
    %dma_wait3A_2073 = tpu.memref_slice %arg2[%dma_wait3A_2071, %dma_wait3A_2072] : memref<20000x128xf32, #tpu.memory_space<hbm>> -> memref<20000x128xf32, #tpu.memory_space<hbm>>
    tpu.wait_indirect_dma semaphore(%arg14 : memref<!tpu.dma_semaphore, #tpu.memory_space<semaphore_mem>>) src(%dma_wait3A_2073 : memref<20000x128xf32, #tpu.memory_space<hbm>>) dst(%arg11 : memref<128x128xf32, #tpu.memory_space<vmem>>)
    %dma_start3A_2074 = arith.constant 1 : i32
    %dma_start3A_2075 = arith.constant 2688 : i32
    %dma_start3A_2076 = tpu.memref_slice %arg8[%dma_start3A_2074, %dma_start3A_2075] : memref<2x3328xi32, #tpu.memory_space<vmem>> -> memref<1x128xi32, #tpu.memory_space<vmem>>
    %dma_start3A_2077 = tpu.memref_squeeze %dma_start3A_2076 : memref<1x128xi32, #tpu.memory_space<vmem>> -> memref<128xi32, #tpu.memory_space<vmem>>
    %dma_start3A_2078 = arith.constant 0 : i32
    %dma_start3A_2079 = arith.constant 0 : i32
    %dma_start3A_2080 = tpu.memref_slice %arg12[%dma_start3A_2078, %dma_start3A_2079] : memref<10000x128xf32, #tpu.memory_space<vmem_shared>> -> memref<10000x128xf32, #tpu.memory_space<vmem_shared>>
    tpu.enqueue_indirect_dma source(%arg11 : memref<128x128xf32, #tpu.memory_space<vmem>>) target(%dma_start3A_2080 : memref<10000x128xf32, #tpu.memory_space<vmem_shared>>) offsets(%dma_start3A_2077 : memref<128xi32, #tpu.memory_space<vmem>>) semaphore(%arg16 : memref<!tpu.dma_semaphore, #tpu.memory_space<semaphore_mem>>) {add = true}
    %dma_wait3A_2081 = arith.constant 1 : i32
    %dma_wait3A_2082 = arith.constant 2688 : i32
    %dma_wait3A_2083 = tpu.memref_slice %arg8[%dma_wait3A_2081, %dma_wait3A_2082] : memref<2x3328xi32, #tpu.memory_space<vmem>> -> memref<1x128xi32, #tpu.memory_space<vmem>>
    %dma_wait3A_2084 = tpu.memref_squeeze %dma_wait3A_2083 : memref<1x128xi32, #tpu.memory_space<vmem>> -> memref<128xi32, #tpu.memory_space<vmem>>
    %dma_wait3A_2085 = arith.constant 0 : i32
    %dma_wait3A_2086 = arith.constant 0 : i32
    %dma_wait3A_2087 = tpu.memref_slice %arg12[%dma_wait3A_2085, %dma_wait3A_2086] : memref<10000x128xf32, #tpu.memory_space<vmem_shared>> -> memref<10000x128xf32, #tpu.memory_space<vmem_shared>>
    tpu.wait_indirect_dma semaphore(%arg16 : memref<!tpu.dma_semaphore, #tpu.memory_space<semaphore_mem>>) src(%arg11 : memref<128x128xf32, #tpu.memory_space<vmem>>) dst(%dma_wait3A_2087 : memref<10000x128xf32, #tpu.memory_space<vmem_shared>>)
    %dma_start3A_2088 = arith.constant 0 : i32
    %dma_start3A_2089 = arith.constant 2944 : i32
    %dma_start3A_2090 = tpu.memref_slice %arg8[%dma_start3A_2088, %dma_start3A_2089] : memref<2x3328xi32, #tpu.memory_space<vmem>> -> memref<1x128xi32, #tpu.memory_space<vmem>>
    %dma_start3A_2091 = tpu.memref_squeeze %dma_start3A_2090 : memref<1x128xi32, #tpu.memory_space<vmem>> -> memref<128xi32, #tpu.memory_space<vmem>>
    %dma_start3A_2092 = arith.constant 0 : i32
    %dma_start3A_2093 = arith.constant 0 : i32
    %dma_start3A_2094 = tpu.memref_slice %arg2[%dma_start3A_2092, %dma_start3A_2093] : memref<20000x128xf32, #tpu.memory_space<hbm>> -> memref<20000x128xf32, #tpu.memory_space<hbm>>
    tpu.enqueue_indirect_dma source(%dma_start3A_2094 : memref<20000x128xf32, #tpu.memory_space<hbm>>) target(%arg11 : memref<128x128xf32, #tpu.memory_space<vmem>>) offsets(%dma_start3A_2091 : memref<128xi32, #tpu.memory_space<vmem>>) semaphore(%arg14 : memref<!tpu.dma_semaphore, #tpu.memory_space<semaphore_mem>>)
    %dma_wait3A_2095 = arith.constant 0 : i32
    %dma_wait3A_2096 = arith.constant 2816 : i32
    %dma_wait3A_2097 = tpu.memref_slice %arg8[%dma_wait3A_2095, %dma_wait3A_2096] : memref<2x3328xi32, #tpu.memory_space<vmem>> -> memref<1x128xi32, #tpu.memory_space<vmem>>
    %dma_wait3A_2098 = tpu.memref_squeeze %dma_wait3A_2097 : memref<1x128xi32, #tpu.memory_space<vmem>> -> memref<128xi32, #tpu.memory_space<vmem>>
    %dma_wait3A_2099 = arith.constant 0 : i32
    %dma_wait3A_2100 = arith.constant 0 : i32
    %dma_wait3A_2101 = tpu.memref_slice %arg2[%dma_wait3A_2099, %dma_wait3A_2100] : memref<20000x128xf32, #tpu.memory_space<hbm>> -> memref<20000x128xf32, #tpu.memory_space<hbm>>
    tpu.wait_indirect_dma semaphore(%arg13 : memref<!tpu.dma_semaphore, #tpu.memory_space<semaphore_mem>>) src(%dma_wait3A_2101 : memref<20000x128xf32, #tpu.memory_space<hbm>>) dst(%arg10 : memref<128x128xf32, #tpu.memory_space<vmem>>)
    %dma_start3A_2102 = arith.constant 1 : i32
    %dma_start3A_2103 = arith.constant 2816 : i32
    %dma_start3A_2104 = tpu.memref_slice %arg8[%dma_start3A_2102, %dma_start3A_2103] : memref<2x3328xi32, #tpu.memory_space<vmem>> -> memref<1x128xi32, #tpu.memory_space<vmem>>
    %dma_start3A_2105 = tpu.memref_squeeze %dma_start3A_2104 : memref<1x128xi32, #tpu.memory_space<vmem>> -> memref<128xi32, #tpu.memory_space<vmem>>
    %dma_start3A_2106 = arith.constant 0 : i32
    %dma_start3A_2107 = arith.constant 0 : i32
    %dma_start3A_2108 = tpu.memref_slice %arg12[%dma_start3A_2106, %dma_start3A_2107] : memref<10000x128xf32, #tpu.memory_space<vmem_shared>> -> memref<10000x128xf32, #tpu.memory_space<vmem_shared>>
    tpu.enqueue_indirect_dma source(%arg10 : memref<128x128xf32, #tpu.memory_space<vmem>>) target(%dma_start3A_2108 : memref<10000x128xf32, #tpu.memory_space<vmem_shared>>) offsets(%dma_start3A_2105 : memref<128xi32, #tpu.memory_space<vmem>>) semaphore(%arg15 : memref<!tpu.dma_semaphore, #tpu.memory_space<semaphore_mem>>) {add = true}
    %dma_wait3A_2109 = arith.constant 1 : i32
    %dma_wait3A_2110 = arith.constant 2816 : i32
    %dma_wait3A_2111 = tpu.memref_slice %arg8[%dma_wait3A_2109, %dma_wait3A_2110] : memref<2x3328xi32, #tpu.memory_space<vmem>> -> memref<1x128xi32, #tpu.memory_space<vmem>>
    %dma_wait3A_2112 = tpu.memref_squeeze %dma_wait3A_2111 : memref<1x128xi32, #tpu.memory_space<vmem>> -> memref<128xi32, #tpu.memory_space<vmem>>
    %dma_wait3A_2113 = arith.constant 0 : i32
    %dma_wait3A_2114 = arith.constant 0 : i32
    %dma_wait3A_2115 = tpu.memref_slice %arg12[%dma_wait3A_2113, %dma_wait3A_2114] : memref<10000x128xf32, #tpu.memory_space<vmem_shared>> -> memref<10000x128xf32, #tpu.memory_space<vmem_shared>>
    tpu.wait_indirect_dma semaphore(%arg15 : memref<!tpu.dma_semaphore, #tpu.memory_space<semaphore_mem>>) src(%arg10 : memref<128x128xf32, #tpu.memory_space<vmem>>) dst(%dma_wait3A_2115 : memref<10000x128xf32, #tpu.memory_space<vmem_shared>>)
    %dma_start3A_2116 = arith.constant 0 : i32
    %dma_start3A_2117 = arith.constant 3072 : i32
    %dma_start3A_2118 = tpu.memref_slice %arg8[%dma_start3A_2116, %dma_start3A_2117] : memref<2x3328xi32, #tpu.memory_space<vmem>> -> memref<1x128xi32, #tpu.memory_space<vmem>>
    %dma_start3A_2119 = tpu.memref_squeeze %dma_start3A_2118 : memref<1x128xi32, #tpu.memory_space<vmem>> -> memref<128xi32, #tpu.memory_space<vmem>>
    %dma_start3A_2120 = arith.constant 0 : i32
    %dma_start3A_2121 = arith.constant 0 : i32
    %dma_start3A_2122 = tpu.memref_slice %arg2[%dma_start3A_2120, %dma_start3A_2121] : memref<20000x128xf32, #tpu.memory_space<hbm>> -> memref<20000x128xf32, #tpu.memory_space<hbm>>
    tpu.enqueue_indirect_dma source(%dma_start3A_2122 : memref<20000x128xf32, #tpu.memory_space<hbm>>) target(%arg10 : memref<128x128xf32, #tpu.memory_space<vmem>>) offsets(%dma_start3A_2119 : memref<128xi32, #tpu.memory_space<vmem>>) semaphore(%arg13 : memref<!tpu.dma_semaphore, #tpu.memory_space<semaphore_mem>>)
    %dma_wait3A_2123 = arith.constant 0 : i32
    %dma_wait3A_2124 = arith.constant 2944 : i32
    %dma_wait3A_2125 = tpu.memref_slice %arg8[%dma_wait3A_2123, %dma_wait3A_2124] : memref<2x3328xi32, #tpu.memory_space<vmem>> -> memref<1x128xi32, #tpu.memory_space<vmem>>
    %dma_wait3A_2126 = tpu.memref_squeeze %dma_wait3A_2125 : memref<1x128xi32, #tpu.memory_space<vmem>> -> memref<128xi32, #tpu.memory_space<vmem>>
    %dma_wait3A_2127 = arith.constant 0 : i32
    %dma_wait3A_2128 = arith.constant 0 : i32
    %dma_wait3A_2129 = tpu.memref_slice %arg2[%dma_wait3A_2127, %dma_wait3A_2128] : memref<20000x128xf32, #tpu.memory_space<hbm>> -> memref<20000x128xf32, #tpu.memory_space<hbm>>
    tpu.wait_indirect_dma semaphore(%arg14 : memref<!tpu.dma_semaphore, #tpu.memory_space<semaphore_mem>>) src(%dma_wait3A_2129 : memref<20000x128xf32, #tpu.memory_space<hbm>>) dst(%arg11 : memref<128x128xf32, #tpu.memory_space<vmem>>)
    %dma_start3A_2130 = arith.constant 1 : i32
    %dma_start3A_2131 = arith.constant 2944 : i32
    %dma_start3A_2132 = tpu.memref_slice %arg8[%dma_start3A_2130, %dma_start3A_2131] : memref<2x3328xi32, #tpu.memory_space<vmem>> -> memref<1x128xi32, #tpu.memory_space<vmem>>
    %dma_start3A_2133 = tpu.memref_squeeze %dma_start3A_2132 : memref<1x128xi32, #tpu.memory_space<vmem>> -> memref<128xi32, #tpu.memory_space<vmem>>
    %dma_start3A_2134 = arith.constant 0 : i32
    %dma_start3A_2135 = arith.constant 0 : i32
    %dma_start3A_2136 = tpu.memref_slice %arg12[%dma_start3A_2134, %dma_start3A_2135] : memref<10000x128xf32, #tpu.memory_space<vmem_shared>> -> memref<10000x128xf32, #tpu.memory_space<vmem_shared>>
    tpu.enqueue_indirect_dma source(%arg11 : memref<128x128xf32, #tpu.memory_space<vmem>>) target(%dma_start3A_2136 : memref<10000x128xf32, #tpu.memory_space<vmem_shared>>) offsets(%dma_start3A_2133 : memref<128xi32, #tpu.memory_space<vmem>>) semaphore(%arg16 : memref<!tpu.dma_semaphore, #tpu.memory_space<semaphore_mem>>) {add = true}
    %dma_wait3A_2137 = arith.constant 1 : i32
    %dma_wait3A_2138 = arith.constant 2944 : i32
    %dma_wait3A_2139 = tpu.memref_slice %arg8[%dma_wait3A_2137, %dma_wait3A_2138] : memref<2x3328xi32, #tpu.memory_space<vmem>> -> memref<1x128xi32, #tpu.memory_space<vmem>>
    %dma_wait3A_2140 = tpu.memref_squeeze %dma_wait3A_2139 : memref<1x128xi32, #tpu.memory_space<vmem>> -> memref<128xi32, #tpu.memory_space<vmem>>
    %dma_wait3A_2141 = arith.constant 0 : i32
    %dma_wait3A_2142 = arith.constant 0 : i32
    %dma_wait3A_2143 = tpu.memref_slice %arg12[%dma_wait3A_2141, %dma_wait3A_2142] : memref<10000x128xf32, #tpu.memory_space<vmem_shared>> -> memref<10000x128xf32, #tpu.memory_space<vmem_shared>>
    tpu.wait_indirect_dma semaphore(%arg16 : memref<!tpu.dma_semaphore, #tpu.memory_space<semaphore_mem>>) src(%arg11 : memref<128x128xf32, #tpu.memory_space<vmem>>) dst(%dma_wait3A_2143 : memref<10000x128xf32, #tpu.memory_space<vmem_shared>>)
    %dma_start3A_2144 = arith.constant 0 : i32
    %dma_start3A_2145 = arith.constant 3200 : i32
    %dma_start3A_2146 = tpu.memref_slice %arg8[%dma_start3A_2144, %dma_start3A_2145] : memref<2x3328xi32, #tpu.memory_space<vmem>> -> memref<1x128xi32, #tpu.memory_space<vmem>>
    %dma_start3A_2147 = tpu.memref_squeeze %dma_start3A_2146 : memref<1x128xi32, #tpu.memory_space<vmem>> -> memref<128xi32, #tpu.memory_space<vmem>>
    %dma_start3A_2148 = arith.constant 0 : i32
    %dma_start3A_2149 = arith.constant 0 : i32
    %dma_start3A_2150 = tpu.memref_slice %arg2[%dma_start3A_2148, %dma_start3A_2149] : memref<20000x128xf32, #tpu.memory_space<hbm>> -> memref<20000x128xf32, #tpu.memory_space<hbm>>
    tpu.enqueue_indirect_dma source(%dma_start3A_2150 : memref<20000x128xf32, #tpu.memory_space<hbm>>) target(%arg11 : memref<128x128xf32, #tpu.memory_space<vmem>>) offsets(%dma_start3A_2147 : memref<128xi32, #tpu.memory_space<vmem>>) semaphore(%arg14 : memref<!tpu.dma_semaphore, #tpu.memory_space<semaphore_mem>>)
    %dma_wait3A_2151 = arith.constant 0 : i32
    %dma_wait3A_2152 = arith.constant 3072 : i32
    %dma_wait3A_2153 = tpu.memref_slice %arg8[%dma_wait3A_2151, %dma_wait3A_2152] : memref<2x3328xi32, #tpu.memory_space<vmem>> -> memref<1x128xi32, #tpu.memory_space<vmem>>
    %dma_wait3A_2154 = tpu.memref_squeeze %dma_wait3A_2153 : memref<1x128xi32, #tpu.memory_space<vmem>> -> memref<128xi32, #tpu.memory_space<vmem>>
    %dma_wait3A_2155 = arith.constant 0 : i32
    %dma_wait3A_2156 = arith.constant 0 : i32
    %dma_wait3A_2157 = tpu.memref_slice %arg2[%dma_wait3A_2155, %dma_wait3A_2156] : memref<20000x128xf32, #tpu.memory_space<hbm>> -> memref<20000x128xf32, #tpu.memory_space<hbm>>
    tpu.wait_indirect_dma semaphore(%arg13 : memref<!tpu.dma_semaphore, #tpu.memory_space<semaphore_mem>>) src(%dma_wait3A_2157 : memref<20000x128xf32, #tpu.memory_space<hbm>>) dst(%arg10 : memref<128x128xf32, #tpu.memory_space<vmem>>)
    %dma_start3A_2158 = arith.constant 1 : i32
    %dma_start3A_2159 = arith.constant 3072 : i32
    %dma_start3A_2160 = tpu.memref_slice %arg8[%dma_start3A_2158, %dma_start3A_2159] : memref<2x3328xi32, #tpu.memory_space<vmem>> -> memref<1x128xi32, #tpu.memory_space<vmem>>
    %dma_start3A_2161 = tpu.memref_squeeze %dma_start3A_2160 : memref<1x128xi32, #tpu.memory_space<vmem>> -> memref<128xi32, #tpu.memory_space<vmem>>
    %dma_start3A_2162 = arith.constant 0 : i32
    %dma_start3A_2163 = arith.constant 0 : i32
    %dma_start3A_2164 = tpu.memref_slice %arg12[%dma_start3A_2162, %dma_start3A_2163] : memref<10000x128xf32, #tpu.memory_space<vmem_shared>> -> memref<10000x128xf32, #tpu.memory_space<vmem_shared>>
    tpu.enqueue_indirect_dma source(%arg10 : memref<128x128xf32, #tpu.memory_space<vmem>>) target(%dma_start3A_2164 : memref<10000x128xf32, #tpu.memory_space<vmem_shared>>) offsets(%dma_start3A_2161 : memref<128xi32, #tpu.memory_space<vmem>>) semaphore(%arg15 : memref<!tpu.dma_semaphore, #tpu.memory_space<semaphore_mem>>) {add = true}
    %dma_wait3A_2165 = arith.constant 0 : i32
    %dma_wait3A_2166 = arith.constant 3200 : i32
    %dma_wait3A_2167 = tpu.memref_slice %arg8[%dma_wait3A_2165, %dma_wait3A_2166] : memref<2x3328xi32, #tpu.memory_space<vmem>> -> memref<1x128xi32, #tpu.memory_space<vmem>>
    %dma_wait3A_2168 = tpu.memref_squeeze %dma_wait3A_2167 : memref<1x128xi32, #tpu.memory_space<vmem>> -> memref<128xi32, #tpu.memory_space<vmem>>
    %dma_wait3A_2169 = arith.constant 0 : i32
    %dma_wait3A_2170 = arith.constant 0 : i32
    %dma_wait3A_2171 = tpu.memref_slice %arg2[%dma_wait3A_2169, %dma_wait3A_2170] : memref<20000x128xf32, #tpu.memory_space<hbm>> -> memref<20000x128xf32, #tpu.memory_space<hbm>>
    tpu.wait_indirect_dma semaphore(%arg14 : memref<!tpu.dma_semaphore, #tpu.memory_space<semaphore_mem>>) src(%dma_wait3A_2171 : memref<20000x128xf32, #tpu.memory_space<hbm>>) dst(%arg11 : memref<128x128xf32, #tpu.memory_space<vmem>>)
    %dma_start3A_2172 = arith.constant 1 : i32
    %dma_start3A_2173 = arith.constant 3200 : i32
    %dma_start3A_2174 = tpu.memref_slice %arg8[%dma_start3A_2172, %dma_start3A_2173] : memref<2x3328xi32, #tpu.memory_space<vmem>> -> memref<1x128xi32, #tpu.memory_space<vmem>>
    %dma_start3A_2175 = tpu.memref_squeeze %dma_start3A_2174 : memref<1x128xi32, #tpu.memory_space<vmem>> -> memref<128xi32, #tpu.memory_space<vmem>>
    %dma_start3A_2176 = arith.constant 0 : i32
    %dma_start3A_2177 = arith.constant 0 : i32
    %dma_start3A_2178 = tpu.memref_slice %arg12[%dma_start3A_2176, %dma_start3A_2177] : memref<10000x128xf32, #tpu.memory_space<vmem_shared>> -> memref<10000x128xf32, #tpu.memory_space<vmem_shared>>
    tpu.enqueue_indirect_dma source(%arg11 : memref<128x128xf32, #tpu.memory_space<vmem>>) target(%dma_start3A_2178 : memref<10000x128xf32, #tpu.memory_space<vmem_shared>>) offsets(%dma_start3A_2175 : memref<128xi32, #tpu.memory_space<vmem>>) semaphore(%arg16 : memref<!tpu.dma_semaphore, #tpu.memory_space<semaphore_mem>>) {add = true}
    %dma_wait3A_2179 = arith.constant 1 : i32
    %dma_wait3A_2180 = arith.constant 3072 : i32
    %dma_wait3A_2181 = tpu.memref_slice %arg8[%dma_wait3A_2179, %dma_wait3A_2180] : memref<2x3328xi32, #tpu.memory_space<vmem>> -> memref<1x128xi32, #tpu.memory_space<vmem>>
    %dma_wait3A_2182 = tpu.memref_squeeze %dma_wait3A_2181 : memref<1x128xi32, #tpu.memory_space<vmem>> -> memref<128xi32, #tpu.memory_space<vmem>>
    %dma_wait3A_2183 = arith.constant 0 : i32
    %dma_wait3A_2184 = arith.constant 0 : i32
    %dma_wait3A_2185 = tpu.memref_slice %arg12[%dma_wait3A_2183, %dma_wait3A_2184] : memref<10000x128xf32, #tpu.memory_space<vmem_shared>> -> memref<10000x128xf32, #tpu.memory_space<vmem_shared>>
    tpu.wait_indirect_dma semaphore(%arg15 : memref<!tpu.dma_semaphore, #tpu.memory_space<semaphore_mem>>) src(%arg10 : memref<128x128xf32, #tpu.memory_space<vmem>>) dst(%dma_wait3A_2185 : memref<10000x128xf32, #tpu.memory_space<vmem_shared>>)
    %dma_wait3A_2186 = arith.constant 1 : i32
    %dma_wait3A_2187 = arith.constant 3200 : i32
    %dma_wait3A_2188 = tpu.memref_slice %arg8[%dma_wait3A_2186, %dma_wait3A_2187] : memref<2x3328xi32, #tpu.memory_space<vmem>> -> memref<1x128xi32, #tpu.memory_space<vmem>>
    %dma_wait3A_2189 = tpu.memref_squeeze %dma_wait3A_2188 : memref<1x128xi32, #tpu.memory_space<vmem>> -> memref<128xi32, #tpu.memory_space<vmem>>
    %dma_wait3A_2190 = arith.constant 0 : i32
    %dma_wait3A_2191 = arith.constant 0 : i32
    %dma_wait3A_2192 = tpu.memref_slice %arg12[%dma_wait3A_2190, %dma_wait3A_2191] : memref<10000x128xf32, #tpu.memory_space<vmem_shared>> -> memref<10000x128xf32, #tpu.memory_space<vmem_shared>>
    tpu.wait_indirect_dma semaphore(%arg16 : memref<!tpu.dma_semaphore, #tpu.memory_space<semaphore_mem>>) src(%arg11 : memref<128x128xf32, #tpu.memory_space<vmem>>) dst(%dma_wait3A_2192 : memref<10000x128xf32, #tpu.memory_space<vmem_shared>>)
    %lt3A = arith.constant 2 : i32
    %lt3A_2193 = arith.cmpi slt, %arg1, %lt3A : i32
    %convert_element_type3A_2194 = arith.extui %lt3A_2193 : i1 to i32
    %cond3A_2195 = arith.constant 0 : i32
    %cond3A_2196 = arith.cmpi ne, %convert_element_type3A_2194, %cond3A_2195 : i32
    scf.if %cond3A_2196 {
      %mul3A_2264 = arith.constant 160000 : i32
      %mul3A_2265 = arith.muli %arg0, %mul3A_2264 : i32
      %add3A_2266 = arith.constant 1248 : i32
      %add3A_2267 = arith.addi %add3A_2266, %arg1 : i32
      %mul3A_2268 = arith.constant 128 : i32
      %mul3A_2269 = arith.muli %add3A_2267, %mul3A_2268 : i32
      %add3A_2270 = arith.addi %mul3A_2265, %mul3A_2269 : i32
      "tpu.region"() ({
        %run_scoped3A_2286 = tpu.sem_alloc : memref<!tpu.dma_semaphore, #tpu.memory_space<semaphore_mem>>
        %dma_start3A_2287 = arith.constant 0 : i32
        %dma_start3A_2288 = arith.constant 0 : i32
        %dma_start3A_2289 = tpu.memref_slice %arg8[%dma_start3A_2287, %dma_start3A_2288] : memref<2x3328xi32, #tpu.memory_space<vmem>> -> memref<2x128xi32, #tpu.memory_space<vmem>>
        %dma_start3A_2290 = arith.constant 0 : i32
        %dma_start3A_2291 = tpu.memref_slice %arg3[%dma_start3A_2290, %add3A_2270] : memref<2x320000xi32, #tpu.memory_space<hbm>> -> memref<2x128xi32, #tpu.memory_space<hbm>>
        %dma_start3A_2292 = arith.constant 0 : i32
        %dma_start3A_2293 = arith.constant 0 : i32
        %dma_start3A_2294 = tpu.memref_slice %arg8[%dma_start3A_2292, %dma_start3A_2293] : memref<2x3328xi32, #tpu.memory_space<vmem>> -> memref<2x128xi32, #tpu.memory_space<vmem>>
        %dma_start3A_2295 = arith.constant 0 : i32
        %dma_start3A_2296 = tpu.memref_slice %arg3[%dma_start3A_2295, %add3A_2270] : memref<2x320000xi32, #tpu.memory_space<hbm>> -> memref<2x128xi32, #tpu.memory_space<hbm>>
        tpu.enqueue_dma source(%dma_start3A_2296 : memref<2x128xi32, #tpu.memory_space<hbm>>) target(%dma_start3A_2294 : memref<2x128xi32, #tpu.memory_space<vmem>>) target_semaphore(%run_scoped3A_2286 : memref<!tpu.dma_semaphore, #tpu.memory_space<semaphore_mem>>)
        %dma_wait3A_2297 = arith.constant 0 : i32
        %dma_wait3A_2298 = arith.constant 0 : i32
        %dma_wait3A_2299 = tpu.memref_slice %arg8[%dma_wait3A_2297, %dma_wait3A_2298] : memref<2x3328xi32, #tpu.memory_space<vmem>> -> memref<2x128xi32, #tpu.memory_space<vmem>>
        %dma_wait3A_2300 = arith.constant 0 : i32
        %dma_wait3A_2301 = tpu.memref_slice %arg3[%dma_wait3A_2300, %add3A_2270] : memref<2x320000xi32, #tpu.memory_space<hbm>> -> memref<2x128xi32, #tpu.memory_space<hbm>>
        %dma_wait3A_2302 = arith.constant 0 : i32
        %dma_wait3A_2303 = arith.constant 0 : i32
        %dma_wait3A_2304 = tpu.memref_slice %arg8[%dma_wait3A_2302, %dma_wait3A_2303] : memref<2x3328xi32, #tpu.memory_space<vmem>> -> memref<2x128xi32, #tpu.memory_space<vmem>>
        %dma_wait3A_2305 = arith.constant 0 : i32
        %dma_wait3A_2306 = tpu.memref_slice %arg3[%dma_wait3A_2305, %add3A_2270] : memref<2x320000xi32, #tpu.memory_space<hbm>> -> memref<2x128xi32, #tpu.memory_space<hbm>>
        tpu.wait_dma2 semaphore(%run_scoped3A_2286 : memref<!tpu.dma_semaphore, #tpu.memory_space<semaphore_mem>>) src(%dma_wait3A_2306 : memref<2x128xi32, #tpu.memory_space<hbm>>) dst(%dma_wait3A_2304 : memref<2x128xi32, #tpu.memory_space<vmem>>)
        tpu.yield
      }) : () -> ()
      %dma_start3A_2271 = arith.constant 0 : i32
      %dma_start3A_2272 = arith.constant 0 : i32
      %dma_start3A_2273 = tpu.memref_slice %arg8[%dma_start3A_2271, %dma_start3A_2272] : memref<2x3328xi32, #tpu.memory_space<vmem>> -> memref<1x128xi32, #tpu.memory_space<vmem>>
      %dma_start3A_2274 = tpu.memref_squeeze %dma_start3A_2273 : memref<1x128xi32, #tpu.memory_space<vmem>> -> memref<128xi32, #tpu.memory_space<vmem>>
      %dma_start3A_2275 = arith.constant 0 : i32
      %dma_start3A_2276 = arith.constant 0 : i32
      %dma_start3A_2277 = tpu.memref_slice %arg2[%dma_start3A_2275, %dma_start3A_2276] : memref<20000x128xf32, #tpu.memory_space<hbm>> -> memref<20000x128xf32, #tpu.memory_space<hbm>>
      tpu.enqueue_indirect_dma source(%dma_start3A_2277 : memref<20000x128xf32, #tpu.memory_space<hbm>>) target(%arg10 : memref<128x128xf32, #tpu.memory_space<vmem>>) offsets(%dma_start3A_2274 : memref<128xi32, #tpu.memory_space<vmem>>) semaphore(%arg13 : memref<!tpu.dma_semaphore, #tpu.memory_space<semaphore_mem>>)
      %dma_wait3A_2278 = arith.constant 0 : i32
      %dma_wait3A_2279 = arith.constant 0 : i32
      %dma_wait3A_2280 = tpu.memref_slice %arg8[%dma_wait3A_2278, %dma_wait3A_2279] : memref<2x3328xi32, #tpu.memory_space<vmem>> -> memref<1x128xi32, #tpu.memory_space<vmem>>
      %dma_wait3A_2281 = tpu.memref_squeeze %dma_wait3A_2280 : memref<1x128xi32, #tpu.memory_space<vmem>> -> memref<128xi32, #tpu.memory_space<vmem>>
      %dma_wait3A_2282 = arith.constant 0 : i32
      %dma_wait3A_2283 = arith.constant 0 : i32
      %dma_wait3A_2284 = tpu.memref_slice %arg2[%dma_wait3A_2282, %dma_wait3A_2283] : memref<20000x128xf32, #tpu.memory_space<hbm>> -> memref<20000x128xf32, #tpu.memory_space<hbm>>
      tpu.wait_indirect_dma semaphore(%arg13 : memref<!tpu.dma_semaphore, #tpu.memory_space<semaphore_mem>>) src(%dma_wait3A_2284 : memref<20000x128xf32, #tpu.memory_space<hbm>>) dst(%arg10 : memref<128x128xf32, #tpu.memory_space<vmem>>)
      %run_scoped3A_2285 = arith.constant 1 : i32
      "tpu.region"() ({
        %run_scoped3A_2286 = tpu.sem_alloc : memref<!tpu.dma_semaphore, #tpu.memory_space<semaphore_mem>>
        %dma_start3A_2287 = arith.constant 0 : i32
        %dma_start3A_2288 = tpu.memref_slice %arg8[%run_scoped3A_2285, %dma_start3A_2287] : memref<2x3328xi32, #tpu.memory_space<vmem>> -> memref<1x128xi32, #tpu.memory_space<vmem>>
        %dma_start3A_2289 = tpu.memref_squeeze %dma_start3A_2288 : memref<1x128xi32, #tpu.memory_space<vmem>> -> memref<128xi32, #tpu.memory_space<vmem>>
        %dma_start3A_2290 = arith.constant 0 : i32
        %dma_start3A_2291 = arith.constant 0 : i32
        %dma_start3A_2292 = tpu.memref_slice %arg12[%dma_start3A_2290, %dma_start3A_2291] : memref<10000x128xf32, #tpu.memory_space<vmem_shared>> -> memref<10000x128xf32, #tpu.memory_space<vmem_shared>>
        tpu.enqueue_indirect_dma source(%arg10 : memref<128x128xf32, #tpu.memory_space<vmem>>) target(%dma_start3A_2292 : memref<10000x128xf32, #tpu.memory_space<vmem_shared>>) offsets(%dma_start3A_2289 : memref<128xi32, #tpu.memory_space<vmem>>) semaphore(%run_scoped3A_2286 : memref<!tpu.dma_semaphore, #tpu.memory_space<semaphore_mem>>) {add = true}
        %dma_wait3A_2293 = arith.constant 0 : i32
        %dma_wait3A_2294 = tpu.memref_slice %arg8[%run_scoped3A_2285, %dma_wait3A_2293] : memref<2x3328xi32, #tpu.memory_space<vmem>> -> memref<1x128xi32, #tpu.memory_space<vmem>>
        %dma_wait3A_2295 = tpu.memref_squeeze %dma_wait3A_2294 : memref<1x128xi32, #tpu.memory_space<vmem>> -> memref<128xi32, #tpu.memory_space<vmem>>
        %dma_wait3A_2296 = arith.constant 0 : i32
        %dma_wait3A_2297 = arith.constant 0 : i32
        %dma_wait3A_2298 = tpu.memref_slice %arg12[%dma_wait3A_2296, %dma_wait3A_2297] : memref<10000x128xf32, #tpu.memory_space<vmem_shared>> -> memref<10000x128xf32, #tpu.memory_space<vmem_shared>>
        tpu.wait_indirect_dma semaphore(%run_scoped3A_2286 : memref<!tpu.dma_semaphore, #tpu.memory_space<semaphore_mem>>) src(%arg10 : memref<128x128xf32, #tpu.memory_space<vmem>>) dst(%dma_wait3A_2298 : memref<10000x128xf32, #tpu.memory_space<vmem_shared>>)
        tpu.yield
      }) : () -> ()
    } else {
    }
    %barrier3A_2197 = arith.constant 0 : index
    tpu.barrier barrier_id(%barrier3A_2197)
    %mul3A_2198 = arith.constant 624 : i32
    %mul3A_2199 = arith.muli %arg1, %mul3A_2198 : i32
    %mul3A_2200 = arith.constant 10000 : i32
    %mul3A_2201 = arith.muli %arg0, %mul3A_2200 : i32
    %add3A_2202 = arith.addi %mul3A_2201, %mul3A_2199 : i32
    "tpu.region"() ({
      %run_scoped3A_2264 = tpu.sem_alloc : memref<!tpu.dma_semaphore, #tpu.memory_space<semaphore_mem>>
      %dma_start3A_2265 = arith.constant 0 : i32
      %dma_start3A_2266 = tpu.memref_slice %arg6[%add3A_2202, %dma_start3A_2265] : memref<20000x128xf32, #tpu.memory_space<hbm>> -> memref<624x128xf32, #tpu.memory_space<hbm>>
      %dma_start3A_2267 = arith.constant 0 : i32
      %dma_start3A_2268 = tpu.memref_slice %arg12[%mul3A_2199, %dma_start3A_2267] : memref<10000x128xf32, #tpu.memory_space<vmem_shared>> -> memref<624x128xf32, #tpu.memory_space<vmem_shared>>
      tpu.enqueue_dma source(%dma_start3A_2268 : memref<624x128xf32, #tpu.memory_space<vmem_shared>>) target(%dma_start3A_2266 : memref<624x128xf32, #tpu.memory_space<hbm>>) target_semaphore(%run_scoped3A_2264 : memref<!tpu.dma_semaphore, #tpu.memory_space<semaphore_mem>>)
      %dma_wait3A_2269 = arith.constant 0 : i32
      %dma_wait3A_2270 = tpu.memref_slice %arg6[%add3A_2202, %dma_wait3A_2269] : memref<20000x128xf32, #tpu.memory_space<hbm>> -> memref<624x128xf32, #tpu.memory_space<hbm>>
      %dma_wait3A_2271 = arith.constant 0 : i32
      %dma_wait3A_2272 = tpu.memref_slice %arg12[%mul3A_2199, %dma_wait3A_2271] : memref<10000x128xf32, #tpu.memory_space<vmem_shared>> -> memref<624x128xf32, #tpu.memory_space<vmem_shared>>
      tpu.wait_dma2 semaphore(%run_scoped3A_2264 : memref<!tpu.dma_semaphore, #tpu.memory_space<semaphore_mem>>) src(%dma_wait3A_2272 : memref<624x128xf32, #tpu.memory_space<vmem_shared>>) dst(%dma_wait3A_2270 : memref<624x128xf32, #tpu.memory_space<hbm>>)
      tpu.yield
    }) : () -> ()
    %eq3A_2203 = arith.constant 0 : i32
    %eq3A_2204 = arith.cmpi eq, %arg1, %eq3A_2203 : i32
    %convert_element_type3A_2205 = arith.extui %eq3A_2204 : i1 to i32
    %cond3A_2206 = arith.constant 0 : i32
    %cond3A_2207 = arith.cmpi ne, %convert_element_type3A_2205, %cond3A_2206 : i32
    scf.if %cond3A_2207 {
      %mul3A_2264 = arith.constant 10000 : i32
      %mul3A_2265 = arith.muli %arg0, %mul3A_2264 : i32
      %add3A_2266 = arith.constant 9984 : i32
      %add3A_2267 = arith.addi %mul3A_2265, %add3A_2266 : i32
      "tpu.region"() ({
        %run_scoped3A_2268 = tpu.sem_alloc : memref<!tpu.dma_semaphore, #tpu.memory_space<semaphore_mem>>
        %dma_start3A_2269 = arith.constant 0 : i32
        %dma_start3A_2270 = tpu.memref_slice %arg6[%add3A_2267, %dma_start3A_2269] : memref<20000x128xf32, #tpu.memory_space<hbm>> -> memref<16x128xf32, #tpu.memory_space<hbm>>
        %dma_start3A_2271 = arith.constant 9984 : i32
        %dma_start3A_2272 = arith.constant 0 : i32
        %dma_start3A_2273 = tpu.memref_slice %arg12[%dma_start3A_2271, %dma_start3A_2272] : memref<10000x128xf32, #tpu.memory_space<vmem_shared>> -> memref<16x128xf32, #tpu.memory_space<vmem_shared>>
        tpu.enqueue_dma source(%dma_start3A_2273 : memref<16x128xf32, #tpu.memory_space<vmem_shared>>) target(%dma_start3A_2270 : memref<16x128xf32, #tpu.memory_space<hbm>>) target_semaphore(%run_scoped3A_2268 : memref<!tpu.dma_semaphore, #tpu.memory_space<semaphore_mem>>)
        %dma_wait3A_2274 = arith.constant 0 : i32
        %dma_wait3A_2275 = tpu.memref_slice %arg6[%add3A_2267, %dma_wait3A_2274] : memref<20000x128xf32, #tpu.memory_space<hbm>> -> memref<16x128xf32, #tpu.memory_space<hbm>>
        %dma_wait3A_2276 = arith.constant 9984 : i32
        %dma_wait3A_2277 = arith.constant 0 : i32
        %dma_wait3A_2278 = tpu.memref_slice %arg12[%dma_wait3A_2276, %dma_wait3A_2277] : memref<10000x128xf32, #tpu.memory_space<vmem_shared>> -> memref<16x128xf32, #tpu.memory_space<vmem_shared>>
        tpu.wait_dma2 semaphore(%run_scoped3A_2268 : memref<!tpu.dma_semaphore, #tpu.memory_space<semaphore_mem>>) src(%dma_wait3A_2278 : memref<16x128xf32, #tpu.memory_space<vmem_shared>>) dst(%dma_wait3A_2275 : memref<16x128xf32, #tpu.memory_space<hbm>>)
        tpu.yield
      }) : () -> ()
    } else {
    }
    %barrier3A_2208 = arith.constant 0 : index
    tpu.barrier barrier_id(%barrier3A_2208)
    %mul3A_2209 = arith.constant 624 : i32
    %mul3A_2210 = arith.muli %arg1, %mul3A_2209 : i32
    "tpu.region"() ({
      %run_scoped3A_2264 = tpu.sem_alloc : memref<!tpu.dma_semaphore, #tpu.memory_space<semaphore_mem>>
      %dma_start3A_2265 = arith.constant 0 : i32
      %dma_start3A_2266 = tpu.memref_slice %arg12[%mul3A_2210, %dma_start3A_2265] : memref<10000x128xf32, #tpu.memory_space<vmem_shared>> -> memref<624x128xf32, #tpu.memory_space<vmem_shared>>
      tpu.enqueue_dma source(%arg4 : memref<624x128xf32, #tpu.memory_space<hbm>>) target(%dma_start3A_2266 : memref<624x128xf32, #tpu.memory_space<vmem_shared>>) target_semaphore(%run_scoped3A_2264 : memref<!tpu.dma_semaphore, #tpu.memory_space<semaphore_mem>>)
      %dma_wait3A_2267 = arith.constant 0 : i32
      %dma_wait3A_2268 = tpu.memref_slice %arg12[%mul3A_2210, %dma_wait3A_2267] : memref<10000x128xf32, #tpu.memory_space<vmem_shared>> -> memref<624x128xf32, #tpu.memory_space<vmem_shared>>
      tpu.wait_dma2 semaphore(%run_scoped3A_2264 : memref<!tpu.dma_semaphore, #tpu.memory_space<semaphore_mem>>) src(%arg4 : memref<624x128xf32, #tpu.memory_space<hbm>>) dst(%dma_wait3A_2268 : memref<624x128xf32, #tpu.memory_space<vmem_shared>>)
      tpu.yield
    }) : () -> ()
    %eq3A_2211 = arith.constant 0 : i32
    %eq3A_2212 = arith.cmpi eq, %arg1, %eq3A_2211 : i32
    %convert_element_type3A_2213 = arith.extui %eq3A_2212 : i1 to i32
    %cond3A_2214 = arith.constant 0 : i32
    %cond3A_2215 = arith.cmpi ne, %convert_element_type3A_2213, %cond3A_2214 : i32
    scf.if %cond3A_2215 {
      "tpu.region"() ({
        %run_scoped3A_2264 = tpu.sem_alloc : memref<!tpu.dma_semaphore, #tpu.memory_space<semaphore_mem>>
        %dma_start3A_2265 = arith.constant 9984 : i32
        %dma_start3A_2266 = arith.constant 0 : i32
        %dma_start3A_2267 = tpu.memref_slice %arg12[%dma_start3A_2265, %dma_start3A_2266] : memref<10000x128xf32, #tpu.memory_space<vmem_shared>> -> memref<16x128xf32, #tpu.memory_space<vmem_shared>>
        %dma_start3A_2268 = arith.constant 0 : i32
        %dma_start3A_2269 = arith.constant 0 : i32
        %dma_start3A_2270 = tpu.memref_slice %arg4[%dma_start3A_2268, %dma_start3A_2269] : memref<624x128xf32, #tpu.memory_space<hbm>> -> memref<16x128xf32, #tpu.memory_space<hbm>>
        tpu.enqueue_dma source(%dma_start3A_2270 : memref<16x128xf32, #tpu.memory_space<hbm>>) target(%dma_start3A_2267 : memref<16x128xf32, #tpu.memory_space<vmem_shared>>) target_semaphore(%run_scoped3A_2264 : memref<!tpu.dma_semaphore, #tpu.memory_space<semaphore_mem>>)
        %dma_wait3A_2271 = arith.constant 9984 : i32
        %dma_wait3A_2272 = arith.constant 0 : i32
        %dma_wait3A_2273 = tpu.memref_slice %arg12[%dma_wait3A_2271, %dma_wait3A_2272] : memref<10000x128xf32, #tpu.memory_space<vmem_shared>> -> memref<16x128xf32, #tpu.memory_space<vmem_shared>>
        %dma_wait3A_2274 = arith.constant 0 : i32
        %dma_wait3A_2275 = arith.constant 0 : i32
        %dma_wait3A_2276 = tpu.memref_slice %arg4[%dma_wait3A_2274, %dma_wait3A_2275] : memref<624x128xf32, #tpu.memory_space<hbm>> -> memref<16x128xf32, #tpu.memory_space<hbm>>
        tpu.wait_dma2 semaphore(%run_scoped3A_2264 : memref<!tpu.dma_semaphore, #tpu.memory_space<semaphore_mem>>) src(%dma_wait3A_2276 : memref<16x128xf32, #tpu.memory_space<hbm>>) dst(%dma_wait3A_2273 : memref<16x128xf32, #tpu.memory_space<vmem_shared>>)
        tpu.yield
      }) : () -> ()
    } else {
    }
    "tpu.region"() ({
      %run_scoped3A_2264 = tpu.sem_alloc : memref<!tpu.dma_semaphore, #tpu.memory_space<semaphore_mem>>
      tpu.enqueue_dma source(%arg5 : memref<128x128xf32, #tpu.memory_space<hbm>>) target(%arg10 : memref<128x128xf32, #tpu.memory_space<vmem>>) target_semaphore(%run_scoped3A_2264 : memref<!tpu.dma_semaphore, #tpu.memory_space<semaphore_mem>>)
      tpu.wait_dma2 semaphore(%run_scoped3A_2264 : memref<!tpu.dma_semaphore, #tpu.memory_space<semaphore_mem>>) src(%arg5 : memref<128x128xf32, #tpu.memory_space<hbm>>) dst(%arg10 : memref<128x128xf32, #tpu.memory_space<vmem>>)
      tpu.yield
    }) : () -> ()
    %barrier3A_2216 = arith.constant 0 : index
    tpu.barrier barrier_id(%barrier3A_2216)
    %mul3A_2217 = arith.constant 625 : i32
    %mul3A_2218 = arith.muli %arg0, %mul3A_2217 : i32
    %mul3A_2219 = arith.constant 39 : i32
    %mul3A_2220 = arith.muli %arg1, %mul3A_2219 : i32
    %add3A_2221 = arith.addi %mul3A_2218, %mul3A_2220 : i32
    %mul3A_2222 = arith.constant 128 : i32
    %mul3A_2223 = arith.muli %add3A_2221, %mul3A_2222 : i32
    %run_scoped3A = arith.constant 1 : i32
    %run_scoped3A_2224 = arith.constant 0 : i32
    "tpu.region"() ({
      %run_scoped3A_2264 = tpu.sem_alloc : memref<!tpu.dma_semaphore, #tpu.memory_space<semaphore_mem>>
      %dma_start3A_2265 = arith.constant 0 : i32
      %dma_start3A_2266 = tpu.memref_slice %arg8[%run_scoped3A_2224, %dma_start3A_2265] : memref<2x3328xi32, #tpu.memory_space<vmem>> -> memref<1x3328xi32, #tpu.memory_space<vmem>>
      %dma_start3A_2267 = tpu.memref_squeeze %dma_start3A_2266 : memref<1x3328xi32, #tpu.memory_space<vmem>> -> memref<3328xi32, #tpu.memory_space<vmem>>
      %dma_start3A_2268 = tpu.memref_slice %arg3[%run_scoped3A, %mul3A_2223] : memref<2x320000xi32, #tpu.memory_space<hbm>> -> memref<1x3328xi32, #tpu.memory_space<hbm>>
      %dma_start3A_2269 = tpu.memref_squeeze %dma_start3A_2268 : memref<1x3328xi32, #tpu.memory_space<hbm>> -> memref<3328xi32, #tpu.memory_space<hbm>>
      %dma_start3A_2270 = arith.constant 0 : i32
      %dma_start3A_2271 = tpu.memref_slice %arg8[%run_scoped3A_2224, %dma_start3A_2270] : memref<2x3328xi32, #tpu.memory_space<vmem>> -> memref<1x3328xi32, #tpu.memory_space<vmem>>
      %dma_start3A_2272 = tpu.memref_squeeze %dma_start3A_2271 : memref<1x3328xi32, #tpu.memory_space<vmem>> -> memref<3328xi32, #tpu.memory_space<vmem>>
      %dma_start3A_2273 = tpu.memref_slice %arg3[%run_scoped3A, %mul3A_2223] : memref<2x320000xi32, #tpu.memory_space<hbm>> -> memref<1x3328xi32, #tpu.memory_space<hbm>>
      %dma_start3A_2274 = tpu.memref_squeeze %dma_start3A_2273 : memref<1x3328xi32, #tpu.memory_space<hbm>> -> memref<3328xi32, #tpu.memory_space<hbm>>
      tpu.enqueue_dma source(%dma_start3A_2274 : memref<3328xi32, #tpu.memory_space<hbm>>) target(%dma_start3A_2272 : memref<3328xi32, #tpu.memory_space<vmem>>) target_semaphore(%run_scoped3A_2264 : memref<!tpu.dma_semaphore, #tpu.memory_space<semaphore_mem>>)
      %dma_wait3A_2275 = arith.constant 0 : i32
      %dma_wait3A_2276 = tpu.memref_slice %arg8[%run_scoped3A_2224, %dma_wait3A_2275] : memref<2x3328xi32, #tpu.memory_space<vmem>> -> memref<1x3328xi32, #tpu.memory_space<vmem>>
      %dma_wait3A_2277 = tpu.memref_squeeze %dma_wait3A_2276 : memref<1x3328xi32, #tpu.memory_space<vmem>> -> memref<3328xi32, #tpu.memory_space<vmem>>
      %dma_wait3A_2278 = tpu.memref_slice %arg3[%run_scoped3A, %mul3A_2223] : memref<2x320000xi32, #tpu.memory_space<hbm>> -> memref<1x3328xi32, #tpu.memory_space<hbm>>
      %dma_wait3A_2279 = tpu.memref_squeeze %dma_wait3A_2278 : memref<1x3328xi32, #tpu.memory_space<hbm>> -> memref<3328xi32, #tpu.memory_space<hbm>>
      %dma_wait3A_2280 = arith.constant 0 : i32
      %dma_wait3A_2281 = tpu.memref_slice %arg8[%run_scoped3A_2224, %dma_wait3A_2280] : memref<2x3328xi32, #tpu.memory_space<vmem>> -> memref<1x3328xi32, #tpu.memory_space<vmem>>
      %dma_wait3A_2282 = tpu.memref_squeeze %dma_wait3A_2281 : memref<1x3328xi32, #tpu.memory_space<vmem>> -> memref<3328xi32, #tpu.memory_space<vmem>>
      %dma_wait3A_2283 = tpu.memref_slice %arg3[%run_scoped3A, %mul3A_2223] : memref<2x320000xi32, #tpu.memory_space<hbm>> -> memref<1x3328xi32, #tpu.memory_space<hbm>>
      %dma_wait3A_2284 = tpu.memref_squeeze %dma_wait3A_2283 : memref<1x3328xi32, #tpu.memory_space<hbm>> -> memref<3328xi32, #tpu.memory_space<hbm>>
      tpu.wait_dma2 semaphore(%run_scoped3A_2264 : memref<!tpu.dma_semaphore, #tpu.memory_space<semaphore_mem>>) src(%dma_wait3A_2284 : memref<3328xi32, #tpu.memory_space<hbm>>) dst(%dma_wait3A_2282 : memref<3328xi32, #tpu.memory_space<vmem>>)
      tpu.yield
    }) : () -> ()
    %add3A_2225 = arith.constant 3328 : i32
    %add3A_2226 = arith.addi %mul3A_2223, %add3A_2225 : i32
    %run_scoped3A_2227 = arith.constant 1 : i32
    %run_scoped3A_2228 = arith.constant 1 : i32
    "tpu.region"() ({
      %run_scoped3A_2264 = tpu.sem_alloc : memref<!tpu.dma_semaphore, #tpu.memory_space<semaphore_mem>>
      %dma_start3A_2265 = arith.constant 0 : i32
      %dma_start3A_2266 = tpu.memref_slice %arg8[%run_scoped3A_2228, %dma_start3A_2265] : memref<2x3328xi32, #tpu.memory_space<vmem>> -> memref<1x1664xi32, #tpu.memory_space<vmem>>
      %dma_start3A_2267 = tpu.memref_squeeze %dma_start3A_2266 : memref<1x1664xi32, #tpu.memory_space<vmem>> -> memref<1664xi32, #tpu.memory_space<vmem>>
      %dma_start3A_2268 = tpu.memref_slice %arg3[%run_scoped3A_2227, %add3A_2226] : memref<2x320000xi32, #tpu.memory_space<hbm>> -> memref<1x1664xi32, #tpu.memory_space<hbm>>
      %dma_start3A_2269 = tpu.memref_squeeze %dma_start3A_2268 : memref<1x1664xi32, #tpu.memory_space<hbm>> -> memref<1664xi32, #tpu.memory_space<hbm>>
      %dma_start3A_2270 = arith.constant 0 : i32
      %dma_start3A_2271 = tpu.memref_slice %arg8[%run_scoped3A_2228, %dma_start3A_2270] : memref<2x3328xi32, #tpu.memory_space<vmem>> -> memref<1x1664xi32, #tpu.memory_space<vmem>>
      %dma_start3A_2272 = tpu.memref_squeeze %dma_start3A_2271 : memref<1x1664xi32, #tpu.memory_space<vmem>> -> memref<1664xi32, #tpu.memory_space<vmem>>
      %dma_start3A_2273 = tpu.memref_slice %arg3[%run_scoped3A_2227, %add3A_2226] : memref<2x320000xi32, #tpu.memory_space<hbm>> -> memref<1x1664xi32, #tpu.memory_space<hbm>>
      %dma_start3A_2274 = tpu.memref_squeeze %dma_start3A_2273 : memref<1x1664xi32, #tpu.memory_space<hbm>> -> memref<1664xi32, #tpu.memory_space<hbm>>
      tpu.enqueue_dma source(%dma_start3A_2274 : memref<1664xi32, #tpu.memory_space<hbm>>) target(%dma_start3A_2272 : memref<1664xi32, #tpu.memory_space<vmem>>) target_semaphore(%run_scoped3A_2264 : memref<!tpu.dma_semaphore, #tpu.memory_space<semaphore_mem>>)
      %dma_wait3A_2275 = arith.constant 0 : i32
      %dma_wait3A_2276 = tpu.memref_slice %arg8[%run_scoped3A_2228, %dma_wait3A_2275] : memref<2x3328xi32, #tpu.memory_space<vmem>> -> memref<1x1664xi32, #tpu.memory_space<vmem>>
      %dma_wait3A_2277 = tpu.memref_squeeze %dma_wait3A_2276 : memref<1x1664xi32, #tpu.memory_space<vmem>> -> memref<1664xi32, #tpu.memory_space<vmem>>
      %dma_wait3A_2278 = tpu.memref_slice %arg3[%run_scoped3A_2227, %add3A_2226] : memref<2x320000xi32, #tpu.memory_space<hbm>> -> memref<1x1664xi32, #tpu.memory_space<hbm>>
      %dma_wait3A_2279 = tpu.memref_squeeze %dma_wait3A_2278 : memref<1x1664xi32, #tpu.memory_space<hbm>> -> memref<1664xi32, #tpu.memory_space<hbm>>
      %dma_wait3A_2280 = arith.constant 0 : i32
      %dma_wait3A_2281 = tpu.memref_slice %arg8[%run_scoped3A_2228, %dma_wait3A_2280] : memref<2x3328xi32, #tpu.memory_space<vmem>> -> memref<1x1664xi32, #tpu.memory_space<vmem>>
      %dma_wait3A_2282 = tpu.memref_squeeze %dma_wait3A_2281 : memref<1x1664xi32, #tpu.memory_space<vmem>> -> memref<1664xi32, #tpu.memory_space<vmem>>
      %dma_wait3A_2283 = tpu.memref_slice %arg3[%run_scoped3A_2227, %add3A_2226] : memref<2x320000xi32, #tpu.memory_space<hbm>> -> memref<1x1664xi32, #tpu.memory_space<hbm>>
      %dma_wait3A_2284 = tpu.memref_squeeze %dma_wait3A_2283 : memref<1x1664xi32, #tpu.memory_space<hbm>> -> memref<1664xi32, #tpu.memory_space<hbm>>
      tpu.wait_dma2 semaphore(%run_scoped3A_2264 : memref<!tpu.dma_semaphore, #tpu.memory_space<semaphore_mem>>) src(%dma_wait3A_2284 : memref<1664xi32, #tpu.memory_space<hbm>>) dst(%dma_wait3A_2282 : memref<1664xi32, #tpu.memory_space<vmem>>)
      tpu.yield
    }) : () -> ()
    %scan3A = arith.constant 0 : i32
    %scan3A_2229 = arith.constant 26 : i32
    %scan3A_2230 = arith.addi %scan3A, %scan3A_2229 : i32
    %scan3A_2231 = arith.constant 1 : i32
    scf.for %scan3A_2264 = %scan3A to %scan3A_2230 step %scan3A_2231  : i32 {
      %mul3A_2265 = arith.constant 1 : i32
      %mul3A_2266 = arith.muli %scan3A_2264, %mul3A_2265 : i32
      %add3A_2267 = arith.constant 0 : i32
      %add3A_2268 = arith.addi %add3A_2267, %mul3A_2266 : i32
      %mul3A_2269 = arith.constant 128 : i32
      %mul3A_2270 = arith.muli %add3A_2268, %mul3A_2269 : i32
      %dma_start3A_2271 = arith.constant 0 : i32
      %dma_start3A_2272 = tpu.memref_slice %arg8[%dma_start3A_2271, %mul3A_2270] : memref<2x3328xi32, #tpu.memory_space<vmem>> -> memref<1x128xi32, #tpu.memory_space<vmem>>
      %dma_start3A_2273 = tpu.memref_squeeze %dma_start3A_2272 : memref<1x128xi32, #tpu.memory_space<vmem>> -> memref<128xi32, #tpu.memory_space<vmem>>
      %dma_start3A_2274 = arith.constant 0 : i32
      %dma_start3A_2275 = arith.constant 0 : i32
      %dma_start3A_2276 = tpu.memref_slice %arg12[%dma_start3A_2274, %dma_start3A_2275] : memref<10000x128xf32, #tpu.memory_space<vmem_shared>> -> memref<10000x128xf32, #tpu.memory_space<vmem_shared>>
      tpu.enqueue_indirect_dma source(%arg10 : memref<128x128xf32, #tpu.memory_space<vmem>>) target(%dma_start3A_2276 : memref<10000x128xf32, #tpu.memory_space<vmem_shared>>) offsets(%dma_start3A_2273 : memref<128xi32, #tpu.memory_space<vmem>>) semaphore(%arg15 : memref<!tpu.dma_semaphore, #tpu.memory_space<semaphore_mem>>) {add = true}
    }
    %scan3A_2232 = arith.constant 26 : i32
    %scan3A_2233 = arith.constant 0 : i32
    %scan3A_2234 = arith.constant 13 : i32
    %scan3A_2235 = arith.addi %scan3A_2233, %scan3A_2234 : i32
    %scan3A_2236 = arith.constant 1 : i32
    scf.for %scan3A_2264 = %scan3A_2233 to %scan3A_2235 step %scan3A_2236  : i32 {
      %mul3A_2265 = arith.constant 1 : i32
      %mul3A_2266 = arith.muli %scan3A_2264, %mul3A_2265 : i32
      %add3A_2267 = arith.constant 0 : i32
      %add3A_2268 = arith.addi %add3A_2267, %mul3A_2266 : i32
      %mul3A_2269 = arith.constant 128 : i32
      %mul3A_2270 = arith.muli %add3A_2268, %mul3A_2269 : i32
      %dma_start3A_2271 = arith.constant 1 : i32
      %dma_start3A_2272 = tpu.memref_slice %arg8[%dma_start3A_2271, %mul3A_2270] : memref<2x3328xi32, #tpu.memory_space<vmem>> -> memref<1x128xi32, #tpu.memory_space<vmem>>
      %dma_start3A_2273 = tpu.memref_squeeze %dma_start3A_2272 : memref<1x128xi32, #tpu.memory_space<vmem>> -> memref<128xi32, #tpu.memory_space<vmem>>
      %dma_start3A_2274 = arith.constant 0 : i32
      %dma_start3A_2275 = arith.constant 0 : i32
      %dma_start3A_2276 = tpu.memref_slice %arg12[%dma_start3A_2274, %dma_start3A_2275] : memref<10000x128xf32, #tpu.memory_space<vmem_shared>> -> memref<10000x128xf32, #tpu.memory_space<vmem_shared>>
      tpu.enqueue_indirect_dma source(%arg10 : memref<128x128xf32, #tpu.memory_space<vmem>>) target(%dma_start3A_2276 : memref<10000x128xf32, #tpu.memory_space<vmem_shared>>) offsets(%dma_start3A_2273 : memref<128xi32, #tpu.memory_space<vmem>>) semaphore(%arg15 : memref<!tpu.dma_semaphore, #tpu.memory_space<semaphore_mem>>) {add = true}
    }
    %scan3A_2237 = arith.constant 13 : i32
    %lt3A_2238 = arith.constant 1 : i32
    %lt3A_2239 = arith.cmpi slt, %arg1, %lt3A_2238 : i32
    %convert_element_type3A_2240 = arith.extui %lt3A_2239 : i1 to i32
    %cond3A_2241 = arith.constant 0 : i32
    %cond3A_2242 = arith.cmpi ne, %convert_element_type3A_2240, %cond3A_2241 : i32
    scf.if %cond3A_2242 {
      %mul3A_2264 = arith.constant 625 : i32
      %mul3A_2265 = arith.muli %arg0, %mul3A_2264 : i32
      %add3A_2266 = arith.constant 624 : i32
      %add3A_2267 = arith.addi %mul3A_2265, %add3A_2266 : i32
      %add3A_2268 = arith.addi %add3A_2267, %arg1 : i32
      %mul3A_2269 = arith.constant 128 : i32
      %mul3A_2270 = arith.muli %add3A_2268, %mul3A_2269 : i32
      %run_scoped3A_2271 = arith.constant 1 : i32
      %run_scoped3A_2272 = arith.constant 0 : i32
      "tpu.region"() ({
        %run_scoped3A_2280 = tpu.sem_alloc : memref<!tpu.dma_semaphore, #tpu.memory_space<semaphore_mem>>
        %dma_start3A_2281 = arith.constant 0 : i32
        %dma_start3A_2282 = tpu.memref_slice %arg9[%run_scoped3A_2272, %dma_start3A_2281] : memref<2x3328xi32, #tpu.memory_space<vmem>> -> memref<1x128xi32, #tpu.memory_space<vmem>>
        %dma_start3A_2283 = tpu.memref_squeeze %dma_start3A_2282 : memref<1x128xi32, #tpu.memory_space<vmem>> -> memref<128xi32, #tpu.memory_space<vmem>>
        %dma_start3A_2284 = tpu.memref_slice %arg3[%run_scoped3A_2271, %mul3A_2270] : memref<2x320000xi32, #tpu.memory_space<hbm>> -> memref<1x128xi32, #tpu.memory_space<hbm>>
        %dma_start3A_2285 = tpu.memref_squeeze %dma_start3A_2284 : memref<1x128xi32, #tpu.memory_space<hbm>> -> memref<128xi32, #tpu.memory_space<hbm>>
        %dma_start3A_2286 = arith.constant 0 : i32
        %dma_start3A_2287 = tpu.memref_slice %arg9[%run_scoped3A_2272, %dma_start3A_2286] : memref<2x3328xi32, #tpu.memory_space<vmem>> -> memref<1x128xi32, #tpu.memory_space<vmem>>
        %dma_start3A_2288 = tpu.memref_squeeze %dma_start3A_2287 : memref<1x128xi32, #tpu.memory_space<vmem>> -> memref<128xi32, #tpu.memory_space<vmem>>
        %dma_start3A_2289 = tpu.memref_slice %arg3[%run_scoped3A_2271, %mul3A_2270] : memref<2x320000xi32, #tpu.memory_space<hbm>> -> memref<1x128xi32, #tpu.memory_space<hbm>>
        %dma_start3A_2290 = tpu.memref_squeeze %dma_start3A_2289 : memref<1x128xi32, #tpu.memory_space<hbm>> -> memref<128xi32, #tpu.memory_space<hbm>>
        tpu.enqueue_dma source(%dma_start3A_2290 : memref<128xi32, #tpu.memory_space<hbm>>) target(%dma_start3A_2288 : memref<128xi32, #tpu.memory_space<vmem>>) target_semaphore(%run_scoped3A_2280 : memref<!tpu.dma_semaphore, #tpu.memory_space<semaphore_mem>>)
        %dma_wait3A_2291 = arith.constant 0 : i32
        %dma_wait3A_2292 = tpu.memref_slice %arg9[%run_scoped3A_2272, %dma_wait3A_2291] : memref<2x3328xi32, #tpu.memory_space<vmem>> -> memref<1x128xi32, #tpu.memory_space<vmem>>
        %dma_wait3A_2293 = tpu.memref_squeeze %dma_wait3A_2292 : memref<1x128xi32, #tpu.memory_space<vmem>> -> memref<128xi32, #tpu.memory_space<vmem>>
        %dma_wait3A_2294 = tpu.memref_slice %arg3[%run_scoped3A_2271, %mul3A_2270] : memref<2x320000xi32, #tpu.memory_space<hbm>> -> memref<1x128xi32, #tpu.memory_space<hbm>>
        %dma_wait3A_2295 = tpu.memref_squeeze %dma_wait3A_2294 : memref<1x128xi32, #tpu.memory_space<hbm>> -> memref<128xi32, #tpu.memory_space<hbm>>
        %dma_wait3A_2296 = arith.constant 0 : i32
        %dma_wait3A_2297 = tpu.memref_slice %arg9[%run_scoped3A_2272, %dma_wait3A_2296] : memref<2x3328xi32, #tpu.memory_space<vmem>> -> memref<1x128xi32, #tpu.memory_space<vmem>>
        %dma_wait3A_2298 = tpu.memref_squeeze %dma_wait3A_2297 : memref<1x128xi32, #tpu.memory_space<vmem>> -> memref<128xi32, #tpu.memory_space<vmem>>
        %dma_wait3A_2299 = tpu.memref_slice %arg3[%run_scoped3A_2271, %mul3A_2270] : memref<2x320000xi32, #tpu.memory_space<hbm>> -> memref<1x128xi32, #tpu.memory_space<hbm>>
        %dma_wait3A_2300 = tpu.memref_squeeze %dma_wait3A_2299 : memref<1x128xi32, #tpu.memory_space<hbm>> -> memref<128xi32, #tpu.memory_space<hbm>>
        tpu.wait_dma2 semaphore(%run_scoped3A_2280 : memref<!tpu.dma_semaphore, #tpu.memory_space<semaphore_mem>>) src(%dma_wait3A_2300 : memref<128xi32, #tpu.memory_space<hbm>>) dst(%dma_wait3A_2298 : memref<128xi32, #tpu.memory_space<vmem>>)
        tpu.yield
      }) : () -> ()
      %dma_start3A_2273 = arith.constant 0 : i32
      %dma_start3A_2274 = arith.constant 0 : i32
      %dma_start3A_2275 = tpu.memref_slice %arg9[%dma_start3A_2273, %dma_start3A_2274] : memref<2x3328xi32, #tpu.memory_space<vmem>> -> memref<1x128xi32, #tpu.memory_space<vmem>>
      %dma_start3A_2276 = tpu.memref_squeeze %dma_start3A_2275 : memref<1x128xi32, #tpu.memory_space<vmem>> -> memref<128xi32, #tpu.memory_space<vmem>>
      %dma_start3A_2277 = arith.constant 0 : i32
      %dma_start3A_2278 = arith.constant 0 : i32
      %dma_start3A_2279 = tpu.memref_slice %arg12[%dma_start3A_2277, %dma_start3A_2278] : memref<10000x128xf32, #tpu.memory_space<vmem_shared>> -> memref<10000x128xf32, #tpu.memory_space<vmem_shared>>
      tpu.enqueue_indirect_dma source(%arg10 : memref<128x128xf32, #tpu.memory_space<vmem>>) target(%dma_start3A_2279 : memref<10000x128xf32, #tpu.memory_space<vmem_shared>>) offsets(%dma_start3A_2276 : memref<128xi32, #tpu.memory_space<vmem>>) semaphore(%arg15 : memref<!tpu.dma_semaphore, #tpu.memory_space<semaphore_mem>>) {add = true}
    } else {
    }
    %scan3A_2243 = arith.constant 0 : i32
    %scan3A_2244 = arith.constant 26 : i32
    %scan3A_2245 = arith.addi %scan3A_2243, %scan3A_2244 : i32
    %scan3A_2246 = arith.constant 1 : i32
    scf.for %scan3A_2264 = %scan3A_2243 to %scan3A_2245 step %scan3A_2246  : i32 {
      %mul3A_2265 = arith.constant 1 : i32
      %mul3A_2266 = arith.muli %scan3A_2264, %mul3A_2265 : i32
      %add3A_2267 = arith.constant 0 : i32
      %add3A_2268 = arith.addi %add3A_2267, %mul3A_2266 : i32
      %mul3A_2269 = arith.constant 128 : i32
      %mul3A_2270 = arith.muli %add3A_2268, %mul3A_2269 : i32
      %dma_wait3A_2271 = arith.constant 0 : i32
      %dma_wait3A_2272 = tpu.memref_slice %arg8[%dma_wait3A_2271, %mul3A_2270] : memref<2x3328xi32, #tpu.memory_space<vmem>> -> memref<1x128xi32, #tpu.memory_space<vmem>>
      %dma_wait3A_2273 = tpu.memref_squeeze %dma_wait3A_2272 : memref<1x128xi32, #tpu.memory_space<vmem>> -> memref<128xi32, #tpu.memory_space<vmem>>
      %dma_wait3A_2274 = arith.constant 0 : i32
      %dma_wait3A_2275 = arith.constant 0 : i32
      %dma_wait3A_2276 = tpu.memref_slice %arg12[%dma_wait3A_2274, %dma_wait3A_2275] : memref<10000x128xf32, #tpu.memory_space<vmem_shared>> -> memref<10000x128xf32, #tpu.memory_space<vmem_shared>>
      tpu.wait_indirect_dma semaphore(%arg15 : memref<!tpu.dma_semaphore, #tpu.memory_space<semaphore_mem>>) src(%arg10 : memref<128x128xf32, #tpu.memory_space<vmem>>) dst(%dma_wait3A_2276 : memref<10000x128xf32, #tpu.memory_space<vmem_shared>>)
    }
    %scan3A_2247 = arith.constant 26 : i32
    %scan3A_2248 = arith.constant 0 : i32
    %scan3A_2249 = arith.constant 13 : i32
    %scan3A_2250 = arith.addi %scan3A_2248, %scan3A_2249 : i32
    %scan3A_2251 = arith.constant 1 : i32
    scf.for %scan3A_2264 = %scan3A_2248 to %scan3A_2250 step %scan3A_2251  : i32 {
      %mul3A_2265 = arith.constant 1 : i32
      %mul3A_2266 = arith.muli %scan3A_2264, %mul3A_2265 : i32
      %add3A_2267 = arith.constant 0 : i32
      %add3A_2268 = arith.addi %add3A_2267, %mul3A_2266 : i32
      %mul3A_2269 = arith.constant 128 : i32
      %mul3A_2270 = arith.muli %add3A_2268, %mul3A_2269 : i32
      %dma_wait3A_2271 = arith.constant 1 : i32
      %dma_wait3A_2272 = tpu.memref_slice %arg8[%dma_wait3A_2271, %mul3A_2270] : memref<2x3328xi32, #tpu.memory_space<vmem>> -> memref<1x128xi32, #tpu.memory_space<vmem>>
      %dma_wait3A_2273 = tpu.memref_squeeze %dma_wait3A_2272 : memref<1x128xi32, #tpu.memory_space<vmem>> -> memref<128xi32, #tpu.memory_space<vmem>>
      %dma_wait3A_2274 = arith.constant 0 : i32
      %dma_wait3A_2275 = arith.constant 0 : i32
      %dma_wait3A_2276 = tpu.memref_slice %arg12[%dma_wait3A_2274, %dma_wait3A_2275] : memref<10000x128xf32, #tpu.memory_space<vmem_shared>> -> memref<10000x128xf32, #tpu.memory_space<vmem_shared>>
      tpu.wait_indirect_dma semaphore(%arg15 : memref<!tpu.dma_semaphore, #tpu.memory_space<semaphore_mem>>) src(%arg10 : memref<128x128xf32, #tpu.memory_space<vmem>>) dst(%dma_wait3A_2276 : memref<10000x128xf32, #tpu.memory_space<vmem_shared>>)
    }
    %scan3A_2252 = arith.constant 13 : i32
    %lt3A_2253 = arith.constant 1 : i32
    %lt3A_2254 = arith.cmpi slt, %arg1, %lt3A_2253 : i32
    %convert_element_type3A_2255 = arith.extui %lt3A_2254 : i1 to i32
    %cond3A_2256 = arith.constant 0 : i32
    %cond3A_2257 = arith.cmpi ne, %convert_element_type3A_2255, %cond3A_2256 : i32
    scf.if %cond3A_2257 {
      %dma_wait3A_2264 = arith.constant 0 : i32
      %dma_wait3A_2265 = arith.constant 0 : i32
      %dma_wait3A_2266 = tpu.memref_slice %arg9[%dma_wait3A_2264, %dma_wait3A_2265] : memref<2x3328xi32, #tpu.memory_space<vmem>> -> memref<1x128xi32, #tpu.memory_space<vmem>>
      %dma_wait3A_2267 = tpu.memref_squeeze %dma_wait3A_2266 : memref<1x128xi32, #tpu.memory_space<vmem>> -> memref<128xi32, #tpu.memory_space<vmem>>
      %dma_wait3A_2268 = arith.constant 0 : i32
      %dma_wait3A_2269 = arith.constant 0 : i32
      %dma_wait3A_2270 = tpu.memref_slice %arg12[%dma_wait3A_2268, %dma_wait3A_2269] : memref<10000x128xf32, #tpu.memory_space<vmem_shared>> -> memref<10000x128xf32, #tpu.memory_space<vmem_shared>>
      tpu.wait_indirect_dma semaphore(%arg15 : memref<!tpu.dma_semaphore, #tpu.memory_space<semaphore_mem>>) src(%arg10 : memref<128x128xf32, #tpu.memory_space<vmem>>) dst(%dma_wait3A_2270 : memref<10000x128xf32, #tpu.memory_space<vmem_shared>>)
    } else {
    }
    %barrier3A_2258 = arith.constant 0 : index
    tpu.barrier barrier_id(%barrier3A_2258)
    "tpu.region"() ({
      %run_scoped3A_2264 = tpu.sem_alloc : memref<!tpu.dma_semaphore, #tpu.memory_space<semaphore_mem>>
      %dma_start3A_2265 = arith.constant 0 : i32
      %dma_start3A_2266 = tpu.memref_slice %arg7[%add3A_2202, %dma_start3A_2265] : memref<20000x128xf32, #tpu.memory_space<hbm>> -> memref<624x128xf32, #tpu.memory_space<hbm>>
      %dma_start3A_2267 = arith.constant 0 : i32
      %dma_start3A_2268 = tpu.memref_slice %arg12[%mul3A_2199, %dma_start3A_2267] : memref<10000x128xf32, #tpu.memory_space<vmem_shared>> -> memref<624x128xf32, #tpu.memory_space<vmem_shared>>
      tpu.enqueue_dma source(%dma_start3A_2268 : memref<624x128xf32, #tpu.memory_space<vmem_shared>>) target(%dma_start3A_2266 : memref<624x128xf32, #tpu.memory_space<hbm>>) target_semaphore(%run_scoped3A_2264 : memref<!tpu.dma_semaphore, #tpu.memory_space<semaphore_mem>>)
      %dma_wait3A_2269 = arith.constant 0 : i32
      %dma_wait3A_2270 = tpu.memref_slice %arg7[%add3A_2202, %dma_wait3A_2269] : memref<20000x128xf32, #tpu.memory_space<hbm>> -> memref<624x128xf32, #tpu.memory_space<hbm>>
      %dma_wait3A_2271 = arith.constant 0 : i32
      %dma_wait3A_2272 = tpu.memref_slice %arg12[%mul3A_2199, %dma_wait3A_2271] : memref<10000x128xf32, #tpu.memory_space<vmem_shared>> -> memref<624x128xf32, #tpu.memory_space<vmem_shared>>
      tpu.wait_dma2 semaphore(%run_scoped3A_2264 : memref<!tpu.dma_semaphore, #tpu.memory_space<semaphore_mem>>) src(%dma_wait3A_2272 : memref<624x128xf32, #tpu.memory_space<vmem_shared>>) dst(%dma_wait3A_2270 : memref<624x128xf32, #tpu.memory_space<hbm>>)
      tpu.yield
    }) : () -> ()
    %eq3A_2259 = arith.constant 0 : i32
    %eq3A_2260 = arith.cmpi eq, %arg1, %eq3A_2259 : i32
    %convert_element_type3A_2261 = arith.extui %eq3A_2260 : i1 to i32
    %cond3A_2262 = arith.constant 0 : i32
    %cond3A_2263 = arith.cmpi ne, %convert_element_type3A_2261, %cond3A_2262 : i32
    scf.if %cond3A_2263 {
      %mul3A_2264 = arith.constant 10000 : i32
      %mul3A_2265 = arith.muli %arg0, %mul3A_2264 : i32
      %add3A_2266 = arith.constant 9984 : i32
      %add3A_2267 = arith.addi %mul3A_2265, %add3A_2266 : i32
      "tpu.region"() ({
        %run_scoped3A_2268 = tpu.sem_alloc : memref<!tpu.dma_semaphore, #tpu.memory_space<semaphore_mem>>
        %dma_start3A_2269 = arith.constant 0 : i32
        %dma_start3A_2270 = tpu.memref_slice %arg7[%add3A_2267, %dma_start3A_2269] : memref<20000x128xf32, #tpu.memory_space<hbm>> -> memref<16x128xf32, #tpu.memory_space<hbm>>
        %dma_start3A_2271 = arith.constant 9984 : i32
        %dma_start3A_2272 = arith.constant 0 : i32
        %dma_start3A_2273 = tpu.memref_slice %arg12[%dma_start3A_2271, %dma_start3A_2272] : memref<10000x128xf32, #tpu.memory_space<vmem_shared>> -> memref<16x128xf32, #tpu.memory_space<vmem_shared>>
        tpu.enqueue_dma source(%dma_start3A_2273 : memref<16x128xf32, #tpu.memory_space<vmem_shared>>) target(%dma_start3A_2270 : memref<16x128xf32, #tpu.memory_space<hbm>>) target_semaphore(%run_scoped3A_2268 : memref<!tpu.dma_semaphore, #tpu.memory_space<semaphore_mem>>)
        %dma_wait3A_2274 = arith.constant 0 : i32
        %dma_wait3A_2275 = tpu.memref_slice %arg7[%add3A_2267, %dma_wait3A_2274] : memref<20000x128xf32, #tpu.memory_space<hbm>> -> memref<16x128xf32, #tpu.memory_space<hbm>>
        %dma_wait3A_2276 = arith.constant 9984 : i32
        %dma_wait3A_2277 = arith.constant 0 : i32
        %dma_wait3A_2278 = tpu.memref_slice %arg12[%dma_wait3A_2276, %dma_wait3A_2277] : memref<10000x128xf32, #tpu.memory_space<vmem_shared>> -> memref<16x128xf32, #tpu.memory_space<vmem_shared>>
        tpu.wait_dma2 semaphore(%run_scoped3A_2268 : memref<!tpu.dma_semaphore, #tpu.memory_space<semaphore_mem>>) src(%dma_wait3A_2278 : memref<16x128xf32, #tpu.memory_space<vmem_shared>>) dst(%dma_wait3A_2275 : memref<16x128xf32, #tpu.memory_space<hbm>>)
        tpu.yield
      }) : () -> ()
    } else {
    }
    return
  }
}

module attributes {stable_mosaic.version = 14 : i64} {
  func.func @_pre_body(%arg0: i32, %arg1: memref<1000x256xf32, #tpu.memory_space<vmem>>, %arg2: memref<256x256xf32, #tpu.memory_space<vmem>>, %arg3: memref<1x256xf32, #tpu.memory_space<vmem>>, %arg4: memref<256x256xf32, #tpu.memory_space<vmem>>, %arg5: memref<1x256xf32, #tpu.memory_space<vmem>>, %arg6: memref<2x1000x128xf32, #tpu.memory_space<vmem>>, %arg7: memref<1000x256xf32, #tpu.memory_space<vmem>>) attributes {dimension_semantics = [#tpu.dimension_semantics<arbitrary>], iteration_bounds = array<i64: 10>, scalar_prefetch = 0 : i64, scratch_operands = 0 : i64, tpu.core_type = #tpu.core_type<tc>, window_params = [{transform_indices = @transform_0, window_bounds = array<i64: 1000, 256>}, {pipeline_mode = #tpu.pipeline_mode<synchronous>, transform_indices = @transform_1, window_bounds = array<i64: 256, 256>}, {pipeline_mode = #tpu.pipeline_mode<synchronous>, transform_indices = @transform_2, window_bounds = array<i64: 1, 256>}, {pipeline_mode = #tpu.pipeline_mode<synchronous>, transform_indices = @transform_3, window_bounds = array<i64: 256, 256>}, {pipeline_mode = #tpu.pipeline_mode<synchronous>, transform_indices = @transform_4, window_bounds = array<i64: 1, 256>}, {transform_indices = @transform_5, window_bounds = array<i64: 2, 1000, 128>}, {transform_indices = @transform_6, window_bounds = array<i64: 1000, 256>}]} {
    %get3A = arith.constant 0 : index
    %get3A_0 = arith.constant 0 : index
    %get3A_1 = vector.load %arg1[%get3A, %get3A_0] : memref<1000x256xf32, #tpu.memory_space<vmem>>, vector<1000x256xf32>
    %get3A_2 = arith.constant 0 : index
    %get3A_3 = arith.constant 0 : index
    %get3A_4 = vector.load %arg2[%get3A_2, %get3A_3] : memref<256x256xf32, #tpu.memory_space<vmem>>, vector<256x256xf32>
    %dot_general3A = arith.constant dense<0.000000e+00> : vector<1000x256xf32>
    %dot_general3A_5 = tpu.matmul %get3A_1, %get3A_4, %dot_general3A {dimension_numbers = #tpu.dot_dimension_numbers<[1], [0], [0], [1], [0, 0, 1, 1], [], []>, transpose_lhs_hint = false} : vector<1000x256xf32>, vector<256x256xf32>, vector<1000x256xf32> -> vector<1000x256xf32>
    %get3A_6 = arith.constant 0 : index
    %get3A_7 = arith.constant 0 : index
    %get3A_8 = vector.load %arg3[%get3A_6, %get3A_7] : memref<1x256xf32, #tpu.memory_space<vmem>>, vector<1x256xf32>
    %add3A = vector.broadcast %get3A_8 : vector<1x256xf32> to vector<1000x256xf32>
    %add3A_9 = arith.addf %dot_general3A_5, %add3A : vector<1000x256xf32>
    %max3A = arith.constant 0.000000e+00 : f32
    %max3A_10 = vector.broadcast %max3A : f32 to vector<1000x256xf32>
    %max3A_11 = arith.maximumf %add3A_9, %max3A_10 : vector<1000x256xf32>
    %slice3A = vector.extract_strided_slice %max3A_11 {offsets = [0, 0], sizes = [1000, 128], strides = [1, 1]} : vector<1000x256xf32> to vector<1000x128xf32>
    %swap3A = arith.constant 0 : index
    %swap3A_12 = arith.constant 0 : index
    %swap3A_13 = arith.constant 0 : index
    %swap3A_14 = vector.load %arg6[%swap3A, %swap3A_12, %swap3A_13] : memref<2x1000x128xf32, #tpu.memory_space<vmem>>, vector<1x1000x128xf32>
    %swap3A_15 = vector.shape_cast %swap3A_14 : vector<1x1000x128xf32> to vector<1000x128xf32>
    %swap3A_16 = vector.shape_cast %slice3A : vector<1000x128xf32> to vector<1x1000x128xf32>
    tpu.vector_store %arg6[%swap3A, %swap3A_12, %swap3A_13], %swap3A_16 {strides = array<i32>} : memref<2x1000x128xf32, #tpu.memory_space<vmem>>, vector<1x1000x128xf32>,
    %slice3A_17 = vector.extract_strided_slice %max3A_11 {offsets = [0, 128], sizes = [1000, 128], strides = [1, 1]} : vector<1000x256xf32> to vector<1000x128xf32>
    %swap3A_18 = arith.constant 1 : index
    %swap3A_19 = arith.constant 0 : index
    %swap3A_20 = arith.constant 0 : index
    %swap3A_21 = vector.load %arg6[%swap3A_18, %swap3A_19, %swap3A_20] : memref<2x1000x128xf32, #tpu.memory_space<vmem>>, vector<1x1000x128xf32>
    %swap3A_22 = vector.shape_cast %swap3A_21 : vector<1x1000x128xf32> to vector<1000x128xf32>
    %swap3A_23 = vector.shape_cast %slice3A_17 : vector<1000x128xf32> to vector<1x1000x128xf32>
    tpu.vector_store %arg6[%swap3A_18, %swap3A_19, %swap3A_20], %swap3A_23 {strides = array<i32>} : memref<2x1000x128xf32, #tpu.memory_space<vmem>>, vector<1x1000x128xf32>,
    %get3A_24 = arith.constant 0 : index
    %get3A_25 = arith.constant 0 : index
    %get3A_26 = vector.load %arg4[%get3A_24, %get3A_25] : memref<256x256xf32, #tpu.memory_space<vmem>>, vector<256x256xf32>
    %dot_general3A_27 = arith.constant dense<0.000000e+00> : vector<1000x256xf32>
    %dot_general3A_28 = tpu.matmul %get3A_1, %get3A_26, %dot_general3A_27 {dimension_numbers = #tpu.dot_dimension_numbers<[1], [0], [0], [1], [0, 0, 1, 1], [], []>, transpose_lhs_hint = false} : vector<1000x256xf32>, vector<256x256xf32>, vector<1000x256xf32> -> vector<1000x256xf32>
    %get3A_29 = arith.constant 0 : index
    %get3A_30 = arith.constant 0 : index
    %get3A_31 = vector.load %arg5[%get3A_29, %get3A_30] : memref<1x256xf32, #tpu.memory_space<vmem>>, vector<1x256xf32>
    %add3A_32 = vector.broadcast %get3A_31 : vector<1x256xf32> to vector<1000x256xf32>
    %add3A_33 = arith.addf %dot_general3A_28, %add3A_32 : vector<1000x256xf32>
    %swap3A_34 = arith.constant 0 : index
    %swap3A_35 = arith.constant 0 : index
    %swap3A_36 = vector.load %arg7[%swap3A_34, %swap3A_35] : memref<1000x256xf32, #tpu.memory_space<vmem>>, vector<1000x256xf32>
    tpu.vector_store %arg7[%swap3A_34, %swap3A_35], %add3A_33 {strides = array<i32>} : memref<1000x256xf32, #tpu.memory_space<vmem>>, vector<1000x256xf32>,
    return
  }
  func.func @transform_0(%arg0: i32) -> (i32, i32) {
    %c0_i32 = arith.constant 0 : i32
    %c0_i32_0 = arith.constant 0 : i32
    return %arg0, %c0_i32 : i32, i32
  }
  func.func @transform_1(%arg0: i32) -> (i32, i32) {
    %c0_i32 = arith.constant 0 : i32
    %c0_i32_0 = arith.constant 0 : i32
    %c0_i32_1 = arith.constant 0 : i32
    return %c0_i32, %c0_i32_0 : i32, i32
  }
  func.func @transform_2(%arg0: i32) -> (i32, i32) {
    %c0_i32 = arith.constant 0 : i32
    %c0_i32_0 = arith.constant 0 : i32
    %c0_i32_1 = arith.constant 0 : i32
    return %c0_i32, %c0_i32_0 : i32, i32
  }
  func.func @transform_3(%arg0: i32) -> (i32, i32) {
    %c0_i32 = arith.constant 0 : i32
    %c0_i32_0 = arith.constant 0 : i32
    %c0_i32_1 = arith.constant 0 : i32
    return %c0_i32, %c0_i32_0 : i32, i32
  }
  func.func @transform_4(%arg0: i32) -> (i32, i32) {
    %c0_i32 = arith.constant 0 : i32
    %c0_i32_0 = arith.constant 0 : i32
    %c0_i32_1 = arith.constant 0 : i32
    return %c0_i32, %c0_i32_0 : i32, i32
  }
  func.func @transform_5(%arg0: i32) -> (i32, i32, i32) {
    %c0_i32 = arith.constant 0 : i32
    %c0_i32_0 = arith.constant 0 : i32
    %c0_i32_1 = arith.constant 0 : i32
    return %c0_i32, %arg0, %c0_i32_0 : i32, i32, i32
  }
  func.func @transform_6(%arg0: i32) -> (i32, i32) {
    %c0_i32 = arith.constant 0 : i32
    %c0_i32_0 = arith.constant 0 : i32
    return %arg0, %c0_i32 : i32, i32
  }
}

module attributes {stable_mosaic.version = 14 : i64} {
  func.func @_combine_body(%arg0: i32, %arg1: memref<1000x128xf32, #tpu.memory_space<vmem>>, %arg2: memref<1000x128xf32, #tpu.memory_space<vmem>>, %arg3: memref<1000x128xf32, #tpu.memory_space<vmem>>, %arg4: memref<1000x128xf32, #tpu.memory_space<vmem>>, %arg5: memref<1000x256xf32, #tpu.memory_space<vmem>>, %arg6: memref<256x256xf32, #tpu.memory_space<vmem>>, %arg7: memref<1000x256xf32, #tpu.memory_space<vmem>>) attributes {dimension_semantics = [#tpu.dimension_semantics<arbitrary>], iteration_bounds = array<i64: 10>, scalar_prefetch = 0 : i64, scratch_operands = 0 : i64, tpu.core_type = #tpu.core_type<tc>, window_params = [{transform_indices = @transform_0, window_bounds = array<i64: 1000, 128>}, {transform_indices = @transform_1, window_bounds = array<i64: 1000, 128>}, {transform_indices = @transform_2, window_bounds = array<i64: 1000, 128>}, {transform_indices = @transform_3, window_bounds = array<i64: 1000, 128>}, {transform_indices = @transform_4, window_bounds = array<i64: 1000, 256>}, {pipeline_mode = #tpu.pipeline_mode<synchronous>, transform_indices = @transform_5, window_bounds = array<i64: 256, 256>}, {transform_indices = @transform_6, window_bounds = array<i64: 1000, 256>}]} {
    %get3A = arith.constant 0 : index
    %get3A_0 = arith.constant 0 : index
    %get3A_1 = vector.load %arg3[%get3A, %get3A_0] : memref<1000x128xf32, #tpu.memory_space<vmem>>, vector<1000x1xf32>
    %get3A_2 = arith.constant 0 : index
    %get3A_3 = arith.constant 0 : index
    %get3A_4 = vector.load %arg4[%get3A_2, %get3A_3] : memref<1000x128xf32, #tpu.memory_space<vmem>>, vector<1000x1xf32>
    %add3A = arith.addf %get3A_1, %get3A_4 : vector<1000x1xf32>
    %max3A = arith.constant 1.000000e+00 : f32
    %max3A_5 = vector.broadcast %max3A : f32 to vector<1000x1xf32>
    %max3A_6 = arith.maximumf %add3A, %max3A_5 : vector<1000x1xf32>
    %div3A = arith.constant 1.000000e+00 : f32
    %div3A_7 = vector.broadcast %div3A : f32 to vector<1000x1xf32>
    %div3A_8 = arith.divf %div3A_7, %max3A_6 : vector<1000x1xf32>
    %get3A_9 = arith.constant 0 : index
    %get3A_10 = arith.constant 0 : index
    %get3A_11 = vector.load %arg1[%get3A_9, %get3A_10] : memref<1000x128xf32, #tpu.memory_space<vmem>>, vector<1000x128xf32>
    %mul3A = vector.broadcast %div3A_8 : vector<1000x1xf32> to vector<1000x128xf32>
    %mul3A_12 = arith.mulf %get3A_11, %mul3A : vector<1000x128xf32>
    %get3A_13 = arith.constant 0 : index
    %get3A_14 = arith.constant 0 : index
    %get3A_15 = vector.load %arg2[%get3A_13, %get3A_14] : memref<1000x128xf32, #tpu.memory_space<vmem>>, vector<1000x128xf32>
    %mul3A_16 = vector.broadcast %div3A_8 : vector<1000x1xf32> to vector<1000x128xf32>
    %mul3A_17 = arith.mulf %get3A_15, %mul3A_16 : vector<1000x128xf32>
    %get3A_18 = arith.constant 0 : index
    %get3A_19 = arith.constant 0 : index
    %get3A_20 = vector.load %arg6[%get3A_18, %get3A_19] : memref<256x256xf32, #tpu.memory_space<vmem>>, vector<128x256xf32>
    %dot_general3A = arith.constant dense<0.000000e+00> : vector<1000x256xf32>
    %dot_general3A_21 = tpu.matmul %mul3A_12, %get3A_20, %dot_general3A {dimension_numbers = #tpu.dot_dimension_numbers<[1], [0], [0], [1], [0, 0, 1, 1], [], []>, transpose_lhs_hint = false} : vector<1000x128xf32>, vector<128x256xf32>, vector<1000x256xf32> -> vector<1000x256xf32>
    %get3A_22 = arith.constant 128 : index
    %get3A_23 = arith.constant 0 : index
    %get3A_24 = vector.load %arg6[%get3A_22, %get3A_23] : memref<256x256xf32, #tpu.memory_space<vmem>>, vector<128x256xf32>
    %dot_general3A_25 = arith.constant dense<0.000000e+00> : vector<1000x256xf32>
    %dot_general3A_26 = tpu.matmul %mul3A_17, %get3A_24, %dot_general3A_25 {dimension_numbers = #tpu.dot_dimension_numbers<[1], [0], [0], [1], [0, 0, 1, 1], [], []>, transpose_lhs_hint = false} : vector<1000x128xf32>, vector<128x256xf32>, vector<1000x256xf32> -> vector<1000x256xf32>
    %add3A_27 = arith.addf %dot_general3A_21, %dot_general3A_26 : vector<1000x256xf32>
    %get3A_28 = arith.constant 0 : index
    %get3A_29 = arith.constant 0 : index
    %get3A_30 = vector.load %arg5[%get3A_28, %get3A_29] : memref<1000x256xf32, #tpu.memory_space<vmem>>, vector<1000x256xf32>
    %add3A_31 = arith.addf %add3A_27, %get3A_30 : vector<1000x256xf32>
    %swap3A = arith.constant 0 : index
    %swap3A_32 = arith.constant 0 : index
    %swap3A_33 = vector.load %arg7[%swap3A, %swap3A_32] : memref<1000x256xf32, #tpu.memory_space<vmem>>, vector<1000x256xf32>
    tpu.vector_store %arg7[%swap3A, %swap3A_32], %add3A_31 {strides = array<i32>} : memref<1000x256xf32, #tpu.memory_space<vmem>>, vector<1000x256xf32>,
    return
  }
  func.func @transform_0(%arg0: i32) -> (i32, i32) {
    %c0_i32 = arith.constant 0 : i32
    %c0_i32_0 = arith.constant 0 : i32
    return %arg0, %c0_i32 : i32, i32
  }
  func.func @transform_1(%arg0: i32) -> (i32, i32) {
    %add3A = arith.constant 10 : i32
    %add3A_0 = arith.addi %arg0, %add3A : i32
    %c0_i32 = arith.constant 0 : i32
    %c0_i32_1 = arith.constant 0 : i32
    return %add3A_0, %c0_i32 : i32, i32
  }
  func.func @transform_2(%arg0: i32) -> (i32, i32) {
    %c0_i32 = arith.constant 0 : i32
    %c0_i32_0 = arith.constant 0 : i32
    return %arg0, %c0_i32 : i32, i32
  }
  func.func @transform_3(%arg0: i32) -> (i32, i32) {
    %add3A = arith.constant 10 : i32
    %add3A_0 = arith.addi %arg0, %add3A : i32
    %c0_i32 = arith.constant 0 : i32
    %c0_i32_1 = arith.constant 0 : i32
    return %add3A_0, %c0_i32 : i32, i32
  }
  func.func @transform_4(%arg0: i32) -> (i32, i32) {
    %c0_i32 = arith.constant 0 : i32
    %c0_i32_0 = arith.constant 0 : i32
    return %arg0, %c0_i32 : i32, i32
  }
  func.func @transform_5(%arg0: i32) -> (i32, i32) {
    %c0_i32 = arith.constant 0 : i32
    %c0_i32_0 = arith.constant 0 : i32
    %c0_i32_1 = arith.constant 0 : i32
    return %c0_i32, %c0_i32_0 : i32, i32
  }
  func.func @transform_6(%arg0: i32) -> (i32, i32) {
    %c0_i32 = arith.constant 0 : i32
    %c0_i32_0 = arith.constant 0 : i32
    return %arg0, %c0_i32 : i32, i32
  }
}

</mosaic_0001>

<sc_bundles>
// kernel: kernel.5.cloned.1.call-start
scs
__scs_entry_jumppad:
0x0: {  	(pc) =	sbr.rel $0x88, $3  }
0x1: {  	(tag) =	ssettag $0x0;
	lr =	simm.s32 $0x1  }
0x2: {  	[smem:$0x3F9A] =	sst lr;
	_ =	strace $0xD0000000  }
0x3: {  	_ = 	snop  }
0x4: {  	_ = 	snop  }
0x5: {  	_ = 	snop  }
0x6: {  	_ = 	snop  }
0x7: {  	_ = 	snop  }
__scs_overlays_trampoline_lowered:
0x8: {  	[smem:$0x3FA9] =	sst s0  }
0x9: {  	[smem:$0x3FAA] =	sst s1  }
0xa: {  	[smem:$0x3FAB] =	sst s2  }
0xb: {  	[smem:$0x3FAC] =	sst s3  }
0xc: {  	[smem:$0x3FAD] =	sst s4  }
0xd: {  	[smem:$0x3FAE] =	sst s5  }
0xe: {  	[smem:$0x3FAF] =	sst s6  }
0xf: {  	[smem:$0x3FB0] =	sst s7  }
0x10: {  	[smem:$0x3FB1] =	sst s8  }
0x11: {  	[smem:$0x3FB2] =	sst s9;
	s0 =	simm.s32 @!p0 $0x0  }
0x12: {  	s1 =	sld [smem:$0x3F98];
	s0 =	simm.s32 @p0 $0x1  }
0x13: {  	[smem:$0x3FB3] =	sst s0;
	s0 =	simm.s32 @!p1 $0x0  }
0x14: {  	s2 =	sld [smem:$0x3F97];
	s0 =	simm.s32 @p1 $0x1  }
0x15: {  	[smem:$0x3FB4] =	sst s0;
	s0 =	simm.s32 @!p2 $0x0  }
0x16: {  	s3 =	sld [smem:$0x3FDB];
	s0 =	simm.s32 @p2 $0x1  }
0x17: {  	s4 =	simm.s32 $0x1BF5;
	[smem:$0x3FB6] =	sst s0  }
0x18: {  	s0 =	sld [smem:$0x3F99];
	_ =	swait.ge [sflag:s4], $0x0  }
0x19: {  	s7 =	sld [smem:$0x3F9A]  }
0x1a: {  	s8 =	sadd.s32 $0xFFFFE003, lr  }
0x1b: {  	s9 =	sadd.s32 $0xFFFFFEF7, lr;
	s5 =	simm.s32 $0xFFFFFFFF;
	p2 =	slt.u32 s8, $0xFFFFF086  }
0x1c: {  	p1 =	slt.u32 s9, $0xF7A;
	s5 =	simm.s32 @!p2 $0x0  }
0x1d: {  	s5 =	simm.s32 @p1 $0x1;
	p0 =	seq.s32 s7, s2  }
0x1e: {  	s7 =	smul.u32 @!p0 $0xF7A, s2;
	p2 =	seq.s32 @!p0 s5, $0x0  }
0x1f: {  	s9 =	smul.u32 $0xF7A, s1;
	s8 =	simm.s32 @!p0 $0x1BF5;
	p2 =	por !p2, p0  }
0x20: {  	[sflag:s8] =	ssyncset.s32 @!p0 $0xFFFFF086;
	s6 =	sadd.s32 @!p0 s3, s7;
	s7 =	simm.s32 @!p0 $0x108  }
0x21: {  	s3 =	sadd.s32 s3, s9;
	s6 =	sadd.s32 @!p0 $0x88, s6;
	s7 =	simm.s32 @p2 $0x1082  }
0x22: {  	[simem:s7], [sflag:s8] =	dma.local @!p0 [hbm:s6], $0xF7A  }
0x23: {  	s9 =	sor.u32 $0xD0000000, s2;
	s6 =	simm.s32 $0x108;
	_ =	swait.ge @!p0 [sflag:s8], $0x0  }
0x24: {  	s3 =	sadd.s32 $0x88, s3;
	s6 =	simm.s32 @!p1 $0x1082;
	[sflag:s4] =	ssyncset.s32 $0xFFFFF086  }
0x25: {  	[simem:s6], [sflag:s4] =	dma.local [hbm:s3], $0xF7A  }
0x26: {  	[smem:$0x3F9A] =	sst s1;
	(tag) =	ssettag s2;
	_ =	strace s9  }
0x27: {  	s1 =	sld [smem:$0x3FAA]  }
0x28: {  	s2 =	sld [smem:$0x3FAB]  }
0x29: {  	s4 =	sld [smem:$0x3FAD]  }
0x2a: {  	p0 =	seq.s32 s5, $0x0;
	s5 =	sld [smem:$0x3FAE]  }
0x2b: {  	s6 =	sld [smem:$0x3FAF]  }
0x2c: {  	s7 =	sld [smem:$0x3FB0]  }
0x2d: {  	s3 =	simm.s32 $0x108;
	s8 =	sld [smem:$0x3FB1]  }
0x2e: {  	s3 =	simm.s32 @!p0 $0x1082;
	s9 =	sld [smem:$0x3FB2]  }
0x2f: {  	lr =	sadd.s32 s0, s3;
	s0 =	sld [smem:$0x3FA9]  }
0x30: {  	s3 =	sld [smem:$0x3FAC]  }
0x31: {  	[smem:$0x3FB5] =	sst s10  }
0x32: {  	s10 =	sld [smem:$0x3FB3];
	_ =	sdelay $0x3  }
0x33: {  	p0 =	seq.s32 s10, $0x1;
	s10 =	sld [smem:$0x3FB5];
	_ =	sdelay $0x3  }
0x34: {  	[smem:$0x3FB5] =	sst s10  }
0x35: {  	s10 =	sld [smem:$0x3FB4];
	_ =	sdelay $0x3  }
0x36: {  	p1 =	seq.s32 s10, $0x1;
	s10 =	sld [smem:$0x3FB5];
	_ =	sdelay $0x3  }
0x37: {  	[smem:$0x3FB5] =	sst s10  }
0x38: {  	s10 =	sld [smem:$0x3FB6]  }
0x39: {  	_ = 	snop;
	(pc) =	sbr.ind lr, $3  }
0x3a: {  	_ = 	snop  }
0x3b: {  	_ = 	snop  }
0x3c: {  	p2 =	seq.s32 s10, $0x1;
	s10 =	sld [smem:$0x3FB5]  }
0x3d: {  	_ =	shalt  }
0x3e: {  	_ =	shalt  }
0x3f: {  	_ =	shalt  }
0x40: {  	_ =	shalt  }
0x41: {  	_ =	shalt  }
0x42: {  	_ =	shalt  }
0x43: {  	_ =	shalt  }
0x44: {  	_ =	shalt  }
0x45: {  	_ =	shalt  }
0x46: {  	_ =	shalt  }
0x47: {  	_ =	shalt  }
0x48: {  	_ =	shalt  }
0x49: {  	_ =	shalt  }
0x4a: {  	_ =	shalt  }
0x4b: {  	_ =	shalt  }
0x4c: {  	_ =	shalt  }
0x4d: {  	_ =	shalt  }
0x4e: {  	_ =	shalt  }
0x4f: {  	_ =	shalt  }
0x50: {  	_ =	shalt  }
0x51: {  	_ =	shalt  }
0x52: {  	_ =	shalt  }
0x53: {  	_ =	shalt  }
0x54: {  	_ =	shalt  }
0x55: {  	_ =	shalt  }
0x56: {  	_ =	shalt  }
0x57: {  	_ =	shalt  }
0x58: {  	_ =	shalt  }
0x59: {  	_ =	shalt  }
0x5a: {  	_ =	shalt  }
0x5b: {  	_ =	shalt  }
0x5c: {  	_ =	shalt  }
0x5d: {  	_ =	shalt  }
0x5e: {  	_ =	shalt  }
0x5f: {  	_ =	shalt  }
0x60: {  	_ =	shalt  }
0x61: {  	_ =	shalt  }
0x62: {  	_ =	shalt  }
0x63: {  	_ =	shalt  }
0x64: {  	_ =	shalt  }
0x65: {  	_ =	shalt  }
0x66: {  	_ =	shalt  }
0x67: {  	_ =	shalt  }
0x68: {  	_ =	shalt  }
0x69: {  	_ =	shalt  }
0x6a: {  	_ =	shalt  }
0x6b: {  	_ =	shalt  }
0x6c: {  	_ =	shalt  }
0x6d: {  	_ =	shalt  }
0x6e: {  	_ =	shalt  }
0x6f: {  	_ =	shalt  }
0x70: {  	_ =	shalt  }
0x71: {  	_ =	shalt  }
0x72: {  	_ =	shalt  }
0x73: {  	_ =	shalt  }
0x74: {  	_ =	shalt  }
0x75: {  	_ =	shalt  }
0x76: {  	_ =	shalt  }
0x77: {  	_ =	shalt  }
0x78: {  	_ =	shalt  }
0x79: {  	_ =	shalt  }
0x7a: {  	_ =	shalt  }
0x7b: {  	_ =	shalt  }
0x7c: {  	_ =	shalt  }
0x7d: {  	_ =	shalt  }
0x7e: {  	_ =	shalt  }
0x7f: {  	_ =	shalt  }
0x80: {  	_ =	shalt  }
0x81: {  	_ =	shalt  }
0x82: {  	_ =	shalt  }
0x83: {  	_ =	shalt  }
0x84: {  	_ =	shalt  }
0x85: {  	_ =	shalt  }
0x86: {  	_ =	shalt  }
0x87: {  	_ =	shalt  }
.Lfunc_end0:
.L_simem_size_0:
called_computation_lowered:
.L_overlay_start_0:
0x88: {  	s2 =	sld [smem:$0x3FD9]  }
0x89: {  	s3 =	sld [smem:$0x3FFE];
	_ =	sdelay $0x1  }
0x8a: {  	s1 =	srdreg.scid  }
0x8b: {  	s0 =	sand.u32 $0x1, s1  }
0x8c: {  	s17 =	sshll.u32 s0, $0xA;
	s2 =	sadd.s32 s3, s2  }
0x8d: {  	s2 =	sadd.s32 s2, s17  }
0x8e: {  	[smem:$0x3FC1] =	sst s2  }
0x8f: {  	_ = 	snop  }
0x90: {  	s2 =	sld [smem:$0x3FD0];
	(tm) =	ssettm $0x1  }
0x91: {  	s18 =	sld [smem:$0x3FFB];
	_ =	sdelay $0x3  }
0x92: {  	_ =	strace s18  }
0x93: {  	s3 =	sld [smem:$0x3FFC];
	_ =	sdelay $0x3  }
0x94: {  	_ =	strace s3  }
0x95: {  	s3 =	sld [smem:$0x3FFD];
	_ =	sdelay $0x3  }
0x96: {  	_ =	strace s3  }
0x97: {  	_ =	strace $0x8FFFFFFF  }
0x98: {  	s19 =	sld [smem:$0x3FDB];
	_ =	sdelay $0x1  }
0x99: {  	s4 =	simm.s32 $_scs_section_size  }
0x9a: {  	s5 =	simm.s32 $_size__tile_overlayer_lowered;
	s6 =	simm.s32 $_tile_overlayer_lowered  }
0x9b: {  	s22 =	simm.s32 $0x1BFF;
	s21 =	sshll.u32 s6, $0x1;
	s3 =	sadd.s32 s4, s19  }
0x9c: {  	s7 =	simm.s32 $0x0;
	s20 =	sshll.u32 s5, $0x1;
	s5 =	sadd.s32 s21, s3  }
0x9d: {  	[timem:s7], [sflag:s22] =	dma.local [hbm:s5], s20  }
0x9e: {  	_ =	swait.ge [sflag:s22], s20  }
0x9f: {  	s4 =	ssub.s32 $0x0, s20;
	[sflag:s22] =	ssyncset.done $0x0  }
0xa0: {  	[sflag:s22] =	ssyncadd.s32 s4;
	_ =	sdelay $0x1  }
0xa1: {  	s23 =	simm.s32 $0x1B8B  }
0xa2: {  	_ =	swait.ge [sflag:s23], $0x1  }
0xa3: {  	[sflag:s23] =	ssyncset.done $0x0  }
0xa4: {  	s25 =	simm.s32 $0x1B8E;
	s24 =	sld [smem:$0x3FFE];
	[sflag:s23] =	ssyncadd.s32 $0xFFFFFFFF  }
0xa5: {  	s26 =	simm.s32 $execute0_lowered;
	[smem:$0x3FD2] =	sst s25  }
0xa6: {  	s5 =	sshll.u32 s26, $0x1;
	_ =	strace $0x80000046;
	[dreg:$0x1] =	wrdreg $0xFFFFFFFF  }
0xa7: {  	s28 =	simm.s32 $_size_execute0_lowered;
	s3 =	sadd.s32 s3, s5;
	[dreg:$0x0] =	wrdreg $0x0  }
0xa8: {  	s5 =	sshll.u32 s28, $0x1;
	[dreg:$0x2] =	wrdreg s3  }
0xa9: {  	[dreg:$0x3] =	wrdreg s5  }
0xaa: {  	[dreg:$0x4] =	wrdreg $0xC0  }
0xab: {  	_ =	task [dreg:s7], $0x5FFFF  }
0xac: {  	[dreg:$0x1] =	wrdreg $0xFFFFFFFF  }
0xad: {  	[dreg:$0x0] =	wrdreg $0x60  }
0xae: {  	[dreg:$0x2] =	wrdreg s2  }
0xaf: {  	[dreg:$0x3] =	wrdreg s24  }
0xb0: {  	[dreg:$0x4] =	wrdreg $0xB4000  }
0xb1: {  	[dreg:$0x5] =	wrdreg $0x9  }
0xb2: {  	_ =	task.clear_ibuf [dreg:s7], $0x6FFFF;
	_ =	strace $0x90000046  }
0xb3: {  	s29 =	simm.s32 $0x9;
	_ =	strace $0x80000048  }
0xb4: {  	_ =	swait.ge [sflag:s29], $0x1  }
0xb5: {  	[sflag:s29] =	ssyncadd.s32 $0xFFFFFFFF  }
0xb6: {  	_ =	strace $0x90000048  }
0xb7: {  	_ =	sfence  }
0xb8: {  	s30 =	sld [smem:$0x0];
	_ =	sdelay $0x2  }
0xb9: {  	s31 =	sshll.u32 s1, $0xD;
	s1 =	sshrl.u32 s1, $0x2  }
0xba: {  	s3 =	sand.u32 $0x4000, s31;
	s1 =	sadd.s32 s1, s30  }
0xbb: {  	s0 =	sor.u32 s3, s0;
	s1 =	sshll.u32 s1, $0x11  }
0xbc: {  	s0 =	sor.u32 s1, s0  }
0xbd: {  	s0 =	sadd.s32 $0x8F2B, s0  }
0xbe: {  	[sflag:s0] =	ssyncadd.remote.s32 $0x1  }
0xbf: {  	_ =	sfence.sel $0xFFFF  }
0xc0: {  	[dreg:$0x0] =	wrdreg $0xFFFFFFFF;
	(pc) =	sbr.abs _section_cstart, $3  }
0xc1: {  	[dreg:$0x1] =	wrdreg $0xFFFFFFFF  }
0xc2: {  	_ =	task.clear_ibuf [dreg:s7], $0x2FFFF;
	_ =	strace $0x9FFFFFFF  }
0xc3: {  	(tm) =	ssettm $0x7FFFFFFF  }
tec
execute0_lowered:
.L_overlay_start_1:
0x0: {  	(tag) =	ssettag $0x1  }
0x1: {  	s1 =	rddreg [dreg:$0x0]  }
0x2: {  	s0 =	rddreg [dreg:$0x1]  }
0x3: {  	s2 =	rddreg [dreg:$0x2];
	s3 =	simm.s32 $0x0  }
0x4: {  	s6 =	srdreg.scid;
	s8 =	stileid.u32;
	s28 =	simm.s32 $0x1  }
0x5: {  	s29 =	simm.s32 $0x3;
	s31 =	simm.s32 $0x2;
	[smem:$0x7FF] =	sst s3  }
0x6: {  	s5 =	sadd.s32 $0x1600, s0;
	s4 =	sadd.s32 $0x63A00, s0;
	s10 =	smul.u32 $0x270, s8  }
0x7: {  	s9 =	sand.u32 $0x1, s6;
	s22 =	sadd.s32 $0x63200, s0;
	s12 =	smul.u32 $0x4E000, s8  }
0x8: {  	s11 =	sadd.s32 $0x66200, s0;
	s0 =	sadd.s32 $0xB4400, s0;
	s26 =	smul.u32 $0x2700, s8  }
0x9: {  	s25 =	sshll.u32 s8, $0x6;
	s15 =	sadd.s32 $0x138000, s2;
	s21 =	smul.u32 $0x27, s8  }
0xa: {  	p0 =	sne.s32 s8, $0x0;
	p1 =	sgt.u32 s8, $0x1;
	s14 =	smul.u32 $0x27100, s9  }
0xb: {  	_ =	strace $0x80000047;
	[dreg:$0x11] =	wrdreg s4;
	s16 =	smul.u32 $0x2710, s9  }
0xc: {  	[dreg:$0x4] =	wrdreg s22;
	s23 =	ssub.s32 $0x2, s9;
	s6 =	smul.u32 $0x138800, s9  }
0xd: {  	[dreg:$0x5] =	wrdreg s15;
	s4 =	sshll.u32 s8, $0x7;
	s20 =	smul.u32 $0x271, s9  }
0xe: {  	s9 =	smul.u32 $0x4E20, s9;
	s7 =	sshrl.u32 s23, $0x1;
	s24 =	sshrl.u32 s12, $0x2  }
0xf: {  	s13 =	ssub.s32 s23, s7;
	s30 =	sadd.s32 s24, s2;
	s7 =	sor.u32 $0x1C05, s25  }
0x10: {  	s12 =	sadd.s32 s26, s14;
	s14 =	sadd.s32 s4, s14;
	s10 =	sadd.s32 s10, s16  }
0x11: {  	s22 =	sshrl.u32 s6, $0x3;
	s4 =	simm.s32 $0x0;
	[dreg:$0x10] =	wrdreg s30  }
0x12: {  	s12 =	sshrl.u32 s12, $0x2;
	s19 =	sadd.s32 $0x27000, s14;
	s30 =	smax.u32 s13, $0x1  }
0x13: {  	s10 =	sshll.u32 s10, $0x4;
	s18 =	sadd.s32 s5, s12;
	[dreg:$0xf] =	wrdreg s30  }
0x14: {  	s14 =	sadd.s32 s21, s20;
	s23 =	sadd.s32 s11, s10;
	[dreg:$0x6] =	wrdreg s18  }
0x15: {  	s12 =	sshrl.u32 s19, $0x2;
	s26 =	sadd.s32 s0, s10;
	[dreg:$0xa] =	wrdreg s23  }
0x16: {  	s14 =	sshll.u32 s14, $0x5;
	s17 =	sadd.s32 $0x340, s18;
	[dreg:$0xd] =	wrdreg s26  }
0x17: {  	s18 =	sadd.s32 $0x680, s18;
	s12 =	sadd.s32 s5, s12;
	[dreg:$0x7] =	wrdreg s17  }
0x18: {  	s24 =	sadd.s32 s14, s5;
	s5 =	sadd.s32 s9, s5;
	[dreg:$0x8] =	wrdreg s18  }
0x19: {  	s23 =	simm.s32 $0x3400;
	[dreg:$0x9] =	wrdreg s12;
	s25 =	sadd.s32 $0x350, s24  }
0x1a: {  	s12 =	sadd.s32 $0x27000, s22;
	s5 =	sadd.s32 $0x4E10, s5;
	[dreg:$0x15] =	wrdreg s25  }
0x1b: {  	s26 =	simm.s32 $0x7400;
	s11 =	sadd.s32 s11, s12;
	[dreg:$0xc] =	wrdreg s5  }
0x1c: {  	s15 =	sadd.s32 $0x10, s24;
	s0 =	sadd.s32 s0, s12;
	[dreg:$0xb] =	wrdreg s11  }
0x1d: {  	s22 =	simm.s32 $0x80;
	s5 =	simm.s32 $0x4;
	[dreg:$0xe] =	wrdreg s0  }
.LBB2_1:
0x1e: {  	[dreg:$0x12] =	wrdreg s4  }
0x1f: {  	s0 =	rddreg [dreg:$0x10]  }
0x20: {  	s18 =	rddreg [dreg:$0x11];
	s10 =	sshrl.u32 s0, $0x3  }
0x21: {  	s16 =	simm.s32 $0x5;
	[dreg:$0x14] =	wrdreg s10  }
0x22: {  	[spmem:s10], [sflag:s7] =	dma.local [hbm:s18], $0x2700  }
0x23: {  	_ =	swait.ge [sflag:s16], $0x2700  }
0x24: {  	s10 =	rddreg [dreg:$0x5]  }
0x25: {  	[sflag:s16] =	ssyncset.done $0x0;
	s4 =	sshrl.u32 @!p0 s10, $0x3  }
0x26: {  	[sflag:s16] =	ssyncadd.s32 $0xFFFFD900;
	[dreg:$0x13] =	wrdreg s4  }
0x27: {  	[spmem:s4], [sflag:s7] =	dma.local @!p0 [hbm:s18], $0x100  }
0x28: {  	s18 =	simm.s32 @!p0 $0x5  }
0x29: {  	_ =	swait.ge @!p0 [sflag:s18], $0x100  }
0x2a: {  	[sflag:s18] =	ssyncset.done @!p0 $0x0  }
0x2b: {  	[sflag:s18] =	ssyncadd.s32 @!p0 $0xFFFFFF00  }
0x2c: {  	[bflag:$0x0] =	sbarrier.arrive $0xFFFF  }
0x2d: {  	s4 =	rddreg [dreg:$0x6]  }
0x2e: {  	[tilespmem:s3], [sflag:$0x5] =	stream.linear.gather [hbm4b:s4+s3], $0x1A00, $0x38;
	[tilespmem:$0x1EC80] =	vst v63  }
0x2f: {  	_ =	swait.ge [sflag:s16], $0x1A00  }
0x30: {  	[sflag:s16] =	ssyncset.done $0x0  }
0x31: {  	[sflag:s16] =	ssyncadd.s32 $0xFFFFE600  }
0x32: {  	[tilespmem:s23], [sflag:$0x1] =	stream.indirect.gather [hbm4b:s1+s22], $0x80, s3, s22, $0xb8;
	[tilespmem:$0x1EC80] =	vst v63  }
0x33: {  	s4 =	simm.s32 $0x1A00;
	s10 =	rddreg [dreg:$0x7]  }
0x34: {  	[tilespmem:s4], [sflag:$0x5] =	stream.linear.gather [hbm4b:s10+s3], $0x1A00, $0x38;
	[tilespmem:$0x1EC80] =	vst v63  }
0x35: {  	_ =	swait.ge [sflag:s16], $0x1A00  }
0x36: {  	[sflag:s16] =	ssyncset.done $0x0  }
0x37: {  	s0 =	simm.s32 $0x100;
	[sflag:s16] =	ssyncadd.s32 $0xFFFFE600  }
0x38: {  	[tilespmem:s26], [sflag:$0x2] =	stream.indirect.gather [hbm4b:s1+s22], $0x80, s0, s22, $0xb8;
	[tilespmem:$0x1EC80] =	vst v63  }
0x39: {  	_ =	swait.ge [sflag:s28], $0x4000  }
0x3a: {  	[sflag:s28] =	ssyncset.done $0x0  }
0x3b: {  	[sflag:s28] =	ssyncadd.s32 $0xFFFFC000  }
0x3c: {  	[spmem:s2] =	stream.indirect.scatter.add.f32 [tilespmem:s23], [sflag:$0x3], $0x80, s22, s22, $0xb8;
	[tilespmem:$0x1EC80] =	vst v63  }
0x3d: {  	_ =	swait.ge [sflag:s29], $0x4000  }
0x3e: {  	[sflag:s29] =	ssyncset.done $0x0  }
0x3f: {  	s6 =	simm.s32 $0x200;
	[sflag:s29] =	ssyncadd.s32 $0xFFFFC000  }
0x40: {  	[tilespmem:s23], [sflag:$0x1] =	stream.indirect.gather [hbm4b:s1+s22], $0x80, s6, s22, $0xb8;
	[tilespmem:$0x1EC80] =	vst v63  }
0x41: {  	_ =	swait.ge [sflag:s31], $0x4000  }
0x42: {  	[sflag:s31] =	ssyncset.done $0x0  }
0x43: {  	s21 =	simm.s32 $0x180;
	[sflag:s31] =	ssyncadd.s32 $0xFFFFC000  }
0x44: {  	[spmem:s2] =	stream.indirect.scatter.add.f32 [tilespmem:s26], [sflag:$0x4], $0x80, s21, s22, $0xb8;
	[tilespmem:$0x1EC80] =	vst v63  }
0x45: {  	_ =	swait.ge [sflag:s5], $0x4000  }
0x46: {  	[sflag:s5] =	ssyncset.done $0x0  }
0x47: {  	s20 =	simm.s32 $0x300;
	[sflag:s5] =	ssyncadd.s32 $0xFFFFC000  }
0x48: {  	[tilespmem:s26], [sflag:$0x2] =	stream.indirect.gather [hbm4b:s1+s22], $0x80, s20, s22, $0xb8;
	[tilespmem:$0x1EC80] =	vst v63  }
0x49: {  	_ =	swait.ge [sflag:s28], $0x4000  }
0x4a: {  	[sflag:s28] =	ssyncset.done $0x0  }
0x4b: {  	s25 =	simm.s32 $0x280;
	[sflag:s28] =	ssyncadd.s32 $0xFFFFC000  }
0x4c: {  	[spmem:s2] =	stream.indirect.scatter.add.f32 [tilespmem:s23], [sflag:$0x3], $0x80, s25, s22, $0xb8;
	[tilespmem:$0x1EC80] =	vst v63  }
0x4d: {  	_ =	swait.ge [sflag:s29], $0x4000  }
0x4e: {  	[sflag:s29] =	ssyncset.done $0x0  }
0x4f: {  	s8 =	simm.s32 $0x400;
	[sflag:s29] =	ssyncadd.s32 $0xFFFFC000  }
0x50: {  	[tilespmem:s23], [sflag:$0x1] =	stream.indirect.gather [hbm4b:s1+s22], $0x80, s8, s22, $0xb8;
	[tilespmem:$0x1EC80] =	vst v63  }
0x51: {  	_ =	swait.ge [sflag:s31], $0x4000  }
0x52: {  	[sflag:s31] =	ssyncset.done $0x0  }
0x53: {  	s24 =	simm.s32 $0x380;
	[sflag:s31] =	ssyncadd.s32 $0xFFFFC000  }
0x54: {  	[spmem:s2] =	stream.indirect.scatter.add.f32 [tilespmem:s26], [sflag:$0x4], $0x80, s24, s22, $0xb8;
	[tilespmem:$0x1EC80] =	vst v63  }
0x55: {  	_ =	swait.ge [sflag:s5], $0x4000  }
0x56: {  	[sflag:s5] =	ssyncset.done $0x0  }
0x57: {  	s9 =	simm.s32 $0x500;
	[sflag:s5] =	ssyncadd.s32 $0xFFFFC000  }
0x58: {  	[tilespmem:s26], [sflag:$0x2] =	stream.indirect.gather [hbm4b:s1+s22], $0x80, s9, s22, $0xb8;
	[tilespmem:$0x1EC80] =	vst v63  }
0x59: {  	_ =	swait.ge [sflag:s28], $0x4000  }
0x5a: {  	[sflag:s28] =	ssyncset.done $0x0  }
0x5b: {  	s19 =	simm.s32 $0x480;
	[sflag:s28] =	ssyncadd.s32 $0xFFFFC000  }
0x5c: {  	[spmem:s2] =	stream.indirect.scatter.add.f32 [tilespmem:s23], [sflag:$0x3], $0x80, s19, s22, $0xb8;
	[tilespmem:$0x1EC80] =	vst v63  }
0x5d: {  	_ =	swait.ge [sflag:s29], $0x4000  }
0x5e: {  	[sflag:s29] =	ssyncset.done $0x0  }
0x5f: {  	s9 =	simm.s32 $0x600;
	[sflag:s29] =	ssyncadd.s32 $0xFFFFC000  }
0x60: {  	[tilespmem:s23], [sflag:$0x1] =	stream.indirect.gather [hbm4b:s1+s22], $0x80, s9, s22, $0xb8;
	[tilespmem:$0x1EC80] =	vst v63  }
0x61: {  	_ =	swait.ge [sflag:s31], $0x4000  }
0x62: {  	[sflag:s31] =	ssyncset.done $0x0  }
0x63: {  	s11 =	simm.s32 $0x580;
	[sflag:s31] =	ssyncadd.s32 $0xFFFFC000  }
0x64: {  	[spmem:s2] =	stream.indirect.scatter.add.f32 [tilespmem:s26], [sflag:$0x4], $0x80, s11, s22, $0xb8;
	[tilespmem:$0x1EC80] =	vst v63  }
0x65: {  	_ =	swait.ge [sflag:s5], $0x4000  }
0x66: {  	[sflag:s5] =	ssyncset.done $0x0  }
0x67: {  	s30 =	simm.s32 $0x700;
	[sflag:s5] =	ssyncadd.s32 $0xFFFFC000  }
0x68: {  	[tilespmem:s26], [sflag:$0x2] =	stream.indirect.gather [hbm4b:s1+s22], $0x80, s30, s22, $0xb8;
	[tilespmem:$0x1EC80] =	vst v63  }
0x69: {  	_ =	swait.ge [sflag:s28], $0x4000  }
0x6a: {  	[sflag:s28] =	ssyncset.done $0x0  }
0x6b: {  	s11 =	simm.s32 $0x680;
	[sflag:s28] =	ssyncadd.s32 $0xFFFFC000  }
0x6c: {  	[spmem:s2] =	stream.indirect.scatter.add.f32 [tilespmem:s23], [sflag:$0x3], $0x80, s11, s22, $0xb8;
	[tilespmem:$0x1EC80] =	vst v63  }
0x6d: {  	_ =	swait.ge [sflag:s29], $0x4000  }
0x6e: {  	[sflag:s29] =	ssyncset.done $0x0  }
0x6f: {  	s14 =	simm.s32 $0x800;
	[sflag:s29] =	ssyncadd.s32 $0xFFFFC000  }
0x70: {  	[tilespmem:s23], [sflag:$0x1] =	stream.indirect.gather [hbm4b:s1+s22], $0x80, s14, s22, $0xb8;
	[tilespmem:$0x1EC80] =	vst v63  }
0x71: {  	_ =	swait.ge [sflag:s31], $0x4000  }
0x72: {  	[sflag:s31] =	ssyncset.done $0x0  }
0x73: {  	s14 =	simm.s32 $0x780;
	[sflag:s31] =	ssyncadd.s32 $0xFFFFC000  }
0x74: {  	[spmem:s2] =	stream.indirect.scatter.add.f32 [tilespmem:s26], [sflag:$0x4], $0x80, s14, s22, $0xb8;
	[tilespmem:$0x1EC80] =	vst v63  }
0x75: {  	_ =	swait.ge [sflag:s5], $0x4000  }
0x76: {  	[sflag:s5] =	ssyncset.done $0x0  }
0x77: {  	s13 =	simm.s32 $0x900;
	[sflag:s5] =	ssyncadd.s32 $0xFFFFC000  }
0x78: {  	[tilespmem:s26], [sflag:$0x2] =	stream.indirect.gather [hbm4b:s1+s22], $0x80, s13, s22, $0xb8;
	[tilespmem:$0x1EC80] =	vst v63  }
0x79: {  	_ =	swait.ge [sflag:s28], $0x4000  }
0x7a: {  	[sflag:s28] =	ssyncset.done $0x0  }
0x7b: {  	s19 =	simm.s32 $0x880;
	[sflag:s28] =	ssyncadd.s32 $0xFFFFC000  }
0x7c: {  	[spmem:s2] =	stream.indirect.scatter.add.f32 [tilespmem:s23], [sflag:$0x3], $0x80, s19, s22, $0xb8;
	[tilespmem:$0x1EC80] =	vst v63  }
0x7d: {  	_ =	swait.ge [sflag:s29], $0x4000  }
0x7e: {  	[sflag:s29] =	ssyncset.done $0x0  }
0x7f: {  	s12 =	simm.s32 $0xA00;
	[sflag:s29] =	ssyncadd.s32 $0xFFFFC000  }
0x80: {  	[tilespmem:s23], [sflag:$0x1] =	stream.indirect.gather [hbm4b:s1+s22], $0x80, s12, s22, $0xb8;
	[tilespmem:$0x1EC80] =	vst v63  }
0x81: {  	_ =	swait.ge [sflag:s31], $0x4000  }
0x82: {  	[sflag:s31] =	ssyncset.done $0x0  }
0x83: {  	s20 =	simm.s32 $0x980;
	[sflag:s31] =	ssyncadd.s32 $0xFFFFC000  }
0x84: {  	[spmem:s2] =	stream.indirect.scatter.add.f32 [tilespmem:s26], [sflag:$0x4], $0x80, s20, s22, $0xb8;
	[tilespmem:$0x1EC80] =	vst v63  }
0x85: {  	_ =	swait.ge [sflag:s5], $0x4000  }
0x86: {  	[sflag:s5] =	ssyncset.done $0x0  }
0x87: {  	s17 =	simm.s32 $0xB00;
	[sflag:s5] =	ssyncadd.s32 $0xFFFFC000  }
0x88: {  	[tilespmem:s26], [sflag:$0x2] =	stream.indirect.gather [hbm4b:s1+s22], $0x80, s17, s22, $0xb8;
	[tilespmem:$0x1EC80] =	vst v63  }
0x89: {  	_ =	swait.ge [sflag:s28], $0x4000  }
0x8a: {  	[sflag:s28] =	ssyncset.done $0x0  }
0x8b: {  	s24 =	simm.s32 $0xA80;
	[sflag:s28] =	ssyncadd.s32 $0xFFFFC000  }
0x8c: {  	[spmem:s2] =	stream.indirect.scatter.add.f32 [tilespmem:s23], [sflag:$0x3], $0x80, s24, s22, $0xb8;
	[tilespmem:$0x1EC80] =	vst v63  }
0x8d: {  	_ =	swait.ge [sflag:s29], $0x4000  }
0x8e: {  	[sflag:s29] =	ssyncset.done $0x0  }
0x8f: {  	s25 =	simm.s32 $0xC00;
	[sflag:s29] =	ssyncadd.s32 $0xFFFFC000  }
0x90: {  	[tilespmem:s23], [sflag:$0x1] =	stream.indirect.gather [hbm4b:s1+s22], $0x80, s25, s22, $0xb8;
	[tilespmem:$0x1EC80] =	vst v63  }
0x91: {  	_ =	swait.ge [sflag:s31], $0x4000  }
0x92: {  	[sflag:s31] =	ssyncset.done $0x0  }
0x93: {  	s4 =	simm.s32 $0xB80;
	[sflag:s31] =	ssyncadd.s32 $0xFFFFC000  }
0x94: {  	[spmem:s2] =	stream.indirect.scatter.add.f32 [tilespmem:s26], [sflag:$0x4], $0x80, s4, s22, $0xb8;
	[tilespmem:$0x1EC80] =	vst v63  }
0x95: {  	_ =	swait.ge [sflag:s5], $0x4000  }
0x96: {  	[sflag:s5] =	ssyncset.done $0x0  }
0x97: {  	s6 =	simm.s32 $0xD00;
	[sflag:s5] =	ssyncadd.s32 $0xFFFFC000  }
0x98: {  	[tilespmem:s26], [sflag:$0x2] =	stream.indirect.gather [hbm4b:s1+s22], $0x80, s6, s22, $0xb8;
	[tilespmem:$0x1EC80] =	vst v63  }
0x99: {  	_ =	swait.ge [sflag:s28], $0x4000  }
0x9a: {  	[sflag:s28] =	ssyncset.done $0x0  }
0x9b: {  	s8 =	simm.s32 $0xC80;
	[sflag:s28] =	ssyncadd.s32 $0xFFFFC000  }
0x9c: {  	[spmem:s2] =	stream.indirect.scatter.add.f32 [tilespmem:s23], [sflag:$0x3], $0x80, s8, s22, $0xb8;
	[tilespmem:$0x1EC80] =	vst v63  }
0x9d: {  	_ =	swait.ge [sflag:s29], $0x4000  }
0x9e: {  	[sflag:s29] =	ssyncset.done $0x0  }
0x9f: {  	s9 =	simm.s32 $0xE00;
	[sflag:s29] =	ssyncadd.s32 $0xFFFFC000  }
0xa0: {  	[tilespmem:s23], [sflag:$0x1] =	stream.indirect.gather [hbm4b:s1+s22], $0x80, s9, s22, $0xb8;
	[tilespmem:$0x1EC80] =	vst v63  }
0xa1: {  	_ =	swait.ge [sflag:s31], $0x4000  }
0xa2: {  	[sflag:s31] =	ssyncset.done $0x0  }
0xa3: {  	s8 =	simm.s32 $0xD80;
	[sflag:s31] =	ssyncadd.s32 $0xFFFFC000  }
0xa4: {  	[spmem:s2] =	stream.indirect.scatter.add.f32 [tilespmem:s26], [sflag:$0x4], $0x80, s8, s22, $0xb8;
	[tilespmem:$0x1EC80] =	vst v63  }
0xa5: {  	_ =	swait.ge [sflag:s5], $0x4000  }
0xa6: {  	[sflag:s5] =	ssyncset.done $0x0  }
0xa7: {  	s11 =	simm.s32 $0xF00;
	[sflag:s5] =	ssyncadd.s32 $0xFFFFC000  }
0xa8: {  	[tilespmem:s26], [sflag:$0x2] =	stream.indirect.gather [hbm4b:s1+s22], $0x80, s11, s22, $0xb8;
	[tilespmem:$0x1EC80] =	vst v63  }
0xa9: {  	_ =	swait.ge [sflag:s28], $0x4000  }
0xaa: {  	[sflag:s28] =	ssyncset.done $0x0  }
0xab: {  	s9 =	simm.s32 $0xE80;
	[sflag:s28] =	ssyncadd.s32 $0xFFFFC000  }
0xac: {  	[spmem:s2] =	stream.indirect.scatter.add.f32 [tilespmem:s23], [sflag:$0x3], $0x80, s9, s22, $0xb8;
	[tilespmem:$0x1EC80] =	vst v63  }
0xad: {  	_ =	swait.ge [sflag:s29], $0x4000  }
0xae: {  	[sflag:s29] =	ssyncset.done $0x0  }
0xaf: {  	s12 =	simm.s32 $0x1000;
	[sflag:s29] =	ssyncadd.s32 $0xFFFFC000  }
0xb0: {  	[tilespmem:s23], [sflag:$0x1] =	stream.indirect.gather [hbm4b:s1+s22], $0x80, s12, s22, $0xb8;
	[tilespmem:$0x1EC80] =	vst v63  }
0xb1: {  	_ =	swait.ge [sflag:s31], $0x4000  }
0xb2: {  	[sflag:s31] =	ssyncset.done $0x0  }
0xb3: {  	s11 =	simm.s32 $0xF80;
	[sflag:s31] =	ssyncadd.s32 $0xFFFFC000  }
0xb4: {  	[spmem:s2] =	stream.indirect.scatter.add.f32 [tilespmem:s26], [sflag:$0x4], $0x80, s11, s22, $0xb8;
	[tilespmem:$0x1EC80] =	vst v63  }
0xb5: {  	_ =	swait.ge [sflag:s5], $0x4000  }
0xb6: {  	[sflag:s5] =	ssyncset.done $0x0  }
0xb7: {  	s13 =	simm.s32 $0x1100;
	[sflag:s5] =	ssyncadd.s32 $0xFFFFC000  }
0xb8: {  	[tilespmem:s26], [sflag:$0x2] =	stream.indirect.gather [hbm4b:s1+s22], $0x80, s13, s22, $0xb8;
	[tilespmem:$0x1EC80] =	vst v63  }
0xb9: {  	_ =	swait.ge [sflag:s28], $0x4000  }
0xba: {  	[sflag:s28] =	ssyncset.done $0x0  }
0xbb: {  	s13 =	simm.s32 $0x1080;
	[sflag:s28] =	ssyncadd.s32 $0xFFFFC000  }
0xbc: {  	[spmem:s2] =	stream.indirect.scatter.add.f32 [tilespmem:s23], [sflag:$0x3], $0x80, s13, s22, $0xb8;
	[tilespmem:$0x1EC80] =	vst v63  }
0xbd: {  	_ =	swait.ge [sflag:s29], $0x4000  }
0xbe: {  	[sflag:s29] =	ssyncset.done $0x0  }
0xbf: {  	s14 =	simm.s32 $0x1200;
	[sflag:s29] =	ssyncadd.s32 $0xFFFFC000  }
0xc0: {  	[tilespmem:s23], [sflag:$0x1] =	stream.indirect.gather [hbm4b:s1+s22], $0x80, s14, s22, $0xb8;
	[tilespmem:$0x1EC80] =	vst v63  }
0xc1: {  	_ =	swait.ge [sflag:s31], $0x4000  }
0xc2: {  	[sflag:s31] =	ssyncset.done $0x0  }
0xc3: {  	s14 =	simm.s32 $0x1180;
	[sflag:s31] =	ssyncadd.s32 $0xFFFFC000  }
0xc4: {  	[spmem:s2] =	stream.indirect.scatter.add.f32 [tilespmem:s26], [sflag:$0x4], $0x80, s14, s22, $0xb8;
	[tilespmem:$0x1EC80] =	vst v63  }
0xc5: {  	_ =	swait.ge [sflag:s5], $0x4000  }
0xc6: {  	[sflag:s5] =	ssyncset.done $0x0  }
0xc7: {  	s17 =	simm.s32 $0x1300;
	[sflag:s5] =	ssyncadd.s32 $0xFFFFC000  }
0xc8: {  	[tilespmem:s26], [sflag:$0x2] =	stream.indirect.gather [hbm4b:s1+s22], $0x80, s17, s22, $0xb8;
	[tilespmem:$0x1EC80] =	vst v63  }
0xc9: {  	_ =	swait.ge [sflag:s28], $0x4000  }
0xca: {  	[sflag:s28] =	ssyncset.done $0x0  }
0xcb: {  	s17 =	simm.s32 $0x1280;
	[sflag:s28] =	ssyncadd.s32 $0xFFFFC000  }
0xcc: {  	[spmem:s2] =	stream.indirect.scatter.add.f32 [tilespmem:s23], [sflag:$0x3], $0x80, s17, s22, $0xb8;
	[tilespmem:$0x1EC80] =	vst v63  }
0xcd: {  	_ =	swait.ge [sflag:s29], $0x4000  }
0xce: {  	[sflag:s29] =	ssyncset.done $0x0  }
0xcf: {  	s19 =	simm.s32 $0x1400;
	[sflag:s29] =	ssyncadd.s32 $0xFFFFC000  }
0xd0: {  	[tilespmem:s23], [sflag:$0x1] =	stream.indirect.gather [hbm4b:s1+s22], $0x80, s19, s22, $0xb8;
	[tilespmem:$0x1EC80] =	vst v63  }
0xd1: {  	_ =	swait.ge [sflag:s31], $0x4000  }
0xd2: {  	[sflag:s31] =	ssyncset.done $0x0  }
0xd3: {  	s19 =	simm.s32 $0x1380;
	[sflag:s31] =	ssyncadd.s32 $0xFFFFC000  }
0xd4: {  	[spmem:s2] =	stream.indirect.scatter.add.f32 [tilespmem:s26], [sflag:$0x4], $0x80, s19, s22, $0xb8;
	[tilespmem:$0x1EC80] =	vst v63  }
0xd5: {  	_ =	swait.ge [sflag:s5], $0x4000  }
0xd6: {  	[sflag:s5] =	ssyncset.done $0x0  }
0xd7: {  	s20 =	simm.s32 $0x1500;
	[sflag:s5] =	ssyncadd.s32 $0xFFFFC000  }
0xd8: {  	[tilespmem:s26], [sflag:$0x2] =	stream.indirect.gather [hbm4b:s1+s22], $0x80, s20, s22, $0xb8;
	[tilespmem:$0x1EC80] =	vst v63  }
0xd9: {  	_ =	swait.ge [sflag:s28], $0x4000  }
0xda: {  	[sflag:s28] =	ssyncset.done $0x0  }
0xdb: {  	s20 =	simm.s32 $0x1480;
	[sflag:s28] =	ssyncadd.s32 $0xFFFFC000  }
0xdc: {  	[spmem:s2] =	stream.indirect.scatter.add.f32 [tilespmem:s23], [sflag:$0x3], $0x80, s20, s22, $0xb8;
	[tilespmem:$0x1EC80] =	vst v63  }
0xdd: {  	_ =	swait.ge [sflag:s29], $0x4000  }
0xde: {  	[sflag:s29] =	ssyncset.done $0x0  }
0xdf: {  	s24 =	simm.s32 $0x1600;
	[sflag:s29] =	ssyncadd.s32 $0xFFFFC000  }
0xe0: {  	[tilespmem:s23], [sflag:$0x1] =	stream.indirect.gather [hbm4b:s1+s22], $0x80, s24, s22, $0xb8;
	[tilespmem:$0x1EC80] =	vst v63  }
0xe1: {  	_ =	swait.ge [sflag:s31], $0x4000  }
0xe2: {  	[sflag:s31] =	ssyncset.done $0x0  }
0xe3: {  	s24 =	simm.s32 $0x1580;
	[sflag:s31] =	ssyncadd.s32 $0xFFFFC000  }
0xe4: {  	[spmem:s2] =	stream.indirect.scatter.add.f32 [tilespmem:s26], [sflag:$0x4], $0x80, s24, s22, $0xb8;
	[tilespmem:$0x1EC80] =	vst v63  }
0xe5: {  	_ =	swait.ge [sflag:s5], $0x4000  }
0xe6: {  	[sflag:s5] =	ssyncset.done $0x0  }
0xe7: {  	s25 =	simm.s32 $0x1700;
	[sflag:s5] =	ssyncadd.s32 $0xFFFFC000  }
0xe8: {  	[tilespmem:s26], [sflag:$0x2] =	stream.indirect.gather [hbm4b:s1+s22], $0x80, s25, s22, $0xb8;
	[tilespmem:$0x1EC80] =	vst v63  }
0xe9: {  	_ =	swait.ge [sflag:s28], $0x4000  }
0xea: {  	[sflag:s28] =	ssyncset.done $0x0  }
0xeb: {  	s25 =	simm.s32 $0x1680;
	[sflag:s28] =	ssyncadd.s32 $0xFFFFC000  }
0xec: {  	[spmem:s2] =	stream.indirect.scatter.add.f32 [tilespmem:s23], [sflag:$0x3], $0x80, s25, s22, $0xb8;
	[tilespmem:$0x1EC80] =	vst v63  }
0xed: {  	_ =	swait.ge [sflag:s29], $0x4000  }
0xee: {  	[sflag:s29] =	ssyncset.done $0x0  }
0xef: {  	s4 =	simm.s32 $0x1800;
	[sflag:s29] =	ssyncadd.s32 $0xFFFFC000  }
0xf0: {  	[tilespmem:s23], [sflag:$0x1] =	stream.indirect.gather [hbm4b:s1+s22], $0x80, s4, s22, $0xb8;
	[tilespmem:$0x1EC80] =	vst v63  }
0xf1: {  	_ =	swait.ge [sflag:s31], $0x4000  }
0xf2: {  	[sflag:s31] =	ssyncset.done $0x0  }
0xf3: {  	s30 =	simm.s32 $0x1780;
	[sflag:s31] =	ssyncadd.s32 $0xFFFFC000  }
0xf4: {  	[spmem:s2] =	stream.indirect.scatter.add.f32 [tilespmem:s26], [sflag:$0x4], $0x80, s30, s22, $0xb8;
	[tilespmem:$0x1EC80] =	vst v63  }
0xf5: {  	_ =	swait.ge [sflag:s5], $0x4000  }
0xf6: {  	[sflag:s5] =	ssyncset.done $0x0  }
0xf7: {  	s12 =	simm.s32 $0x1900;
	[sflag:s5] =	ssyncadd.s32 $0xFFFFC000  }
0xf8: {  	[tilespmem:s26], [sflag:$0x2] =	stream.indirect.gather [hbm4b:s1+s22], $0x80, s12, s22, $0xb8;
	[tilespmem:$0x1EC80] =	vst v63  }
0xf9: {  	_ =	swait.ge [sflag:s28], $0x4000  }
0xfa: {  	[sflag:s28] =	ssyncset.done $0x0  }
0xfb: {  	s0 =	simm.s32 $0x1880;
	[sflag:s28] =	ssyncadd.s32 $0xFFFFC000  }
0xfc: {  	[spmem:s2] =	stream.indirect.scatter.add.f32 [tilespmem:s23], [sflag:$0x3], $0x80, s0, s22, $0xb8;
	[tilespmem:$0x1EC80] =	vst v63  }
0xfd: {  	_ =	swait.ge [sflag:s29], $0x4000  }
0xfe: {  	[sflag:s29] =	ssyncset.done $0x0  }
0xff: {  	s10 =	simm.s32 $0x1A00;
	[sflag:s29] =	ssyncadd.s32 $0xFFFFC000  }
0x100: {  	[tilespmem:s23], [sflag:$0x1] =	stream.indirect.gather [hbm4b:s1+s22], $0x80, s10, s22, $0xb8;
	[tilespmem:$0x1EC80] =	vst v63  }
0x101: {  	_ =	swait.ge [sflag:s31], $0x4000  }
0x102: {  	[sflag:s31] =	ssyncset.done $0x0  }
0x103: {  	s12 =	simm.s32 $0x1980;
	[sflag:s31] =	ssyncadd.s32 $0xFFFFC000  }
0x104: {  	[spmem:s2] =	stream.indirect.scatter.add.f32 [tilespmem:s26], [sflag:$0x4], $0x80, s12, s22, $0xb8;
	[tilespmem:$0x1EC80] =	vst v63  }
0x105: {  	_ =	swait.ge [sflag:s5], $0x4000  }
0x106: {  	[sflag:s5] =	ssyncset.done $0x0  }
0x107: {  	s4 =	simm.s32 $0x1B00;
	[sflag:s5] =	ssyncadd.s32 $0xFFFFC000  }
0x108: {  	[tilespmem:s26], [sflag:$0x2] =	stream.indirect.gather [hbm4b:s1+s22], $0x80, s4, s22, $0xb8;
	[tilespmem:$0x1EC80] =	vst v63  }
0x109: {  	_ =	swait.ge [sflag:s28], $0x4000  }
0x10a: {  	[sflag:s28] =	ssyncset.done $0x0  }
0x10b: {  	s4 =	simm.s32 $0x1A80;
	[sflag:s28] =	ssyncadd.s32 $0xFFFFC000  }
0x10c: {  	[spmem:s2] =	stream.indirect.scatter.add.f32 [tilespmem:s23], [sflag:$0x3], $0x80, s4, s22, $0xb8;
	[tilespmem:$0x1EC80] =	vst v63  }
0x10d: {  	s21 =	simm.s32 $0x5;
	s4 =	rddreg [dreg:$0x8]  }
0x10e: {  	[tilespmem:s3], [sflag:$0x5] =	stream.linear.gather [hbm4b:s4+s3], $0x1A00, $0x38;
	[tilespmem:$0x1EC80] =	vst v63  }
0x10f: {  	_ =	swait.ge [sflag:s21], $0x1A00  }
0x110: {  	[sflag:s21] =	ssyncset.done $0x0  }
0x111: {  	[sflag:s21] =	ssyncadd.s32 $0xFFFFE600  }
0x112: {  	_ =	swait.ge [sflag:s29], $0x4000  }
0x113: {  	[sflag:s29] =	ssyncset.done $0x0  }
0x114: {  	s4 =	simm.s32 $0x1C00;
	[sflag:s29] =	ssyncadd.s32 $0xFFFFC000  }
0x115: {  	[tilespmem:s23], [sflag:$0x1] =	stream.indirect.gather [hbm4b:s1+s22], $0x80, s4, s22, $0xb8;
	[tilespmem:$0x1EC80] =	vst v63  }
0x116: {  	_ =	swait.ge [sflag:s31], $0x4000  }
0x117: {  	[sflag:s31] =	ssyncset.done $0x0  }
0x118: {  	s4 =	simm.s32 $0x1B80;
	[sflag:s31] =	ssyncadd.s32 $0xFFFFC000  }
0x119: {  	[spmem:s2] =	stream.indirect.scatter.add.f32 [tilespmem:s26], [sflag:$0x4], $0x80, s4, s22, $0xb8;
	[tilespmem:$0x1EC80] =	vst v63  }
0x11a: {  	_ =	swait.ge [sflag:s5], $0x4000  }
0x11b: {  	[sflag:s5] =	ssyncset.done $0x0  }
0x11c: {  	s4 =	simm.s32 $0x1D00;
	[sflag:s5] =	ssyncadd.s32 $0xFFFFC000  }
0x11d: {  	[tilespmem:s26], [sflag:$0x2] =	stream.indirect.gather [hbm4b:s1+s22], $0x80, s4, s22, $0xb8;
	[tilespmem:$0x1EC80] =	vst v63  }
0x11e: {  	_ =	swait.ge [sflag:s28], $0x4000  }
0x11f: {  	[sflag:s28] =	ssyncset.done $0x0  }
0x120: {  	s4 =	simm.s32 $0x1C80;
	[sflag:s28] =	ssyncadd.s32 $0xFFFFC000  }
0x121: {  	[spmem:s2] =	stream.indirect.scatter.add.f32 [tilespmem:s23], [sflag:$0x3], $0x80, s4, s22, $0xb8;
	[tilespmem:$0x1EC80] =	vst v63  }
0x122: {  	_ =	swait.ge [sflag:s29], $0x4000  }
0x123: {  	[sflag:s29] =	ssyncset.done $0x0  }
0x124: {  	s4 =	simm.s32 $0x1E00;
	[sflag:s29] =	ssyncadd.s32 $0xFFFFC000  }
0x125: {  	[tilespmem:s23], [sflag:$0x1] =	stream.indirect.gather [hbm4b:s1+s22], $0x80, s4, s22, $0xb8;
	[tilespmem:$0x1EC80] =	vst v63  }
0x126: {  	_ =	swait.ge [sflag:s31], $0x4000  }
0x127: {  	[sflag:s31] =	ssyncset.done $0x0  }
0x128: {  	s4 =	simm.s32 $0x1D80;
	[sflag:s31] =	ssyncadd.s32 $0xFFFFC000  }
0x129: {  	[spmem:s2] =	stream.indirect.scatter.add.f32 [tilespmem:s26], [sflag:$0x4], $0x80, s4, s22, $0xb8;
	[tilespmem:$0x1EC80] =	vst v63  }
0x12a: {  	_ =	swait.ge [sflag:s5], $0x4000  }
0x12b: {  	[sflag:s5] =	ssyncset.done $0x0  }
0x12c: {  	s4 =	simm.s32 $0x1F00;
	[sflag:s5] =	ssyncadd.s32 $0xFFFFC000  }
0x12d: {  	[tilespmem:s26], [sflag:$0x2] =	stream.indirect.gather [hbm4b:s1+s22], $0x80, s4, s22, $0xb8;
	[tilespmem:$0x1EC80] =	vst v63  }
0x12e: {  	_ =	swait.ge [sflag:s28], $0x4000  }
0x12f: {  	[sflag:s28] =	ssyncset.done $0x0  }
0x130: {  	s4 =	simm.s32 $0x1E80;
	[sflag:s28] =	ssyncadd.s32 $0xFFFFC000  }
0x131: {  	[spmem:s2] =	stream.indirect.scatter.add.f32 [tilespmem:s23], [sflag:$0x3], $0x80, s4, s22, $0xb8;
	[tilespmem:$0x1EC80] =	vst v63  }
0x132: {  	_ =	swait.ge [sflag:s29], $0x4000  }
0x133: {  	[sflag:s29] =	ssyncset.done $0x0  }
0x134: {  	s4 =	simm.s32 $0x2000;
	[sflag:s29] =	ssyncadd.s32 $0xFFFFC000  }
0x135: {  	[tilespmem:s23], [sflag:$0x1] =	stream.indirect.gather [hbm4b:s1+s22], $0x80, s4, s22, $0xb8;
	[tilespmem:$0x1EC80] =	vst v63  }
0x136: {  	_ =	swait.ge [sflag:s31], $0x4000  }
0x137: {  	[sflag:s31] =	ssyncset.done $0x0  }
0x138: {  	s4 =	simm.s32 $0x1F80;
	[sflag:s31] =	ssyncadd.s32 $0xFFFFC000  }
0x139: {  	[spmem:s2] =	stream.indirect.scatter.add.f32 [tilespmem:s26], [sflag:$0x4], $0x80, s4, s22, $0xb8;
	[tilespmem:$0x1EC80] =	vst v63  }
0x13a: {  	_ =	swait.ge [sflag:s5], $0x4000  }
0x13b: {  	[sflag:s5] =	ssyncset.done $0x0  }
0x13c: {  	s4 =	simm.s32 $0x2100;
	[sflag:s5] =	ssyncadd.s32 $0xFFFFC000  }
0x13d: {  	[tilespmem:s26], [sflag:$0x2] =	stream.indirect.gather [hbm4b:s1+s22], $0x80, s4, s22, $0xb8;
	[tilespmem:$0x1EC80] =	vst v63  }
0x13e: {  	_ =	swait.ge [sflag:s28], $0x4000  }
0x13f: {  	[sflag:s28] =	ssyncset.done $0x0  }
0x140: {  	s4 =	simm.s32 $0x2080;
	[sflag:s28] =	ssyncadd.s32 $0xFFFFC000  }
0x141: {  	[spmem:s2] =	stream.indirect.scatter.add.f32 [tilespmem:s23], [sflag:$0x3], $0x80, s4, s22, $0xb8;
	[tilespmem:$0x1EC80] =	vst v63  }
0x142: {  	_ =	swait.ge [sflag:s29], $0x4000  }
0x143: {  	[sflag:s29] =	ssyncset.done $0x0  }
0x144: {  	s4 =	simm.s32 $0x2200;
	[sflag:s29] =	ssyncadd.s32 $0xFFFFC000  }
0x145: {  	[tilespmem:s23], [sflag:$0x1] =	stream.indirect.gather [hbm4b:s1+s22], $0x80, s4, s22, $0xb8;
	[tilespmem:$0x1EC80] =	vst v63  }
0x146: {  	_ =	swait.ge [sflag:s31], $0x4000  }
0x147: {  	[sflag:s31] =	ssyncset.done $0x0  }
0x148: {  	s4 =	simm.s32 $0x2180;
	[sflag:s31] =	ssyncadd.s32 $0xFFFFC000  }
0x149: {  	[spmem:s2] =	stream.indirect.scatter.add.f32 [tilespmem:s26], [sflag:$0x4], $0x80, s4, s22, $0xb8;
	[tilespmem:$0x1EC80] =	vst v63  }
0x14a: {  	_ =	swait.ge [sflag:s5], $0x4000  }
0x14b: {  	[sflag:s5] =	ssyncset.done $0x0  }
0x14c: {  	s4 =	simm.s32 $0x2300;
	[sflag:s5] =	ssyncadd.s32 $0xFFFFC000  }
0x14d: {  	[tilespmem:s26], [sflag:$0x2] =	stream.indirect.gather [hbm4b:s1+s22], $0x80, s4, s22, $0xb8;
	[tilespmem:$0x1EC80] =	vst v63  }
0x14e: {  	_ =	swait.ge [sflag:s28], $0x4000  }
0x14f: {  	[sflag:s28] =	ssyncset.done $0x0  }
0x150: {  	s4 =	simm.s32 $0x2280;
	[sflag:s28] =	ssyncadd.s32 $0xFFFFC000  }
0x151: {  	[spmem:s2] =	stream.indirect.scatter.add.f32 [tilespmem:s23], [sflag:$0x3], $0x80, s4, s22, $0xb8;
	[tilespmem:$0x1EC80] =	vst v63  }
0x152: {  	_ =	swait.ge [sflag:s29], $0x4000  }
0x153: {  	[sflag:s29] =	ssyncset.done $0x0  }
0x154: {  	s4 =	simm.s32 $0x2400;
	[sflag:s29] =	ssyncadd.s32 $0xFFFFC000  }
0x155: {  	[tilespmem:s23], [sflag:$0x1] =	stream.indirect.gather [hbm4b:s1+s22], $0x80, s4, s22, $0xb8;
	[tilespmem:$0x1EC80] =	vst v63  }
0x156: {  	_ =	swait.ge [sflag:s31], $0x4000  }
0x157: {  	[sflag:s31] =	ssyncset.done $0x0  }
0x158: {  	s4 =	simm.s32 $0x2380;
	[sflag:s31] =	ssyncadd.s32 $0xFFFFC000  }
0x159: {  	[spmem:s2] =	stream.indirect.scatter.add.f32 [tilespmem:s26], [sflag:$0x4], $0x80, s4, s22, $0xb8;
	[tilespmem:$0x1EC80] =	vst v63  }
0x15a: {  	_ =	swait.ge [sflag:s5], $0x4000  }
0x15b: {  	[sflag:s5] =	ssyncset.done $0x0  }
0x15c: {  	s4 =	simm.s32 $0x2500;
	[sflag:s5] =	ssyncadd.s32 $0xFFFFC000  }
0x15d: {  	[tilespmem:s26], [sflag:$0x2] =	stream.indirect.gather [hbm4b:s1+s22], $0x80, s4, s22, $0xb8;
	[tilespmem:$0x1EC80] =	vst v63  }
0x15e: {  	_ =	swait.ge [sflag:s28], $0x4000  }
0x15f: {  	[sflag:s28] =	ssyncset.done $0x0  }
0x160: {  	s4 =	simm.s32 $0x2480;
	[sflag:s28] =	ssyncadd.s32 $0xFFFFC000  }
0x161: {  	[spmem:s2] =	stream.indirect.scatter.add.f32 [tilespmem:s23], [sflag:$0x3], $0x80, s4, s22, $0xb8;
	[tilespmem:$0x1EC80] =	vst v63  }
0x162: {  	_ =	swait.ge [sflag:s29], $0x4000  }
0x163: {  	[sflag:s29] =	ssyncset.done $0x0  }
0x164: {  	s4 =	simm.s32 $0x2600;
	[sflag:s29] =	ssyncadd.s32 $0xFFFFC000  }
0x165: {  	[tilespmem:s23], [sflag:$0x1] =	stream.indirect.gather [hbm4b:s1+s22], $0x80, s4, s22, $0xb8;
	[tilespmem:$0x1EC80] =	vst v63  }
0x166: {  	_ =	swait.ge [sflag:s31], $0x4000  }
0x167: {  	[sflag:s31] =	ssyncset.done $0x0  }
0x168: {  	s4 =	simm.s32 $0x2580;
	[sflag:s31] =	ssyncadd.s32 $0xFFFFC000  }
0x169: {  	[spmem:s2] =	stream.indirect.scatter.add.f32 [tilespmem:s26], [sflag:$0x4], $0x80, s4, s22, $0xb8;
	[tilespmem:$0x1EC80] =	vst v63  }
0x16a: {  	_ =	swait.ge [sflag:s5], $0x4000  }
0x16b: {  	[sflag:s5] =	ssyncset.done $0x0  }
0x16c: {  	s4 =	simm.s32 $0x2700;
	[sflag:s5] =	ssyncadd.s32 $0xFFFFC000  }
0x16d: {  	[tilespmem:s26], [sflag:$0x2] =	stream.indirect.gather [hbm4b:s1+s22], $0x80, s4, s22, $0xb8;
	[tilespmem:$0x1EC80] =	vst v63  }
0x16e: {  	_ =	swait.ge [sflag:s28], $0x4000  }
0x16f: {  	[sflag:s28] =	ssyncset.done $0x0  }
0x170: {  	s4 =	simm.s32 $0x2680;
	[sflag:s28] =	ssyncadd.s32 $0xFFFFC000  }
0x171: {  	[spmem:s2] =	stream.indirect.scatter.add.f32 [tilespmem:s23], [sflag:$0x3], $0x80, s4, s22, $0xb8;
	[tilespmem:$0x1EC80] =	vst v63  }
0x172: {  	_ =	swait.ge [sflag:s29], $0x4000  }
0x173: {  	[sflag:s29] =	ssyncset.done $0x0  }
0x174: {  	s4 =	simm.s32 $0x2800;
	[sflag:s29] =	ssyncadd.s32 $0xFFFFC000  }
0x175: {  	[tilespmem:s23], [sflag:$0x1] =	stream.indirect.gather [hbm4b:s1+s22], $0x80, s4, s22, $0xb8;
	[tilespmem:$0x1EC80] =	vst v63  }
0x176: {  	_ =	swait.ge [sflag:s31], $0x4000  }
0x177: {  	[sflag:s31] =	ssyncset.done $0x0  }
0x178: {  	s4 =	simm.s32 $0x2780;
	[sflag:s31] =	ssyncadd.s32 $0xFFFFC000  }
0x179: {  	[spmem:s2] =	stream.indirect.scatter.add.f32 [tilespmem:s26], [sflag:$0x4], $0x80, s4, s22, $0xb8;
	[tilespmem:$0x1EC80] =	vst v63  }
0x17a: {  	_ =	swait.ge [sflag:s5], $0x4000  }
0x17b: {  	[sflag:s5] =	ssyncset.done $0x0  }
0x17c: {  	s4 =	simm.s32 $0x2900;
	[sflag:s5] =	ssyncadd.s32 $0xFFFFC000  }
0x17d: {  	[tilespmem:s26], [sflag:$0x2] =	stream.indirect.gather [hbm4b:s1+s22], $0x80, s4, s22, $0xb8;
	[tilespmem:$0x1EC80] =	vst v63  }
0x17e: {  	_ =	swait.ge [sflag:s28], $0x4000  }
0x17f: {  	[sflag:s28] =	ssyncset.done $0x0  }
0x180: {  	s4 =	simm.s32 $0x2880;
	[sflag:s28] =	ssyncadd.s32 $0xFFFFC000  }
0x181: {  	[spmem:s2] =	stream.indirect.scatter.add.f32 [tilespmem:s23], [sflag:$0x3], $0x80, s4, s22, $0xb8;
	[tilespmem:$0x1EC80] =	vst v63  }
0x182: {  	_ =	swait.ge [sflag:s29], $0x4000  }
0x183: {  	[sflag:s29] =	ssyncset.done $0x0  }
0x184: {  	s4 =	simm.s32 $0x2A00;
	[sflag:s29] =	ssyncadd.s32 $0xFFFFC000  }
0x185: {  	[tilespmem:s23], [sflag:$0x1] =	stream.indirect.gather [hbm4b:s1+s22], $0x80, s4, s22, $0xb8;
	[tilespmem:$0x1EC80] =	vst v63  }
0x186: {  	_ =	swait.ge [sflag:s31], $0x4000  }
0x187: {  	[sflag:s31] =	ssyncset.done $0x0  }
0x188: {  	s4 =	simm.s32 $0x2980;
	[sflag:s31] =	ssyncadd.s32 $0xFFFFC000  }
0x189: {  	[spmem:s2] =	stream.indirect.scatter.add.f32 [tilespmem:s26], [sflag:$0x4], $0x80, s4, s22, $0xb8;
	[tilespmem:$0x1EC80] =	vst v63  }
0x18a: {  	_ =	swait.ge [sflag:s5], $0x4000  }
0x18b: {  	[sflag:s5] =	ssyncset.done $0x0  }
0x18c: {  	s4 =	simm.s32 $0x2B00;
	[sflag:s5] =	ssyncadd.s32 $0xFFFFC000  }
0x18d: {  	[tilespmem:s26], [sflag:$0x2] =	stream.indirect.gather [hbm4b:s1+s22], $0x80, s4, s22, $0xb8;
	[tilespmem:$0x1EC80] =	vst v63  }
0x18e: {  	_ =	swait.ge [sflag:s28], $0x4000  }
0x18f: {  	[sflag:s28] =	ssyncset.done $0x0  }
0x190: {  	s4 =	simm.s32 $0x2A80;
	[sflag:s28] =	ssyncadd.s32 $0xFFFFC000  }
0x191: {  	[spmem:s2] =	stream.indirect.scatter.add.f32 [tilespmem:s23], [sflag:$0x3], $0x80, s4, s22, $0xb8;
	[tilespmem:$0x1EC80] =	vst v63  }
0x192: {  	_ =	swait.ge [sflag:s29], $0x4000  }
0x193: {  	[sflag:s29] =	ssyncset.done $0x0  }
0x194: {  	s4 =	simm.s32 $0x2C00;
	[sflag:s29] =	ssyncadd.s32 $0xFFFFC000  }
0x195: {  	[tilespmem:s23], [sflag:$0x1] =	stream.indirect.gather [hbm4b:s1+s22], $0x80, s4, s22, $0xb8;
	[tilespmem:$0x1EC80] =	vst v63  }
0x196: {  	_ =	swait.ge [sflag:s31], $0x4000  }
0x197: {  	[sflag:s31] =	ssyncset.done $0x0  }
0x198: {  	s4 =	simm.s32 $0x2B80;
	[sflag:s31] =	ssyncadd.s32 $0xFFFFC000  }
0x199: {  	[spmem:s2] =	stream.indirect.scatter.add.f32 [tilespmem:s26], [sflag:$0x4], $0x80, s4, s22, $0xb8;
	[tilespmem:$0x1EC80] =	vst v63  }
0x19a: {  	_ =	swait.ge [sflag:s5], $0x4000  }
0x19b: {  	[sflag:s5] =	ssyncset.done $0x0  }
0x19c: {  	s4 =	simm.s32 $0x2D00;
	[sflag:s5] =	ssyncadd.s32 $0xFFFFC000  }
0x19d: {  	[tilespmem:s26], [sflag:$0x2] =	stream.indirect.gather [hbm4b:s1+s22], $0x80, s4, s22, $0xb8;
	[tilespmem:$0x1EC80] =	vst v63  }
0x19e: {  	_ =	swait.ge [sflag:s28], $0x4000  }
0x19f: {  	[sflag:s28] =	ssyncset.done $0x0  }
0x1a0: {  	s4 =	simm.s32 $0x2C80;
	[sflag:s28] =	ssyncadd.s32 $0xFFFFC000  }
0x1a1: {  	[spmem:s2] =	stream.indirect.scatter.add.f32 [tilespmem:s23], [sflag:$0x3], $0x80, s4, s22, $0xb8;
	[tilespmem:$0x1EC80] =	vst v63  }
0x1a2: {  	_ =	swait.ge [sflag:s29], $0x4000  }
0x1a3: {  	[sflag:s29] =	ssyncset.done $0x0  }
0x1a4: {  	s4 =	simm.s32 $0x2E00;
	[sflag:s29] =	ssyncadd.s32 $0xFFFFC000  }
0x1a5: {  	[tilespmem:s23], [sflag:$0x1] =	stream.indirect.gather [hbm4b:s1+s22], $0x80, s4, s22, $0xb8;
	[tilespmem:$0x1EC80] =	vst v63  }
0x1a6: {  	_ =	swait.ge [sflag:s31], $0x4000  }
0x1a7: {  	[sflag:s31] =	ssyncset.done $0x0  }
0x1a8: {  	s4 =	simm.s32 $0x2D80;
	[sflag:s31] =	ssyncadd.s32 $0xFFFFC000  }
0x1a9: {  	[spmem:s2] =	stream.indirect.scatter.add.f32 [tilespmem:s26], [sflag:$0x4], $0x80, s4, s22, $0xb8;
	[tilespmem:$0x1EC80] =	vst v63  }
0x1aa: {  	_ =	swait.ge [sflag:s5], $0x4000  }
0x1ab: {  	[sflag:s5] =	ssyncset.done $0x0  }
0x1ac: {  	s4 =	simm.s32 $0x2F00;
	[sflag:s5] =	ssyncadd.s32 $0xFFFFC000  }
0x1ad: {  	[tilespmem:s26], [sflag:$0x2] =	stream.indirect.gather [hbm4b:s1+s22], $0x80, s4, s22, $0xb8;
	[tilespmem:$0x1EC80] =	vst v63  }
0x1ae: {  	_ =	swait.ge [sflag:s28], $0x4000  }
0x1af: {  	[sflag:s28] =	ssyncset.done $0x0  }
0x1b0: {  	s4 =	simm.s32 $0x2E80;
	[sflag:s28] =	ssyncadd.s32 $0xFFFFC000  }
0x1b1: {  	[spmem:s2] =	stream.indirect.scatter.add.f32 [tilespmem:s23], [sflag:$0x3], $0x80, s4, s22, $0xb8;
	[tilespmem:$0x1EC80] =	vst v63  }
0x1b2: {  	_ =	swait.ge [sflag:s29], $0x4000  }
0x1b3: {  	[sflag:s29] =	ssyncset.done $0x0  }
0x1b4: {  	s4 =	simm.s32 $0x3000;
	[sflag:s29] =	ssyncadd.s32 $0xFFFFC000  }
0x1b5: {  	[tilespmem:s23], [sflag:$0x1] =	stream.indirect.gather [hbm4b:s1+s22], $0x80, s4, s22, $0xb8;
	[tilespmem:$0x1EC80] =	vst v63  }
0x1b6: {  	_ =	swait.ge [sflag:s31], $0x4000  }
0x1b7: {  	[sflag:s31] =	ssyncset.done $0x0  }
0x1b8: {  	s4 =	simm.s32 $0x2F80;
	[sflag:s31] =	ssyncadd.s32 $0xFFFFC000  }
0x1b9: {  	[spmem:s2] =	stream.indirect.scatter.add.f32 [tilespmem:s26], [sflag:$0x4], $0x80, s4, s22, $0xb8;
	[tilespmem:$0x1EC80] =	vst v63  }
0x1ba: {  	_ =	swait.ge [sflag:s5], $0x4000  }
0x1bb: {  	[sflag:s5] =	ssyncset.done $0x0  }
0x1bc: {  	s4 =	simm.s32 $0x3100;
	[sflag:s5] =	ssyncadd.s32 $0xFFFFC000  }
0x1bd: {  	[tilespmem:s26], [sflag:$0x2] =	stream.indirect.gather [hbm4b:s1+s22], $0x80, s4, s22, $0xb8;
	[tilespmem:$0x1EC80] =	vst v63  }
0x1be: {  	_ =	swait.ge [sflag:s28], $0x4000  }
0x1bf: {  	[sflag:s28] =	ssyncset.done $0x0  }
0x1c0: {  	s4 =	simm.s32 $0x3080;
	[sflag:s28] =	ssyncadd.s32 $0xFFFFC000  }
0x1c1: {  	[spmem:s2] =	stream.indirect.scatter.add.f32 [tilespmem:s23], [sflag:$0x3], $0x80, s4, s22, $0xb8;
	[tilespmem:$0x1EC80] =	vst v63  }
0x1c2: {  	_ =	swait.ge [sflag:s29], $0x4000  }
0x1c3: {  	[sflag:s29] =	ssyncset.done $0x0  }
0x1c4: {  	s4 =	simm.s32 $0x3200;
	[sflag:s29] =	ssyncadd.s32 $0xFFFFC000  }
0x1c5: {  	[tilespmem:s23], [sflag:$0x1] =	stream.indirect.gather [hbm4b:s1+s22], $0x80, s4, s22, $0xb8;
	[tilespmem:$0x1EC80] =	vst v63  }
0x1c6: {  	_ =	swait.ge [sflag:s31], $0x4000  }
0x1c7: {  	[sflag:s31] =	ssyncset.done $0x0  }
0x1c8: {  	s4 =	simm.s32 $0x3180;
	[sflag:s31] =	ssyncadd.s32 $0xFFFFC000  }
0x1c9: {  	[spmem:s2] =	stream.indirect.scatter.add.f32 [tilespmem:s26], [sflag:$0x4], $0x80, s4, s22, $0xb8;
	[tilespmem:$0x1EC80] =	vst v63  }
0x1ca: {  	_ =	swait.ge [sflag:s5], $0x4000  }
0x1cb: {  	[sflag:s5] =	ssyncset.done $0x0  }
0x1cc: {  	s4 =	simm.s32 $0x3300;
	[sflag:s5] =	ssyncadd.s32 $0xFFFFC000  }
0x1cd: {  	[tilespmem:s26], [sflag:$0x2] =	stream.indirect.gather [hbm4b:s1+s22], $0x80, s4, s22, $0xb8;
	[tilespmem:$0x1EC80] =	vst v63  }
0x1ce: {  	_ =	swait.ge [sflag:s28], $0x4000  }
0x1cf: {  	[sflag:s28] =	ssyncset.done $0x0  }
0x1d0: {  	s4 =	simm.s32 $0x3280;
	[sflag:s28] =	ssyncadd.s32 $0xFFFFC000  }
0x1d1: {  	[spmem:s2] =	stream.indirect.scatter.add.f32 [tilespmem:s23], [sflag:$0x3], $0x80, s4, s22, $0xb8;
	[tilespmem:$0x1EC80] =	vst v63  }
0x1d2: {  	_ =	swait.ge [sflag:s29], $0x4000  }
0x1d3: {  	[sflag:s29] =	ssyncset.done $0x0  }
0x1d4: {  	[sflag:s29] =	ssyncadd.s32 $0xFFFFC000  }
0x1d5: {  	[tilespmem:s23], [sflag:$0x1] =	stream.indirect.gather [hbm4b:s1+s22], $0x80, s3, s22, $0xb8;
	[tilespmem:$0x1EC80] =	vst v63  }
0x1d6: {  	_ =	swait.ge [sflag:s31], $0x4000  }
0x1d7: {  	[sflag:s31] =	ssyncset.done $0x0  }
0x1d8: {  	s4 =	simm.s32 $0x3380;
	[sflag:s31] =	ssyncadd.s32 $0xFFFFC000  }
0x1d9: {  	[spmem:s2] =	stream.indirect.scatter.add.f32 [tilespmem:s26], [sflag:$0x4], $0x80, s4, s22, $0xb8;
	[tilespmem:$0x1EC80] =	vst v63  }
0x1da: {  	_ =	swait.ge [sflag:s5], $0x4000  }
0x1db: {  	[sflag:s5] =	ssyncset.done $0x0  }
0x1dc: {  	s16 =	simm.s32 $0x100;
	[sflag:s5] =	ssyncadd.s32 $0xFFFFC000  }
0x1dd: {  	[tilespmem:s26], [sflag:$0x2] =	stream.indirect.gather [hbm4b:s1+s22], $0x80, s16, s22, $0xb8;
	[tilespmem:$0x1EC80] =	vst v63  }
0x1de: {  	_ =	swait.ge [sflag:s28], $0x4000  }
0x1df: {  	[sflag:s28] =	ssyncset.done $0x0  }
0x1e0: {  	[sflag:s28] =	ssyncadd.s32 $0xFFFFC000  }
0x1e1: {  	[spmem:s2] =	stream.indirect.scatter.add.f32 [tilespmem:s23], [sflag:$0x3], $0x80, s22, s22, $0xb8;
	[tilespmem:$0x1EC80] =	vst v63  }
0x1e2: {  	_ =	swait.ge [sflag:s29], $0x4000  }
0x1e3: {  	[sflag:s29] =	ssyncset.done $0x0  }
0x1e4: {  	s16 =	simm.s32 $0x200;
	[sflag:s29] =	ssyncadd.s32 $0xFFFFC000  }
0x1e5: {  	[tilespmem:s23], [sflag:$0x1] =	stream.indirect.gather [hbm4b:s1+s22], $0x80, s16, s22, $0xb8;
	[tilespmem:$0x1EC80] =	vst v63  }
0x1e6: {  	_ =	swait.ge [sflag:s31], $0x4000  }
0x1e7: {  	[sflag:s31] =	ssyncset.done $0x0  }
0x1e8: {  	s4 =	simm.s32 $0x180;
	[sflag:s31] =	ssyncadd.s32 $0xFFFFC000  }
0x1e9: {  	[spmem:s2] =	stream.indirect.scatter.add.f32 [tilespmem:s26], [sflag:$0x4], $0x80, s4, s22, $0xb8;
	[tilespmem:$0x1EC80] =	vst v63  }
0x1ea: {  	_ =	swait.ge [sflag:s5], $0x4000  }
0x1eb: {  	[sflag:s5] =	ssyncset.done $0x0  }
0x1ec: {  	s16 =	simm.s32 $0x300;
	[sflag:s5] =	ssyncadd.s32 $0xFFFFC000  }
0x1ed: {  	[tilespmem:s26], [sflag:$0x2] =	stream.indirect.gather [hbm4b:s1+s22], $0x80, s16, s22, $0xb8;
	[tilespmem:$0x1EC80] =	vst v63  }
0x1ee: {  	_ =	swait.ge [sflag:s28], $0x4000  }
0x1ef: {  	[sflag:s28] =	ssyncset.done $0x0  }
0x1f0: {  	s4 =	simm.s32 $0x280;
	[sflag:s28] =	ssyncadd.s32 $0xFFFFC000  }
0x1f1: {  	[spmem:s2] =	stream.indirect.scatter.add.f32 [tilespmem:s23], [sflag:$0x3], $0x80, s4, s22, $0xb8;
	[tilespmem:$0x1EC80] =	vst v63  }
0x1f2: {  	_ =	swait.ge [sflag:s29], $0x4000  }
0x1f3: {  	[sflag:s29] =	ssyncset.done $0x0  }
0x1f4: {  	s16 =	simm.s32 $0x400;
	[sflag:s29] =	ssyncadd.s32 $0xFFFFC000  }
0x1f5: {  	[tilespmem:s23], [sflag:$0x1] =	stream.indirect.gather [hbm4b:s1+s22], $0x80, s16, s22, $0xb8;
	[tilespmem:$0x1EC80] =	vst v63  }
0x1f6: {  	_ =	swait.ge [sflag:s31], $0x4000  }
0x1f7: {  	[sflag:s31] =	ssyncset.done $0x0  }
0x1f8: {  	s4 =	simm.s32 $0x380;
	[sflag:s31] =	ssyncadd.s32 $0xFFFFC000  }
0x1f9: {  	[spmem:s2] =	stream.indirect.scatter.add.f32 [tilespmem:s26], [sflag:$0x4], $0x80, s4, s22, $0xb8;
	[tilespmem:$0x1EC80] =	vst v63  }
0x1fa: {  	_ =	swait.ge [sflag:s5], $0x4000  }
0x1fb: {  	[sflag:s5] =	ssyncset.done $0x0  }
0x1fc: {  	s16 =	simm.s32 $0x500;
	[sflag:s5] =	ssyncadd.s32 $0xFFFFC000  }
0x1fd: {  	[tilespmem:s26], [sflag:$0x2] =	stream.indirect.gather [hbm4b:s1+s22], $0x80, s16, s22, $0xb8;
	[tilespmem:$0x1EC80] =	vst v63  }
0x1fe: {  	_ =	swait.ge [sflag:s28], $0x4000  }
0x1ff: {  	[sflag:s28] =	ssyncset.done $0x0  }
0x200: {  	s4 =	simm.s32 $0x480;
	[sflag:s28] =	ssyncadd.s32 $0xFFFFC000  }
0x201: {  	[spmem:s2] =	stream.indirect.scatter.add.f32 [tilespmem:s23], [sflag:$0x3], $0x80, s4, s22, $0xb8;
	[tilespmem:$0x1EC80] =	vst v63  }
0x202: {  	_ =	swait.ge [sflag:s29], $0x4000  }
0x203: {  	[sflag:s29] =	ssyncset.done $0x0  }
0x204: {  	s16 =	simm.s32 $0x600;
	[sflag:s29] =	ssyncadd.s32 $0xFFFFC000  }
0x205: {  	[tilespmem:s23], [sflag:$0x1] =	stream.indirect.gather [hbm4b:s1+s22], $0x80, s16, s22, $0xb8;
	[tilespmem:$0x1EC80] =	vst v63  }
0x206: {  	_ =	swait.ge [sflag:s31], $0x4000  }
0x207: {  	[sflag:s31] =	ssyncset.done $0x0  }
0x208: {  	s4 =	simm.s32 $0x580;
	[sflag:s31] =	ssyncadd.s32 $0xFFFFC000  }
0x209: {  	[spmem:s2] =	stream.indirect.scatter.add.f32 [tilespmem:s26], [sflag:$0x4], $0x80, s4, s22, $0xb8;
	[tilespmem:$0x1EC80] =	vst v63  }
0x20a: {  	_ =	swait.ge [sflag:s5], $0x4000  }
0x20b: {  	[sflag:s5] =	ssyncset.done $0x0  }
0x20c: {  	s16 =	simm.s32 $0x700;
	[sflag:s5] =	ssyncadd.s32 $0xFFFFC000  }
0x20d: {  	[tilespmem:s26], [sflag:$0x2] =	stream.indirect.gather [hbm4b:s1+s22], $0x80, s16, s22, $0xb8;
	[tilespmem:$0x1EC80] =	vst v63  }
0x20e: {  	_ =	swait.ge [sflag:s28], $0x4000  }
0x20f: {  	[sflag:s28] =	ssyncset.done $0x0  }
0x210: {  	s4 =	simm.s32 $0x680;
	[sflag:s28] =	ssyncadd.s32 $0xFFFFC000  }
0x211: {  	[spmem:s2] =	stream.indirect.scatter.add.f32 [tilespmem:s23], [sflag:$0x3], $0x80, s4, s22, $0xb8;
	[tilespmem:$0x1EC80] =	vst v63  }
0x212: {  	_ =	swait.ge [sflag:s29], $0x4000  }
0x213: {  	[sflag:s29] =	ssyncset.done $0x0  }
0x214: {  	s16 =	simm.s32 $0x800;
	[sflag:s29] =	ssyncadd.s32 $0xFFFFC000  }
0x215: {  	[tilespmem:s23], [sflag:$0x1] =	stream.indirect.gather [hbm4b:s1+s22], $0x80, s16, s22, $0xb8;
	[tilespmem:$0x1EC80] =	vst v63  }
0x216: {  	_ =	swait.ge [sflag:s31], $0x4000  }
0x217: {  	[sflag:s31] =	ssyncset.done $0x0  }
0x218: {  	s4 =	simm.s32 $0x780;
	[sflag:s31] =	ssyncadd.s32 $0xFFFFC000  }
0x219: {  	[spmem:s2] =	stream.indirect.scatter.add.f32 [tilespmem:s26], [sflag:$0x4], $0x80, s4, s22, $0xb8;
	[tilespmem:$0x1EC80] =	vst v63  }
0x21a: {  	_ =	swait.ge [sflag:s5], $0x4000  }
0x21b: {  	[sflag:s5] =	ssyncset.done $0x0  }
0x21c: {  	s16 =	simm.s32 $0x900;
	[sflag:s5] =	ssyncadd.s32 $0xFFFFC000  }
0x21d: {  	[tilespmem:s26], [sflag:$0x2] =	stream.indirect.gather [hbm4b:s1+s22], $0x80, s16, s22, $0xb8;
	[tilespmem:$0x1EC80] =	vst v63  }
0x21e: {  	_ =	swait.ge [sflag:s28], $0x4000  }
0x21f: {  	[sflag:s28] =	ssyncset.done $0x0  }
0x220: {  	s4 =	simm.s32 $0x880;
	[sflag:s28] =	ssyncadd.s32 $0xFFFFC000  }
0x221: {  	[spmem:s2] =	stream.indirect.scatter.add.f32 [tilespmem:s23], [sflag:$0x3], $0x80, s4, s22, $0xb8;
	[tilespmem:$0x1EC80] =	vst v63  }
0x222: {  	_ =	swait.ge [sflag:s29], $0x4000  }
0x223: {  	[sflag:s29] =	ssyncset.done $0x0  }
0x224: {  	s16 =	simm.s32 $0xA00;
	[sflag:s29] =	ssyncadd.s32 $0xFFFFC000  }
0x225: {  	[tilespmem:s23], [sflag:$0x1] =	stream.indirect.gather [hbm4b:s1+s22], $0x80, s16, s22, $0xb8;
	[tilespmem:$0x1EC80] =	vst v63  }
0x226: {  	_ =	swait.ge [sflag:s31], $0x4000  }
0x227: {  	[sflag:s31] =	ssyncset.done $0x0  }
0x228: {  	s4 =	simm.s32 $0x980;
	[sflag:s31] =	ssyncadd.s32 $0xFFFFC000  }
0x229: {  	[spmem:s2] =	stream.indirect.scatter.add.f32 [tilespmem:s26], [sflag:$0x4], $0x80, s4, s22, $0xb8;
	[tilespmem:$0x1EC80] =	vst v63  }
0x22a: {  	_ =	swait.ge [sflag:s5], $0x4000  }
0x22b: {  	[sflag:s5] =	ssyncset.done $0x0  }
0x22c: {  	s16 =	simm.s32 $0xB00;
	[sflag:s5] =	ssyncadd.s32 $0xFFFFC000  }
0x22d: {  	[tilespmem:s26], [sflag:$0x2] =	stream.indirect.gather [hbm4b:s1+s22], $0x80, s16, s22, $0xb8;
	[tilespmem:$0x1EC80] =	vst v63  }
0x22e: {  	_ =	swait.ge [sflag:s28], $0x4000  }
0x22f: {  	[sflag:s28] =	ssyncset.done $0x0  }
0x230: {  	s4 =	simm.s32 $0xA80;
	[sflag:s28] =	ssyncadd.s32 $0xFFFFC000  }
0x231: {  	[spmem:s2] =	stream.indirect.scatter.add.f32 [tilespmem:s23], [sflag:$0x3], $0x80, s4, s22, $0xb8;
	[tilespmem:$0x1EC80] =	vst v63  }
0x232: {  	_ =	swait.ge [sflag:s29], $0x4000  }
0x233: {  	[sflag:s29] =	ssyncset.done $0x0  }
0x234: {  	s16 =	simm.s32 $0xC00;
	[sflag:s29] =	ssyncadd.s32 $0xFFFFC000  }
0x235: {  	[tilespmem:s23], [sflag:$0x1] =	stream.indirect.gather [hbm4b:s1+s22], $0x80, s16, s22, $0xb8;
	[tilespmem:$0x1EC80] =	vst v63  }
0x236: {  	_ =	swait.ge [sflag:s31], $0x4000  }
0x237: {  	[sflag:s31] =	ssyncset.done $0x0  }
0x238: {  	s4 =	simm.s32 $0xB80;
	[sflag:s31] =	ssyncadd.s32 $0xFFFFC000  }
0x239: {  	[spmem:s2] =	stream.indirect.scatter.add.f32 [tilespmem:s26], [sflag:$0x4], $0x80, s4, s22, $0xb8;
	[tilespmem:$0x1EC80] =	vst v63  }
0x23a: {  	_ =	swait.ge [sflag:s5], $0x4000  }
0x23b: {  	[sflag:s5] =	ssyncset.done $0x0  }
0x23c: {  	s16 =	simm.s32 $0xD00;
	[sflag:s5] =	ssyncadd.s32 $0xFFFFC000  }
0x23d: {  	[tilespmem:s26], [sflag:$0x2] =	stream.indirect.gather [hbm4b:s1+s22], $0x80, s16, s22, $0xb8;
	[tilespmem:$0x1EC80] =	vst v63  }
0x23e: {  	_ =	swait.ge [sflag:s28], $0x4000  }
0x23f: {  	[sflag:s28] =	ssyncset.done $0x0  }
0x240: {  	s4 =	simm.s32 $0xC80;
	[sflag:s28] =	ssyncadd.s32 $0xFFFFC000  }
0x241: {  	[spmem:s2] =	stream.indirect.scatter.add.f32 [tilespmem:s23], [sflag:$0x3], $0x80, s4, s22, $0xb8;
	[tilespmem:$0x1EC80] =	vst v63  }
0x242: {  	_ =	swait.ge [sflag:s29], $0x4000  }
0x243: {  	[sflag:s29] =	ssyncset.done $0x0  }
0x244: {  	s6 =	simm.s32 $0xE00;
	[sflag:s29] =	ssyncadd.s32 $0xFFFFC000  }
0x245: {  	[tilespmem:s23], [sflag:$0x1] =	stream.indirect.gather [hbm4b:s1+s22], $0x80, s6, s22, $0xb8;
	[tilespmem:$0x1EC80] =	vst v63  }
0x246: {  	_ =	swait.ge [sflag:s31], $0x4000  }
0x247: {  	[sflag:s31] =	ssyncset.done $0x0  }
0x248: {  	[sflag:s31] =	ssyncadd.s32 $0xFFFFC000  }
0x249: {  	[spmem:s2] =	stream.indirect.scatter.add.f32 [tilespmem:s26], [sflag:$0x4], $0x80, s8, s22, $0xb8;
	[tilespmem:$0x1EC80] =	vst v63  }
0x24a: {  	_ =	swait.ge [sflag:s5], $0x4000  }
0x24b: {  	[sflag:s5] =	ssyncset.done $0x0  }
0x24c: {  	s16 =	simm.s32 $0xF00;
	[sflag:s5] =	ssyncadd.s32 $0xFFFFC000  }
0x24d: {  	[tilespmem:s26], [sflag:$0x2] =	stream.indirect.gather [hbm4b:s1+s22], $0x80, s16, s22, $0xb8;
	[tilespmem:$0x1EC80] =	vst v63  }
0x24e: {  	_ =	swait.ge [sflag:s28], $0x4000  }
0x24f: {  	[sflag:s28] =	ssyncset.done $0x0  }
0x250: {  	[sflag:s28] =	ssyncadd.s32 $0xFFFFC000  }
0x251: {  	[spmem:s2] =	stream.indirect.scatter.add.f32 [tilespmem:s23], [sflag:$0x3], $0x80, s9, s22, $0xb8;
	[tilespmem:$0x1EC80] =	vst v63  }
0x252: {  	_ =	swait.ge [sflag:s29], $0x4000  }
0x253: {  	[sflag:s29] =	ssyncset.done $0x0  }
0x254: {  	s4 =	simm.s32 $0x1000;
	[sflag:s29] =	ssyncadd.s32 $0xFFFFC000  }
0x255: {  	[tilespmem:s23], [sflag:$0x1] =	stream.indirect.gather [hbm4b:s1+s22], $0x80, s4, s22, $0xb8;
	[tilespmem:$0x1EC80] =	vst v63  }
0x256: {  	_ =	swait.ge [sflag:s31], $0x4000  }
0x257: {  	[sflag:s31] =	ssyncset.done $0x0  }
0x258: {  	[sflag:s31] =	ssyncadd.s32 $0xFFFFC000  }
0x259: {  	[spmem:s2] =	stream.indirect.scatter.add.f32 [tilespmem:s26], [sflag:$0x4], $0x80, s11, s22, $0xb8;
	[tilespmem:$0x1EC80] =	vst v63  }
0x25a: {  	_ =	swait.ge [sflag:s5], $0x4000  }
0x25b: {  	[sflag:s5] =	ssyncset.done $0x0  }
0x25c: {  	s8 =	simm.s32 $0x1100;
	[sflag:s5] =	ssyncadd.s32 $0xFFFFC000  }
0x25d: {  	[tilespmem:s26], [sflag:$0x2] =	stream.indirect.gather [hbm4b:s1+s22], $0x80, s8, s22, $0xb8;
	[tilespmem:$0x1EC80] =	vst v63  }
0x25e: {  	_ =	swait.ge [sflag:s28], $0x4000  }
0x25f: {  	[sflag:s28] =	ssyncset.done $0x0  }
0x260: {  	[sflag:s28] =	ssyncadd.s32 $0xFFFFC000  }
0x261: {  	[spmem:s2] =	stream.indirect.scatter.add.f32 [tilespmem:s23], [sflag:$0x3], $0x80, s13, s22, $0xb8;
	[tilespmem:$0x1EC80] =	vst v63  }
0x262: {  	_ =	swait.ge [sflag:s29], $0x4000  }
0x263: {  	[sflag:s29] =	ssyncset.done $0x0  }
0x264: {  	s9 =	simm.s32 $0x1200;
	[sflag:s29] =	ssyncadd.s32 $0xFFFFC000  }
0x265: {  	[tilespmem:s23], [sflag:$0x1] =	stream.indirect.gather [hbm4b:s1+s22], $0x80, s9, s22, $0xb8;
	[tilespmem:$0x1EC80] =	vst v63  }
0x266: {  	_ =	swait.ge [sflag:s31], $0x4000  }
0x267: {  	[sflag:s31] =	ssyncset.done $0x0  }
0x268: {  	[sflag:s31] =	ssyncadd.s32 $0xFFFFC000  }
0x269: {  	[spmem:s2] =	stream.indirect.scatter.add.f32 [tilespmem:s26], [sflag:$0x4], $0x80, s14, s22, $0xb8;
	[tilespmem:$0x1EC80] =	vst v63  }
0x26a: {  	_ =	swait.ge [sflag:s5], $0x4000  }
0x26b: {  	[sflag:s5] =	ssyncset.done $0x0  }
0x26c: {  	s10 =	simm.s32 $0x1300;
	[sflag:s5] =	ssyncadd.s32 $0xFFFFC000  }
0x26d: {  	[tilespmem:s26], [sflag:$0x2] =	stream.indirect.gather [hbm4b:s1+s22], $0x80, s10, s22, $0xb8;
	[tilespmem:$0x1EC80] =	vst v63  }
0x26e: {  	_ =	swait.ge [sflag:s28], $0x4000  }
0x26f: {  	[sflag:s28] =	ssyncset.done $0x0  }
0x270: {  	[sflag:s28] =	ssyncadd.s32 $0xFFFFC000  }
0x271: {  	[spmem:s2] =	stream.indirect.scatter.add.f32 [tilespmem:s23], [sflag:$0x3], $0x80, s17, s22, $0xb8;
	[tilespmem:$0x1EC80] =	vst v63  }
0x272: {  	_ =	swait.ge [sflag:s29], $0x4000  }
0x273: {  	[sflag:s29] =	ssyncset.done $0x0  }
0x274: {  	s11 =	simm.s32 $0x1400;
	[sflag:s29] =	ssyncadd.s32 $0xFFFFC000  }
0x275: {  	[tilespmem:s23], [sflag:$0x1] =	stream.indirect.gather [hbm4b:s1+s22], $0x80, s11, s22, $0xb8;
	[tilespmem:$0x1EC80] =	vst v63  }
0x276: {  	_ =	swait.ge [sflag:s31], $0x4000  }
0x277: {  	[sflag:s31] =	ssyncset.done $0x0  }
0x278: {  	[sflag:s31] =	ssyncadd.s32 $0xFFFFC000  }
0x279: {  	[spmem:s2] =	stream.indirect.scatter.add.f32 [tilespmem:s26], [sflag:$0x4], $0x80, s19, s22, $0xb8;
	[tilespmem:$0x1EC80] =	vst v63  }
0x27a: {  	_ =	swait.ge [sflag:s5], $0x4000  }
0x27b: {  	[sflag:s5] =	ssyncset.done $0x0  }
0x27c: {  	s13 =	simm.s32 $0x1500;
	[sflag:s5] =	ssyncadd.s32 $0xFFFFC000  }
0x27d: {  	[tilespmem:s26], [sflag:$0x2] =	stream.indirect.gather [hbm4b:s1+s22], $0x80, s13, s22, $0xb8;
	[tilespmem:$0x1EC80] =	vst v63  }
0x27e: {  	_ =	swait.ge [sflag:s28], $0x4000  }
0x27f: {  	[sflag:s28] =	ssyncset.done $0x0  }
0x280: {  	[sflag:s28] =	ssyncadd.s32 $0xFFFFC000  }
0x281: {  	[spmem:s2] =	stream.indirect.scatter.add.f32 [tilespmem:s23], [sflag:$0x3], $0x80, s20, s22, $0xb8;
	[tilespmem:$0x1EC80] =	vst v63  }
0x282: {  	_ =	swait.ge [sflag:s29], $0x4000  }
0x283: {  	[sflag:s29] =	ssyncset.done $0x0  }
0x284: {  	s14 =	simm.s32 $0x1600;
	[sflag:s29] =	ssyncadd.s32 $0xFFFFC000  }
0x285: {  	[tilespmem:s23], [sflag:$0x1] =	stream.indirect.gather [hbm4b:s1+s22], $0x80, s14, s22, $0xb8;
	[tilespmem:$0x1EC80] =	vst v63  }
0x286: {  	_ =	swait.ge [sflag:s31], $0x4000  }
0x287: {  	[sflag:s31] =	ssyncset.done $0x0  }
0x288: {  	[sflag:s31] =	ssyncadd.s32 $0xFFFFC000  }
0x289: {  	[spmem:s2] =	stream.indirect.scatter.add.f32 [tilespmem:s26], [sflag:$0x4], $0x80, s24, s22, $0xb8;
	[tilespmem:$0x1EC80] =	vst v63  }
0x28a: {  	_ =	swait.ge [sflag:s5], $0x4000  }
0x28b: {  	[sflag:s5] =	ssyncset.done $0x0  }
0x28c: {  	s16 =	simm.s32 $0x1700;
	[sflag:s5] =	ssyncadd.s32 $0xFFFFC000  }
0x28d: {  	[tilespmem:s26], [sflag:$0x2] =	stream.indirect.gather [hbm4b:s1+s22], $0x80, s16, s22, $0xb8;
	[tilespmem:$0x1EC80] =	vst v63  }
0x28e: {  	_ =	swait.ge [sflag:s28], $0x4000  }
0x28f: {  	[sflag:s28] =	ssyncset.done $0x0  }
0x290: {  	[sflag:s28] =	ssyncadd.s32 $0xFFFFC000  }
0x291: {  	[spmem:s2] =	stream.indirect.scatter.add.f32 [tilespmem:s23], [sflag:$0x3], $0x80, s25, s22, $0xb8;
	[tilespmem:$0x1EC80] =	vst v63  }
0x292: {  	_ =	swait.ge [sflag:s29], $0x4000  }
0x293: {  	[sflag:s29] =	ssyncset.done $0x0  }
0x294: {  	s17 =	simm.s32 $0x1800;
	[sflag:s29] =	ssyncadd.s32 $0xFFFFC000  }
0x295: {  	[tilespmem:s23], [sflag:$0x1] =	stream.indirect.gather [hbm4b:s1+s22], $0x80, s17, s22, $0xb8;
	[tilespmem:$0x1EC80] =	vst v63  }
0x296: {  	_ =	swait.ge [sflag:s31], $0x4000  }
0x297: {  	[sflag:s31] =	ssyncset.done $0x0  }
0x298: {  	[sflag:s31] =	ssyncadd.s32 $0xFFFFC000  }
0x299: {  	[spmem:s2] =	stream.indirect.scatter.add.f32 [tilespmem:s26], [sflag:$0x4], $0x80, s30, s22, $0xb8;
	[tilespmem:$0x1EC80] =	vst v63  }
0x29a: {  	_ =	swait.ge [sflag:s5], $0x4000  }
0x29b: {  	[sflag:s5] =	ssyncset.done $0x0  }
0x29c: {  	s19 =	simm.s32 $0x1900;
	[sflag:s5] =	ssyncadd.s32 $0xFFFFC000  }
0x29d: {  	[tilespmem:s26], [sflag:$0x2] =	stream.indirect.gather [hbm4b:s1+s22], $0x80, s19, s22, $0xb8;
	[tilespmem:$0x1EC80] =	vst v63  }
0x29e: {  	_ =	swait.ge [sflag:s28], $0x4000  }
0x29f: {  	[sflag:s28] =	ssyncset.done $0x0  }
0x2a0: {  	[sflag:s28] =	ssyncadd.s32 $0xFFFFC000  }
0x2a1: {  	[spmem:s2] =	stream.indirect.scatter.add.f32 [tilespmem:s23], [sflag:$0x3], $0x80, s0, s22, $0xb8;
	[tilespmem:$0x1EC80] =	vst v63  }
0x2a2: {  	_ =	swait.ge [sflag:s31], $0x4000  }
0x2a3: {  	[sflag:s31] =	ssyncset.done $0x0  }
0x2a4: {  	[sflag:s31] =	ssyncadd.s32 $0xFFFFC000  }
0x2a5: {  	[spmem:s2] =	stream.indirect.scatter.add.f32 [tilespmem:s26], [sflag:$0x4], $0x80, s12, s22, $0xb8;
	[tilespmem:$0x1EC80] =	vst v63  }
0x2a6: {  	_ =	swait.ge [sflag:s29], $0x4000  }
0x2a7: {  	[sflag:s29] =	ssyncset.done $0x0  }
0x2a8: {  	[sflag:s29] =	ssyncadd.s32 $0xFFFFC000  }
0x2a9: {  	_ =	swait.ge [sflag:s5], $0x4000  }
0x2aa: {  	[sflag:s5] =	ssyncset.done $0x0  }
0x2ab: {  	s10 =	simm.s32 @!p1 $0x0;
	s12 =	rddreg [dreg:$0x9];
	[sflag:s5] =	ssyncadd.s32 $0xFFFFC000  }
0x2ac: {  	[tilespmem:s10], [sflag:$0x5] =	stream.linear.gather @!p1 [hbm4b:s12+s10], $0x100, $0x38;
	[tilespmem:$0x1EC80] =	vst v63  }
0x2ad: {  	s12 =	simm.s32 @!p1 $0x5  }
0x2ae: {  	_ =	swait.ge @!p1 [sflag:s12], $0x100  }
0x2af: {  	[sflag:s12] =	ssyncset.done @!p1 $0x0  }
0x2b0: {  	s13 =	simm.s32 @!p1 $0x80;
	s17 =	simm.s32 @!p1 $0x3400;
	[sflag:s12] =	ssyncadd.s32 @!p1 $0xFFFFFF00  }
0x2b1: {  	[tilespmem:s17], [sflag:$0x1] =	stream.indirect.gather @!p1 [hbm4b:s1+s13], $0x80, s10, s13, $0xb8;
	[tilespmem:$0x1EC80] =	vst v63  }
0x2b2: {  	s10 =	simm.s32 @!p1 $0x1  }
0x2b3: {  	_ =	swait.ge @!p1 [sflag:s10], $0x4000  }
0x2b4: {  	[sflag:s10] =	ssyncset.done @!p1 $0x0  }
0x2b5: {  	[sflag:s10] =	ssyncadd.s32 @!p1 $0xFFFFC000  }
0x2b6: {  	[spmem:s2] =	stream.indirect.scatter.add.f32 @!p1 [tilespmem:s17], [sflag:$0x5], $0x80, s13, s13, $0xb8;
	[tilespmem:$0x1EC80] =	vst v63  }
0x2b7: {  	_ =	swait.ge @!p1 [sflag:s12], $0x4000  }
0x2b8: {  	[sflag:s12] =	ssyncset.done @!p1 $0x0  }
0x2b9: {  	[sflag:s12] =	ssyncadd.s32 @!p1 $0xFFFFC000  }
0x2ba: {  	[bflag:$0x0] =	sbarrier.arrive $0xFFFF  }
0x2bb: {  	s20 =	rddreg [dreg:$0xa]  }
0x2bc: {  	s24 =	rddreg [dreg:$0x14]  }
0x2bd: {  	[hbm:s20], [sflag:s7] =	dma.local [spmem:s24], $0x2700  }
0x2be: {  	_ =	swait.ge [sflag:s21], $0x2700  }
0x2bf: {  	[sflag:s21] =	ssyncset.done $0x0  }
0x2c0: {  	[sflag:s21] =	ssyncadd.s32 $0xFFFFD900  }
0x2c1: {  	[bflag:$0x0] =	sbarrier.arrive @p0 $0xFFFF  }
0x2c2: {  	s6 =	rddreg [dreg:$0x10]  }
0x2c3: {  	s10 =	simm.s32 @p0 $0x5;
	s8 =	rddreg [dreg:$0x11];
	s0 =	sshrl.u32 @p0 s6, $0x3  }
0x2c4: {  	[spmem:s0], [sflag:s7] =	dma.local @p0 [hbm:s8], $0x2700  }
0x2c5: {  	_ =	swait.ge @p0 [sflag:s10], $0x2700  }
0x2c6: {  	[sflag:s10] =	ssyncset.done @p0 $0x0;
	s4 =	rddreg [dreg:$0x13]  }
0x2c7: {  	[sflag:s10] =	ssyncadd.s32 @p0 $0xFFFFD900;
	s10 =	rddreg [dreg:$0xb]  }
0x2c8: {  	[hbm:s10], [sflag:s7] =	dma.local @!p0 [spmem:s4], $0x100  }
0x2c9: {  	_ =	swait.ge @!p0 [sflag:s18], $0x100  }
0x2ca: {  	[sflag:s18] =	ssyncset.done @!p0 $0x0  }
0x2cb: {  	[sflag:s18] =	ssyncadd.s32 @!p0 $0xFFFFFF00  }
0x2cc: {  	s10 =	sshrl.u32 @!p0 s6, $0x3;
	[bflag:$0x0] =	sbarrier.arrive @!p0 $0xFFFF  }
0x2cd: {  	[spmem:s10], [sflag:s7] =	dma.local @!p0 [hbm:s8], $0x2700  }
0x2ce: {  	_ =	swait.ge @!p0 [sflag:s18], $0x2700  }
0x2cf: {  	[sflag:s18] =	ssyncset.done @!p0 $0x0  }
0x2d0: {  	[sflag:s18] =	ssyncadd.s32 @!p0 $0xFFFFD900  }
0x2d1: {  	[spmem:s4], [sflag:s7] =	dma.local @!p0 [hbm:s8], $0x100  }
0x2d2: {  	s9 =	simm.s32 $0x780;
	s11 =	simm.s32 $0x880;
	_ =	swait.ge @!p0 [sflag:s18], $0x100  }
0x2d3: {  	s14 =	simm.s32 $0x480;
	s30 =	simm.s32 $0xB80;
	[sflag:s18] =	ssyncset.done @!p0 $0x0  }
0x2d4: {  	s19 =	simm.s32 $0x380;
	s25 =	rddreg [dreg:$0x4];
	[sflag:s18] =	ssyncadd.s32 @!p0 $0xFFFFFF00  }
0x2d5: {  	[tilespmem:s23], [sflag:$0x5] =	stream.linear.gather [hbm4b:s25+s3], $0x4000, $0x38;
	[tilespmem:$0x1EC80] =	vst v63  }
0x2d6: {  	s17 =	sadd.s32 $0x0, s15;
	s13 =	simm.s32 $0x0;
	_ =	swait.ge [sflag:s21], $0x4000  }
0x2d7: {  	s12 =	simm.s32 $0x100;
	s24 =	simm.s32 $0x980;
	[sflag:s21] =	ssyncset.done $0x0  }
0x2d8: {  	s6 =	simm.s32 $0x680;
	s8 =	simm.s32 $0x280;
	[sflag:s21] =	ssyncadd.s32 $0xFFFFC000  }
0x2d9: {  	s18 =	simm.s32 $0x20;
	s25 =	simm.s32 $0xA80;
	[bflag:$0x0] =	sbarrier.arrive $0xFFFF  }
.LBB2_2:
0x2da: {  	[tilespmem:s13], [sflag:$0x5] =	stream.linear.gather [hbm4b:s17+s3], $0x80, $0x38;
	[tilespmem:$0x1EC80] =	vst v63  }
0x2db: {  	s17 =	smov.u32 s18;
	s13 =	smov.u32 s12;
	p2 =	sne.s32 s18, $0x320  }
.Ltmp0:
0x2dc: {  	s18 =	sadd.s32 $0x20, s18;
	(pc) =	sbr.rel @p2 .LBB2_2-.Ltmp0, $2  }
0x2dd: {  	_ =	sdelay $0x2  }
0x2de: {  	s12 =	sadd.s32 $0x100, s12;
	s17 =	sadd.s32 s17, s15  }
0x2df: {  	[tilespmem:s13], [sflag:$0x5] =	stream.linear.gather [hbm4b:s17+s3], $0x80, $0x38;
	[tilespmem:$0x1EC80] =	vst v63  }
0x2e0: {  	_ =	swait.ge [sflag:s21], $0xD00  }
0x2e1: {  	[sflag:s21] =	ssyncset.done $0x0  }
0x2e2: {  	s13 =	rddreg [dreg:$0x15];
	[sflag:s21] =	ssyncadd.s32 $0xFFFFF300  }
0x2e3: {  	[tilespmem:s22], [sflag:$0x5] =	stream.linear.gather [hbm4b:s13+s3], $0x80, $0x38;
	[tilespmem:$0x1EC80] =	vst v63  }
0x2e4: {  	s20 =	simm.s32 $0x180;
	s12 =	sadd.s32 $0x20, s13  }
0x2e5: {  	[tilespmem:s20], [sflag:$0x5] =	stream.linear.gather [hbm4b:s12+s3], $0x80, $0x38;
	[tilespmem:$0x1EC80] =	vst v63  }
0x2e6: {  	s18 =	sadd.s32 $0x40, s13  }
0x2e7: {  	[tilespmem:s8], [sflag:$0x5] =	stream.linear.gather [hbm4b:s18+s3], $0x80, $0x38;
	[tilespmem:$0x1EC80] =	vst v63  }
0x2e8: {  	s4 =	sadd.s32 $0x60, s13  }
0x2e9: {  	[tilespmem:s19], [sflag:$0x5] =	stream.linear.gather [hbm4b:s4+s3], $0x80, $0x38;
	[tilespmem:$0x1EC80] =	vst v63  }
0x2ea: {  	s8 =	sadd.s32 $0x80, s13  }
0x2eb: {  	[tilespmem:s14], [sflag:$0x5] =	stream.linear.gather [hbm4b:s8+s3], $0x80, $0x38;
	[tilespmem:$0x1EC80] =	vst v63  }
0x2ec: {  	s4 =	simm.s32 $0x580;
	s14 =	sadd.s32 $0xA0, s13  }
0x2ed: {  	[tilespmem:s4], [sflag:$0x5] =	stream.linear.gather [hbm4b:s14+s3], $0x80, $0x38;
	[tilespmem:$0x1EC80] =	vst v63  }
0x2ee: {  	s16 =	sadd.s32 $0xC0, s13  }
0x2ef: {  	[tilespmem:s6], [sflag:$0x5] =	stream.linear.gather [hbm4b:s16+s3], $0x80, $0x38;
	[tilespmem:$0x1EC80] =	vst v63  }
0x2f0: {  	s17 =	sadd.s32 $0xE0, s13  }
0x2f1: {  	[tilespmem:s9], [sflag:$0x5] =	stream.linear.gather [hbm4b:s17+s3], $0x80, $0x38;
	[tilespmem:$0x1EC80] =	vst v63  }
0x2f2: {  	s18 =	sadd.s32 $0x100, s13  }
0x2f3: {  	[tilespmem:s11], [sflag:$0x5] =	stream.linear.gather [hbm4b:s18+s3], $0x80, $0x38;
	[tilespmem:$0x1EC80] =	vst v63  }
0x2f4: {  	s19 =	sadd.s32 $0x120, s13  }
0x2f5: {  	[tilespmem:s24], [sflag:$0x5] =	stream.linear.gather [hbm4b:s19+s3], $0x80, $0x38;
	[tilespmem:$0x1EC80] =	vst v63  }
0x2f6: {  	s24 =	sadd.s32 $0x140, s13  }
0x2f7: {  	[tilespmem:s25], [sflag:$0x5] =	stream.linear.gather [hbm4b:s24+s3], $0x80, $0x38;
	[tilespmem:$0x1EC80] =	vst v63  }
0x2f8: {  	s6 =	sadd.s32 $0x160, s13  }
0x2f9: {  	[tilespmem:s30], [sflag:$0x5] =	stream.linear.gather [hbm4b:s6+s3], $0x80, $0x38;
	[tilespmem:$0x1EC80] =	vst v63  }
0x2fa: {  	s8 =	sadd.s32 $0x180, s13;
	s9 =	simm.s32 $0xC80  }
0x2fb: {  	[tilespmem:s9], [sflag:$0x5] =	stream.linear.gather [hbm4b:s8+s3], $0x80, $0x38;
	[tilespmem:$0x1EC80] =	vst v63  }
0x2fc: {  	_ =	swait.ge [sflag:s21], $0x680  }
0x2fd: {  	[sflag:s21] =	ssyncset.done $0x0  }
0x2fe: {  	[sflag:s21] =	ssyncadd.s32 $0xFFFFF980  }
0x2ff: {  	[spmem:s2] =	stream.indirect.scatter.add.f32 [tilespmem:s23], [sflag:$0x3], $0x80, s3, s22, $0xb8;
	[tilespmem:$0x1EC80] =	vst v63  }
0x300: {  	s11 =	simm.s32 $0x100  }
0x301: {  	[spmem:s2] =	stream.indirect.scatter.add.f32 [tilespmem:s23], [sflag:$0x3], $0x80, s11, s22, $0xb8;
	[tilespmem:$0x1EC80] =	vst v63  }
0x302: {  	s13 =	simm.s32 $0x200  }
0x303: {  	[spmem:s2] =	stream.indirect.scatter.add.f32 [tilespmem:s23], [sflag:$0x3], $0x80, s13, s22, $0xb8;
	[tilespmem:$0x1EC80] =	vst v63  }
0x304: {  	s14 =	simm.s32 $0x300  }
0x305: {  	[spmem:s2] =	stream.indirect.scatter.add.f32 [tilespmem:s23], [sflag:$0x3], $0x80, s14, s22, $0xb8;
	[tilespmem:$0x1EC80] =	vst v63  }
0x306: {  	s16 =	simm.s32 $0x400  }
0x307: {  	[spmem:s2] =	stream.indirect.scatter.add.f32 [tilespmem:s23], [sflag:$0x3], $0x80, s16, s22, $0xb8;
	[tilespmem:$0x1EC80] =	vst v63  }
0x308: {  	s21 =	simm.s32 $0x500  }
0x309: {  	[spmem:s2] =	stream.indirect.scatter.add.f32 [tilespmem:s23], [sflag:$0x3], $0x80, s21, s22, $0xb8;
	[tilespmem:$0x1EC80] =	vst v63  }
0x30a: {  	s24 =	simm.s32 $0x600  }
0x30b: {  	[spmem:s2] =	stream.indirect.scatter.add.f32 [tilespmem:s23], [sflag:$0x3], $0x80, s24, s22, $0xb8;
	[tilespmem:$0x1EC80] =	vst v63  }
0x30c: {  	s25 =	simm.s32 $0x700  }
0x30d: {  	[spmem:s2] =	stream.indirect.scatter.add.f32 [tilespmem:s23], [sflag:$0x3], $0x80, s25, s22, $0xb8;
	[tilespmem:$0x1EC80] =	vst v63  }
0x30e: {  	s30 =	simm.s32 $0x800  }
0x30f: {  	[spmem:s2] =	stream.indirect.scatter.add.f32 [tilespmem:s23], [sflag:$0x3], $0x80, s30, s22, $0xb8;
	[tilespmem:$0x1EC80] =	vst v63  }
0x310: {  	s16 =	simm.s32 $0x900  }
0x311: {  	[spmem:s2] =	stream.indirect.scatter.add.f32 [tilespmem:s23], [sflag:$0x3], $0x80, s16, s22, $0xb8;
	[tilespmem:$0x1EC80] =	vst v63  }
0x312: {  	s21 =	simm.s32 $0xA00  }
0x313: {  	[spmem:s2] =	stream.indirect.scatter.add.f32 [tilespmem:s23], [sflag:$0x3], $0x80, s21, s22, $0xb8;
	[tilespmem:$0x1EC80] =	vst v63  }
0x314: {  	s24 =	simm.s32 $0xB00  }
0x315: {  	[spmem:s2] =	stream.indirect.scatter.add.f32 [tilespmem:s23], [sflag:$0x3], $0x80, s24, s22, $0xb8;
	[tilespmem:$0x1EC80] =	vst v63  }
0x316: {  	s25 =	simm.s32 $0xC00  }
0x317: {  	[spmem:s2] =	stream.indirect.scatter.add.f32 [tilespmem:s23], [sflag:$0x3], $0x80, s25, s22, $0xb8;
	[tilespmem:$0x1EC80] =	vst v63  }
0x318: {  	s30 =	simm.s32 $0xD00  }
0x319: {  	[spmem:s2] =	stream.indirect.scatter.add.f32 [tilespmem:s23], [sflag:$0x3], $0x80, s30, s22, $0xb8;
	[tilespmem:$0x1EC80] =	vst v63  }
0x31a: {  	s16 =	simm.s32 $0xE00  }
0x31b: {  	[spmem:s2] =	stream.indirect.scatter.add.f32 [tilespmem:s23], [sflag:$0x3], $0x80, s16, s22, $0xb8;
	[tilespmem:$0x1EC80] =	vst v63  }
0x31c: {  	s21 =	simm.s32 $0xF00  }
0x31d: {  	[spmem:s2] =	stream.indirect.scatter.add.f32 [tilespmem:s23], [sflag:$0x3], $0x80, s21, s22, $0xb8;
	[tilespmem:$0x1EC80] =	vst v63  }
0x31e: {  	s24 =	simm.s32 $0x1000  }
0x31f: {  	[spmem:s2] =	stream.indirect.scatter.add.f32 [tilespmem:s23], [sflag:$0x3], $0x80, s24, s22, $0xb8;
	[tilespmem:$0x1EC80] =	vst v63  }
0x320: {  	s25 =	simm.s32 $0x1100  }
0x321: {  	[spmem:s2] =	stream.indirect.scatter.add.f32 [tilespmem:s23], [sflag:$0x3], $0x80, s25, s22, $0xb8;
	[tilespmem:$0x1EC80] =	vst v63  }
0x322: {  	s30 =	simm.s32 $0x1200  }
0x323: {  	[spmem:s2] =	stream.indirect.scatter.add.f32 [tilespmem:s23], [sflag:$0x3], $0x80, s30, s22, $0xb8;
	[tilespmem:$0x1EC80] =	vst v63  }
0x324: {  	s16 =	simm.s32 $0x1300  }
0x325: {  	[spmem:s2] =	stream.indirect.scatter.add.f32 [tilespmem:s23], [sflag:$0x3], $0x80, s16, s22, $0xb8;
	[tilespmem:$0x1EC80] =	vst v63  }
0x326: {  	s21 =	simm.s32 $0x1400  }
0x327: {  	[spmem:s2] =	stream.indirect.scatter.add.f32 [tilespmem:s23], [sflag:$0x3], $0x80, s21, s22, $0xb8;
	[tilespmem:$0x1EC80] =	vst v63  }
0x328: {  	s24 =	simm.s32 $0x1500  }
0x329: {  	[spmem:s2] =	stream.indirect.scatter.add.f32 [tilespmem:s23], [sflag:$0x3], $0x80, s24, s22, $0xb8;
	[tilespmem:$0x1EC80] =	vst v63  }
0x32a: {  	s25 =	simm.s32 $0x1600  }
0x32b: {  	[spmem:s2] =	stream.indirect.scatter.add.f32 [tilespmem:s23], [sflag:$0x3], $0x80, s25, s22, $0xb8;
	[tilespmem:$0x1EC80] =	vst v63  }
0x32c: {  	s30 =	simm.s32 $0x1700  }
0x32d: {  	[spmem:s2] =	stream.indirect.scatter.add.f32 [tilespmem:s23], [sflag:$0x3], $0x80, s30, s22, $0xb8;
	[tilespmem:$0x1EC80] =	vst v63  }
0x32e: {  	s16 =	simm.s32 $0x1800  }
0x32f: {  	[spmem:s2] =	stream.indirect.scatter.add.f32 [tilespmem:s23], [sflag:$0x3], $0x80, s16, s22, $0xb8;
	[tilespmem:$0x1EC80] =	vst v63  }
0x330: {  	s21 =	simm.s32 $0x1900  }
0x331: {  	[spmem:s2] =	stream.indirect.scatter.add.f32 [tilespmem:s23], [sflag:$0x3], $0x80, s21, s22, $0xb8;
	[tilespmem:$0x1EC80] =	vst v63  }
0x332: {  	_ = 	snop  }
0x333: {  	[spmem:s2] =	stream.indirect.scatter.add.f32 [tilespmem:s23], [sflag:$0x3], $0x80, s22, s22, $0xb8;
	[tilespmem:$0x1EC80] =	vst v63  }
0x334: {  	_ = 	snop  }
0x335: {  	[spmem:s2] =	stream.indirect.scatter.add.f32 [tilespmem:s23], [sflag:$0x3], $0x80, s20, s22, $0xb8;
	[tilespmem:$0x1EC80] =	vst v63  }
0x336: {  	s8 =	simm.s32 $0x280  }
0x337: {  	[spmem:s2] =	stream.indirect.scatter.add.f32 [tilespmem:s23], [sflag:$0x3], $0x80, s8, s22, $0xb8;
	[tilespmem:$0x1EC80] =	vst v63  }
0x338: {  	s19 =	simm.s32 $0x380  }
0x339: {  	[spmem:s2] =	stream.indirect.scatter.add.f32 [tilespmem:s23], [sflag:$0x3], $0x80, s19, s22, $0xb8;
	[tilespmem:$0x1EC80] =	vst v63  }
0x33a: {  	s14 =	simm.s32 $0x480  }
0x33b: {  	[spmem:s2] =	stream.indirect.scatter.add.f32 [tilespmem:s23], [sflag:$0x3], $0x80, s14, s22, $0xb8;
	[tilespmem:$0x1EC80] =	vst v63  }
0x33c: {  	_ = 	snop  }
0x33d: {  	[spmem:s2] =	stream.indirect.scatter.add.f32 [tilespmem:s23], [sflag:$0x3], $0x80, s4, s22, $0xb8;
	[tilespmem:$0x1EC80] =	vst v63  }
0x33e: {  	s6 =	simm.s32 $0x680  }
0x33f: {  	[spmem:s2] =	stream.indirect.scatter.add.f32 [tilespmem:s23], [sflag:$0x3], $0x80, s6, s22, $0xb8;
	[tilespmem:$0x1EC80] =	vst v63  }
0x340: {  	s9 =	simm.s32 $0x780  }
0x341: {  	[spmem:s2] =	stream.indirect.scatter.add.f32 [tilespmem:s23], [sflag:$0x3], $0x80, s9, s22, $0xb8;
	[tilespmem:$0x1EC80] =	vst v63  }
0x342: {  	s18 =	simm.s32 $0x880  }
0x343: {  	[spmem:s2] =	stream.indirect.scatter.add.f32 [tilespmem:s23], [sflag:$0x3], $0x80, s18, s22, $0xb8;
	[tilespmem:$0x1EC80] =	vst v63  }
0x344: {  	s17 =	simm.s32 $0x980  }
0x345: {  	[spmem:s2] =	stream.indirect.scatter.add.f32 [tilespmem:s23], [sflag:$0x3], $0x80, s17, s22, $0xb8;
	[tilespmem:$0x1EC80] =	vst v63  }
0x346: {  	s13 =	simm.s32 $0xA80  }
0x347: {  	[spmem:s2] =	stream.indirect.scatter.add.f32 [tilespmem:s23], [sflag:$0x3], $0x80, s13, s22, $0xb8;
	[tilespmem:$0x1EC80] =	vst v63  }
0x348: {  	s12 =	simm.s32 $0xB80  }
0x349: {  	[spmem:s2] =	stream.indirect.scatter.add.f32 [tilespmem:s23], [sflag:$0x3], $0x80, s12, s22, $0xb8;
	[tilespmem:$0x1EC80] =	vst v63  }
0x34a: {  	s24 =	simm.s32 $0xC80;
	s18 =	simm.s32 @!p0 $0x5  }
0x34b: {  	[spmem:s2] =	stream.indirect.scatter.add.f32 [tilespmem:s23], [sflag:$0x3], $0x80, s24, s22, $0xb8;
	[tilespmem:$0x1EC80] =	vst v63  }
0x34c: {  	s17 =	rddreg [dreg:$0xc];
	s13 =	simm.s32 @!p0 $0x1A00;
	s12 =	simm.s32 @!p0 $0x0  }
0x34d: {  	[tilespmem:s13], [sflag:$0x5] =	stream.linear.gather @!p0 [hbm4b:s17+s12], $0x80, $0x38;
	[tilespmem:$0x1EC80] =	vst v63  }
0x34e: {  	_ =	swait.ge @!p0 [sflag:s18], $0x80  }
0x34f: {  	[sflag:s18] =	ssyncset.done @!p0 $0x0  }
0x350: {  	s12 =	simm.s32 @!p0 $0x80;
	s17 =	simm.s32 @!p0 $0x3400;
	[sflag:s18] =	ssyncadd.s32 @!p0 $0xFFFFFF80  }
0x351: {  	[spmem:s2] =	stream.indirect.scatter.add.f32 @!p0 [tilespmem:s17], [sflag:$0x3], $0x80, s13, s12, $0xb8;
	[tilespmem:$0x1EC80] =	vst v63  }
0x352: {  	_ =	swait.ge [sflag:s29], $0x4000  }
0x353: {  	[sflag:s29] =	ssyncset.done $0x0  }
0x354: {  	[sflag:s29] =	ssyncadd.s32 $0xFFFFC000  }
0x355: {  	_ =	swait.ge [sflag:s29], $0x4000  }
0x356: {  	[sflag:s29] =	ssyncset.done $0x0  }
0x357: {  	[sflag:s29] =	ssyncadd.s32 $0xFFFFC000  }
0x358: {  	_ =	swait.ge [sflag:s29], $0x4000  }
0x359: {  	[sflag:s29] =	ssyncset.done $0x0  }
0x35a: {  	[sflag:s29] =	ssyncadd.s32 $0xFFFFC000  }
0x35b: {  	_ =	swait.ge [sflag:s29], $0x4000  }
0x35c: {  	[sflag:s29] =	ssyncset.done $0x0  }
0x35d: {  	[sflag:s29] =	ssyncadd.s32 $0xFFFFC000  }
0x35e: {  	_ =	swait.ge [sflag:s29], $0x4000  }
0x35f: {  	[sflag:s29] =	ssyncset.done $0x0  }
0x360: {  	[sflag:s29] =	ssyncadd.s32 $0xFFFFC000  }
0x361: {  	_ =	swait.ge [sflag:s29], $0x4000  }
0x362: {  	[sflag:s29] =	ssyncset.done $0x0  }
0x363: {  	[sflag:s29] =	ssyncadd.s32 $0xFFFFC000  }
0x364: {  	_ =	swait.ge [sflag:s29], $0x4000  }
0x365: {  	[sflag:s29] =	ssyncset.done $0x0  }
0x366: {  	[sflag:s29] =	ssyncadd.s32 $0xFFFFC000  }
0x367: {  	_ =	swait.ge [sflag:s29], $0x4000  }
0x368: {  	[sflag:s29] =	ssyncset.done $0x0  }
0x369: {  	[sflag:s29] =	ssyncadd.s32 $0xFFFFC000  }
0x36a: {  	_ =	swait.ge [sflag:s29], $0x4000  }
0x36b: {  	[sflag:s29] =	ssyncset.done $0x0  }
0x36c: {  	[sflag:s29] =	ssyncadd.s32 $0xFFFFC000  }
0x36d: {  	_ =	swait.ge [sflag:s29], $0x4000  }
0x36e: {  	[sflag:s29] =	ssyncset.done $0x0  }
0x36f: {  	[sflag:s29] =	ssyncadd.s32 $0xFFFFC000  }
0x370: {  	_ =	swait.ge [sflag:s29], $0x4000  }
0x371: {  	[sflag:s29] =	ssyncset.done $0x0  }
0x372: {  	[sflag:s29] =	ssyncadd.s32 $0xFFFFC000  }
0x373: {  	_ =	swait.ge [sflag:s29], $0x4000  }
0x374: {  	[sflag:s29] =	ssyncset.done $0x0  }
0x375: {  	[sflag:s29] =	ssyncadd.s32 $0xFFFFC000  }
0x376: {  	_ =	swait.ge [sflag:s29], $0x4000  }
0x377: {  	[sflag:s29] =	ssyncset.done $0x0  }
0x378: {  	[sflag:s29] =	ssyncadd.s32 $0xFFFFC000  }
0x379: {  	_ =	swait.ge [sflag:s29], $0x4000  }
0x37a: {  	[sflag:s29] =	ssyncset.done $0x0  }
0x37b: {  	[sflag:s29] =	ssyncadd.s32 $0xFFFFC000  }
0x37c: {  	_ =	swait.ge [sflag:s29], $0x4000  }
0x37d: {  	[sflag:s29] =	ssyncset.done $0x0  }
0x37e: {  	[sflag:s29] =	ssyncadd.s32 $0xFFFFC000  }
0x37f: {  	_ =	swait.ge [sflag:s29], $0x4000  }
0x380: {  	[sflag:s29] =	ssyncset.done $0x0  }
0x381: {  	[sflag:s29] =	ssyncadd.s32 $0xFFFFC000  }
0x382: {  	_ =	swait.ge [sflag:s29], $0x4000  }
0x383: {  	[sflag:s29] =	ssyncset.done $0x0  }
0x384: {  	[sflag:s29] =	ssyncadd.s32 $0xFFFFC000  }
0x385: {  	_ =	swait.ge [sflag:s29], $0x4000  }
0x386: {  	[sflag:s29] =	ssyncset.done $0x0  }
0x387: {  	[sflag:s29] =	ssyncadd.s32 $0xFFFFC000  }
0x388: {  	_ =	swait.ge [sflag:s29], $0x4000  }
0x389: {  	[sflag:s29] =	ssyncset.done $0x0  }
0x38a: {  	[sflag:s29] =	ssyncadd.s32 $0xFFFFC000  }
0x38b: {  	_ =	swait.ge [sflag:s29], $0x4000  }
0x38c: {  	[sflag:s29] =	ssyncset.done $0x0  }
0x38d: {  	[sflag:s29] =	ssyncadd.s32 $0xFFFFC000  }
0x38e: {  	_ =	swait.ge [sflag:s29], $0x4000  }
0x38f: {  	[sflag:s29] =	ssyncset.done $0x0  }
0x390: {  	[sflag:s29] =	ssyncadd.s32 $0xFFFFC000  }
0x391: {  	_ =	swait.ge [sflag:s29], $0x4000  }
0x392: {  	[sflag:s29] =	ssyncset.done $0x0  }
0x393: {  	[sflag:s29] =	ssyncadd.s32 $0xFFFFC000  }
0x394: {  	_ =	swait.ge [sflag:s29], $0x4000  }
0x395: {  	[sflag:s29] =	ssyncset.done $0x0  }
0x396: {  	[sflag:s29] =	ssyncadd.s32 $0xFFFFC000  }
0x397: {  	_ =	swait.ge [sflag:s29], $0x4000  }
0x398: {  	[sflag:s29] =	ssyncset.done $0x0  }
0x399: {  	[sflag:s29] =	ssyncadd.s32 $0xFFFFC000  }
0x39a: {  	_ =	swait.ge [sflag:s29], $0x4000  }
0x39b: {  	[sflag:s29] =	ssyncset.done $0x0  }
0x39c: {  	[sflag:s29] =	ssyncadd.s32 $0xFFFFC000  }
0x39d: {  	_ =	swait.ge [sflag:s29], $0x4000  }
0x39e: {  	[sflag:s29] =	ssyncset.done $0x0  }
0x39f: {  	[sflag:s29] =	ssyncadd.s32 $0xFFFFC000  }
0x3a0: {  	_ =	swait.ge [sflag:s29], $0x4000  }
0x3a1: {  	[sflag:s29] =	ssyncset.done $0x0  }
0x3a2: {  	[sflag:s29] =	ssyncadd.s32 $0xFFFFC000  }
0x3a3: {  	_ =	swait.ge [sflag:s29], $0x4000  }
0x3a4: {  	[sflag:s29] =	ssyncset.done $0x0  }
0x3a5: {  	[sflag:s29] =	ssyncadd.s32 $0xFFFFC000  }
0x3a6: {  	_ =	swait.ge [sflag:s29], $0x4000  }
0x3a7: {  	[sflag:s29] =	ssyncset.done $0x0  }
0x3a8: {  	[sflag:s29] =	ssyncadd.s32 $0xFFFFC000  }
0x3a9: {  	_ =	swait.ge [sflag:s29], $0x4000  }
0x3aa: {  	[sflag:s29] =	ssyncset.done $0x0  }
0x3ab: {  	[sflag:s29] =	ssyncadd.s32 $0xFFFFC000  }
0x3ac: {  	_ =	swait.ge [sflag:s29], $0x4000  }
0x3ad: {  	[sflag:s29] =	ssyncset.done $0x0  }
0x3ae: {  	[sflag:s29] =	ssyncadd.s32 $0xFFFFC000  }
0x3af: {  	_ =	swait.ge [sflag:s29], $0x4000  }
0x3b0: {  	[sflag:s29] =	ssyncset.done $0x0  }
0x3b1: {  	[sflag:s29] =	ssyncadd.s32 $0xFFFFC000  }
0x3b2: {  	_ =	swait.ge [sflag:s29], $0x4000  }
0x3b3: {  	[sflag:s29] =	ssyncset.done $0x0  }
0x3b4: {  	[sflag:s29] =	ssyncadd.s32 $0xFFFFC000  }
0x3b5: {  	_ =	swait.ge [sflag:s29], $0x4000  }
0x3b6: {  	[sflag:s29] =	ssyncset.done $0x0  }
0x3b7: {  	[sflag:s29] =	ssyncadd.s32 $0xFFFFC000  }
0x3b8: {  	_ =	swait.ge [sflag:s29], $0x4000  }
0x3b9: {  	[sflag:s29] =	ssyncset.done $0x0  }
0x3ba: {  	[sflag:s29] =	ssyncadd.s32 $0xFFFFC000  }
0x3bb: {  	_ =	swait.ge [sflag:s29], $0x4000  }
0x3bc: {  	[sflag:s29] =	ssyncset.done $0x0  }
0x3bd: {  	[sflag:s29] =	ssyncadd.s32 $0xFFFFC000  }
0x3be: {  	_ =	swait.ge [sflag:s29], $0x4000  }
0x3bf: {  	[sflag:s29] =	ssyncset.done $0x0  }
0x3c0: {  	[sflag:s29] =	ssyncadd.s32 $0xFFFFC000  }
0x3c1: {  	_ =	swait.ge [sflag:s29], $0x4000  }
0x3c2: {  	[sflag:s29] =	ssyncset.done $0x0  }
0x3c3: {  	[sflag:s29] =	ssyncadd.s32 $0xFFFFC000  }
0x3c4: {  	_ =	swait.ge [sflag:s29], $0x4000  }
0x3c5: {  	[sflag:s29] =	ssyncset.done $0x0  }
0x3c6: {  	[sflag:s29] =	ssyncadd.s32 $0xFFFFC000  }
0x3c7: {  	[bflag:$0x0] =	sbarrier.arrive @p0 $0xFFFF  }
0x3c8: {  	s12 =	rddreg [dreg:$0xd]  }
0x3c9: {  	[hbm:s12], [sflag:s7] =	dma.local @p0 [spmem:s0], $0x2700  }
0x3ca: {  	s0 =	simm.s32 @p0 $0x5  }
0x3cb: {  	_ =	swait.ge @p0 [sflag:s0], $0x2700  }
0x3cc: {  	[sflag:s0] =	ssyncset.done @p0 $0x0  }
0x3cd: {  	[sflag:s0] =	ssyncadd.s32 @p0 $0xFFFFD900;
	s0 =	simm.s32 @!p0 $0x3  }
0x3ce: {  	_ =	swait.ge @!p0 [sflag:s0], $0x4000  }
0x3cf: {  	[sflag:s0] =	ssyncset.done @!p0 $0x0  }
0x3d0: {  	[sflag:s0] =	ssyncadd.s32 @!p0 $0xFFFFC000  }
0x3d1: {  	[bflag:$0x0] =	sbarrier.arrive @!p0 $0xFFFF  }
0x3d2: {  	[hbm:s12], [sflag:s7] =	dma.local @!p0 [spmem:s10], $0x2700  }
0x3d3: {  	_ =	swait.ge @!p0 [sflag:s18], $0x2700  }
0x3d4: {  	[sflag:s18] =	ssyncset.done @!p0 $0x0;
	s0 =	rddreg [dreg:$0xe]  }
0x3d5: {  	s4 =	rddreg [dreg:$0x13];
	[sflag:s18] =	ssyncadd.s32 @!p0 $0xFFFFD900  }
0x3d6: {  	[hbm:s0], [sflag:s7] =	dma.local @!p0 [spmem:s4], $0x100  }
0x3d7: {  	_ =	swait.ge @!p0 [sflag:s18], $0x100  }
0x3d8: {  	s25 =	rddreg [dreg:$0x12]  }
0x3d9: {  	s30 =	rddreg [dreg:$0xf];
	s4 =	sadd.s32 $0x1, s25  }
0x3da: {  	p2 =	sne.s32 s4, s30  }
.Ltmp1:
0x3db: {  	_ = 	snop;
	(pc) =	sbr.rel @p2 .LBB2_1-.Ltmp1, $3  }
0x3dc: {  	_ =	sdelay $0x1  }
0x3dd: {  	[sflag:s18] =	ssyncset.done @!p0 $0x0  }
0x3de: {  	[sflag:s18] =	ssyncadd.s32 @!p0 $0xFFFFFF00  }
0x3df: {  	_ =	sfence.sel $0x180000  }
0x3e0: {  	[bflag:$0x0] =	sbarrier.arrive $0xFFFF  }
0x3e1: {  	_ =	strace $0x90000047  }
0x3e2: {  	[bflag:$0x2] =	sbarrier.arrive $0xFFFF  }
0x3e3: {  	s0 =	rddreg [dreg:$0x3]  }
0x3e4: {  	s0 =	sadd.s32 @!p0 $0x100000, s0  }
0x3e5: {  	[sflag:s0] =	ssyncadd.tile.s32 @!p0 $0x1;
	_ =	shalt  }
.Lfunc_end2:
_tile_overlayer_lowered:
.L_overlay_start_2:
0x3e6: {  	(tag) =	ssettag $0x2  }
0x3e7: {  	s0 =	rddreg [dreg:$0x0];
	s2 =	stileid.u32  }
0x3e8: {  	s1 =	rddreg [dreg:$0x1];
	p0 =	sne.s32 s2, $0x0  }
0x3e9: {  	s3 =	rddreg [dreg:$0x2];
	[bflag:$0x3] =	sbarrier.arrive $0xFFFF;
	s2 =	simm.s32 @!p0 $0x1C05  }
0x3ea: {  	[timem:s3], [sflag:s2] =	dma.local @!p0 [hbm:s0], s1  }
0x3eb: {  	s0 =	simm.s32 @!p0 $0x5  }
0x3ec: {  	_ =	swait.ge @!p0 [sflag:s0], s1  }
0x3ed: {  	s1 =	ssub.s32 @!p0 $0x0, s1;
	[sflag:s0] =	ssyncset.done @!p0 $0x0  }
0x3ee: {  	[sflag:s0] =	ssyncadd.s32 @!p0 s1  }
0x3ef: {  	[bflag:$0x3] =	sbarrier.arrive $0xFFFF  }
0x3f0: {  	_ =	shalt  }

</sc_bundles>
